<compile_context>
chip_gen: v7x
topology: tpu7x:2x2x1
jax: 0.10.2.dev20260603
libtpu: 0.0.44.dev20260713+nightly
codegen_flags: <defaults>
</compile_context>

<pallas_src>
import functools

import jax
import jax.numpy as jnp
from jax import lax
from jax.experimental import pallas as pl
from jax.experimental.pallas import tpu as pltpu
from jax.experimental.pallas import tpu_sc as plsc

A = 20000
A_PAD = 20480
NB = 10
SB = 16
N = 8
M = 20
TOTAL = 256
MAX_FG = 128
POS_OV = 0.7
NEG_OV = 0.3
IMG = 600.0


def _tc_label_body(anch_ref, coeff_ref, gt_ref, enc_ref,
                   ov_scr, ins_scr, acc_scr, cmax_smem):
    b = pl.program_id(0)
    p = pl.program_id(1)
    i = pl.program_id(2)

    @pl.when(p == 0)
    def _phase0():
        ax1 = anch_ref[0]
        ay1 = anch_ref[1]
        ax2 = anch_ref[2]
        ay2 = anch_ref[3]
        w = ax2 - ax1 + 1.0
        h = ay2 - ay1 + 1.0
        cx = ax1 + 0.5 * w
        cy = ay1 + 0.5 * h
        dx = coeff_ref[0, 0]
        dy = coeff_ref[0, 1]
        dw = coeff_ref[0, 2]
        dh = coeff_ref[0, 3]
        pcx = dx * w + cx
        pcy = dy * h + cy
        pw = jnp.exp(dw) * w
        ph = jnp.exp(dh) * h
        px1 = pcx - 0.5 * pw
        py1 = pcy - 0.5 * ph
        px2 = pcx + 0.5 * pw - 1.0
        py2 = pcy + 0.5 * ph - 1.0
        inside = (px1 >= 0.0) & (py1 >= 0.0) & (px2 < IMG) & (py2 < IMG)
        ins_scr[i] = inside.astype(jnp.int32)
        area_a = (px2 - px1 + 1.0) * (py2 - py1 + 1.0)
        for m in range(M):
            gx1 = gt_ref[0, 0, m, 0]
            gy1 = gt_ref[0, 0, m, 1]
            gx2 = gt_ref[0, 0, m, 2]
            gy2 = gt_ref[0, 0, m, 3]
            iw = jnp.maximum(jnp.minimum(px2, gx2) - jnp.maximum(px1, gx1) + 1.0, 0.0)
            ih = jnp.maximum(jnp.minimum(py2, gy2) - jnp.maximum(py1, gy1) + 1.0, 0.0)
            inter = iw * ih
            area_g = (gx2 - gx1 + 1.0) * (gy2 - gy1 + 1.0)
            ov = inter / (area_a + area_g - inter)
            ov = jnp.where(inside, ov, -1.0)
            ov_scr[i, m] = ov

            @pl.when(i == 0)
            def _():
                acc_scr[m] = ov

            @pl.when(i > 0)
            def _():
                acc_scr[m] = jnp.maximum(acc_scr[m], ov)

        @pl.when(i == NB - 1)
        def _():
            for m in range(M):
                cmax_smem[b, m] = jnp.max(acc_scr[m])

    @pl.when(p == 1)
    def _phase1():
        ov0 = ov_scr[i, 0]
        cm0 = cmax_smem[b, 0]
        abox = ov0 == cm0
        bbox = ov0 >= POS_OV
        anyneg = ov0 >= NEG_OV
        best = ov0
        bidx = jnp.zeros((SB, 128), jnp.int32)
        for m in range(1, M):
            ovm = ov_scr[i, m]
            cmm = cmax_smem[b, m]
            abox = abox | (ovm == cmm)
            bbox = bbox | (ovm >= POS_OV)
            anyneg = anyneg | (ovm >= NEG_OV)
            upd = ovm > best
            bidx = jnp.where(upd, m, bidx)
            best = jnp.maximum(best, ovm)
        ins = ins_scr[i] != 0
        pos = abox | bbox
        fg = pos & ins
        bg = (~anyneg) & (~pos) & ins
        lab = fg.astype(jnp.int32) * 2 + bg.astype(jnp.int32)
        enc_ref[0] = lab + bidx * 4


def _tc_label_call(anch_r, coeff_r, gt_r):
    return pl.pallas_call(
        _tc_label_body,
        grid=(N, 2, NB),
        in_specs=[
            pl.BlockSpec((4, SB, 128), lambda b, p, i: (0, i, 0)),
            pl.BlockSpec((1, 4, SB, 128), lambda b, p, i: (b, 0, i, 0)),
            pl.BlockSpec((1, 1, M, 4), lambda b, p, i: (b, 0, 0, 0)),
        ],
        out_specs=pl.BlockSpec((1, SB, 128), lambda b, p, i: (b, i, 0)),
        out_shape=jax.ShapeDtypeStruct((N, A_PAD // 128, 128), jnp.int32),
        scratch_shapes=[
            pltpu.VMEM((NB, M, SB, 128), jnp.float32),
            pltpu.VMEM((NB, SB, 128), jnp.int32),
            pltpu.VMEM((M, SB, 128), jnp.float32),
            pltpu.SMEM((N, M), jnp.float32),
        ],
    )(anch_r, coeff_r, gt_r)


def _b2i(x):
    return jnp.where(x, jnp.int32(1), jnp.int32(0))


def _sc_select_body(enc_hbm, anch_hbm, gt_hbm,
                    sel_out, fgm_out, tpre_out,
                    enc_v, ax1_v, ay1_v, ax2_v, ay2_v,
                    g1_v, g2_v, g3_v, g4_v,
                    sel_v, fgm_v, dx_v, dy_v, rw_v, rh_v, sem):
    c = lax.axis_index("c")
    s = lax.axis_index("s")
    wid = s * 2 + c

    @pl.when(wid < N)
    def _work():
        b = wid
        cps = []
        for k, ref in enumerate((ax1_v, ay1_v, ax2_v, ay2_v)):
            cps.append(pltpu.async_copy(anch_hbm.at[k], ref, sem))
        for k, ref in enumerate((g1_v, g2_v, g3_v, g4_v)):
            cps.append(pltpu.async_copy(gt_hbm.at[b, k], ref, sem))
        pltpu.sync_copy(enc_hbm.at[b], enc_v)

        zeros16 = jnp.zeros((16,), jnp.int32)
        for j in range(TOTAL // 16):
            sel_v[pl.ds(j * 16, 16)] = zeros16

        def count_body(i, acc):
            v = enc_v[pl.ds(i * 16, 16)]
            return acc + plsc.all_reduce_population_count((v & 3) == 2)

        total_fg = lax.fori_loop(0, A_PAD // 16, count_body, zeros16)
        max_bg = TOTAL - jnp.minimum(total_fg, MAX_FG)

        iota16 = lax.iota(jnp.int32, 16)

        def scan_body(i, carry):
            cfg, cbg, ck, idxv = carry
            v = enc_v[pl.ds(i * 16, 16)]
            labv = v & 3
            fg = labv == 2
            bg = labv == 1
            fcs = plsc.cumsum(_b2i(fg))
            bcs = plsc.cumsum(_b2i(bg))
            keep = (fg & ((cfg + fcs) <= MAX_FG)) | (bg & ((cbg + bcs) <= max_bg))
            kcs = plsc.cumsum(_b2i(keep))
            pos = ck + kcs - 1
            plsc.store_scatter(sel_v, [pos], idxv, mask=keep)
            return (cfg + plsc.all_reduce_population_count(fg),
                    cbg + plsc.all_reduce_population_count(bg),
                    ck + plsc.all_reduce_population_count(keep),
                    idxv + 16)

        lax.fori_loop(0, A_PAD // 16, scan_body,
                      (zeros16, zeros16, zeros16, iota16))

        for cp in cps:
            cp.wait()

        for j in range(TOTAL // 16):
            sl = pl.ds(j * 16, 16)
            sidx = sel_v[sl]
            e = plsc.load_gather(enc_v, [sidx])
            fgm_v[sl] = _b2i((e & 3) == 2)
            am = e >> 2
            x1 = plsc.load_gather(ax1_v, [sidx])
            y1 = plsc.load_gather(ay1_v, [sidx])
            x2 = plsc.load_gather(ax2_v, [sidx])
            y2 = plsc.load_gather(ay2_v, [sidx])
            gx1 = plsc.load_gather(g1_v, [am])
            gy1 = plsc.load_gather(g2_v, [am])
            gx2 = plsc.load_gather(g3_v, [am])
            gy2 = plsc.load_gather(g4_v, [am])
            aw = x2 - x1 + 1.0
            ah = y2 - y1 + 1.0
            acx = x1 + 0.5 * aw
            acy = y1 + 0.5 * ah
            gw = gx2 - gx1 + 1.0
            gh = gy2 - gy1 + 1.0
            gcx = gx1 + 0.5 * gw
            gcy = gy1 + 0.5 * gh
            dx_v[sl] = (gcx - acx) / aw
            dy_v[sl] = (gcy - acy) / ah
            rw_v[sl] = gw / aw
            rh_v[sl] = gh / ah

        pltpu.sync_copy(sel_v, sel_out.at[b])
        pltpu.sync_copy(fgm_v, fgm_out.at[b])
        pltpu.sync_copy(dx_v, tpre_out.at[b, 0])
        pltpu.sync_copy(dy_v, tpre_out.at[b, 1])
        pltpu.sync_copy(rw_v, tpre_out.at[b, 2])
        pltpu.sync_copy(rh_v, tpre_out.at[b, 3])


def _sc_select_call(enc, anch4, gt4):
    f = pl.kernel(
        _sc_select_body,
        out_type=[
            jax.ShapeDtypeStruct((N, TOTAL), jnp.int32),
            jax.ShapeDtypeStruct((N, TOTAL), jnp.int32),
            jax.ShapeDtypeStruct((N, 4, TOTAL), jnp.float32),
        ],
        mesh=plsc.VectorSubcoreMesh(core_axis_name="c", subcore_axis_name="s",
                                    num_cores=2, num_subcores=16),
        compiler_params=pltpu.CompilerParams(needs_layout_passes=False),
        scratch_types=[
            pltpu.VMEM((A_PAD,), jnp.int32),
            pltpu.VMEM((A_PAD,), jnp.float32),
            pltpu.VMEM((A_PAD,), jnp.float32),
            pltpu.VMEM((A_PAD,), jnp.float32),
            pltpu.VMEM((A_PAD,), jnp.float32),
            pltpu.VMEM((24,), jnp.float32),
            pltpu.VMEM((24,), jnp.float32),
            pltpu.VMEM((24,), jnp.float32),
            pltpu.VMEM((24,), jnp.float32),
            pltpu.VMEM((TOTAL,), jnp.int32),
            pltpu.VMEM((TOTAL,), jnp.int32),
            pltpu.VMEM((TOTAL,), jnp.float32),
            pltpu.VMEM((TOTAL,), jnp.float32),
            pltpu.VMEM((TOTAL,), jnp.float32),
            pltpu.VMEM((TOTAL,), jnp.float32),
            pltpu.SemaphoreType.DMA,
        ],
    )
    return f(enc, anch4, gt4)


def _tc_log_body(x_ref, o_ref):
    r = lax.broadcasted_iota(jnp.int32, (4 * N, TOTAL), 0)
    mask = (r % 4) >= 2
    x = x_ref[...]
    o_ref[...] = jnp.where(mask, jnp.log(x), x)


def _tc_log_call(x):
    return pl.pallas_call(
        _tc_log_body,
        out_shape=jax.ShapeDtypeStruct((4 * N, TOTAL), jnp.float32),
    )(x)


def kernel(anchors, gt_boxes, bbox_coeff):
    anchors = anchors.astype(jnp.float32)
    gt_boxes = gt_boxes.astype(jnp.float32)
    bbox_coeff = bbox_coeff.astype(jnp.float32)

    anchors_p = jnp.pad(anchors, ((0, A_PAD - A), (0, 0)), constant_values=-1e6)
    coeff_p = jnp.pad(bbox_coeff, ((0, 0), (0, A_PAD - A), (0, 0)))

    anch_t = anchors_p.T
    anch_r = anch_t.reshape(4, A_PAD // 128, 128)
    coeff_r = coeff_p.transpose(0, 2, 1).reshape(N, 4, A_PAD // 128, 128)
    gt_r = gt_boxes.reshape(N, 1, M, 4)

    enc = _tc_label_call(anch_r, coeff_r, gt_r)

    gt4 = jnp.pad(gt_boxes.transpose(0, 2, 1), ((0, 0), (0, 0), (0, 4)),
                  constant_values=1.0)

    sel, fgm, tpre = _sc_select_call(enc.reshape(N, A_PAD), anch_t, gt4)

    tlog = _tc_log_call(tpre.reshape(4 * N, TOTAL))
    target = tlog.reshape(N, 4, TOTAL).transpose(0, 2, 1)

    return sel, fgm.astype(bool), target

# --- scband reference (transcript-rebuilt; emitter-appended) ---
"""Pipeline reference for scband-anchor-refine-61856118997272 (READ-ONLY COPY).

The authoritative reference and input builder live on the scoring server;
editing this copy changes nothing except your own understanding.
"""

import jax, jax.numpy as jnp
import numpy as np

RPN_TOTAL_ANCHORS = 256
RPN_FG_FRACTION = 0.5
RPN_POSITIVE_OVERLAP = 0.7
RPN_NEGATIVE_OVERLAP = 0.3
IMG_SIZE = 600.0


def bbox_transform(anchors, coeff):
    w = anchors[:, 2] - anchors[:, 0] + 1.0
    h = anchors[:, 3] - anchors[:, 1] + 1.0
    cx = anchors[:, 0] + 0.5 * w
    cy = anchors[:, 1] + 0.5 * h
    dx, dy, dw, dh = coeff[..., 0], coeff[..., 1], coeff[..., 2], coeff[..., 3]
    pcx = dx * w + cx
    pcy = dy * h + cy
    pw = jnp.exp(dw) * w
    ph = jnp.exp(dh) * h
    x1 = pcx - 0.5 * pw
    y1 = pcy - 0.5 * ph
    x2 = pcx + 0.5 * pw - 1.0
    y2 = pcy + 0.5 * ph - 1.0
    return jnp.stack([x1, y1, x2, y2], axis=-1)


def iou(boxes, gt):
    ax1, ay1, ax2, ay2 = boxes[:, 0:1], boxes[:, 1:2], boxes[:, 2:3], boxes[:, 3:4]
    gx1, gy1, gx2, gy2 = gt[None, :, 0], gt[None, :, 1], gt[None, :, 2], gt[None, :, 3]
    iw = jnp.clip(jnp.minimum(ax2, gx2) - jnp.maximum(ax1, gx1) + 1.0, 0.0)
    ih = jnp.clip(jnp.minimum(ay2, gy2) - jnp.maximum(ay1, gy1) + 1.0, 0.0)
    inter = iw * ih
    area_a = (ax2 - ax1 + 1.0) * (ay2 - ay1 + 1.0)
    area_g = (gx2 - gx1 + 1.0) * (gy2 - gy1 + 1.0)
    return inter / (area_a + area_g - inter)


def bbox_coefficients(anchors, gt):
    aw = anchors[..., 2] - anchors[..., 0] + 1.0
    ah = anchors[..., 3] - anchors[..., 1] + 1.0
    acx = anchors[..., 0] + 0.5 * aw
    acy = anchors[..., 1] + 0.5 * ah
    gw = gt[..., 2] - gt[..., 0] + 1.0
    gh = gt[..., 3] - gt[..., 1] + 1.0
    gcx = gt[..., 0] + 0.5 * gw
    gcy = gt[..., 1] + 0.5 * gh
    dx = (gcx - acx) / aw
    dy = (gcy - acy) / ah
    dw = jnp.log(gw / aw)
    dh = jnp.log(gh / ah)
    return jnp.stack([dx, dy, dw, dh], axis=-1)


def _refine_one(gt_b, pred_b):
    A = pred_b.shape[0]
    inside = ((pred_b[:, 0] >= 0) & (pred_b[:, 1] >= 0)
              & (pred_b[:, 2] < IMG_SIZE) & (pred_b[:, 3] < IMG_SIZE))
    ov = iou(pred_b, gt_b)
    ov = jnp.where(inside[:, None], ov, -1.0)
    col_max = jnp.max(ov, axis=0, keepdims=True)
    a_box = jnp.any(ov == col_max, axis=1)
    b_box = jnp.any(ov >= RPN_POSITIVE_OVERLAP, axis=1)
    neg = ~jnp.any(ov >= RPN_NEGATIVE_OVERLAP, axis=1)
    labels = jnp.full((A,), -1.0)
    labels = jnp.where(neg, 0.0, labels)
    labels = jnp.where(a_box | b_box, 1.0, labels)
    labels = jnp.where(inside, labels, -1.0)
    max_fg = int(RPN_FG_FRACTION * RPN_TOTAL_ANCHORS)
    fg = labels == 1.0
    fg_rank = jnp.cumsum(fg.astype(jnp.int32))
    labels = jnp.where(fg & (fg_rank > max_fg), -1.0, labels)
    num_fg = jnp.sum(labels == 1.0)
    max_bg = RPN_TOTAL_ANCHORS - num_fg
    bg = labels == 0.0
    bg_rank = jnp.cumsum(bg.astype(jnp.int32))
    labels = jnp.where(bg & (bg_rank > max_bg), -1.0, labels)
    sel = jnp.nonzero(labels >= 0.0, size=RPN_TOTAL_ANCHORS, fill_value=0)[0]
    fg_mask = labels[sel] == 1.0
    gt_match = jnp.argmax(ov, axis=1)[sel]
    return sel, fg_mask, gt_match


def setup_inputs(seed: int = 0) -> dict:
    key = jax.random.key(seed)
    ks = jax.random.split(key, 9)
    A, N, M = 20000, 8, 20
    ax = jax.random.uniform(ks[0], (A,)) * 500.0
    ay = jax.random.uniform(ks[1], (A,)) * 500.0
    aw = 16.0 + jax.random.uniform(ks[2], (A,)) * 80.0
    ah = 16.0 + jax.random.uniform(ks[3], (A,)) * 80.0
    anchors = jnp.stack([ax, ay, ax + aw, ay + ah], axis=1)
    gx = jax.random.uniform(ks[4], (N, M)) * 450.0
    gy = jax.random.uniform(ks[5], (N, M)) * 450.0
    gw = 30.0 + jax.random.uniform(ks[6], (N, M)) * 120.0
    gh = 30.0 + jax.random.uniform(ks[7], (N, M)) * 120.0
    gt_boxes = jnp.stack([gx, gy, gx + gw, gy + gh], axis=2)
    bbox_coeff = jax.random.normal(ks[8], (N, A, 4)) * 0.05
    return {"anchors": anchors, "gt_boxes": gt_boxes, "bbox_coeff": bbox_coeff}


def reference(anchors, gt_boxes, bbox_coeff):
    pred_all = bbox_transform(anchors, bbox_coeff)
    sels, masks, gms = [], [], []
    for b in range(gt_boxes.shape[0]):
        s, m, g = _refine_one(gt_boxes[b], pred_all[b])
        sels.append(s)
        masks.append(m)
        gms.append(g)
    anchor_idx_global = jnp.stack(sels)
    fg_mask = jnp.stack(masks)
    gt_match_id = jnp.stack(gms)
    fg_bg_raw_anchors = anchors[anchor_idx_global]
    gt_match_boxes = jnp.take_along_axis(gt_boxes, gt_match_id[:, :, None], axis=1)
    target_coeff = bbox_coefficients(fg_bg_raw_anchors, gt_match_boxes)
    return (anchor_idx_global, fg_mask, target_coeff)

if __name__ == "__main__":
    import jax
    _d = setup_inputs()
    print(jax.jit(kernel)(*tuple(_d.values())))

</pallas_src>

<mosaic_0001>
#map = affine_map<(d0, d1) -> (0, 0)>
#map1 = affine_map<(d0, d1) -> (0, 0, 0)>
module attributes {stable_mosaic.version = 14 : i64} {
  func.func @_sc_select_body(%arg0: i32, %arg1: i32, %arg2: memref<8x20480xi32, #tpu.memory_space<hbm>>, %arg3: memref<4x20480xf32, #tpu.memory_space<hbm>>, %arg4: memref<8x4x24xf32, #tpu.memory_space<hbm>>, %arg5: memref<8x256xi32, #tpu.memory_space<hbm>>, %arg6: memref<8x256xi32, #tpu.memory_space<hbm>>, %arg7: memref<8x4x256xf32, #tpu.memory_space<hbm>>, %arg8: memref<20480xi32, #tpu.memory_space<vmem>>, %arg9: memref<20480xf32, #tpu.memory_space<vmem>>, %arg10: memref<20480xf32, #tpu.memory_space<vmem>>, %arg11: memref<20480xf32, #tpu.memory_space<vmem>>, %arg12: memref<20480xf32, #tpu.memory_space<vmem>>, %arg13: memref<24xf32, #tpu.memory_space<vmem>>, %arg14: memref<24xf32, #tpu.memory_space<vmem>>, %arg15: memref<24xf32, #tpu.memory_space<vmem>>, %arg16: memref<24xf32, #tpu.memory_space<vmem>>, %arg17: memref<256xi32, #tpu.memory_space<vmem>>, %arg18: memref<256xi32, #tpu.memory_space<vmem>>, %arg19: memref<256xf32, #tpu.memory_space<vmem>>, %arg20: memref<256xf32, #tpu.memory_space<vmem>>, %arg21: memref<256xf32, #tpu.memory_space<vmem>>, %arg22: memref<256xf32, #tpu.memory_space<vmem>>, %arg23: memref<!tpu.dma_semaphore, #tpu.memory_space<semaphore_mem>>) attributes {dimension_semantics = [#tpu.dimension_semantics<core_parallel>, #tpu.dimension_semantics<subcore_parallel>], iteration_bounds = array<i64: 2, 16>, scalar_prefetch = 0 : i64, scratch_operands = 16 : i64, tpu.core_type = #tpu.core_type<sc_vector_subcore>, window_params = [{transform_indices = #map}, {transform_indices = #map}, {transform_indices = #map1}, {transform_indices = #map}, {transform_indices = #map}, {transform_indices = #map1}]} {
    %mul3A = arith.constant 2 : i32
    %mul3A_0 = arith.muli %arg1, %mul3A : i32
    %add3A = arith.addi %mul3A_0, %arg0 : i32
    %lt3A = arith.constant 8 : i32
    %lt3A_1 = arith.cmpi slt, %add3A, %lt3A : i32
    %convert_element_type3A = arith.extui %lt3A_1 : i1 to i32
    %cond3A = arith.constant 0 : i32
    %cond3A_2 = arith.cmpi ne, %convert_element_type3A, %cond3A : i32
    scf.if %cond3A_2 {
      %dma_start3A = arith.constant 0 : i32
      %dma_start3A_3 = arith.constant 0 : i32
      %dma_start3A_4 = tpu.memref_slice %arg3[%dma_start3A, %dma_start3A_3] : memref<4x20480xf32, #tpu.memory_space<hbm>> -> memref<1x20480xf32, #tpu.memory_space<hbm>>
      %dma_start3A_5 = tpu.memref_squeeze %dma_start3A_4 : memref<1x20480xf32, #tpu.memory_space<hbm>> -> memref<20480xf32, #tpu.memory_space<hbm>>
      %dma_start3A_6 = arith.constant 0 : i32
      %dma_start3A_7 = tpu.memref_slice %arg3[%dma_start3A, %dma_start3A_6] : memref<4x20480xf32, #tpu.memory_space<hbm>> -> memref<1x20480xf32, #tpu.memory_space<hbm>>
      %dma_start3A_8 = tpu.memref_squeeze %dma_start3A_7 : memref<1x20480xf32, #tpu.memory_space<hbm>> -> memref<20480xf32, #tpu.memory_space<hbm>>
      tpu.enqueue_dma source(%dma_start3A_8 : memref<20480xf32, #tpu.memory_space<hbm>>) target(%arg9 : memref<20480xf32, #tpu.memory_space<vmem>>) target_semaphore(%arg23 : memref<!tpu.dma_semaphore, #tpu.memory_space<semaphore_mem>>)
      %dma_start3A_9 = arith.constant 1 : i32
      %dma_start3A_10 = arith.constant 0 : i32
      %dma_start3A_11 = tpu.memref_slice %arg3[%dma_start3A_9, %dma_start3A_10] : memref<4x20480xf32, #tpu.memory_space<hbm>> -> memref<1x20480xf32, #tpu.memory_space<hbm>>
      %dma_start3A_12 = tpu.memref_squeeze %dma_start3A_11 : memref<1x20480xf32, #tpu.memory_space<hbm>> -> memref<20480xf32, #tpu.memory_space<hbm>>
      %dma_start3A_13 = arith.constant 0 : i32
      %dma_start3A_14 = tpu.memref_slice %arg3[%dma_start3A_9, %dma_start3A_13] : memref<4x20480xf32, #tpu.memory_space<hbm>> -> memref<1x20480xf32, #tpu.memory_space<hbm>>
      %dma_start3A_15 = tpu.memref_squeeze %dma_start3A_14 : memref<1x20480xf32, #tpu.memory_space<hbm>> -> memref<20480xf32, #tpu.memory_space<hbm>>
      tpu.enqueue_dma source(%dma_start3A_15 : memref<20480xf32, #tpu.memory_space<hbm>>) target(%arg10 : memref<20480xf32, #tpu.memory_space<vmem>>) target_semaphore(%arg23 : memref<!tpu.dma_semaphore, #tpu.memory_space<semaphore_mem>>)
      %dma_start3A_16 = arith.constant 2 : i32
      %dma_start3A_17 = arith.constant 0 : i32
      %dma_start3A_18 = tpu.memref_slice %arg3[%dma_start3A_16, %dma_start3A_17] : memref<4x20480xf32, #tpu.memory_space<hbm>> -> memref<1x20480xf32, #tpu.memory_space<hbm>>
      %dma_start3A_19 = tpu.memref_squeeze %dma_start3A_18 : memref<1x20480xf32, #tpu.memory_space<hbm>> -> memref<20480xf32, #tpu.memory_space<hbm>>
      %dma_start3A_20 = arith.constant 0 : i32
      %dma_start3A_21 = tpu.memref_slice %arg3[%dma_start3A_16, %dma_start3A_20] : memref<4x20480xf32, #tpu.memory_space<hbm>> -> memref<1x20480xf32, #tpu.memory_space<hbm>>
      %dma_start3A_22 = tpu.memref_squeeze %dma_start3A_21 : memref<1x20480xf32, #tpu.memory_space<hbm>> -> memref<20480xf32, #tpu.memory_space<hbm>>
      tpu.enqueue_dma source(%dma_start3A_22 : memref<20480xf32, #tpu.memory_space<hbm>>) target(%arg11 : memref<20480xf32, #tpu.memory_space<vmem>>) target_semaphore(%arg23 : memref<!tpu.dma_semaphore, #tpu.memory_space<semaphore_mem>>)
      %dma_start3A_23 = arith.constant 3 : i32
      %dma_start3A_24 = arith.constant 0 : i32
      %dma_start3A_25 = tpu.memref_slice %arg3[%dma_start3A_23, %dma_start3A_24] : memref<4x20480xf32, #tpu.memory_space<hbm>> -> memref<1x20480xf32, #tpu.memory_space<hbm>>
      %dma_start3A_26 = tpu.memref_squeeze %dma_start3A_25 : memref<1x20480xf32, #tpu.memory_space<hbm>> -> memref<20480xf32, #tpu.memory_space<hbm>>
      %dma_start3A_27 = arith.constant 0 : i32
      %dma_start3A_28 = tpu.memref_slice %arg3[%dma_start3A_23, %dma_start3A_27] : memref<4x20480xf32, #tpu.memory_space<hbm>> -> memref<1x20480xf32, #tpu.memory_space<hbm>>
      %dma_start3A_29 = tpu.memref_squeeze %dma_start3A_28 : memref<1x20480xf32, #tpu.memory_space<hbm>> -> memref<20480xf32, #tpu.memory_space<hbm>>
      tpu.enqueue_dma source(%dma_start3A_29 : memref<20480xf32, #tpu.memory_space<hbm>>) target(%arg12 : memref<20480xf32, #tpu.memory_space<vmem>>) target_semaphore(%arg23 : memref<!tpu.dma_semaphore, #tpu.memory_space<semaphore_mem>>)
      %dma_start3A_30 = arith.constant 0 : i32
      %dma_start3A_31 = arith.constant 0 : i32
      %dma_start3A_32 = tpu.memref_slice %arg4[%add3A, %dma_start3A_30, %dma_start3A_31] : memref<8x4x24xf32, #tpu.memory_space<hbm>> -> memref<1x1x24xf32, #tpu.memory_space<hbm>>
      %dma_start3A_33 = tpu.memref_squeeze %dma_start3A_32 : memref<1x1x24xf32, #tpu.memory_space<hbm>> -> memref<24xf32, #tpu.memory_space<hbm>>
      %dma_start3A_34 = arith.constant 0 : i32
      %dma_start3A_35 = tpu.memref_slice %arg4[%add3A, %dma_start3A_30, %dma_start3A_34] : memref<8x4x24xf32, #tpu.memory_space<hbm>> -> memref<1x1x24xf32, #tpu.memory_space<hbm>>
      %dma_start3A_36 = tpu.memref_squeeze %dma_start3A_35 : memref<1x1x24xf32, #tpu.memory_space<hbm>> -> memref<24xf32, #tpu.memory_space<hbm>>
      tpu.enqueue_dma source(%dma_start3A_36 : memref<24xf32, #tpu.memory_space<hbm>>) target(%arg13 : memref<24xf32, #tpu.memory_space<vmem>>) target_semaphore(%arg23 : memref<!tpu.dma_semaphore, #tpu.memory_space<semaphore_mem>>)
      %dma_start3A_37 = arith.constant 1 : i32
      %dma_start3A_38 = arith.constant 0 : i32
      %dma_start3A_39 = tpu.memref_slice %arg4[%add3A, %dma_start3A_37, %dma_start3A_38] : memref<8x4x24xf32, #tpu.memory_space<hbm>> -> memref<1x1x24xf32, #tpu.memory_space<hbm>>
      %dma_start3A_40 = tpu.memref_squeeze %dma_start3A_39 : memref<1x1x24xf32, #tpu.memory_space<hbm>> -> memref<24xf32, #tpu.memory_space<hbm>>
      %dma_start3A_41 = arith.constant 0 : i32
      %dma_start3A_42 = tpu.memref_slice %arg4[%add3A, %dma_start3A_37, %dma_start3A_41] : memref<8x4x24xf32, #tpu.memory_space<hbm>> -> memref<1x1x24xf32, #tpu.memory_space<hbm>>
      %dma_start3A_43 = tpu.memref_squeeze %dma_start3A_42 : memref<1x1x24xf32, #tpu.memory_space<hbm>> -> memref<24xf32, #tpu.memory_space<hbm>>
      tpu.enqueue_dma source(%dma_start3A_43 : memref<24xf32, #tpu.memory_space<hbm>>) target(%arg14 : memref<24xf32, #tpu.memory_space<vmem>>) target_semaphore(%arg23 : memref<!tpu.dma_semaphore, #tpu.memory_space<semaphore_mem>>)
      %dma_start3A_44 = arith.constant 2 : i32
      %dma_start3A_45 = arith.constant 0 : i32
      %dma_start3A_46 = tpu.memref_slice %arg4[%add3A, %dma_start3A_44, %dma_start3A_45] : memref<8x4x24xf32, #tpu.memory_space<hbm>> -> memref<1x1x24xf32, #tpu.memory_space<hbm>>
      %dma_start3A_47 = tpu.memref_squeeze %dma_start3A_46 : memref<1x1x24xf32, #tpu.memory_space<hbm>> -> memref<24xf32, #tpu.memory_space<hbm>>
      %dma_start3A_48 = arith.constant 0 : i32
      %dma_start3A_49 = tpu.memref_slice %arg4[%add3A, %dma_start3A_44, %dma_start3A_48] : memref<8x4x24xf32, #tpu.memory_space<hbm>> -> memref<1x1x24xf32, #tpu.memory_space<hbm>>
      %dma_start3A_50 = tpu.memref_squeeze %dma_start3A_49 : memref<1x1x24xf32, #tpu.memory_space<hbm>> -> memref<24xf32, #tpu.memory_space<hbm>>
      tpu.enqueue_dma source(%dma_start3A_50 : memref<24xf32, #tpu.memory_space<hbm>>) target(%arg15 : memref<24xf32, #tpu.memory_space<vmem>>) target_semaphore(%arg23 : memref<!tpu.dma_semaphore, #tpu.memory_space<semaphore_mem>>)
      %dma_start3A_51 = arith.constant 3 : i32
      %dma_start3A_52 = arith.constant 0 : i32
      %dma_start3A_53 = tpu.memref_slice %arg4[%add3A, %dma_start3A_51, %dma_start3A_52] : memref<8x4x24xf32, #tpu.memory_space<hbm>> -> memref<1x1x24xf32, #tpu.memory_space<hbm>>
      %dma_start3A_54 = tpu.memref_squeeze %dma_start3A_53 : memref<1x1x24xf32, #tpu.memory_space<hbm>> -> memref<24xf32, #tpu.memory_space<hbm>>
      %dma_start3A_55 = arith.constant 0 : i32
      %dma_start3A_56 = tpu.memref_slice %arg4[%add3A, %dma_start3A_51, %dma_start3A_55] : memref<8x4x24xf32, #tpu.memory_space<hbm>> -> memref<1x1x24xf32, #tpu.memory_space<hbm>>
      %dma_start3A_57 = tpu.memref_squeeze %dma_start3A_56 : memref<1x1x24xf32, #tpu.memory_space<hbm>> -> memref<24xf32, #tpu.memory_space<hbm>>
      tpu.enqueue_dma source(%dma_start3A_57 : memref<24xf32, #tpu.memory_space<hbm>>) target(%arg16 : memref<24xf32, #tpu.memory_space<vmem>>) target_semaphore(%arg23 : memref<!tpu.dma_semaphore, #tpu.memory_space<semaphore_mem>>)
      "tpu.region"() ({
        %run_scoped3A_1323 = tpu.sem_alloc : memref<!tpu.dma_semaphore, #tpu.memory_space<semaphore_mem>>
        %dma_start3A_1324 = arith.constant 0 : i32
        %dma_start3A_1325 = tpu.memref_slice %arg2[%add3A, %dma_start3A_1324] : memref<8x20480xi32, #tpu.memory_space<hbm>> -> memref<1x20480xi32, #tpu.memory_space<hbm>>
        %dma_start3A_1326 = tpu.memref_squeeze %dma_start3A_1325 : memref<1x20480xi32, #tpu.memory_space<hbm>> -> memref<20480xi32, #tpu.memory_space<hbm>>
        %dma_start3A_1327 = arith.constant 0 : i32
        %dma_start3A_1328 = tpu.memref_slice %arg2[%add3A, %dma_start3A_1327] : memref<8x20480xi32, #tpu.memory_space<hbm>> -> memref<1x20480xi32, #tpu.memory_space<hbm>>
        %dma_start3A_1329 = tpu.memref_squeeze %dma_start3A_1328 : memref<1x20480xi32, #tpu.memory_space<hbm>> -> memref<20480xi32, #tpu.memory_space<hbm>>
        tpu.enqueue_dma source(%dma_start3A_1329 : memref<20480xi32, #tpu.memory_space<hbm>>) target(%arg8 : memref<20480xi32, #tpu.memory_space<vmem>>) target_semaphore(%run_scoped3A_1323 : memref<!tpu.dma_semaphore, #tpu.memory_space<semaphore_mem>>)
        %dma_wait3A_1330 = arith.constant 0 : i32
        %dma_wait3A_1331 = tpu.memref_slice %arg2[%add3A, %dma_wait3A_1330] : memref<8x20480xi32, #tpu.memory_space<hbm>> -> memref<1x20480xi32, #tpu.memory_space<hbm>>
        %dma_wait3A_1332 = tpu.memref_squeeze %dma_wait3A_1331 : memref<1x20480xi32, #tpu.memory_space<hbm>> -> memref<20480xi32, #tpu.memory_space<hbm>>
        %dma_wait3A_1333 = arith.constant 0 : i32
        %dma_wait3A_1334 = tpu.memref_slice %arg2[%add3A, %dma_wait3A_1333] : memref<8x20480xi32, #tpu.memory_space<hbm>> -> memref<1x20480xi32, #tpu.memory_space<hbm>>
        %dma_wait3A_1335 = tpu.memref_squeeze %dma_wait3A_1334 : memref<1x20480xi32, #tpu.memory_space<hbm>> -> memref<20480xi32, #tpu.memory_space<hbm>>
        tpu.wait_dma2 semaphore(%run_scoped3A_1323 : memref<!tpu.dma_semaphore, #tpu.memory_space<semaphore_mem>>) src(%dma_wait3A_1335 : memref<20480xi32, #tpu.memory_space<hbm>>) dst(%arg8 : memref<20480xi32, #tpu.memory_space<vmem>>)
        tpu.yield
      }) : () -> ()
      %broadcast_in_dim3A = arith.constant 0 : i32
      %broadcast_in_dim3A_58 = vector.broadcast %broadcast_in_dim3A : i32 to vector<16xi32>
      %swap3A = arith.constant 0 : index
      %swap3A_59 = tpu.vector_load %arg17[%swap3A] {strides = array<i32>} : memref<256xi32, #tpu.memory_space<vmem>>, vector<16xi32>,
      tpu.vector_store %arg17[%swap3A], %broadcast_in_dim3A_58 {strides = array<i32>} : memref<256xi32, #tpu.memory_space<vmem>>, vector<16xi32>,
      %swap3A_60 = arith.constant 16 : index
      %swap3A_61 = tpu.vector_load %arg17[%swap3A_60] {strides = array<i32>} : memref<256xi32, #tpu.memory_space<vmem>>, vector<16xi32>,
      tpu.vector_store %arg17[%swap3A_60], %broadcast_in_dim3A_58 {strides = array<i32>} : memref<256xi32, #tpu.memory_space<vmem>>, vector<16xi32>,
      %swap3A_62 = arith.constant 32 : index
      %swap3A_63 = tpu.vector_load %arg17[%swap3A_62] {strides = array<i32>} : memref<256xi32, #tpu.memory_space<vmem>>, vector<16xi32>,
      tpu.vector_store %arg17[%swap3A_62], %broadcast_in_dim3A_58 {strides = array<i32>} : memref<256xi32, #tpu.memory_space<vmem>>, vector<16xi32>,
      %swap3A_64 = arith.constant 48 : index
      %swap3A_65 = tpu.vector_load %arg17[%swap3A_64] {strides = array<i32>} : memref<256xi32, #tpu.memory_space<vmem>>, vector<16xi32>,
      tpu.vector_store %arg17[%swap3A_64], %broadcast_in_dim3A_58 {strides = array<i32>} : memref<256xi32, #tpu.memory_space<vmem>>, vector<16xi32>,
      %swap3A_66 = arith.constant 64 : index
      %swap3A_67 = tpu.vector_load %arg17[%swap3A_66] {strides = array<i32>} : memref<256xi32, #tpu.memory_space<vmem>>, vector<16xi32>,
      tpu.vector_store %arg17[%swap3A_66], %broadcast_in_dim3A_58 {strides = array<i32>} : memref<256xi32, #tpu.memory_space<vmem>>, vector<16xi32>,
      %swap3A_68 = arith.constant 80 : index
      %swap3A_69 = tpu.vector_load %arg17[%swap3A_68] {strides = array<i32>} : memref<256xi32, #tpu.memory_space<vmem>>, vector<16xi32>,
      tpu.vector_store %arg17[%swap3A_68], %broadcast_in_dim3A_58 {strides = array<i32>} : memref<256xi32, #tpu.memory_space<vmem>>, vector<16xi32>,
      %swap3A_70 = arith.constant 96 : index
      %swap3A_71 = tpu.vector_load %arg17[%swap3A_70] {strides = array<i32>} : memref<256xi32, #tpu.memory_space<vmem>>, vector<16xi32>,
      tpu.vector_store %arg17[%swap3A_70], %broadcast_in_dim3A_58 {strides = array<i32>} : memref<256xi32, #tpu.memory_space<vmem>>, vector<16xi32>,
      %swap3A_72 = arith.constant 112 : index
      %swap3A_73 = tpu.vector_load %arg17[%swap3A_72] {strides = array<i32>} : memref<256xi32, #tpu.memory_space<vmem>>, vector<16xi32>,
      tpu.vector_store %arg17[%swap3A_72], %broadcast_in_dim3A_58 {strides = array<i32>} : memref<256xi32, #tpu.memory_space<vmem>>, vector<16xi32>,
      %swap3A_74 = arith.constant 128 : index
      %swap3A_75 = tpu.vector_load %arg17[%swap3A_74] {strides = array<i32>} : memref<256xi32, #tpu.memory_space<vmem>>, vector<16xi32>,
      tpu.vector_store %arg17[%swap3A_74], %broadcast_in_dim3A_58 {strides = array<i32>} : memref<256xi32, #tpu.memory_space<vmem>>, vector<16xi32>,
      %swap3A_76 = arith.constant 144 : index
      %swap3A_77 = tpu.vector_load %arg17[%swap3A_76] {strides = array<i32>} : memref<256xi32, #tpu.memory_space<vmem>>, vector<16xi32>,
      tpu.vector_store %arg17[%swap3A_76], %broadcast_in_dim3A_58 {strides = array<i32>} : memref<256xi32, #tpu.memory_space<vmem>>, vector<16xi32>,
      %swap3A_78 = arith.constant 160 : index
      %swap3A_79 = tpu.vector_load %arg17[%swap3A_78] {strides = array<i32>} : memref<256xi32, #tpu.memory_space<vmem>>, vector<16xi32>,
      tpu.vector_store %arg17[%swap3A_78], %broadcast_in_dim3A_58 {strides = array<i32>} : memref<256xi32, #tpu.memory_space<vmem>>, vector<16xi32>,
      %swap3A_80 = arith.constant 176 : index
      %swap3A_81 = tpu.vector_load %arg17[%swap3A_80] {strides = array<i32>} : memref<256xi32, #tpu.memory_space<vmem>>, vector<16xi32>,
      tpu.vector_store %arg17[%swap3A_80], %broadcast_in_dim3A_58 {strides = array<i32>} : memref<256xi32, #tpu.memory_space<vmem>>, vector<16xi32>,
      %swap3A_82 = arith.constant 192 : index
      %swap3A_83 = tpu.vector_load %arg17[%swap3A_82] {strides = array<i32>} : memref<256xi32, #tpu.memory_space<vmem>>, vector<16xi32>,
      tpu.vector_store %arg17[%swap3A_82], %broadcast_in_dim3A_58 {strides = array<i32>} : memref<256xi32, #tpu.memory_space<vmem>>, vector<16xi32>,
      %swap3A_84 = arith.constant 208 : index
      %swap3A_85 = tpu.vector_load %arg17[%swap3A_84] {strides = array<i32>} : memref<256xi32, #tpu.memory_space<vmem>>, vector<16xi32>,
      tpu.vector_store %arg17[%swap3A_84], %broadcast_in_dim3A_58 {strides = array<i32>} : memref<256xi32, #tpu.memory_space<vmem>>, vector<16xi32>,
      %swap3A_86 = arith.constant 224 : index
      %swap3A_87 = tpu.vector_load %arg17[%swap3A_86] {strides = array<i32>} : memref<256xi32, #tpu.memory_space<vmem>>, vector<16xi32>,
      tpu.vector_store %arg17[%swap3A_86], %broadcast_in_dim3A_58 {strides = array<i32>} : memref<256xi32, #tpu.memory_space<vmem>>, vector<16xi32>,
      %swap3A_88 = arith.constant 240 : index
      %swap3A_89 = tpu.vector_load %arg17[%swap3A_88] {strides = array<i32>} : memref<256xi32, #tpu.memory_space<vmem>>, vector<16xi32>,
      tpu.vector_store %arg17[%swap3A_88], %broadcast_in_dim3A_58 {strides = array<i32>} : memref<256xi32, #tpu.memory_space<vmem>>, vector<16xi32>,
      %scan3A = arith.constant 0 : i32
      %scan3A_90 = arith.constant 1280 : i32
      %scan3A_91 = arith.addi %scan3A, %scan3A_90 : i32
      %scan3A_92 = arith.constant 1 : i32
      %scan3A_93 = scf.for %scan3A_1323 = %scan3A to %scan3A_91 step %scan3A_92 iter_args(%scan3A_1324 = %broadcast_in_dim3A_58) -> (vector<16xi32>)  : i32 {
        %mul3A_1325 = arith.constant 16 : i32
        %mul3A_1326 = arith.muli %scan3A_1323, %mul3A_1325 : i32
        %get3A_1327 = arith.index_cast %mul3A_1326 : i32 to index
        %get3A_1328 = tpu.vector_load %arg8[%get3A_1327] {strides = array<i32>} : memref<20480xi32, #tpu.memory_space<vmem>>, vector<16xi32>,
        %and3A_1329 = arith.constant 3 : i32
        %and3A_1330 = vector.broadcast %and3A_1329 : i32 to vector<16xi32>
        %and3A_1331 = arith.andi %get3A_1328, %and3A_1330 : vector<16xi32>
        %eq3A_1332 = arith.constant 2 : i32
        %eq3A_1333 = vector.broadcast %eq3A_1332 : i32 to vector<16xi32>
        %eq3A_1334 = arith.cmpi eq, %and3A_1331, %eq3A_1333 : vector<16xi32>
        %all_reduce_population_count3A = tpu.all_reduce %eq3A_1334 {dim = 0 : i64, kind = #tpu.reduction_kind<sum>} : vector<16xi1> -> vector<16xi32>
        %add3A_1335 = arith.addi %scan3A_1324, %all_reduce_population_count3A : vector<16xi32>
        scf.yield %add3A_1335 : vector<16xi32>
      }
      %scan3A_94 = arith.constant 1280 : i32
      %min3A = arith.constant 128 : i32
      %min3A_95 = vector.broadcast %min3A : i32 to vector<16xi32>
      %min3A_96 = arith.minsi %scan3A_93, %min3A_95 : vector<16xi32>
      %sub3A = arith.constant 256 : i32
      %sub3A_97 = vector.broadcast %sub3A : i32 to vector<16xi32>
      %sub3A_98 = arith.subi %sub3A_97, %min3A_96 : vector<16xi32>
      %iota3A = tpu.iota {dimensions = array<i32: 0>} : vector<16xi32>
      %scan3A_99 = arith.constant 0 : i32
      %scan3A_100 = arith.constant 1280 : i32
      %scan3A_101 = arith.addi %scan3A_99, %scan3A_100 : i32
      %scan3A_102 = arith.constant 1 : i32
      %scan3A_103:4 = scf.for %scan3A_1323 = %scan3A_99 to %scan3A_101 step %scan3A_102 iter_args(%scan3A_1324 = %broadcast_in_dim3A_58, %scan3A_1325 = %broadcast_in_dim3A_58, %scan3A_1326 = %broadcast_in_dim3A_58, %scan3A_1327 = %iota3A) -> (vector<16xi32>, vector<16xi32>, vector<16xi32>, vector<16xi32>)  : i32 {
        %mul3A_1328 = arith.constant 16 : i32
        %mul3A_1329 = arith.muli %scan3A_1323, %mul3A_1328 : i32
        %get3A_1330 = arith.index_cast %mul3A_1329 : i32 to index
        %get3A_1331 = tpu.vector_load %arg8[%get3A_1330] {strides = array<i32>} : memref<20480xi32, #tpu.memory_space<vmem>>, vector<16xi32>,
        %and3A_1332 = arith.constant 3 : i32
        %and3A_1333 = vector.broadcast %and3A_1332 : i32 to vector<16xi32>
        %and3A_1334 = arith.andi %get3A_1331, %and3A_1333 : vector<16xi32>
        %eq3A_1335 = arith.constant 2 : i32
        %eq3A_1336 = vector.broadcast %eq3A_1335 : i32 to vector<16xi32>
        %eq3A_1337 = arith.cmpi eq, %and3A_1334, %eq3A_1336 : vector<16xi32>
        %eq3A_1338 = arith.constant 1 : i32
        %eq3A_1339 = vector.broadcast %eq3A_1338 : i32 to vector<16xi32>
        %eq3A_1340 = arith.cmpi eq, %and3A_1334, %eq3A_1339 : vector<16xi32>
        %jit3A_1341 = arith.constant 1 : i32
        %jit3A_1342 = arith.constant 0 : i32
        %broadcast_in_dim3A_1343 = vector.broadcast %jit3A_1341 : i32 to vector<16xi32>
        %broadcast_in_dim3A_1344 = vector.broadcast %jit3A_1342 : i32 to vector<16xi32>
        %select_n3A_1345 = arith.select %eq3A_1337, %broadcast_in_dim3A_1343, %broadcast_in_dim3A_1344 : vector<16xi1>, vector<16xi32>
        %broadcast_in_dim3A_1346 = arith.constant true
        %broadcast_in_dim3A_1347 = vector.broadcast %broadcast_in_dim3A_1346 : i1 to vector<16xi1>
        %masked_cumsum3A = tpu.scan <sum>, %select_n3A_1345 masked %broadcast_in_dim3A_1347 : vector<16xi32>, vector<16xi1> -> vector<16xi32>
        %jit3A_1348 = arith.constant 1 : i32
        %jit3A_1349 = arith.constant 0 : i32
        %broadcast_in_dim3A_1350 = vector.broadcast %jit3A_1348 : i32 to vector<16xi32>
        %broadcast_in_dim3A_1351 = vector.broadcast %jit3A_1349 : i32 to vector<16xi32>
        %select_n3A_1352 = arith.select %eq3A_1340, %broadcast_in_dim3A_1350, %broadcast_in_dim3A_1351 : vector<16xi1>, vector<16xi32>
        %broadcast_in_dim3A_1353 = arith.constant true
        %broadcast_in_dim3A_1354 = vector.broadcast %broadcast_in_dim3A_1353 : i1 to vector<16xi1>
        %masked_cumsum3A_1355 = tpu.scan <sum>, %select_n3A_1352 masked %broadcast_in_dim3A_1354 : vector<16xi32>, vector<16xi1> -> vector<16xi32>
        %add3A_1356 = arith.addi %scan3A_1324, %masked_cumsum3A : vector<16xi32>
        %le3A = arith.constant 128 : i32
        %le3A_1357 = vector.broadcast %le3A : i32 to vector<16xi32>
        %le3A_1358 = arith.cmpi sle, %add3A_1356, %le3A_1357 : vector<16xi32>
        %and3A_1359 = arith.andi %eq3A_1337, %le3A_1358 : vector<16xi1>
        %add3A_1360 = arith.addi %scan3A_1325, %masked_cumsum3A_1355 : vector<16xi32>
        %le3A_1361 = arith.cmpi sle, %add3A_1360, %sub3A_98 : vector<16xi32>
        %and3A_1362 = arith.andi %eq3A_1340, %le3A_1361 : vector<16xi1>
        %or3A = arith.ori %and3A_1359, %and3A_1362 : vector<16xi1>
        %jit3A_1363 = arith.constant 1 : i32
        %jit3A_1364 = arith.constant 0 : i32
        %broadcast_in_dim3A_1365 = vector.broadcast %jit3A_1363 : i32 to vector<16xi32>
        %broadcast_in_dim3A_1366 = vector.broadcast %jit3A_1364 : i32 to vector<16xi32>
        %select_n3A_1367 = arith.select %or3A, %broadcast_in_dim3A_1365, %broadcast_in_dim3A_1366 : vector<16xi1>, vector<16xi32>
        %broadcast_in_dim3A_1368 = arith.constant true
        %broadcast_in_dim3A_1369 = vector.broadcast %broadcast_in_dim3A_1368 : i1 to vector<16xi1>
        %masked_cumsum3A_1370 = tpu.scan <sum>, %select_n3A_1367 masked %broadcast_in_dim3A_1369 : vector<16xi32>, vector<16xi1> -> vector<16xi32>
        %add3A_1371 = arith.addi %scan3A_1326, %masked_cumsum3A_1370 : vector<16xi32>
        %sub3A_1372 = arith.constant 1 : i32
        %sub3A_1373 = vector.broadcast %sub3A_1372 : i32 to vector<16xi32>
        %sub3A_1374 = arith.subi %add3A_1371, %sub3A_1373 : vector<16xi32>
        tpu.vector_store_idx %arg17[%sub3A_1374], %scan3A_1327 masked %or3A : memref<256xi32, #tpu.memory_space<vmem>>[vector<16xi32>], vector<16xi32>, vector<16xi1>
        %all_reduce_population_count3A = tpu.all_reduce %eq3A_1337 {dim = 0 : i64, kind = #tpu.reduction_kind<sum>} : vector<16xi1> -> vector<16xi32>
        %add3A_1375 = arith.addi %scan3A_1324, %all_reduce_population_count3A : vector<16xi32>
        %all_reduce_population_count3A_1376 = tpu.all_reduce %eq3A_1340 {dim = 0 : i64, kind = #tpu.reduction_kind<sum>} : vector<16xi1> -> vector<16xi32>
        %add3A_1377 = arith.addi %scan3A_1325, %all_reduce_population_count3A_1376 : vector<16xi32>
        %all_reduce_population_count3A_1378 = tpu.all_reduce %or3A {dim = 0 : i64, kind = #tpu.reduction_kind<sum>} : vector<16xi1> -> vector<16xi32>
        %add3A_1379 = arith.addi %scan3A_1326, %all_reduce_population_count3A_1378 : vector<16xi32>
        %add3A_1380 = arith.constant 16 : i32
        %add3A_1381 = vector.broadcast %add3A_1380 : i32 to vector<16xi32>
        %add3A_1382 = arith.addi %scan3A_1327, %add3A_1381 : vector<16xi32>
        scf.yield %add3A_1375, %add3A_1377, %add3A_1379, %add3A_1382 : vector<16xi32>, vector<16xi32>, vector<16xi32>, vector<16xi32>
      }
      %scan3A_104 = arith.constant 1280 : i32
      %dma_wait3A = arith.constant 0 : i32
      %dma_wait3A_105 = arith.constant 0 : i32
      %dma_wait3A_106 = tpu.memref_slice %arg3[%dma_wait3A, %dma_wait3A_105] : memref<4x20480xf32, #tpu.memory_space<hbm>> -> memref<1x20480xf32, #tpu.memory_space<hbm>>
      %dma_wait3A_107 = tpu.memref_squeeze %dma_wait3A_106 : memref<1x20480xf32, #tpu.memory_space<hbm>> -> memref<20480xf32, #tpu.memory_space<hbm>>
      %dma_wait3A_108 = arith.constant 0 : i32
      %dma_wait3A_109 = tpu.memref_slice %arg3[%dma_wait3A, %dma_wait3A_108] : memref<4x20480xf32, #tpu.memory_space<hbm>> -> memref<1x20480xf32, #tpu.memory_space<hbm>>
      %dma_wait3A_110 = tpu.memref_squeeze %dma_wait3A_109 : memref<1x20480xf32, #tpu.memory_space<hbm>> -> memref<20480xf32, #tpu.memory_space<hbm>>
      tpu.wait_dma2 semaphore(%arg23 : memref<!tpu.dma_semaphore, #tpu.memory_space<semaphore_mem>>) src(%dma_wait3A_110 : memref<20480xf32, #tpu.memory_space<hbm>>) dst(%arg9 : memref<20480xf32, #tpu.memory_space<vmem>>)
      %dma_wait3A_111 = arith.constant 1 : i32
      %dma_wait3A_112 = arith.constant 0 : i32
      %dma_wait3A_113 = tpu.memref_slice %arg3[%dma_wait3A_111, %dma_wait3A_112] : memref<4x20480xf32, #tpu.memory_space<hbm>> -> memref<1x20480xf32, #tpu.memory_space<hbm>>
      %dma_wait3A_114 = tpu.memref_squeeze %dma_wait3A_113 : memref<1x20480xf32, #tpu.memory_space<hbm>> -> memref<20480xf32, #tpu.memory_space<hbm>>
      %dma_wait3A_115 = arith.constant 0 : i32
      %dma_wait3A_116 = tpu.memref_slice %arg3[%dma_wait3A_111, %dma_wait3A_115] : memref<4x20480xf32, #tpu.memory_space<hbm>> -> memref<1x20480xf32, #tpu.memory_space<hbm>>
      %dma_wait3A_117 = tpu.memref_squeeze %dma_wait3A_116 : memref<1x20480xf32, #tpu.memory_space<hbm>> -> memref<20480xf32, #tpu.memory_space<hbm>>
      tpu.wait_dma2 semaphore(%arg23 : memref<!tpu.dma_semaphore, #tpu.memory_space<semaphore_mem>>) src(%dma_wait3A_117 : memref<20480xf32, #tpu.memory_space<hbm>>) dst(%arg10 : memref<20480xf32, #tpu.memory_space<vmem>>)
      %dma_wait3A_118 = arith.constant 2 : i32
      %dma_wait3A_119 = arith.constant 0 : i32
      %dma_wait3A_120 = tpu.memref_slice %arg3[%dma_wait3A_118, %dma_wait3A_119] : memref<4x20480xf32, #tpu.memory_space<hbm>> -> memref<1x20480xf32, #tpu.memory_space<hbm>>
      %dma_wait3A_121 = tpu.memref_squeeze %dma_wait3A_120 : memref<1x20480xf32, #tpu.memory_space<hbm>> -> memref<20480xf32, #tpu.memory_space<hbm>>
      %dma_wait3A_122 = arith.constant 0 : i32
      %dma_wait3A_123 = tpu.memref_slice %arg3[%dma_wait3A_118, %dma_wait3A_122] : memref<4x20480xf32, #tpu.memory_space<hbm>> -> memref<1x20480xf32, #tpu.memory_space<hbm>>
      %dma_wait3A_124 = tpu.memref_squeeze %dma_wait3A_123 : memref<1x20480xf32, #tpu.memory_space<hbm>> -> memref<20480xf32, #tpu.memory_space<hbm>>
      tpu.wait_dma2 semaphore(%arg23 : memref<!tpu.dma_semaphore, #tpu.memory_space<semaphore_mem>>) src(%dma_wait3A_124 : memref<20480xf32, #tpu.memory_space<hbm>>) dst(%arg11 : memref<20480xf32, #tpu.memory_space<vmem>>)
      %dma_wait3A_125 = arith.constant 3 : i32
      %dma_wait3A_126 = arith.constant 0 : i32
      %dma_wait3A_127 = tpu.memref_slice %arg3[%dma_wait3A_125, %dma_wait3A_126] : memref<4x20480xf32, #tpu.memory_space<hbm>> -> memref<1x20480xf32, #tpu.memory_space<hbm>>
      %dma_wait3A_128 = tpu.memref_squeeze %dma_wait3A_127 : memref<1x20480xf32, #tpu.memory_space<hbm>> -> memref<20480xf32, #tpu.memory_space<hbm>>
      %dma_wait3A_129 = arith.constant 0 : i32
      %dma_wait3A_130 = tpu.memref_slice %arg3[%dma_wait3A_125, %dma_wait3A_129] : memref<4x20480xf32, #tpu.memory_space<hbm>> -> memref<1x20480xf32, #tpu.memory_space<hbm>>
      %dma_wait3A_131 = tpu.memref_squeeze %dma_wait3A_130 : memref<1x20480xf32, #tpu.memory_space<hbm>> -> memref<20480xf32, #tpu.memory_space<hbm>>
      tpu.wait_dma2 semaphore(%arg23 : memref<!tpu.dma_semaphore, #tpu.memory_space<semaphore_mem>>) src(%dma_wait3A_131 : memref<20480xf32, #tpu.memory_space<hbm>>) dst(%arg12 : memref<20480xf32, #tpu.memory_space<vmem>>)
      %dma_wait3A_132 = arith.constant 0 : i32
      %dma_wait3A_133 = arith.constant 0 : i32
      %dma_wait3A_134 = tpu.memref_slice %arg4[%add3A, %dma_wait3A_132, %dma_wait3A_133] : memref<8x4x24xf32, #tpu.memory_space<hbm>> -> memref<1x1x24xf32, #tpu.memory_space<hbm>>
      %dma_wait3A_135 = tpu.memref_squeeze %dma_wait3A_134 : memref<1x1x24xf32, #tpu.memory_space<hbm>> -> memref<24xf32, #tpu.memory_space<hbm>>
      %dma_wait3A_136 = arith.constant 0 : i32
      %dma_wait3A_137 = tpu.memref_slice %arg4[%add3A, %dma_wait3A_132, %dma_wait3A_136] : memref<8x4x24xf32, #tpu.memory_space<hbm>> -> memref<1x1x24xf32, #tpu.memory_space<hbm>>
      %dma_wait3A_138 = tpu.memref_squeeze %dma_wait3A_137 : memref<1x1x24xf32, #tpu.memory_space<hbm>> -> memref<24xf32, #tpu.memory_space<hbm>>
      tpu.wait_dma2 semaphore(%arg23 : memref<!tpu.dma_semaphore, #tpu.memory_space<semaphore_mem>>) src(%dma_wait3A_138 : memref<24xf32, #tpu.memory_space<hbm>>) dst(%arg13 : memref<24xf32, #tpu.memory_space<vmem>>)
      %dma_wait3A_139 = arith.constant 1 : i32
      %dma_wait3A_140 = arith.constant 0 : i32
      %dma_wait3A_141 = tpu.memref_slice %arg4[%add3A, %dma_wait3A_139, %dma_wait3A_140] : memref<8x4x24xf32, #tpu.memory_space<hbm>> -> memref<1x1x24xf32, #tpu.memory_space<hbm>>
      %dma_wait3A_142 = tpu.memref_squeeze %dma_wait3A_141 : memref<1x1x24xf32, #tpu.memory_space<hbm>> -> memref<24xf32, #tpu.memory_space<hbm>>
      %dma_wait3A_143 = arith.constant 0 : i32
      %dma_wait3A_144 = tpu.memref_slice %arg4[%add3A, %dma_wait3A_139, %dma_wait3A_143] : memref<8x4x24xf32, #tpu.memory_space<hbm>> -> memref<1x1x24xf32, #tpu.memory_space<hbm>>
      %dma_wait3A_145 = tpu.memref_squeeze %dma_wait3A_144 : memref<1x1x24xf32, #tpu.memory_space<hbm>> -> memref<24xf32, #tpu.memory_space<hbm>>
      tpu.wait_dma2 semaphore(%arg23 : memref<!tpu.dma_semaphore, #tpu.memory_space<semaphore_mem>>) src(%dma_wait3A_145 : memref<24xf32, #tpu.memory_space<hbm>>) dst(%arg14 : memref<24xf32, #tpu.memory_space<vmem>>)
      %dma_wait3A_146 = arith.constant 2 : i32
      %dma_wait3A_147 = arith.constant 0 : i32
      %dma_wait3A_148 = tpu.memref_slice %arg4[%add3A, %dma_wait3A_146, %dma_wait3A_147] : memref<8x4x24xf32, #tpu.memory_space<hbm>> -> memref<1x1x24xf32, #tpu.memory_space<hbm>>
      %dma_wait3A_149 = tpu.memref_squeeze %dma_wait3A_148 : memref<1x1x24xf32, #tpu.memory_space<hbm>> -> memref<24xf32, #tpu.memory_space<hbm>>
      %dma_wait3A_150 = arith.constant 0 : i32
      %dma_wait3A_151 = tpu.memref_slice %arg4[%add3A, %dma_wait3A_146, %dma_wait3A_150] : memref<8x4x24xf32, #tpu.memory_space<hbm>> -> memref<1x1x24xf32, #tpu.memory_space<hbm>>
      %dma_wait3A_152 = tpu.memref_squeeze %dma_wait3A_151 : memref<1x1x24xf32, #tpu.memory_space<hbm>> -> memref<24xf32, #tpu.memory_space<hbm>>
      tpu.wait_dma2 semaphore(%arg23 : memref<!tpu.dma_semaphore, #tpu.memory_space<semaphore_mem>>) src(%dma_wait3A_152 : memref<24xf32, #tpu.memory_space<hbm>>) dst(%arg15 : memref<24xf32, #tpu.memory_space<vmem>>)
      %dma_wait3A_153 = arith.constant 3 : i32
      %dma_wait3A_154 = arith.constant 0 : i32
      %dma_wait3A_155 = tpu.memref_slice %arg4[%add3A, %dma_wait3A_153, %dma_wait3A_154] : memref<8x4x24xf32, #tpu.memory_space<hbm>> -> memref<1x1x24xf32, #tpu.memory_space<hbm>>
      %dma_wait3A_156 = tpu.memref_squeeze %dma_wait3A_155 : memref<1x1x24xf32, #tpu.memory_space<hbm>> -> memref<24xf32, #tpu.memory_space<hbm>>
      %dma_wait3A_157 = arith.constant 0 : i32
      %dma_wait3A_158 = tpu.memref_slice %arg4[%add3A, %dma_wait3A_153, %dma_wait3A_157] : memref<8x4x24xf32, #tpu.memory_space<hbm>> -> memref<1x1x24xf32, #tpu.memory_space<hbm>>
      %dma_wait3A_159 = tpu.memref_squeeze %dma_wait3A_158 : memref<1x1x24xf32, #tpu.memory_space<hbm>> -> memref<24xf32, #tpu.memory_space<hbm>>
      tpu.wait_dma2 semaphore(%arg23 : memref<!tpu.dma_semaphore, #tpu.memory_space<semaphore_mem>>) src(%dma_wait3A_159 : memref<24xf32, #tpu.memory_space<hbm>>) dst(%arg16 : memref<24xf32, #tpu.memory_space<vmem>>)
      %get3A = arith.constant 0 : index
      %get3A_160 = tpu.vector_load %arg17[%get3A] {strides = array<i32>} : memref<256xi32, #tpu.memory_space<vmem>>, vector<16xi32>,
      %gather3A = tpu.vector_load_idx %arg8[%get3A_160] : memref<20480xi32, #tpu.memory_space<vmem>>[vector<16xi32>], vector<16xi32>,
      %and3A = arith.constant 3 : i32
      %and3A_161 = vector.broadcast %and3A : i32 to vector<16xi32>
      %and3A_162 = arith.andi %gather3A, %and3A_161 : vector<16xi32>
      %eq3A = arith.constant 2 : i32
      %eq3A_163 = vector.broadcast %eq3A : i32 to vector<16xi32>
      %eq3A_164 = arith.cmpi eq, %and3A_162, %eq3A_163 : vector<16xi32>
      %jit3A = arith.constant 1 : i32
      %jit3A_165 = arith.constant 0 : i32
      %broadcast_in_dim3A_166 = vector.broadcast %jit3A : i32 to vector<16xi32>
      %broadcast_in_dim3A_167 = vector.broadcast %jit3A_165 : i32 to vector<16xi32>
      %select_n3A = arith.select %eq3A_164, %broadcast_in_dim3A_166, %broadcast_in_dim3A_167 : vector<16xi1>, vector<16xi32>
      %swap3A_168 = arith.constant 0 : index
      %swap3A_169 = tpu.vector_load %arg18[%swap3A_168] {strides = array<i32>} : memref<256xi32, #tpu.memory_space<vmem>>, vector<16xi32>,
      tpu.vector_store %arg18[%swap3A_168], %select_n3A {strides = array<i32>} : memref<256xi32, #tpu.memory_space<vmem>>, vector<16xi32>,
      %shift_right_arithmetic3A = arith.constant 2 : i32
      %shift_right_arithmetic3A_170 = vector.broadcast %shift_right_arithmetic3A : i32 to vector<16xi32>
      %shift_right_arithmetic3A_171 = arith.shrsi %gather3A, %shift_right_arithmetic3A_170 : vector<16xi32>
      %gather3A_172 = tpu.vector_load_idx %arg9[%get3A_160] : memref<20480xf32, #tpu.memory_space<vmem>>[vector<16xi32>], vector<16xf32>,
      %gather3A_173 = tpu.vector_load_idx %arg10[%get3A_160] : memref<20480xf32, #tpu.memory_space<vmem>>[vector<16xi32>], vector<16xf32>,
      %gather3A_174 = tpu.vector_load_idx %arg11[%get3A_160] : memref<20480xf32, #tpu.memory_space<vmem>>[vector<16xi32>], vector<16xf32>,
      %gather3A_175 = tpu.vector_load_idx %arg12[%get3A_160] : memref<20480xf32, #tpu.memory_space<vmem>>[vector<16xi32>], vector<16xf32>,
      %gather3A_176 = tpu.vector_load_idx %arg13[%shift_right_arithmetic3A_171] : memref<24xf32, #tpu.memory_space<vmem>>[vector<16xi32>], vector<16xf32>,
      %gather3A_177 = tpu.vector_load_idx %arg14[%shift_right_arithmetic3A_171] : memref<24xf32, #tpu.memory_space<vmem>>[vector<16xi32>], vector<16xf32>,
      %gather3A_178 = tpu.vector_load_idx %arg15[%shift_right_arithmetic3A_171] : memref<24xf32, #tpu.memory_space<vmem>>[vector<16xi32>], vector<16xf32>,
      %gather3A_179 = tpu.vector_load_idx %arg16[%shift_right_arithmetic3A_171] : memref<24xf32, #tpu.memory_space<vmem>>[vector<16xi32>], vector<16xf32>,
      %sub3A_180 = arith.subf %gather3A_174, %gather3A_172 : vector<16xf32>
      %add3A_181 = arith.constant 1.000000e+00 : f32
      %add3A_182 = vector.broadcast %add3A_181 : f32 to vector<16xf32>
      %add3A_183 = arith.addf %sub3A_180, %add3A_182 : vector<16xf32>
      %sub3A_184 = arith.subf %gather3A_175, %gather3A_173 : vector<16xf32>
      %add3A_185 = arith.constant 1.000000e+00 : f32
      %add3A_186 = vector.broadcast %add3A_185 : f32 to vector<16xf32>
      %add3A_187 = arith.addf %sub3A_184, %add3A_186 : vector<16xf32>
      %mul3A_188 = arith.constant 5.000000e-01 : f32
      %mul3A_189 = vector.broadcast %mul3A_188 : f32 to vector<16xf32>
      %mul3A_190 = arith.mulf %mul3A_189, %add3A_183 : vector<16xf32>
      %add3A_191 = arith.addf %gather3A_172, %mul3A_190 : vector<16xf32>
      %mul3A_192 = arith.constant 5.000000e-01 : f32
      %mul3A_193 = vector.broadcast %mul3A_192 : f32 to vector<16xf32>
      %mul3A_194 = arith.mulf %mul3A_193, %add3A_187 : vector<16xf32>
      %add3A_195 = arith.addf %gather3A_173, %mul3A_194 : vector<16xf32>
      %sub3A_196 = arith.subf %gather3A_178, %gather3A_176 : vector<16xf32>
      %add3A_197 = arith.constant 1.000000e+00 : f32
      %add3A_198 = vector.broadcast %add3A_197 : f32 to vector<16xf32>
      %add3A_199 = arith.addf %sub3A_196, %add3A_198 : vector<16xf32>
      %sub3A_200 = arith.subf %gather3A_179, %gather3A_177 : vector<16xf32>
      %add3A_201 = arith.constant 1.000000e+00 : f32
      %add3A_202 = vector.broadcast %add3A_201 : f32 to vector<16xf32>
      %add3A_203 = arith.addf %sub3A_200, %add3A_202 : vector<16xf32>
      %mul3A_204 = arith.constant 5.000000e-01 : f32
      %mul3A_205 = vector.broadcast %mul3A_204 : f32 to vector<16xf32>
      %mul3A_206 = arith.mulf %mul3A_205, %add3A_199 : vector<16xf32>
      %add3A_207 = arith.addf %gather3A_176, %mul3A_206 : vector<16xf32>
      %mul3A_208 = arith.constant 5.000000e-01 : f32
      %mul3A_209 = vector.broadcast %mul3A_208 : f32 to vector<16xf32>
      %mul3A_210 = arith.mulf %mul3A_209, %add3A_203 : vector<16xf32>
      %add3A_211 = arith.addf %gather3A_177, %mul3A_210 : vector<16xf32>
      %sub3A_212 = arith.subf %add3A_207, %add3A_191 : vector<16xf32>
      %div3A = arith.divf %sub3A_212, %add3A_183 : vector<16xf32>
      %swap3A_213 = arith.constant 0 : index
      %swap3A_214 = tpu.vector_load %arg19[%swap3A_213] {strides = array<i32>} : memref<256xf32, #tpu.memory_space<vmem>>, vector<16xf32>,
      tpu.vector_store %arg19[%swap3A_213], %div3A {strides = array<i32>} : memref<256xf32, #tpu.memory_space<vmem>>, vector<16xf32>,
      %sub3A_215 = arith.subf %add3A_211, %add3A_195 : vector<16xf32>
      %div3A_216 = arith.divf %sub3A_215, %add3A_187 : vector<16xf32>
      %swap3A_217 = arith.constant 0 : index
      %swap3A_218 = tpu.vector_load %arg20[%swap3A_217] {strides = array<i32>} : memref<256xf32, #tpu.memory_space<vmem>>, vector<16xf32>,
      tpu.vector_store %arg20[%swap3A_217], %div3A_216 {strides = array<i32>} : memref<256xf32, #tpu.memory_space<vmem>>, vector<16xf32>,
      %div3A_219 = arith.divf %add3A_199, %add3A_183 : vector<16xf32>
      %swap3A_220 = arith.constant 0 : index
      %swap3A_221 = tpu.vector_load %arg21[%swap3A_220] {strides = array<i32>} : memref<256xf32, #tpu.memory_space<vmem>>, vector<16xf32>,
      tpu.vector_store %arg21[%swap3A_220], %div3A_219 {strides = array<i32>} : memref<256xf32, #tpu.memory_space<vmem>>, vector<16xf32>,
      %div3A_222 = arith.divf %add3A_203, %add3A_187 : vector<16xf32>
      %swap3A_223 = arith.constant 0 : index
      %swap3A_224 = tpu.vector_load %arg22[%swap3A_223] {strides = array<i32>} : memref<256xf32, #tpu.memory_space<vmem>>, vector<16xf32>,
      tpu.vector_store %arg22[%swap3A_223], %div3A_222 {strides = array<i32>} : memref<256xf32, #tpu.memory_space<vmem>>, vector<16xf32>,
      %get3A_225 = arith.constant 16 : index
      %get3A_226 = tpu.vector_load %arg17[%get3A_225] {strides = array<i32>} : memref<256xi32, #tpu.memory_space<vmem>>, vector<16xi32>,
      %gather3A_227 = tpu.vector_load_idx %arg8[%get3A_226] : memref<20480xi32, #tpu.memory_space<vmem>>[vector<16xi32>], vector<16xi32>,
      %and3A_228 = arith.constant 3 : i32
      %and3A_229 = vector.broadcast %and3A_228 : i32 to vector<16xi32>
      %and3A_230 = arith.andi %gather3A_227, %and3A_229 : vector<16xi32>
      %eq3A_231 = arith.constant 2 : i32
      %eq3A_232 = vector.broadcast %eq3A_231 : i32 to vector<16xi32>
      %eq3A_233 = arith.cmpi eq, %and3A_230, %eq3A_232 : vector<16xi32>
      %jit3A_234 = arith.constant 1 : i32
      %jit3A_235 = arith.constant 0 : i32
      %broadcast_in_dim3A_236 = vector.broadcast %jit3A_234 : i32 to vector<16xi32>
      %broadcast_in_dim3A_237 = vector.broadcast %jit3A_235 : i32 to vector<16xi32>
      %select_n3A_238 = arith.select %eq3A_233, %broadcast_in_dim3A_236, %broadcast_in_dim3A_237 : vector<16xi1>, vector<16xi32>
      %swap3A_239 = arith.constant 16 : index
      %swap3A_240 = tpu.vector_load %arg18[%swap3A_239] {strides = array<i32>} : memref<256xi32, #tpu.memory_space<vmem>>, vector<16xi32>,
      tpu.vector_store %arg18[%swap3A_239], %select_n3A_238 {strides = array<i32>} : memref<256xi32, #tpu.memory_space<vmem>>, vector<16xi32>,
      %shift_right_arithmetic3A_241 = arith.constant 2 : i32
      %shift_right_arithmetic3A_242 = vector.broadcast %shift_right_arithmetic3A_241 : i32 to vector<16xi32>
      %shift_right_arithmetic3A_243 = arith.shrsi %gather3A_227, %shift_right_arithmetic3A_242 : vector<16xi32>
      %gather3A_244 = tpu.vector_load_idx %arg9[%get3A_226] : memref<20480xf32, #tpu.memory_space<vmem>>[vector<16xi32>], vector<16xf32>,
      %gather3A_245 = tpu.vector_load_idx %arg10[%get3A_226] : memref<20480xf32, #tpu.memory_space<vmem>>[vector<16xi32>], vector<16xf32>,
      %gather3A_246 = tpu.vector_load_idx %arg11[%get3A_226] : memref<20480xf32, #tpu.memory_space<vmem>>[vector<16xi32>], vector<16xf32>,
      %gather3A_247 = tpu.vector_load_idx %arg12[%get3A_226] : memref<20480xf32, #tpu.memory_space<vmem>>[vector<16xi32>], vector<16xf32>,
      %gather3A_248 = tpu.vector_load_idx %arg13[%shift_right_arithmetic3A_243] : memref<24xf32, #tpu.memory_space<vmem>>[vector<16xi32>], vector<16xf32>,
      %gather3A_249 = tpu.vector_load_idx %arg14[%shift_right_arithmetic3A_243] : memref<24xf32, #tpu.memory_space<vmem>>[vector<16xi32>], vector<16xf32>,
      %gather3A_250 = tpu.vector_load_idx %arg15[%shift_right_arithmetic3A_243] : memref<24xf32, #tpu.memory_space<vmem>>[vector<16xi32>], vector<16xf32>,
      %gather3A_251 = tpu.vector_load_idx %arg16[%shift_right_arithmetic3A_243] : memref<24xf32, #tpu.memory_space<vmem>>[vector<16xi32>], vector<16xf32>,
      %sub3A_252 = arith.subf %gather3A_246, %gather3A_244 : vector<16xf32>
      %add3A_253 = arith.constant 1.000000e+00 : f32
      %add3A_254 = vector.broadcast %add3A_253 : f32 to vector<16xf32>
      %add3A_255 = arith.addf %sub3A_252, %add3A_254 : vector<16xf32>
      %sub3A_256 = arith.subf %gather3A_247, %gather3A_245 : vector<16xf32>
      %add3A_257 = arith.constant 1.000000e+00 : f32
      %add3A_258 = vector.broadcast %add3A_257 : f32 to vector<16xf32>
      %add3A_259 = arith.addf %sub3A_256, %add3A_258 : vector<16xf32>
      %mul3A_260 = arith.constant 5.000000e-01 : f32
      %mul3A_261 = vector.broadcast %mul3A_260 : f32 to vector<16xf32>
      %mul3A_262 = arith.mulf %mul3A_261, %add3A_255 : vector<16xf32>
      %add3A_263 = arith.addf %gather3A_244, %mul3A_262 : vector<16xf32>
      %mul3A_264 = arith.constant 5.000000e-01 : f32
      %mul3A_265 = vector.broadcast %mul3A_264 : f32 to vector<16xf32>
      %mul3A_266 = arith.mulf %mul3A_265, %add3A_259 : vector<16xf32>
      %add3A_267 = arith.addf %gather3A_245, %mul3A_266 : vector<16xf32>
      %sub3A_268 = arith.subf %gather3A_250, %gather3A_248 : vector<16xf32>
      %add3A_269 = arith.constant 1.000000e+00 : f32
      %add3A_270 = vector.broadcast %add3A_269 : f32 to vector<16xf32>
      %add3A_271 = arith.addf %sub3A_268, %add3A_270 : vector<16xf32>
      %sub3A_272 = arith.subf %gather3A_251, %gather3A_249 : vector<16xf32>
      %add3A_273 = arith.constant 1.000000e+00 : f32
      %add3A_274 = vector.broadcast %add3A_273 : f32 to vector<16xf32>
      %add3A_275 = arith.addf %sub3A_272, %add3A_274 : vector<16xf32>
      %mul3A_276 = arith.constant 5.000000e-01 : f32
      %mul3A_277 = vector.broadcast %mul3A_276 : f32 to vector<16xf32>
      %mul3A_278 = arith.mulf %mul3A_277, %add3A_271 : vector<16xf32>
      %add3A_279 = arith.addf %gather3A_248, %mul3A_278 : vector<16xf32>
      %mul3A_280 = arith.constant 5.000000e-01 : f32
      %mul3A_281 = vector.broadcast %mul3A_280 : f32 to vector<16xf32>
      %mul3A_282 = arith.mulf %mul3A_281, %add3A_275 : vector<16xf32>
      %add3A_283 = arith.addf %gather3A_249, %mul3A_282 : vector<16xf32>
      %sub3A_284 = arith.subf %add3A_279, %add3A_263 : vector<16xf32>
      %div3A_285 = arith.divf %sub3A_284, %add3A_255 : vector<16xf32>
      %swap3A_286 = arith.constant 16 : index
      %swap3A_287 = tpu.vector_load %arg19[%swap3A_286] {strides = array<i32>} : memref<256xf32, #tpu.memory_space<vmem>>, vector<16xf32>,
      tpu.vector_store %arg19[%swap3A_286], %div3A_285 {strides = array<i32>} : memref<256xf32, #tpu.memory_space<vmem>>, vector<16xf32>,
      %sub3A_288 = arith.subf %add3A_283, %add3A_267 : vector<16xf32>
      %div3A_289 = arith.divf %sub3A_288, %add3A_259 : vector<16xf32>
      %swap3A_290 = arith.constant 16 : index
      %swap3A_291 = tpu.vector_load %arg20[%swap3A_290] {strides = array<i32>} : memref<256xf32, #tpu.memory_space<vmem>>, vector<16xf32>,
      tpu.vector_store %arg20[%swap3A_290], %div3A_289 {strides = array<i32>} : memref<256xf32, #tpu.memory_space<vmem>>, vector<16xf32>,
      %div3A_292 = arith.divf %add3A_271, %add3A_255 : vector<16xf32>
      %swap3A_293 = arith.constant 16 : index
      %swap3A_294 = tpu.vector_load %arg21[%swap3A_293] {strides = array<i32>} : memref<256xf32, #tpu.memory_space<vmem>>, vector<16xf32>,
      tpu.vector_store %arg21[%swap3A_293], %div3A_292 {strides = array<i32>} : memref<256xf32, #tpu.memory_space<vmem>>, vector<16xf32>,
      %div3A_295 = arith.divf %add3A_275, %add3A_259 : vector<16xf32>
      %swap3A_296 = arith.constant 16 : index
      %swap3A_297 = tpu.vector_load %arg22[%swap3A_296] {strides = array<i32>} : memref<256xf32, #tpu.memory_space<vmem>>, vector<16xf32>,
      tpu.vector_store %arg22[%swap3A_296], %div3A_295 {strides = array<i32>} : memref<256xf32, #tpu.memory_space<vmem>>, vector<16xf32>,
      %get3A_298 = arith.constant 32 : index
      %get3A_299 = tpu.vector_load %arg17[%get3A_298] {strides = array<i32>} : memref<256xi32, #tpu.memory_space<vmem>>, vector<16xi32>,
      %gather3A_300 = tpu.vector_load_idx %arg8[%get3A_299] : memref<20480xi32, #tpu.memory_space<vmem>>[vector<16xi32>], vector<16xi32>,
      %and3A_301 = arith.constant 3 : i32
      %and3A_302 = vector.broadcast %and3A_301 : i32 to vector<16xi32>
      %and3A_303 = arith.andi %gather3A_300, %and3A_302 : vector<16xi32>
      %eq3A_304 = arith.constant 2 : i32
      %eq3A_305 = vector.broadcast %eq3A_304 : i32 to vector<16xi32>
      %eq3A_306 = arith.cmpi eq, %and3A_303, %eq3A_305 : vector<16xi32>
      %jit3A_307 = arith.constant 1 : i32
      %jit3A_308 = arith.constant 0 : i32
      %broadcast_in_dim3A_309 = vector.broadcast %jit3A_307 : i32 to vector<16xi32>
      %broadcast_in_dim3A_310 = vector.broadcast %jit3A_308 : i32 to vector<16xi32>
      %select_n3A_311 = arith.select %eq3A_306, %broadcast_in_dim3A_309, %broadcast_in_dim3A_310 : vector<16xi1>, vector<16xi32>
      %swap3A_312 = arith.constant 32 : index
      %swap3A_313 = tpu.vector_load %arg18[%swap3A_312] {strides = array<i32>} : memref<256xi32, #tpu.memory_space<vmem>>, vector<16xi32>,
      tpu.vector_store %arg18[%swap3A_312], %select_n3A_311 {strides = array<i32>} : memref<256xi32, #tpu.memory_space<vmem>>, vector<16xi32>,
      %shift_right_arithmetic3A_314 = arith.constant 2 : i32
      %shift_right_arithmetic3A_315 = vector.broadcast %shift_right_arithmetic3A_314 : i32 to vector<16xi32>
      %shift_right_arithmetic3A_316 = arith.shrsi %gather3A_300, %shift_right_arithmetic3A_315 : vector<16xi32>
      %gather3A_317 = tpu.vector_load_idx %arg9[%get3A_299] : memref<20480xf32, #tpu.memory_space<vmem>>[vector<16xi32>], vector<16xf32>,
      %gather3A_318 = tpu.vector_load_idx %arg10[%get3A_299] : memref<20480xf32, #tpu.memory_space<vmem>>[vector<16xi32>], vector<16xf32>,
      %gather3A_319 = tpu.vector_load_idx %arg11[%get3A_299] : memref<20480xf32, #tpu.memory_space<vmem>>[vector<16xi32>], vector<16xf32>,
      %gather3A_320 = tpu.vector_load_idx %arg12[%get3A_299] : memref<20480xf32, #tpu.memory_space<vmem>>[vector<16xi32>], vector<16xf32>,
      %gather3A_321 = tpu.vector_load_idx %arg13[%shift_right_arithmetic3A_316] : memref<24xf32, #tpu.memory_space<vmem>>[vector<16xi32>], vector<16xf32>,
      %gather3A_322 = tpu.vector_load_idx %arg14[%shift_right_arithmetic3A_316] : memref<24xf32, #tpu.memory_space<vmem>>[vector<16xi32>], vector<16xf32>,
      %gather3A_323 = tpu.vector_load_idx %arg15[%shift_right_arithmetic3A_316] : memref<24xf32, #tpu.memory_space<vmem>>[vector<16xi32>], vector<16xf32>,
      %gather3A_324 = tpu.vector_load_idx %arg16[%shift_right_arithmetic3A_316] : memref<24xf32, #tpu.memory_space<vmem>>[vector<16xi32>], vector<16xf32>,
      %sub3A_325 = arith.subf %gather3A_319, %gather3A_317 : vector<16xf32>
      %add3A_326 = arith.constant 1.000000e+00 : f32
      %add3A_327 = vector.broadcast %add3A_326 : f32 to vector<16xf32>
      %add3A_328 = arith.addf %sub3A_325, %add3A_327 : vector<16xf32>
      %sub3A_329 = arith.subf %gather3A_320, %gather3A_318 : vector<16xf32>
      %add3A_330 = arith.constant 1.000000e+00 : f32
      %add3A_331 = vector.broadcast %add3A_330 : f32 to vector<16xf32>
      %add3A_332 = arith.addf %sub3A_329, %add3A_331 : vector<16xf32>
      %mul3A_333 = arith.constant 5.000000e-01 : f32
      %mul3A_334 = vector.broadcast %mul3A_333 : f32 to vector<16xf32>
      %mul3A_335 = arith.mulf %mul3A_334, %add3A_328 : vector<16xf32>
      %add3A_336 = arith.addf %gather3A_317, %mul3A_335 : vector<16xf32>
      %mul3A_337 = arith.constant 5.000000e-01 : f32
      %mul3A_338 = vector.broadcast %mul3A_337 : f32 to vector<16xf32>
      %mul3A_339 = arith.mulf %mul3A_338, %add3A_332 : vector<16xf32>
      %add3A_340 = arith.addf %gather3A_318, %mul3A_339 : vector<16xf32>
      %sub3A_341 = arith.subf %gather3A_323, %gather3A_321 : vector<16xf32>
      %add3A_342 = arith.constant 1.000000e+00 : f32
      %add3A_343 = vector.broadcast %add3A_342 : f32 to vector<16xf32>
      %add3A_344 = arith.addf %sub3A_341, %add3A_343 : vector<16xf32>
      %sub3A_345 = arith.subf %gather3A_324, %gather3A_322 : vector<16xf32>
      %add3A_346 = arith.constant 1.000000e+00 : f32
      %add3A_347 = vector.broadcast %add3A_346 : f32 to vector<16xf32>
      %add3A_348 = arith.addf %sub3A_345, %add3A_347 : vector<16xf32>
      %mul3A_349 = arith.constant 5.000000e-01 : f32
      %mul3A_350 = vector.broadcast %mul3A_349 : f32 to vector<16xf32>
      %mul3A_351 = arith.mulf %mul3A_350, %add3A_344 : vector<16xf32>
      %add3A_352 = arith.addf %gather3A_321, %mul3A_351 : vector<16xf32>
      %mul3A_353 = arith.constant 5.000000e-01 : f32
      %mul3A_354 = vector.broadcast %mul3A_353 : f32 to vector<16xf32>
      %mul3A_355 = arith.mulf %mul3A_354, %add3A_348 : vector<16xf32>
      %add3A_356 = arith.addf %gather3A_322, %mul3A_355 : vector<16xf32>
      %sub3A_357 = arith.subf %add3A_352, %add3A_336 : vector<16xf32>
      %div3A_358 = arith.divf %sub3A_357, %add3A_328 : vector<16xf32>
      %swap3A_359 = arith.constant 32 : index
      %swap3A_360 = tpu.vector_load %arg19[%swap3A_359] {strides = array<i32>} : memref<256xf32, #tpu.memory_space<vmem>>, vector<16xf32>,
      tpu.vector_store %arg19[%swap3A_359], %div3A_358 {strides = array<i32>} : memref<256xf32, #tpu.memory_space<vmem>>, vector<16xf32>,
      %sub3A_361 = arith.subf %add3A_356, %add3A_340 : vector<16xf32>
      %div3A_362 = arith.divf %sub3A_361, %add3A_332 : vector<16xf32>
      %swap3A_363 = arith.constant 32 : index
      %swap3A_364 = tpu.vector_load %arg20[%swap3A_363] {strides = array<i32>} : memref<256xf32, #tpu.memory_space<vmem>>, vector<16xf32>,
      tpu.vector_store %arg20[%swap3A_363], %div3A_362 {strides = array<i32>} : memref<256xf32, #tpu.memory_space<vmem>>, vector<16xf32>,
      %div3A_365 = arith.divf %add3A_344, %add3A_328 : vector<16xf32>
      %swap3A_366 = arith.constant 32 : index
      %swap3A_367 = tpu.vector_load %arg21[%swap3A_366] {strides = array<i32>} : memref<256xf32, #tpu.memory_space<vmem>>, vector<16xf32>,
      tpu.vector_store %arg21[%swap3A_366], %div3A_365 {strides = array<i32>} : memref<256xf32, #tpu.memory_space<vmem>>, vector<16xf32>,
      %div3A_368 = arith.divf %add3A_348, %add3A_332 : vector<16xf32>
      %swap3A_369 = arith.constant 32 : index
      %swap3A_370 = tpu.vector_load %arg22[%swap3A_369] {strides = array<i32>} : memref<256xf32, #tpu.memory_space<vmem>>, vector<16xf32>,
      tpu.vector_store %arg22[%swap3A_369], %div3A_368 {strides = array<i32>} : memref<256xf32, #tpu.memory_space<vmem>>, vector<16xf32>,
      %get3A_371 = arith.constant 48 : index
      %get3A_372 = tpu.vector_load %arg17[%get3A_371] {strides = array<i32>} : memref<256xi32, #tpu.memory_space<vmem>>, vector<16xi32>,
      %gather3A_373 = tpu.vector_load_idx %arg8[%get3A_372] : memref<20480xi32, #tpu.memory_space<vmem>>[vector<16xi32>], vector<16xi32>,
      %and3A_374 = arith.constant 3 : i32
      %and3A_375 = vector.broadcast %and3A_374 : i32 to vector<16xi32>
      %and3A_376 = arith.andi %gather3A_373, %and3A_375 : vector<16xi32>
      %eq3A_377 = arith.constant 2 : i32
      %eq3A_378 = vector.broadcast %eq3A_377 : i32 to vector<16xi32>
      %eq3A_379 = arith.cmpi eq, %and3A_376, %eq3A_378 : vector<16xi32>
      %jit3A_380 = arith.constant 1 : i32
      %jit3A_381 = arith.constant 0 : i32
      %broadcast_in_dim3A_382 = vector.broadcast %jit3A_380 : i32 to vector<16xi32>
      %broadcast_in_dim3A_383 = vector.broadcast %jit3A_381 : i32 to vector<16xi32>
      %select_n3A_384 = arith.select %eq3A_379, %broadcast_in_dim3A_382, %broadcast_in_dim3A_383 : vector<16xi1>, vector<16xi32>
      %swap3A_385 = arith.constant 48 : index
      %swap3A_386 = tpu.vector_load %arg18[%swap3A_385] {strides = array<i32>} : memref<256xi32, #tpu.memory_space<vmem>>, vector<16xi32>,
      tpu.vector_store %arg18[%swap3A_385], %select_n3A_384 {strides = array<i32>} : memref<256xi32, #tpu.memory_space<vmem>>, vector<16xi32>,
      %shift_right_arithmetic3A_387 = arith.constant 2 : i32
      %shift_right_arithmetic3A_388 = vector.broadcast %shift_right_arithmetic3A_387 : i32 to vector<16xi32>
      %shift_right_arithmetic3A_389 = arith.shrsi %gather3A_373, %shift_right_arithmetic3A_388 : vector<16xi32>
      %gather3A_390 = tpu.vector_load_idx %arg9[%get3A_372] : memref<20480xf32, #tpu.memory_space<vmem>>[vector<16xi32>], vector<16xf32>,
      %gather3A_391 = tpu.vector_load_idx %arg10[%get3A_372] : memref<20480xf32, #tpu.memory_space<vmem>>[vector<16xi32>], vector<16xf32>,
      %gather3A_392 = tpu.vector_load_idx %arg11[%get3A_372] : memref<20480xf32, #tpu.memory_space<vmem>>[vector<16xi32>], vector<16xf32>,
      %gather3A_393 = tpu.vector_load_idx %arg12[%get3A_372] : memref<20480xf32, #tpu.memory_space<vmem>>[vector<16xi32>], vector<16xf32>,
      %gather3A_394 = tpu.vector_load_idx %arg13[%shift_right_arithmetic3A_389] : memref<24xf32, #tpu.memory_space<vmem>>[vector<16xi32>], vector<16xf32>,
      %gather3A_395 = tpu.vector_load_idx %arg14[%shift_right_arithmetic3A_389] : memref<24xf32, #tpu.memory_space<vmem>>[vector<16xi32>], vector<16xf32>,
      %gather3A_396 = tpu.vector_load_idx %arg15[%shift_right_arithmetic3A_389] : memref<24xf32, #tpu.memory_space<vmem>>[vector<16xi32>], vector<16xf32>,
      %gather3A_397 = tpu.vector_load_idx %arg16[%shift_right_arithmetic3A_389] : memref<24xf32, #tpu.memory_space<vmem>>[vector<16xi32>], vector<16xf32>,
      %sub3A_398 = arith.subf %gather3A_392, %gather3A_390 : vector<16xf32>
      %add3A_399 = arith.constant 1.000000e+00 : f32
      %add3A_400 = vector.broadcast %add3A_399 : f32 to vector<16xf32>
      %add3A_401 = arith.addf %sub3A_398, %add3A_400 : vector<16xf32>
      %sub3A_402 = arith.subf %gather3A_393, %gather3A_391 : vector<16xf32>
      %add3A_403 = arith.constant 1.000000e+00 : f32
      %add3A_404 = vector.broadcast %add3A_403 : f32 to vector<16xf32>
      %add3A_405 = arith.addf %sub3A_402, %add3A_404 : vector<16xf32>
      %mul3A_406 = arith.constant 5.000000e-01 : f32
      %mul3A_407 = vector.broadcast %mul3A_406 : f32 to vector<16xf32>
      %mul3A_408 = arith.mulf %mul3A_407, %add3A_401 : vector<16xf32>
      %add3A_409 = arith.addf %gather3A_390, %mul3A_408 : vector<16xf32>
      %mul3A_410 = arith.constant 5.000000e-01 : f32
      %mul3A_411 = vector.broadcast %mul3A_410 : f32 to vector<16xf32>
      %mul3A_412 = arith.mulf %mul3A_411, %add3A_405 : vector<16xf32>
      %add3A_413 = arith.addf %gather3A_391, %mul3A_412 : vector<16xf32>
      %sub3A_414 = arith.subf %gather3A_396, %gather3A_394 : vector<16xf32>
      %add3A_415 = arith.constant 1.000000e+00 : f32
      %add3A_416 = vector.broadcast %add3A_415 : f32 to vector<16xf32>
      %add3A_417 = arith.addf %sub3A_414, %add3A_416 : vector<16xf32>
      %sub3A_418 = arith.subf %gather3A_397, %gather3A_395 : vector<16xf32>
      %add3A_419 = arith.constant 1.000000e+00 : f32
      %add3A_420 = vector.broadcast %add3A_419 : f32 to vector<16xf32>
      %add3A_421 = arith.addf %sub3A_418, %add3A_420 : vector<16xf32>
      %mul3A_422 = arith.constant 5.000000e-01 : f32
      %mul3A_423 = vector.broadcast %mul3A_422 : f32 to vector<16xf32>
      %mul3A_424 = arith.mulf %mul3A_423, %add3A_417 : vector<16xf32>
      %add3A_425 = arith.addf %gather3A_394, %mul3A_424 : vector<16xf32>
      %mul3A_426 = arith.constant 5.000000e-01 : f32
      %mul3A_427 = vector.broadcast %mul3A_426 : f32 to vector<16xf32>
      %mul3A_428 = arith.mulf %mul3A_427, %add3A_421 : vector<16xf32>
      %add3A_429 = arith.addf %gather3A_395, %mul3A_428 : vector<16xf32>
      %sub3A_430 = arith.subf %add3A_425, %add3A_409 : vector<16xf32>
      %div3A_431 = arith.divf %sub3A_430, %add3A_401 : vector<16xf32>
      %swap3A_432 = arith.constant 48 : index
      %swap3A_433 = tpu.vector_load %arg19[%swap3A_432] {strides = array<i32>} : memref<256xf32, #tpu.memory_space<vmem>>, vector<16xf32>,
      tpu.vector_store %arg19[%swap3A_432], %div3A_431 {strides = array<i32>} : memref<256xf32, #tpu.memory_space<vmem>>, vector<16xf32>,
      %sub3A_434 = arith.subf %add3A_429, %add3A_413 : vector<16xf32>
      %div3A_435 = arith.divf %sub3A_434, %add3A_405 : vector<16xf32>
      %swap3A_436 = arith.constant 48 : index
      %swap3A_437 = tpu.vector_load %arg20[%swap3A_436] {strides = array<i32>} : memref<256xf32, #tpu.memory_space<vmem>>, vector<16xf32>,
      tpu.vector_store %arg20[%swap3A_436], %div3A_435 {strides = array<i32>} : memref<256xf32, #tpu.memory_space<vmem>>, vector<16xf32>,
      %div3A_438 = arith.divf %add3A_417, %add3A_401 : vector<16xf32>
      %swap3A_439 = arith.constant 48 : index
      %swap3A_440 = tpu.vector_load %arg21[%swap3A_439] {strides = array<i32>} : memref<256xf32, #tpu.memory_space<vmem>>, vector<16xf32>,
      tpu.vector_store %arg21[%swap3A_439], %div3A_438 {strides = array<i32>} : memref<256xf32, #tpu.memory_space<vmem>>, vector<16xf32>,
      %div3A_441 = arith.divf %add3A_421, %add3A_405 : vector<16xf32>
      %swap3A_442 = arith.constant 48 : index
      %swap3A_443 = tpu.vector_load %arg22[%swap3A_442] {strides = array<i32>} : memref<256xf32, #tpu.memory_space<vmem>>, vector<16xf32>,
      tpu.vector_store %arg22[%swap3A_442], %div3A_441 {strides = array<i32>} : memref<256xf32, #tpu.memory_space<vmem>>, vector<16xf32>,
      %get3A_444 = arith.constant 64 : index
      %get3A_445 = tpu.vector_load %arg17[%get3A_444] {strides = array<i32>} : memref<256xi32, #tpu.memory_space<vmem>>, vector<16xi32>,
      %gather3A_446 = tpu.vector_load_idx %arg8[%get3A_445] : memref<20480xi32, #tpu.memory_space<vmem>>[vector<16xi32>], vector<16xi32>,
      %and3A_447 = arith.constant 3 : i32
      %and3A_448 = vector.broadcast %and3A_447 : i32 to vector<16xi32>
      %and3A_449 = arith.andi %gather3A_446, %and3A_448 : vector<16xi32>
      %eq3A_450 = arith.constant 2 : i32
      %eq3A_451 = vector.broadcast %eq3A_450 : i32 to vector<16xi32>
      %eq3A_452 = arith.cmpi eq, %and3A_449, %eq3A_451 : vector<16xi32>
      %jit3A_453 = arith.constant 1 : i32
      %jit3A_454 = arith.constant 0 : i32
      %broadcast_in_dim3A_455 = vector.broadcast %jit3A_453 : i32 to vector<16xi32>
      %broadcast_in_dim3A_456 = vector.broadcast %jit3A_454 : i32 to vector<16xi32>
      %select_n3A_457 = arith.select %eq3A_452, %broadcast_in_dim3A_455, %broadcast_in_dim3A_456 : vector<16xi1>, vector<16xi32>
      %swap3A_458 = arith.constant 64 : index
      %swap3A_459 = tpu.vector_load %arg18[%swap3A_458] {strides = array<i32>} : memref<256xi32, #tpu.memory_space<vmem>>, vector<16xi32>,
      tpu.vector_store %arg18[%swap3A_458], %select_n3A_457 {strides = array<i32>} : memref<256xi32, #tpu.memory_space<vmem>>, vector<16xi32>,
      %shift_right_arithmetic3A_460 = arith.constant 2 : i32
      %shift_right_arithmetic3A_461 = vector.broadcast %shift_right_arithmetic3A_460 : i32 to vector<16xi32>
      %shift_right_arithmetic3A_462 = arith.shrsi %gather3A_446, %shift_right_arithmetic3A_461 : vector<16xi32>
      %gather3A_463 = tpu.vector_load_idx %arg9[%get3A_445] : memref<20480xf32, #tpu.memory_space<vmem>>[vector<16xi32>], vector<16xf32>,
      %gather3A_464 = tpu.vector_load_idx %arg10[%get3A_445] : memref<20480xf32, #tpu.memory_space<vmem>>[vector<16xi32>], vector<16xf32>,
      %gather3A_465 = tpu.vector_load_idx %arg11[%get3A_445] : memref<20480xf32, #tpu.memory_space<vmem>>[vector<16xi32>], vector<16xf32>,
      %gather3A_466 = tpu.vector_load_idx %arg12[%get3A_445] : memref<20480xf32, #tpu.memory_space<vmem>>[vector<16xi32>], vector<16xf32>,
      %gather3A_467 = tpu.vector_load_idx %arg13[%shift_right_arithmetic3A_462] : memref<24xf32, #tpu.memory_space<vmem>>[vector<16xi32>], vector<16xf32>,
      %gather3A_468 = tpu.vector_load_idx %arg14[%shift_right_arithmetic3A_462] : memref<24xf32, #tpu.memory_space<vmem>>[vector<16xi32>], vector<16xf32>,
      %gather3A_469 = tpu.vector_load_idx %arg15[%shift_right_arithmetic3A_462] : memref<24xf32, #tpu.memory_space<vmem>>[vector<16xi32>], vector<16xf32>,
      %gather3A_470 = tpu.vector_load_idx %arg16[%shift_right_arithmetic3A_462] : memref<24xf32, #tpu.memory_space<vmem>>[vector<16xi32>], vector<16xf32>,
      %sub3A_471 = arith.subf %gather3A_465, %gather3A_463 : vector<16xf32>
      %add3A_472 = arith.constant 1.000000e+00 : f32
      %add3A_473 = vector.broadcast %add3A_472 : f32 to vector<16xf32>
      %add3A_474 = arith.addf %sub3A_471, %add3A_473 : vector<16xf32>
      %sub3A_475 = arith.subf %gather3A_466, %gather3A_464 : vector<16xf32>
      %add3A_476 = arith.constant 1.000000e+00 : f32
      %add3A_477 = vector.broadcast %add3A_476 : f32 to vector<16xf32>
      %add3A_478 = arith.addf %sub3A_475, %add3A_477 : vector<16xf32>
      %mul3A_479 = arith.constant 5.000000e-01 : f32
      %mul3A_480 = vector.broadcast %mul3A_479 : f32 to vector<16xf32>
      %mul3A_481 = arith.mulf %mul3A_480, %add3A_474 : vector<16xf32>
      %add3A_482 = arith.addf %gather3A_463, %mul3A_481 : vector<16xf32>
      %mul3A_483 = arith.constant 5.000000e-01 : f32
      %mul3A_484 = vector.broadcast %mul3A_483 : f32 to vector<16xf32>
      %mul3A_485 = arith.mulf %mul3A_484, %add3A_478 : vector<16xf32>
      %add3A_486 = arith.addf %gather3A_464, %mul3A_485 : vector<16xf32>
      %sub3A_487 = arith.subf %gather3A_469, %gather3A_467 : vector<16xf32>
      %add3A_488 = arith.constant 1.000000e+00 : f32
      %add3A_489 = vector.broadcast %add3A_488 : f32 to vector<16xf32>
      %add3A_490 = arith.addf %sub3A_487, %add3A_489 : vector<16xf32>
      %sub3A_491 = arith.subf %gather3A_470, %gather3A_468 : vector<16xf32>
      %add3A_492 = arith.constant 1.000000e+00 : f32
      %add3A_493 = vector.broadcast %add3A_492 : f32 to vector<16xf32>
      %add3A_494 = arith.addf %sub3A_491, %add3A_493 : vector<16xf32>
      %mul3A_495 = arith.constant 5.000000e-01 : f32
      %mul3A_496 = vector.broadcast %mul3A_495 : f32 to vector<16xf32>
      %mul3A_497 = arith.mulf %mul3A_496, %add3A_490 : vector<16xf32>
      %add3A_498 = arith.addf %gather3A_467, %mul3A_497 : vector<16xf32>
      %mul3A_499 = arith.constant 5.000000e-01 : f32
      %mul3A_500 = vector.broadcast %mul3A_499 : f32 to vector<16xf32>
      %mul3A_501 = arith.mulf %mul3A_500, %add3A_494 : vector<16xf32>
      %add3A_502 = arith.addf %gather3A_468, %mul3A_501 : vector<16xf32>
      %sub3A_503 = arith.subf %add3A_498, %add3A_482 : vector<16xf32>
      %div3A_504 = arith.divf %sub3A_503, %add3A_474 : vector<16xf32>
      %swap3A_505 = arith.constant 64 : index
      %swap3A_506 = tpu.vector_load %arg19[%swap3A_505] {strides = array<i32>} : memref<256xf32, #tpu.memory_space<vmem>>, vector<16xf32>,
      tpu.vector_store %arg19[%swap3A_505], %div3A_504 {strides = array<i32>} : memref<256xf32, #tpu.memory_space<vmem>>, vector<16xf32>,
      %sub3A_507 = arith.subf %add3A_502, %add3A_486 : vector<16xf32>
      %div3A_508 = arith.divf %sub3A_507, %add3A_478 : vector<16xf32>
      %swap3A_509 = arith.constant 64 : index
      %swap3A_510 = tpu.vector_load %arg20[%swap3A_509] {strides = array<i32>} : memref<256xf32, #tpu.memory_space<vmem>>, vector<16xf32>,
      tpu.vector_store %arg20[%swap3A_509], %div3A_508 {strides = array<i32>} : memref<256xf32, #tpu.memory_space<vmem>>, vector<16xf32>,
      %div3A_511 = arith.divf %add3A_490, %add3A_474 : vector<16xf32>
      %swap3A_512 = arith.constant 64 : index
      %swap3A_513 = tpu.vector_load %arg21[%swap3A_512] {strides = array<i32>} : memref<256xf32, #tpu.memory_space<vmem>>, vector<16xf32>,
      tpu.vector_store %arg21[%swap3A_512], %div3A_511 {strides = array<i32>} : memref<256xf32, #tpu.memory_space<vmem>>, vector<16xf32>,
      %div3A_514 = arith.divf %add3A_494, %add3A_478 : vector<16xf32>
      %swap3A_515 = arith.constant 64 : index
      %swap3A_516 = tpu.vector_load %arg22[%swap3A_515] {strides = array<i32>} : memref<256xf32, #tpu.memory_space<vmem>>, vector<16xf32>,
      tpu.vector_store %arg22[%swap3A_515], %div3A_514 {strides = array<i32>} : memref<256xf32, #tpu.memory_space<vmem>>, vector<16xf32>,
      %get3A_517 = arith.constant 80 : index
      %get3A_518 = tpu.vector_load %arg17[%get3A_517] {strides = array<i32>} : memref<256xi32, #tpu.memory_space<vmem>>, vector<16xi32>,
      %gather3A_519 = tpu.vector_load_idx %arg8[%get3A_518] : memref<20480xi32, #tpu.memory_space<vmem>>[vector<16xi32>], vector<16xi32>,
      %and3A_520 = arith.constant 3 : i32
      %and3A_521 = vector.broadcast %and3A_520 : i32 to vector<16xi32>
      %and3A_522 = arith.andi %gather3A_519, %and3A_521 : vector<16xi32>
      %eq3A_523 = arith.constant 2 : i32
      %eq3A_524 = vector.broadcast %eq3A_523 : i32 to vector<16xi32>
      %eq3A_525 = arith.cmpi eq, %and3A_522, %eq3A_524 : vector<16xi32>
      %jit3A_526 = arith.constant 1 : i32
      %jit3A_527 = arith.constant 0 : i32
      %broadcast_in_dim3A_528 = vector.broadcast %jit3A_526 : i32 to vector<16xi32>
      %broadcast_in_dim3A_529 = vector.broadcast %jit3A_527 : i32 to vector<16xi32>
      %select_n3A_530 = arith.select %eq3A_525, %broadcast_in_dim3A_528, %broadcast_in_dim3A_529 : vector<16xi1>, vector<16xi32>
      %swap3A_531 = arith.constant 80 : index
      %swap3A_532 = tpu.vector_load %arg18[%swap3A_531] {strides = array<i32>} : memref<256xi32, #tpu.memory_space<vmem>>, vector<16xi32>,
      tpu.vector_store %arg18[%swap3A_531], %select_n3A_530 {strides = array<i32>} : memref<256xi32, #tpu.memory_space<vmem>>, vector<16xi32>,
      %shift_right_arithmetic3A_533 = arith.constant 2 : i32
      %shift_right_arithmetic3A_534 = vector.broadcast %shift_right_arithmetic3A_533 : i32 to vector<16xi32>
      %shift_right_arithmetic3A_535 = arith.shrsi %gather3A_519, %shift_right_arithmetic3A_534 : vector<16xi32>
      %gather3A_536 = tpu.vector_load_idx %arg9[%get3A_518] : memref<20480xf32, #tpu.memory_space<vmem>>[vector<16xi32>], vector<16xf32>,
      %gather3A_537 = tpu.vector_load_idx %arg10[%get3A_518] : memref<20480xf32, #tpu.memory_space<vmem>>[vector<16xi32>], vector<16xf32>,
      %gather3A_538 = tpu.vector_load_idx %arg11[%get3A_518] : memref<20480xf32, #tpu.memory_space<vmem>>[vector<16xi32>], vector<16xf32>,
      %gather3A_539 = tpu.vector_load_idx %arg12[%get3A_518] : memref<20480xf32, #tpu.memory_space<vmem>>[vector<16xi32>], vector<16xf32>,
      %gather3A_540 = tpu.vector_load_idx %arg13[%shift_right_arithmetic3A_535] : memref<24xf32, #tpu.memory_space<vmem>>[vector<16xi32>], vector<16xf32>,
      %gather3A_541 = tpu.vector_load_idx %arg14[%shift_right_arithmetic3A_535] : memref<24xf32, #tpu.memory_space<vmem>>[vector<16xi32>], vector<16xf32>,
      %gather3A_542 = tpu.vector_load_idx %arg15[%shift_right_arithmetic3A_535] : memref<24xf32, #tpu.memory_space<vmem>>[vector<16xi32>], vector<16xf32>,
      %gather3A_543 = tpu.vector_load_idx %arg16[%shift_right_arithmetic3A_535] : memref<24xf32, #tpu.memory_space<vmem>>[vector<16xi32>], vector<16xf32>,
      %sub3A_544 = arith.subf %gather3A_538, %gather3A_536 : vector<16xf32>
      %add3A_545 = arith.constant 1.000000e+00 : f32
      %add3A_546 = vector.broadcast %add3A_545 : f32 to vector<16xf32>
      %add3A_547 = arith.addf %sub3A_544, %add3A_546 : vector<16xf32>
      %sub3A_548 = arith.subf %gather3A_539, %gather3A_537 : vector<16xf32>
      %add3A_549 = arith.constant 1.000000e+00 : f32
      %add3A_550 = vector.broadcast %add3A_549 : f32 to vector<16xf32>
      %add3A_551 = arith.addf %sub3A_548, %add3A_550 : vector<16xf32>
      %mul3A_552 = arith.constant 5.000000e-01 : f32
      %mul3A_553 = vector.broadcast %mul3A_552 : f32 to vector<16xf32>
      %mul3A_554 = arith.mulf %mul3A_553, %add3A_547 : vector<16xf32>
      %add3A_555 = arith.addf %gather3A_536, %mul3A_554 : vector<16xf32>
      %mul3A_556 = arith.constant 5.000000e-01 : f32
      %mul3A_557 = vector.broadcast %mul3A_556 : f32 to vector<16xf32>
      %mul3A_558 = arith.mulf %mul3A_557, %add3A_551 : vector<16xf32>
      %add3A_559 = arith.addf %gather3A_537, %mul3A_558 : vector<16xf32>
      %sub3A_560 = arith.subf %gather3A_542, %gather3A_540 : vector<16xf32>
      %add3A_561 = arith.constant 1.000000e+00 : f32
      %add3A_562 = vector.broadcast %add3A_561 : f32 to vector<16xf32>
      %add3A_563 = arith.addf %sub3A_560, %add3A_562 : vector<16xf32>
      %sub3A_564 = arith.subf %gather3A_543, %gather3A_541 : vector<16xf32>
      %add3A_565 = arith.constant 1.000000e+00 : f32
      %add3A_566 = vector.broadcast %add3A_565 : f32 to vector<16xf32>
      %add3A_567 = arith.addf %sub3A_564, %add3A_566 : vector<16xf32>
      %mul3A_568 = arith.constant 5.000000e-01 : f32
      %mul3A_569 = vector.broadcast %mul3A_568 : f32 to vector<16xf32>
      %mul3A_570 = arith.mulf %mul3A_569, %add3A_563 : vector<16xf32>
      %add3A_571 = arith.addf %gather3A_540, %mul3A_570 : vector<16xf32>
      %mul3A_572 = arith.constant 5.000000e-01 : f32
      %mul3A_573 = vector.broadcast %mul3A_572 : f32 to vector<16xf32>
      %mul3A_574 = arith.mulf %mul3A_573, %add3A_567 : vector<16xf32>
      %add3A_575 = arith.addf %gather3A_541, %mul3A_574 : vector<16xf32>
      %sub3A_576 = arith.subf %add3A_571, %add3A_555 : vector<16xf32>
      %div3A_577 = arith.divf %sub3A_576, %add3A_547 : vector<16xf32>
      %swap3A_578 = arith.constant 80 : index
      %swap3A_579 = tpu.vector_load %arg19[%swap3A_578] {strides = array<i32>} : memref<256xf32, #tpu.memory_space<vmem>>, vector<16xf32>,
      tpu.vector_store %arg19[%swap3A_578], %div3A_577 {strides = array<i32>} : memref<256xf32, #tpu.memory_space<vmem>>, vector<16xf32>,
      %sub3A_580 = arith.subf %add3A_575, %add3A_559 : vector<16xf32>
      %div3A_581 = arith.divf %sub3A_580, %add3A_551 : vector<16xf32>
      %swap3A_582 = arith.constant 80 : index
      %swap3A_583 = tpu.vector_load %arg20[%swap3A_582] {strides = array<i32>} : memref<256xf32, #tpu.memory_space<vmem>>, vector<16xf32>,
      tpu.vector_store %arg20[%swap3A_582], %div3A_581 {strides = array<i32>} : memref<256xf32, #tpu.memory_space<vmem>>, vector<16xf32>,
      %div3A_584 = arith.divf %add3A_563, %add3A_547 : vector<16xf32>
      %swap3A_585 = arith.constant 80 : index
      %swap3A_586 = tpu.vector_load %arg21[%swap3A_585] {strides = array<i32>} : memref<256xf32, #tpu.memory_space<vmem>>, vector<16xf32>,
      tpu.vector_store %arg21[%swap3A_585], %div3A_584 {strides = array<i32>} : memref<256xf32, #tpu.memory_space<vmem>>, vector<16xf32>,
      %div3A_587 = arith.divf %add3A_567, %add3A_551 : vector<16xf32>
      %swap3A_588 = arith.constant 80 : index
      %swap3A_589 = tpu.vector_load %arg22[%swap3A_588] {strides = array<i32>} : memref<256xf32, #tpu.memory_space<vmem>>, vector<16xf32>,
      tpu.vector_store %arg22[%swap3A_588], %div3A_587 {strides = array<i32>} : memref<256xf32, #tpu.memory_space<vmem>>, vector<16xf32>,
      %get3A_590 = arith.constant 96 : index
      %get3A_591 = tpu.vector_load %arg17[%get3A_590] {strides = array<i32>} : memref<256xi32, #tpu.memory_space<vmem>>, vector<16xi32>,
      %gather3A_592 = tpu.vector_load_idx %arg8[%get3A_591] : memref<20480xi32, #tpu.memory_space<vmem>>[vector<16xi32>], vector<16xi32>,
      %and3A_593 = arith.constant 3 : i32
      %and3A_594 = vector.broadcast %and3A_593 : i32 to vector<16xi32>
      %and3A_595 = arith.andi %gather3A_592, %and3A_594 : vector<16xi32>
      %eq3A_596 = arith.constant 2 : i32
      %eq3A_597 = vector.broadcast %eq3A_596 : i32 to vector<16xi32>
      %eq3A_598 = arith.cmpi eq, %and3A_595, %eq3A_597 : vector<16xi32>
      %jit3A_599 = arith.constant 1 : i32
      %jit3A_600 = arith.constant 0 : i32
      %broadcast_in_dim3A_601 = vector.broadcast %jit3A_599 : i32 to vector<16xi32>
      %broadcast_in_dim3A_602 = vector.broadcast %jit3A_600 : i32 to vector<16xi32>
      %select_n3A_603 = arith.select %eq3A_598, %broadcast_in_dim3A_601, %broadcast_in_dim3A_602 : vector<16xi1>, vector<16xi32>
      %swap3A_604 = arith.constant 96 : index
      %swap3A_605 = tpu.vector_load %arg18[%swap3A_604] {strides = array<i32>} : memref<256xi32, #tpu.memory_space<vmem>>, vector<16xi32>,
      tpu.vector_store %arg18[%swap3A_604], %select_n3A_603 {strides = array<i32>} : memref<256xi32, #tpu.memory_space<vmem>>, vector<16xi32>,
      %shift_right_arithmetic3A_606 = arith.constant 2 : i32
      %shift_right_arithmetic3A_607 = vector.broadcast %shift_right_arithmetic3A_606 : i32 to vector<16xi32>
      %shift_right_arithmetic3A_608 = arith.shrsi %gather3A_592, %shift_right_arithmetic3A_607 : vector<16xi32>
      %gather3A_609 = tpu.vector_load_idx %arg9[%get3A_591] : memref<20480xf32, #tpu.memory_space<vmem>>[vector<16xi32>], vector<16xf32>,
      %gather3A_610 = tpu.vector_load_idx %arg10[%get3A_591] : memref<20480xf32, #tpu.memory_space<vmem>>[vector<16xi32>], vector<16xf32>,
      %gather3A_611 = tpu.vector_load_idx %arg11[%get3A_591] : memref<20480xf32, #tpu.memory_space<vmem>>[vector<16xi32>], vector<16xf32>,
      %gather3A_612 = tpu.vector_load_idx %arg12[%get3A_591] : memref<20480xf32, #tpu.memory_space<vmem>>[vector<16xi32>], vector<16xf32>,
      %gather3A_613 = tpu.vector_load_idx %arg13[%shift_right_arithmetic3A_608] : memref<24xf32, #tpu.memory_space<vmem>>[vector<16xi32>], vector<16xf32>,
      %gather3A_614 = tpu.vector_load_idx %arg14[%shift_right_arithmetic3A_608] : memref<24xf32, #tpu.memory_space<vmem>>[vector<16xi32>], vector<16xf32>,
      %gather3A_615 = tpu.vector_load_idx %arg15[%shift_right_arithmetic3A_608] : memref<24xf32, #tpu.memory_space<vmem>>[vector<16xi32>], vector<16xf32>,
      %gather3A_616 = tpu.vector_load_idx %arg16[%shift_right_arithmetic3A_608] : memref<24xf32, #tpu.memory_space<vmem>>[vector<16xi32>], vector<16xf32>,
      %sub3A_617 = arith.subf %gather3A_611, %gather3A_609 : vector<16xf32>
      %add3A_618 = arith.constant 1.000000e+00 : f32
      %add3A_619 = vector.broadcast %add3A_618 : f32 to vector<16xf32>
      %add3A_620 = arith.addf %sub3A_617, %add3A_619 : vector<16xf32>
      %sub3A_621 = arith.subf %gather3A_612, %gather3A_610 : vector<16xf32>
      %add3A_622 = arith.constant 1.000000e+00 : f32
      %add3A_623 = vector.broadcast %add3A_622 : f32 to vector<16xf32>
      %add3A_624 = arith.addf %sub3A_621, %add3A_623 : vector<16xf32>
      %mul3A_625 = arith.constant 5.000000e-01 : f32
      %mul3A_626 = vector.broadcast %mul3A_625 : f32 to vector<16xf32>
      %mul3A_627 = arith.mulf %mul3A_626, %add3A_620 : vector<16xf32>
      %add3A_628 = arith.addf %gather3A_609, %mul3A_627 : vector<16xf32>
      %mul3A_629 = arith.constant 5.000000e-01 : f32
      %mul3A_630 = vector.broadcast %mul3A_629 : f32 to vector<16xf32>
      %mul3A_631 = arith.mulf %mul3A_630, %add3A_624 : vector<16xf32>
      %add3A_632 = arith.addf %gather3A_610, %mul3A_631 : vector<16xf32>
      %sub3A_633 = arith.subf %gather3A_615, %gather3A_613 : vector<16xf32>
      %add3A_634 = arith.constant 1.000000e+00 : f32
      %add3A_635 = vector.broadcast %add3A_634 : f32 to vector<16xf32>
      %add3A_636 = arith.addf %sub3A_633, %add3A_635 : vector<16xf32>
      %sub3A_637 = arith.subf %gather3A_616, %gather3A_614 : vector<16xf32>
      %add3A_638 = arith.constant 1.000000e+00 : f32
      %add3A_639 = vector.broadcast %add3A_638 : f32 to vector<16xf32>
      %add3A_640 = arith.addf %sub3A_637, %add3A_639 : vector<16xf32>
      %mul3A_641 = arith.constant 5.000000e-01 : f32
      %mul3A_642 = vector.broadcast %mul3A_641 : f32 to vector<16xf32>
      %mul3A_643 = arith.mulf %mul3A_642, %add3A_636 : vector<16xf32>
      %add3A_644 = arith.addf %gather3A_613, %mul3A_643 : vector<16xf32>
      %mul3A_645 = arith.constant 5.000000e-01 : f32
      %mul3A_646 = vector.broadcast %mul3A_645 : f32 to vector<16xf32>
      %mul3A_647 = arith.mulf %mul3A_646, %add3A_640 : vector<16xf32>
      %add3A_648 = arith.addf %gather3A_614, %mul3A_647 : vector<16xf32>
      %sub3A_649 = arith.subf %add3A_644, %add3A_628 : vector<16xf32>
      %div3A_650 = arith.divf %sub3A_649, %add3A_620 : vector<16xf32>
      %swap3A_651 = arith.constant 96 : index
      %swap3A_652 = tpu.vector_load %arg19[%swap3A_651] {strides = array<i32>} : memref<256xf32, #tpu.memory_space<vmem>>, vector<16xf32>,
      tpu.vector_store %arg19[%swap3A_651], %div3A_650 {strides = array<i32>} : memref<256xf32, #tpu.memory_space<vmem>>, vector<16xf32>,
      %sub3A_653 = arith.subf %add3A_648, %add3A_632 : vector<16xf32>
      %div3A_654 = arith.divf %sub3A_653, %add3A_624 : vector<16xf32>
      %swap3A_655 = arith.constant 96 : index
      %swap3A_656 = tpu.vector_load %arg20[%swap3A_655] {strides = array<i32>} : memref<256xf32, #tpu.memory_space<vmem>>, vector<16xf32>,
      tpu.vector_store %arg20[%swap3A_655], %div3A_654 {strides = array<i32>} : memref<256xf32, #tpu.memory_space<vmem>>, vector<16xf32>,
      %div3A_657 = arith.divf %add3A_636, %add3A_620 : vector<16xf32>
      %swap3A_658 = arith.constant 96 : index
      %swap3A_659 = tpu.vector_load %arg21[%swap3A_658] {strides = array<i32>} : memref<256xf32, #tpu.memory_space<vmem>>, vector<16xf32>,
      tpu.vector_store %arg21[%swap3A_658], %div3A_657 {strides = array<i32>} : memref<256xf32, #tpu.memory_space<vmem>>, vector<16xf32>,
      %div3A_660 = arith.divf %add3A_640, %add3A_624 : vector<16xf32>
      %swap3A_661 = arith.constant 96 : index
      %swap3A_662 = tpu.vector_load %arg22[%swap3A_661] {strides = array<i32>} : memref<256xf32, #tpu.memory_space<vmem>>, vector<16xf32>,
      tpu.vector_store %arg22[%swap3A_661], %div3A_660 {strides = array<i32>} : memref<256xf32, #tpu.memory_space<vmem>>, vector<16xf32>,
      %get3A_663 = arith.constant 112 : index
      %get3A_664 = tpu.vector_load %arg17[%get3A_663] {strides = array<i32>} : memref<256xi32, #tpu.memory_space<vmem>>, vector<16xi32>,
      %gather3A_665 = tpu.vector_load_idx %arg8[%get3A_664] : memref<20480xi32, #tpu.memory_space<vmem>>[vector<16xi32>], vector<16xi32>,
      %and3A_666 = arith.constant 3 : i32
      %and3A_667 = vector.broadcast %and3A_666 : i32 to vector<16xi32>
      %and3A_668 = arith.andi %gather3A_665, %and3A_667 : vector<16xi32>
      %eq3A_669 = arith.constant 2 : i32
      %eq3A_670 = vector.broadcast %eq3A_669 : i32 to vector<16xi32>
      %eq3A_671 = arith.cmpi eq, %and3A_668, %eq3A_670 : vector<16xi32>
      %jit3A_672 = arith.constant 1 : i32
      %jit3A_673 = arith.constant 0 : i32
      %broadcast_in_dim3A_674 = vector.broadcast %jit3A_672 : i32 to vector<16xi32>
      %broadcast_in_dim3A_675 = vector.broadcast %jit3A_673 : i32 to vector<16xi32>
      %select_n3A_676 = arith.select %eq3A_671, %broadcast_in_dim3A_674, %broadcast_in_dim3A_675 : vector<16xi1>, vector<16xi32>
      %swap3A_677 = arith.constant 112 : index
      %swap3A_678 = tpu.vector_load %arg18[%swap3A_677] {strides = array<i32>} : memref<256xi32, #tpu.memory_space<vmem>>, vector<16xi32>,
      tpu.vector_store %arg18[%swap3A_677], %select_n3A_676 {strides = array<i32>} : memref<256xi32, #tpu.memory_space<vmem>>, vector<16xi32>,
      %shift_right_arithmetic3A_679 = arith.constant 2 : i32
      %shift_right_arithmetic3A_680 = vector.broadcast %shift_right_arithmetic3A_679 : i32 to vector<16xi32>
      %shift_right_arithmetic3A_681 = arith.shrsi %gather3A_665, %shift_right_arithmetic3A_680 : vector<16xi32>
      %gather3A_682 = tpu.vector_load_idx %arg9[%get3A_664] : memref<20480xf32, #tpu.memory_space<vmem>>[vector<16xi32>], vector<16xf32>,
      %gather3A_683 = tpu.vector_load_idx %arg10[%get3A_664] : memref<20480xf32, #tpu.memory_space<vmem>>[vector<16xi32>], vector<16xf32>,
      %gather3A_684 = tpu.vector_load_idx %arg11[%get3A_664] : memref<20480xf32, #tpu.memory_space<vmem>>[vector<16xi32>], vector<16xf32>,
      %gather3A_685 = tpu.vector_load_idx %arg12[%get3A_664] : memref<20480xf32, #tpu.memory_space<vmem>>[vector<16xi32>], vector<16xf32>,
      %gather3A_686 = tpu.vector_load_idx %arg13[%shift_right_arithmetic3A_681] : memref<24xf32, #tpu.memory_space<vmem>>[vector<16xi32>], vector<16xf32>,
      %gather3A_687 = tpu.vector_load_idx %arg14[%shift_right_arithmetic3A_681] : memref<24xf32, #tpu.memory_space<vmem>>[vector<16xi32>], vector<16xf32>,
      %gather3A_688 = tpu.vector_load_idx %arg15[%shift_right_arithmetic3A_681] : memref<24xf32, #tpu.memory_space<vmem>>[vector<16xi32>], vector<16xf32>,
      %gather3A_689 = tpu.vector_load_idx %arg16[%shift_right_arithmetic3A_681] : memref<24xf32, #tpu.memory_space<vmem>>[vector<16xi32>], vector<16xf32>,
      %sub3A_690 = arith.subf %gather3A_684, %gather3A_682 : vector<16xf32>
      %add3A_691 = arith.constant 1.000000e+00 : f32
      %add3A_692 = vector.broadcast %add3A_691 : f32 to vector<16xf32>
      %add3A_693 = arith.addf %sub3A_690, %add3A_692 : vector<16xf32>
      %sub3A_694 = arith.subf %gather3A_685, %gather3A_683 : vector<16xf32>
      %add3A_695 = arith.constant 1.000000e+00 : f32
      %add3A_696 = vector.broadcast %add3A_695 : f32 to vector<16xf32>
      %add3A_697 = arith.addf %sub3A_694, %add3A_696 : vector<16xf32>
      %mul3A_698 = arith.constant 5.000000e-01 : f32
      %mul3A_699 = vector.broadcast %mul3A_698 : f32 to vector<16xf32>
      %mul3A_700 = arith.mulf %mul3A_699, %add3A_693 : vector<16xf32>
      %add3A_701 = arith.addf %gather3A_682, %mul3A_700 : vector<16xf32>
      %mul3A_702 = arith.constant 5.000000e-01 : f32
      %mul3A_703 = vector.broadcast %mul3A_702 : f32 to vector<16xf32>
      %mul3A_704 = arith.mulf %mul3A_703, %add3A_697 : vector<16xf32>
      %add3A_705 = arith.addf %gather3A_683, %mul3A_704 : vector<16xf32>
      %sub3A_706 = arith.subf %gather3A_688, %gather3A_686 : vector<16xf32>
      %add3A_707 = arith.constant 1.000000e+00 : f32
      %add3A_708 = vector.broadcast %add3A_707 : f32 to vector<16xf32>
      %add3A_709 = arith.addf %sub3A_706, %add3A_708 : vector<16xf32>
      %sub3A_710 = arith.subf %gather3A_689, %gather3A_687 : vector<16xf32>
      %add3A_711 = arith.constant 1.000000e+00 : f32
      %add3A_712 = vector.broadcast %add3A_711 : f32 to vector<16xf32>
      %add3A_713 = arith.addf %sub3A_710, %add3A_712 : vector<16xf32>
      %mul3A_714 = arith.constant 5.000000e-01 : f32
      %mul3A_715 = vector.broadcast %mul3A_714 : f32 to vector<16xf32>
      %mul3A_716 = arith.mulf %mul3A_715, %add3A_709 : vector<16xf32>
      %add3A_717 = arith.addf %gather3A_686, %mul3A_716 : vector<16xf32>
      %mul3A_718 = arith.constant 5.000000e-01 : f32
      %mul3A_719 = vector.broadcast %mul3A_718 : f32 to vector<16xf32>
      %mul3A_720 = arith.mulf %mul3A_719, %add3A_713 : vector<16xf32>
      %add3A_721 = arith.addf %gather3A_687, %mul3A_720 : vector<16xf32>
      %sub3A_722 = arith.subf %add3A_717, %add3A_701 : vector<16xf32>
      %div3A_723 = arith.divf %sub3A_722, %add3A_693 : vector<16xf32>
      %swap3A_724 = arith.constant 112 : index
      %swap3A_725 = tpu.vector_load %arg19[%swap3A_724] {strides = array<i32>} : memref<256xf32, #tpu.memory_space<vmem>>, vector<16xf32>,
      tpu.vector_store %arg19[%swap3A_724], %div3A_723 {strides = array<i32>} : memref<256xf32, #tpu.memory_space<vmem>>, vector<16xf32>,
      %sub3A_726 = arith.subf %add3A_721, %add3A_705 : vector<16xf32>
      %div3A_727 = arith.divf %sub3A_726, %add3A_697 : vector<16xf32>
      %swap3A_728 = arith.constant 112 : index
      %swap3A_729 = tpu.vector_load %arg20[%swap3A_728] {strides = array<i32>} : memref<256xf32, #tpu.memory_space<vmem>>, vector<16xf32>,
      tpu.vector_store %arg20[%swap3A_728], %div3A_727 {strides = array<i32>} : memref<256xf32, #tpu.memory_space<vmem>>, vector<16xf32>,
      %div3A_730 = arith.divf %add3A_709, %add3A_693 : vector<16xf32>
      %swap3A_731 = arith.constant 112 : index
      %swap3A_732 = tpu.vector_load %arg21[%swap3A_731] {strides = array<i32>} : memref<256xf32, #tpu.memory_space<vmem>>, vector<16xf32>,
      tpu.vector_store %arg21[%swap3A_731], %div3A_730 {strides = array<i32>} : memref<256xf32, #tpu.memory_space<vmem>>, vector<16xf32>,
      %div3A_733 = arith.divf %add3A_713, %add3A_697 : vector<16xf32>
      %swap3A_734 = arith.constant 112 : index
      %swap3A_735 = tpu.vector_load %arg22[%swap3A_734] {strides = array<i32>} : memref<256xf32, #tpu.memory_space<vmem>>, vector<16xf32>,
      tpu.vector_store %arg22[%swap3A_734], %div3A_733 {strides = array<i32>} : memref<256xf32, #tpu.memory_space<vmem>>, vector<16xf32>,
      %get3A_736 = arith.constant 128 : index
      %get3A_737 = tpu.vector_load %arg17[%get3A_736] {strides = array<i32>} : memref<256xi32, #tpu.memory_space<vmem>>, vector<16xi32>,
      %gather3A_738 = tpu.vector_load_idx %arg8[%get3A_737] : memref<20480xi32, #tpu.memory_space<vmem>>[vector<16xi32>], vector<16xi32>,
      %and3A_739 = arith.constant 3 : i32
      %and3A_740 = vector.broadcast %and3A_739 : i32 to vector<16xi32>
      %and3A_741 = arith.andi %gather3A_738, %and3A_740 : vector<16xi32>
      %eq3A_742 = arith.constant 2 : i32
      %eq3A_743 = vector.broadcast %eq3A_742 : i32 to vector<16xi32>
      %eq3A_744 = arith.cmpi eq, %and3A_741, %eq3A_743 : vector<16xi32>
      %jit3A_745 = arith.constant 1 : i32
      %jit3A_746 = arith.constant 0 : i32
      %broadcast_in_dim3A_747 = vector.broadcast %jit3A_745 : i32 to vector<16xi32>
      %broadcast_in_dim3A_748 = vector.broadcast %jit3A_746 : i32 to vector<16xi32>
      %select_n3A_749 = arith.select %eq3A_744, %broadcast_in_dim3A_747, %broadcast_in_dim3A_748 : vector<16xi1>, vector<16xi32>
      %swap3A_750 = arith.constant 128 : index
      %swap3A_751 = tpu.vector_load %arg18[%swap3A_750] {strides = array<i32>} : memref<256xi32, #tpu.memory_space<vmem>>, vector<16xi32>,
      tpu.vector_store %arg18[%swap3A_750], %select_n3A_749 {strides = array<i32>} : memref<256xi32, #tpu.memory_space<vmem>>, vector<16xi32>,
      %shift_right_arithmetic3A_752 = arith.constant 2 : i32
      %shift_right_arithmetic3A_753 = vector.broadcast %shift_right_arithmetic3A_752 : i32 to vector<16xi32>
      %shift_right_arithmetic3A_754 = arith.shrsi %gather3A_738, %shift_right_arithmetic3A_753 : vector<16xi32>
      %gather3A_755 = tpu.vector_load_idx %arg9[%get3A_737] : memref<20480xf32, #tpu.memory_space<vmem>>[vector<16xi32>], vector<16xf32>,
      %gather3A_756 = tpu.vector_load_idx %arg10[%get3A_737] : memref<20480xf32, #tpu.memory_space<vmem>>[vector<16xi32>], vector<16xf32>,
      %gather3A_757 = tpu.vector_load_idx %arg11[%get3A_737] : memref<20480xf32, #tpu.memory_space<vmem>>[vector<16xi32>], vector<16xf32>,
      %gather3A_758 = tpu.vector_load_idx %arg12[%get3A_737] : memref<20480xf32, #tpu.memory_space<vmem>>[vector<16xi32>], vector<16xf32>,
      %gather3A_759 = tpu.vector_load_idx %arg13[%shift_right_arithmetic3A_754] : memref<24xf32, #tpu.memory_space<vmem>>[vector<16xi32>], vector<16xf32>,
      %gather3A_760 = tpu.vector_load_idx %arg14[%shift_right_arithmetic3A_754] : memref<24xf32, #tpu.memory_space<vmem>>[vector<16xi32>], vector<16xf32>,
      %gather3A_761 = tpu.vector_load_idx %arg15[%shift_right_arithmetic3A_754] : memref<24xf32, #tpu.memory_space<vmem>>[vector<16xi32>], vector<16xf32>,
      %gather3A_762 = tpu.vector_load_idx %arg16[%shift_right_arithmetic3A_754] : memref<24xf32, #tpu.memory_space<vmem>>[vector<16xi32>], vector<16xf32>,
      %sub3A_763 = arith.subf %gather3A_757, %gather3A_755 : vector<16xf32>
      %add3A_764 = arith.constant 1.000000e+00 : f32
      %add3A_765 = vector.broadcast %add3A_764 : f32 to vector<16xf32>
      %add3A_766 = arith.addf %sub3A_763, %add3A_765 : vector<16xf32>
      %sub3A_767 = arith.subf %gather3A_758, %gather3A_756 : vector<16xf32>
      %add3A_768 = arith.constant 1.000000e+00 : f32
      %add3A_769 = vector.broadcast %add3A_768 : f32 to vector<16xf32>
      %add3A_770 = arith.addf %sub3A_767, %add3A_769 : vector<16xf32>
      %mul3A_771 = arith.constant 5.000000e-01 : f32
      %mul3A_772 = vector.broadcast %mul3A_771 : f32 to vector<16xf32>
      %mul3A_773 = arith.mulf %mul3A_772, %add3A_766 : vector<16xf32>
      %add3A_774 = arith.addf %gather3A_755, %mul3A_773 : vector<16xf32>
      %mul3A_775 = arith.constant 5.000000e-01 : f32
      %mul3A_776 = vector.broadcast %mul3A_775 : f32 to vector<16xf32>
      %mul3A_777 = arith.mulf %mul3A_776, %add3A_770 : vector<16xf32>
      %add3A_778 = arith.addf %gather3A_756, %mul3A_777 : vector<16xf32>
      %sub3A_779 = arith.subf %gather3A_761, %gather3A_759 : vector<16xf32>
      %add3A_780 = arith.constant 1.000000e+00 : f32
      %add3A_781 = vector.broadcast %add3A_780 : f32 to vector<16xf32>
      %add3A_782 = arith.addf %sub3A_779, %add3A_781 : vector<16xf32>
      %sub3A_783 = arith.subf %gather3A_762, %gather3A_760 : vector<16xf32>
      %add3A_784 = arith.constant 1.000000e+00 : f32
      %add3A_785 = vector.broadcast %add3A_784 : f32 to vector<16xf32>
      %add3A_786 = arith.addf %sub3A_783, %add3A_785 : vector<16xf32>
      %mul3A_787 = arith.constant 5.000000e-01 : f32
      %mul3A_788 = vector.broadcast %mul3A_787 : f32 to vector<16xf32>
      %mul3A_789 = arith.mulf %mul3A_788, %add3A_782 : vector<16xf32>
      %add3A_790 = arith.addf %gather3A_759, %mul3A_789 : vector<16xf32>
      %mul3A_791 = arith.constant 5.000000e-01 : f32
      %mul3A_792 = vector.broadcast %mul3A_791 : f32 to vector<16xf32>
      %mul3A_793 = arith.mulf %mul3A_792, %add3A_786 : vector<16xf32>
      %add3A_794 = arith.addf %gather3A_760, %mul3A_793 : vector<16xf32>
      %sub3A_795 = arith.subf %add3A_790, %add3A_774 : vector<16xf32>
      %div3A_796 = arith.divf %sub3A_795, %add3A_766 : vector<16xf32>
      %swap3A_797 = arith.constant 128 : index
      %swap3A_798 = tpu.vector_load %arg19[%swap3A_797] {strides = array<i32>} : memref<256xf32, #tpu.memory_space<vmem>>, vector<16xf32>,
      tpu.vector_store %arg19[%swap3A_797], %div3A_796 {strides = array<i32>} : memref<256xf32, #tpu.memory_space<vmem>>, vector<16xf32>,
      %sub3A_799 = arith.subf %add3A_794, %add3A_778 : vector<16xf32>
      %div3A_800 = arith.divf %sub3A_799, %add3A_770 : vector<16xf32>
      %swap3A_801 = arith.constant 128 : index
      %swap3A_802 = tpu.vector_load %arg20[%swap3A_801] {strides = array<i32>} : memref<256xf32, #tpu.memory_space<vmem>>, vector<16xf32>,
      tpu.vector_store %arg20[%swap3A_801], %div3A_800 {strides = array<i32>} : memref<256xf32, #tpu.memory_space<vmem>>, vector<16xf32>,
      %div3A_803 = arith.divf %add3A_782, %add3A_766 : vector<16xf32>
      %swap3A_804 = arith.constant 128 : index
      %swap3A_805 = tpu.vector_load %arg21[%swap3A_804] {strides = array<i32>} : memref<256xf32, #tpu.memory_space<vmem>>, vector<16xf32>,
      tpu.vector_store %arg21[%swap3A_804], %div3A_803 {strides = array<i32>} : memref<256xf32, #tpu.memory_space<vmem>>, vector<16xf32>,
      %div3A_806 = arith.divf %add3A_786, %add3A_770 : vector<16xf32>
      %swap3A_807 = arith.constant 128 : index
      %swap3A_808 = tpu.vector_load %arg22[%swap3A_807] {strides = array<i32>} : memref<256xf32, #tpu.memory_space<vmem>>, vector<16xf32>,
      tpu.vector_store %arg22[%swap3A_807], %div3A_806 {strides = array<i32>} : memref<256xf32, #tpu.memory_space<vmem>>, vector<16xf32>,
      %get3A_809 = arith.constant 144 : index
      %get3A_810 = tpu.vector_load %arg17[%get3A_809] {strides = array<i32>} : memref<256xi32, #tpu.memory_space<vmem>>, vector<16xi32>,
      %gather3A_811 = tpu.vector_load_idx %arg8[%get3A_810] : memref<20480xi32, #tpu.memory_space<vmem>>[vector<16xi32>], vector<16xi32>,
      %and3A_812 = arith.constant 3 : i32
      %and3A_813 = vector.broadcast %and3A_812 : i32 to vector<16xi32>
      %and3A_814 = arith.andi %gather3A_811, %and3A_813 : vector<16xi32>
      %eq3A_815 = arith.constant 2 : i32
      %eq3A_816 = vector.broadcast %eq3A_815 : i32 to vector<16xi32>
      %eq3A_817 = arith.cmpi eq, %and3A_814, %eq3A_816 : vector<16xi32>
      %jit3A_818 = arith.constant 1 : i32
      %jit3A_819 = arith.constant 0 : i32
      %broadcast_in_dim3A_820 = vector.broadcast %jit3A_818 : i32 to vector<16xi32>
      %broadcast_in_dim3A_821 = vector.broadcast %jit3A_819 : i32 to vector<16xi32>
      %select_n3A_822 = arith.select %eq3A_817, %broadcast_in_dim3A_820, %broadcast_in_dim3A_821 : vector<16xi1>, vector<16xi32>
      %swap3A_823 = arith.constant 144 : index
      %swap3A_824 = tpu.vector_load %arg18[%swap3A_823] {strides = array<i32>} : memref<256xi32, #tpu.memory_space<vmem>>, vector<16xi32>,
      tpu.vector_store %arg18[%swap3A_823], %select_n3A_822 {strides = array<i32>} : memref<256xi32, #tpu.memory_space<vmem>>, vector<16xi32>,
      %shift_right_arithmetic3A_825 = arith.constant 2 : i32
      %shift_right_arithmetic3A_826 = vector.broadcast %shift_right_arithmetic3A_825 : i32 to vector<16xi32>
      %shift_right_arithmetic3A_827 = arith.shrsi %gather3A_811, %shift_right_arithmetic3A_826 : vector<16xi32>
      %gather3A_828 = tpu.vector_load_idx %arg9[%get3A_810] : memref<20480xf32, #tpu.memory_space<vmem>>[vector<16xi32>], vector<16xf32>,
      %gather3A_829 = tpu.vector_load_idx %arg10[%get3A_810] : memref<20480xf32, #tpu.memory_space<vmem>>[vector<16xi32>], vector<16xf32>,
      %gather3A_830 = tpu.vector_load_idx %arg11[%get3A_810] : memref<20480xf32, #tpu.memory_space<vmem>>[vector<16xi32>], vector<16xf32>,
      %gather3A_831 = tpu.vector_load_idx %arg12[%get3A_810] : memref<20480xf32, #tpu.memory_space<vmem>>[vector<16xi32>], vector<16xf32>,
      %gather3A_832 = tpu.vector_load_idx %arg13[%shift_right_arithmetic3A_827] : memref<24xf32, #tpu.memory_space<vmem>>[vector<16xi32>], vector<16xf32>,
      %gather3A_833 = tpu.vector_load_idx %arg14[%shift_right_arithmetic3A_827] : memref<24xf32, #tpu.memory_space<vmem>>[vector<16xi32>], vector<16xf32>,
      %gather3A_834 = tpu.vector_load_idx %arg15[%shift_right_arithmetic3A_827] : memref<24xf32, #tpu.memory_space<vmem>>[vector<16xi32>], vector<16xf32>,
      %gather3A_835 = tpu.vector_load_idx %arg16[%shift_right_arithmetic3A_827] : memref<24xf32, #tpu.memory_space<vmem>>[vector<16xi32>], vector<16xf32>,
      %sub3A_836 = arith.subf %gather3A_830, %gather3A_828 : vector<16xf32>
      %add3A_837 = arith.constant 1.000000e+00 : f32
      %add3A_838 = vector.broadcast %add3A_837 : f32 to vector<16xf32>
      %add3A_839 = arith.addf %sub3A_836, %add3A_838 : vector<16xf32>
      %sub3A_840 = arith.subf %gather3A_831, %gather3A_829 : vector<16xf32>
      %add3A_841 = arith.constant 1.000000e+00 : f32
      %add3A_842 = vector.broadcast %add3A_841 : f32 to vector<16xf32>
      %add3A_843 = arith.addf %sub3A_840, %add3A_842 : vector<16xf32>
      %mul3A_844 = arith.constant 5.000000e-01 : f32
      %mul3A_845 = vector.broadcast %mul3A_844 : f32 to vector<16xf32>
      %mul3A_846 = arith.mulf %mul3A_845, %add3A_839 : vector<16xf32>
      %add3A_847 = arith.addf %gather3A_828, %mul3A_846 : vector<16xf32>
      %mul3A_848 = arith.constant 5.000000e-01 : f32
      %mul3A_849 = vector.broadcast %mul3A_848 : f32 to vector<16xf32>
      %mul3A_850 = arith.mulf %mul3A_849, %add3A_843 : vector<16xf32>
      %add3A_851 = arith.addf %gather3A_829, %mul3A_850 : vector<16xf32>
      %sub3A_852 = arith.subf %gather3A_834, %gather3A_832 : vector<16xf32>
      %add3A_853 = arith.constant 1.000000e+00 : f32
      %add3A_854 = vector.broadcast %add3A_853 : f32 to vector<16xf32>
      %add3A_855 = arith.addf %sub3A_852, %add3A_854 : vector<16xf32>
      %sub3A_856 = arith.subf %gather3A_835, %gather3A_833 : vector<16xf32>
      %add3A_857 = arith.constant 1.000000e+00 : f32
      %add3A_858 = vector.broadcast %add3A_857 : f32 to vector<16xf32>
      %add3A_859 = arith.addf %sub3A_856, %add3A_858 : vector<16xf32>
      %mul3A_860 = arith.constant 5.000000e-01 : f32
      %mul3A_861 = vector.broadcast %mul3A_860 : f32 to vector<16xf32>
      %mul3A_862 = arith.mulf %mul3A_861, %add3A_855 : vector<16xf32>
      %add3A_863 = arith.addf %gather3A_832, %mul3A_862 : vector<16xf32>
      %mul3A_864 = arith.constant 5.000000e-01 : f32
      %mul3A_865 = vector.broadcast %mul3A_864 : f32 to vector<16xf32>
      %mul3A_866 = arith.mulf %mul3A_865, %add3A_859 : vector<16xf32>
      %add3A_867 = arith.addf %gather3A_833, %mul3A_866 : vector<16xf32>
      %sub3A_868 = arith.subf %add3A_863, %add3A_847 : vector<16xf32>
      %div3A_869 = arith.divf %sub3A_868, %add3A_839 : vector<16xf32>
      %swap3A_870 = arith.constant 144 : index
      %swap3A_871 = tpu.vector_load %arg19[%swap3A_870] {strides = array<i32>} : memref<256xf32, #tpu.memory_space<vmem>>, vector<16xf32>,
      tpu.vector_store %arg19[%swap3A_870], %div3A_869 {strides = array<i32>} : memref<256xf32, #tpu.memory_space<vmem>>, vector<16xf32>,
      %sub3A_872 = arith.subf %add3A_867, %add3A_851 : vector<16xf32>
      %div3A_873 = arith.divf %sub3A_872, %add3A_843 : vector<16xf32>
      %swap3A_874 = arith.constant 144 : index
      %swap3A_875 = tpu.vector_load %arg20[%swap3A_874] {strides = array<i32>} : memref<256xf32, #tpu.memory_space<vmem>>, vector<16xf32>,
      tpu.vector_store %arg20[%swap3A_874], %div3A_873 {strides = array<i32>} : memref<256xf32, #tpu.memory_space<vmem>>, vector<16xf32>,
      %div3A_876 = arith.divf %add3A_855, %add3A_839 : vector<16xf32>
      %swap3A_877 = arith.constant 144 : index
      %swap3A_878 = tpu.vector_load %arg21[%swap3A_877] {strides = array<i32>} : memref<256xf32, #tpu.memory_space<vmem>>, vector<16xf32>,
      tpu.vector_store %arg21[%swap3A_877], %div3A_876 {strides = array<i32>} : memref<256xf32, #tpu.memory_space<vmem>>, vector<16xf32>,
      %div3A_879 = arith.divf %add3A_859, %add3A_843 : vector<16xf32>
      %swap3A_880 = arith.constant 144 : index
      %swap3A_881 = tpu.vector_load %arg22[%swap3A_880] {strides = array<i32>} : memref<256xf32, #tpu.memory_space<vmem>>, vector<16xf32>,
      tpu.vector_store %arg22[%swap3A_880], %div3A_879 {strides = array<i32>} : memref<256xf32, #tpu.memory_space<vmem>>, vector<16xf32>,
      %get3A_882 = arith.constant 160 : index
      %get3A_883 = tpu.vector_load %arg17[%get3A_882] {strides = array<i32>} : memref<256xi32, #tpu.memory_space<vmem>>, vector<16xi32>,
      %gather3A_884 = tpu.vector_load_idx %arg8[%get3A_883] : memref<20480xi32, #tpu.memory_space<vmem>>[vector<16xi32>], vector<16xi32>,
      %and3A_885 = arith.constant 3 : i32
      %and3A_886 = vector.broadcast %and3A_885 : i32 to vector<16xi32>
      %and3A_887 = arith.andi %gather3A_884, %and3A_886 : vector<16xi32>
      %eq3A_888 = arith.constant 2 : i32
      %eq3A_889 = vector.broadcast %eq3A_888 : i32 to vector<16xi32>
      %eq3A_890 = arith.cmpi eq, %and3A_887, %eq3A_889 : vector<16xi32>
      %jit3A_891 = arith.constant 1 : i32
      %jit3A_892 = arith.constant 0 : i32
      %broadcast_in_dim3A_893 = vector.broadcast %jit3A_891 : i32 to vector<16xi32>
      %broadcast_in_dim3A_894 = vector.broadcast %jit3A_892 : i32 to vector<16xi32>
      %select_n3A_895 = arith.select %eq3A_890, %broadcast_in_dim3A_893, %broadcast_in_dim3A_894 : vector<16xi1>, vector<16xi32>
      %swap3A_896 = arith.constant 160 : index
      %swap3A_897 = tpu.vector_load %arg18[%swap3A_896] {strides = array<i32>} : memref<256xi32, #tpu.memory_space<vmem>>, vector<16xi32>,
      tpu.vector_store %arg18[%swap3A_896], %select_n3A_895 {strides = array<i32>} : memref<256xi32, #tpu.memory_space<vmem>>, vector<16xi32>,
      %shift_right_arithmetic3A_898 = arith.constant 2 : i32
      %shift_right_arithmetic3A_899 = vector.broadcast %shift_right_arithmetic3A_898 : i32 to vector<16xi32>
      %shift_right_arithmetic3A_900 = arith.shrsi %gather3A_884, %shift_right_arithmetic3A_899 : vector<16xi32>
      %gather3A_901 = tpu.vector_load_idx %arg9[%get3A_883] : memref<20480xf32, #tpu.memory_space<vmem>>[vector<16xi32>], vector<16xf32>,
      %gather3A_902 = tpu.vector_load_idx %arg10[%get3A_883] : memref<20480xf32, #tpu.memory_space<vmem>>[vector<16xi32>], vector<16xf32>,
      %gather3A_903 = tpu.vector_load_idx %arg11[%get3A_883] : memref<20480xf32, #tpu.memory_space<vmem>>[vector<16xi32>], vector<16xf32>,
      %gather3A_904 = tpu.vector_load_idx %arg12[%get3A_883] : memref<20480xf32, #tpu.memory_space<vmem>>[vector<16xi32>], vector<16xf32>,
      %gather3A_905 = tpu.vector_load_idx %arg13[%shift_right_arithmetic3A_900] : memref<24xf32, #tpu.memory_space<vmem>>[vector<16xi32>], vector<16xf32>,
      %gather3A_906 = tpu.vector_load_idx %arg14[%shift_right_arithmetic3A_900] : memref<24xf32, #tpu.memory_space<vmem>>[vector<16xi32>], vector<16xf32>,
      %gather3A_907 = tpu.vector_load_idx %arg15[%shift_right_arithmetic3A_900] : memref<24xf32, #tpu.memory_space<vmem>>[vector<16xi32>], vector<16xf32>,
      %gather3A_908 = tpu.vector_load_idx %arg16[%shift_right_arithmetic3A_900] : memref<24xf32, #tpu.memory_space<vmem>>[vector<16xi32>], vector<16xf32>,
      %sub3A_909 = arith.subf %gather3A_903, %gather3A_901 : vector<16xf32>
      %add3A_910 = arith.constant 1.000000e+00 : f32
      %add3A_911 = vector.broadcast %add3A_910 : f32 to vector<16xf32>
      %add3A_912 = arith.addf %sub3A_909, %add3A_911 : vector<16xf32>
      %sub3A_913 = arith.subf %gather3A_904, %gather3A_902 : vector<16xf32>
      %add3A_914 = arith.constant 1.000000e+00 : f32
      %add3A_915 = vector.broadcast %add3A_914 : f32 to vector<16xf32>
      %add3A_916 = arith.addf %sub3A_913, %add3A_915 : vector<16xf32>
      %mul3A_917 = arith.constant 5.000000e-01 : f32
      %mul3A_918 = vector.broadcast %mul3A_917 : f32 to vector<16xf32>
      %mul3A_919 = arith.mulf %mul3A_918, %add3A_912 : vector<16xf32>
      %add3A_920 = arith.addf %gather3A_901, %mul3A_919 : vector<16xf32>
      %mul3A_921 = arith.constant 5.000000e-01 : f32
      %mul3A_922 = vector.broadcast %mul3A_921 : f32 to vector<16xf32>
      %mul3A_923 = arith.mulf %mul3A_922, %add3A_916 : vector<16xf32>
      %add3A_924 = arith.addf %gather3A_902, %mul3A_923 : vector<16xf32>
      %sub3A_925 = arith.subf %gather3A_907, %gather3A_905 : vector<16xf32>
      %add3A_926 = arith.constant 1.000000e+00 : f32
      %add3A_927 = vector.broadcast %add3A_926 : f32 to vector<16xf32>
      %add3A_928 = arith.addf %sub3A_925, %add3A_927 : vector<16xf32>
      %sub3A_929 = arith.subf %gather3A_908, %gather3A_906 : vector<16xf32>
      %add3A_930 = arith.constant 1.000000e+00 : f32
      %add3A_931 = vector.broadcast %add3A_930 : f32 to vector<16xf32>
      %add3A_932 = arith.addf %sub3A_929, %add3A_931 : vector<16xf32>
      %mul3A_933 = arith.constant 5.000000e-01 : f32
      %mul3A_934 = vector.broadcast %mul3A_933 : f32 to vector<16xf32>
      %mul3A_935 = arith.mulf %mul3A_934, %add3A_928 : vector<16xf32>
      %add3A_936 = arith.addf %gather3A_905, %mul3A_935 : vector<16xf32>
      %mul3A_937 = arith.constant 5.000000e-01 : f32
      %mul3A_938 = vector.broadcast %mul3A_937 : f32 to vector<16xf32>
      %mul3A_939 = arith.mulf %mul3A_938, %add3A_932 : vector<16xf32>
      %add3A_940 = arith.addf %gather3A_906, %mul3A_939 : vector<16xf32>
      %sub3A_941 = arith.subf %add3A_936, %add3A_920 : vector<16xf32>
      %div3A_942 = arith.divf %sub3A_941, %add3A_912 : vector<16xf32>
      %swap3A_943 = arith.constant 160 : index
      %swap3A_944 = tpu.vector_load %arg19[%swap3A_943] {strides = array<i32>} : memref<256xf32, #tpu.memory_space<vmem>>, vector<16xf32>,
      tpu.vector_store %arg19[%swap3A_943], %div3A_942 {strides = array<i32>} : memref<256xf32, #tpu.memory_space<vmem>>, vector<16xf32>,
      %sub3A_945 = arith.subf %add3A_940, %add3A_924 : vector<16xf32>
      %div3A_946 = arith.divf %sub3A_945, %add3A_916 : vector<16xf32>
      %swap3A_947 = arith.constant 160 : index
      %swap3A_948 = tpu.vector_load %arg20[%swap3A_947] {strides = array<i32>} : memref<256xf32, #tpu.memory_space<vmem>>, vector<16xf32>,
      tpu.vector_store %arg20[%swap3A_947], %div3A_946 {strides = array<i32>} : memref<256xf32, #tpu.memory_space<vmem>>, vector<16xf32>,
      %div3A_949 = arith.divf %add3A_928, %add3A_912 : vector<16xf32>
      %swap3A_950 = arith.constant 160 : index
      %swap3A_951 = tpu.vector_load %arg21[%swap3A_950] {strides = array<i32>} : memref<256xf32, #tpu.memory_space<vmem>>, vector<16xf32>,
      tpu.vector_store %arg21[%swap3A_950], %div3A_949 {strides = array<i32>} : memref<256xf32, #tpu.memory_space<vmem>>, vector<16xf32>,
      %div3A_952 = arith.divf %add3A_932, %add3A_916 : vector<16xf32>
      %swap3A_953 = arith.constant 160 : index
      %swap3A_954 = tpu.vector_load %arg22[%swap3A_953] {strides = array<i32>} : memref<256xf32, #tpu.memory_space<vmem>>, vector<16xf32>,
      tpu.vector_store %arg22[%swap3A_953], %div3A_952 {strides = array<i32>} : memref<256xf32, #tpu.memory_space<vmem>>, vector<16xf32>,
      %get3A_955 = arith.constant 176 : index
      %get3A_956 = tpu.vector_load %arg17[%get3A_955] {strides = array<i32>} : memref<256xi32, #tpu.memory_space<vmem>>, vector<16xi32>,
      %gather3A_957 = tpu.vector_load_idx %arg8[%get3A_956] : memref<20480xi32, #tpu.memory_space<vmem>>[vector<16xi32>], vector<16xi32>,
      %and3A_958 = arith.constant 3 : i32
      %and3A_959 = vector.broadcast %and3A_958 : i32 to vector<16xi32>
      %and3A_960 = arith.andi %gather3A_957, %and3A_959 : vector<16xi32>
      %eq3A_961 = arith.constant 2 : i32
      %eq3A_962 = vector.broadcast %eq3A_961 : i32 to vector<16xi32>
      %eq3A_963 = arith.cmpi eq, %and3A_960, %eq3A_962 : vector<16xi32>
      %jit3A_964 = arith.constant 1 : i32
      %jit3A_965 = arith.constant 0 : i32
      %broadcast_in_dim3A_966 = vector.broadcast %jit3A_964 : i32 to vector<16xi32>
      %broadcast_in_dim3A_967 = vector.broadcast %jit3A_965 : i32 to vector<16xi32>
      %select_n3A_968 = arith.select %eq3A_963, %broadcast_in_dim3A_966, %broadcast_in_dim3A_967 : vector<16xi1>, vector<16xi32>
      %swap3A_969 = arith.constant 176 : index
      %swap3A_970 = tpu.vector_load %arg18[%swap3A_969] {strides = array<i32>} : memref<256xi32, #tpu.memory_space<vmem>>, vector<16xi32>,
      tpu.vector_store %arg18[%swap3A_969], %select_n3A_968 {strides = array<i32>} : memref<256xi32, #tpu.memory_space<vmem>>, vector<16xi32>,
      %shift_right_arithmetic3A_971 = arith.constant 2 : i32
      %shift_right_arithmetic3A_972 = vector.broadcast %shift_right_arithmetic3A_971 : i32 to vector<16xi32>
      %shift_right_arithmetic3A_973 = arith.shrsi %gather3A_957, %shift_right_arithmetic3A_972 : vector<16xi32>
      %gather3A_974 = tpu.vector_load_idx %arg9[%get3A_956] : memref<20480xf32, #tpu.memory_space<vmem>>[vector<16xi32>], vector<16xf32>,
      %gather3A_975 = tpu.vector_load_idx %arg10[%get3A_956] : memref<20480xf32, #tpu.memory_space<vmem>>[vector<16xi32>], vector<16xf32>,
      %gather3A_976 = tpu.vector_load_idx %arg11[%get3A_956] : memref<20480xf32, #tpu.memory_space<vmem>>[vector<16xi32>], vector<16xf32>,
      %gather3A_977 = tpu.vector_load_idx %arg12[%get3A_956] : memref<20480xf32, #tpu.memory_space<vmem>>[vector<16xi32>], vector<16xf32>,
      %gather3A_978 = tpu.vector_load_idx %arg13[%shift_right_arithmetic3A_973] : memref<24xf32, #tpu.memory_space<vmem>>[vector<16xi32>], vector<16xf32>,
      %gather3A_979 = tpu.vector_load_idx %arg14[%shift_right_arithmetic3A_973] : memref<24xf32, #tpu.memory_space<vmem>>[vector<16xi32>], vector<16xf32>,
      %gather3A_980 = tpu.vector_load_idx %arg15[%shift_right_arithmetic3A_973] : memref<24xf32, #tpu.memory_space<vmem>>[vector<16xi32>], vector<16xf32>,
      %gather3A_981 = tpu.vector_load_idx %arg16[%shift_right_arithmetic3A_973] : memref<24xf32, #tpu.memory_space<vmem>>[vector<16xi32>], vector<16xf32>,
      %sub3A_982 = arith.subf %gather3A_976, %gather3A_974 : vector<16xf32>
      %add3A_983 = arith.constant 1.000000e+00 : f32
      %add3A_984 = vector.broadcast %add3A_983 : f32 to vector<16xf32>
      %add3A_985 = arith.addf %sub3A_982, %add3A_984 : vector<16xf32>
      %sub3A_986 = arith.subf %gather3A_977, %gather3A_975 : vector<16xf32>
      %add3A_987 = arith.constant 1.000000e+00 : f32
      %add3A_988 = vector.broadcast %add3A_987 : f32 to vector<16xf32>
      %add3A_989 = arith.addf %sub3A_986, %add3A_988 : vector<16xf32>
      %mul3A_990 = arith.constant 5.000000e-01 : f32
      %mul3A_991 = vector.broadcast %mul3A_990 : f32 to vector<16xf32>
      %mul3A_992 = arith.mulf %mul3A_991, %add3A_985 : vector<16xf32>
      %add3A_993 = arith.addf %gather3A_974, %mul3A_992 : vector<16xf32>
      %mul3A_994 = arith.constant 5.000000e-01 : f32
      %mul3A_995 = vector.broadcast %mul3A_994 : f32 to vector<16xf32>
      %mul3A_996 = arith.mulf %mul3A_995, %add3A_989 : vector<16xf32>
      %add3A_997 = arith.addf %gather3A_975, %mul3A_996 : vector<16xf32>
      %sub3A_998 = arith.subf %gather3A_980, %gather3A_978 : vector<16xf32>
      %add3A_999 = arith.constant 1.000000e+00 : f32
      %add3A_1000 = vector.broadcast %add3A_999 : f32 to vector<16xf32>
      %add3A_1001 = arith.addf %sub3A_998, %add3A_1000 : vector<16xf32>
      %sub3A_1002 = arith.subf %gather3A_981, %gather3A_979 : vector<16xf32>
      %add3A_1003 = arith.constant 1.000000e+00 : f32
      %add3A_1004 = vector.broadcast %add3A_1003 : f32 to vector<16xf32>
      %add3A_1005 = arith.addf %sub3A_1002, %add3A_1004 : vector<16xf32>
      %mul3A_1006 = arith.constant 5.000000e-01 : f32
      %mul3A_1007 = vector.broadcast %mul3A_1006 : f32 to vector<16xf32>
      %mul3A_1008 = arith.mulf %mul3A_1007, %add3A_1001 : vector<16xf32>
      %add3A_1009 = arith.addf %gather3A_978, %mul3A_1008 : vector<16xf32>
      %mul3A_1010 = arith.constant 5.000000e-01 : f32
      %mul3A_1011 = vector.broadcast %mul3A_1010 : f32 to vector<16xf32>
      %mul3A_1012 = arith.mulf %mul3A_1011, %add3A_1005 : vector<16xf32>
      %add3A_1013 = arith.addf %gather3A_979, %mul3A_1012 : vector<16xf32>
      %sub3A_1014 = arith.subf %add3A_1009, %add3A_993 : vector<16xf32>
      %div3A_1015 = arith.divf %sub3A_1014, %add3A_985 : vector<16xf32>
      %swap3A_1016 = arith.constant 176 : index
      %swap3A_1017 = tpu.vector_load %arg19[%swap3A_1016] {strides = array<i32>} : memref<256xf32, #tpu.memory_space<vmem>>, vector<16xf32>,
      tpu.vector_store %arg19[%swap3A_1016], %div3A_1015 {strides = array<i32>} : memref<256xf32, #tpu.memory_space<vmem>>, vector<16xf32>,
      %sub3A_1018 = arith.subf %add3A_1013, %add3A_997 : vector<16xf32>
      %div3A_1019 = arith.divf %sub3A_1018, %add3A_989 : vector<16xf32>
      %swap3A_1020 = arith.constant 176 : index
      %swap3A_1021 = tpu.vector_load %arg20[%swap3A_1020] {strides = array<i32>} : memref<256xf32, #tpu.memory_space<vmem>>, vector<16xf32>,
      tpu.vector_store %arg20[%swap3A_1020], %div3A_1019 {strides = array<i32>} : memref<256xf32, #tpu.memory_space<vmem>>, vector<16xf32>,
      %div3A_1022 = arith.divf %add3A_1001, %add3A_985 : vector<16xf32>
      %swap3A_1023 = arith.constant 176 : index
      %swap3A_1024 = tpu.vector_load %arg21[%swap3A_1023] {strides = array<i32>} : memref<256xf32, #tpu.memory_space<vmem>>, vector<16xf32>,
      tpu.vector_store %arg21[%swap3A_1023], %div3A_1022 {strides = array<i32>} : memref<256xf32, #tpu.memory_space<vmem>>, vector<16xf32>,
      %div3A_1025 = arith.divf %add3A_1005, %add3A_989 : vector<16xf32>
      %swap3A_1026 = arith.constant 176 : index
      %swap3A_1027 = tpu.vector_load %arg22[%swap3A_1026] {strides = array<i32>} : memref<256xf32, #tpu.memory_space<vmem>>, vector<16xf32>,
      tpu.vector_store %arg22[%swap3A_1026], %div3A_1025 {strides = array<i32>} : memref<256xf32, #tpu.memory_space<vmem>>, vector<16xf32>,
      %get3A_1028 = arith.constant 192 : index
      %get3A_1029 = tpu.vector_load %arg17[%get3A_1028] {strides = array<i32>} : memref<256xi32, #tpu.memory_space<vmem>>, vector<16xi32>,
      %gather3A_1030 = tpu.vector_load_idx %arg8[%get3A_1029] : memref<20480xi32, #tpu.memory_space<vmem>>[vector<16xi32>], vector<16xi32>,
      %and3A_1031 = arith.constant 3 : i32
      %and3A_1032 = vector.broadcast %and3A_1031 : i32 to vector<16xi32>
      %and3A_1033 = arith.andi %gather3A_1030, %and3A_1032 : vector<16xi32>
      %eq3A_1034 = arith.constant 2 : i32
      %eq3A_1035 = vector.broadcast %eq3A_1034 : i32 to vector<16xi32>
      %eq3A_1036 = arith.cmpi eq, %and3A_1033, %eq3A_1035 : vector<16xi32>
      %jit3A_1037 = arith.constant 1 : i32
      %jit3A_1038 = arith.constant 0 : i32
      %broadcast_in_dim3A_1039 = vector.broadcast %jit3A_1037 : i32 to vector<16xi32>
      %broadcast_in_dim3A_1040 = vector.broadcast %jit3A_1038 : i32 to vector<16xi32>
      %select_n3A_1041 = arith.select %eq3A_1036, %broadcast_in_dim3A_1039, %broadcast_in_dim3A_1040 : vector<16xi1>, vector<16xi32>
      %swap3A_1042 = arith.constant 192 : index
      %swap3A_1043 = tpu.vector_load %arg18[%swap3A_1042] {strides = array<i32>} : memref<256xi32, #tpu.memory_space<vmem>>, vector<16xi32>,
      tpu.vector_store %arg18[%swap3A_1042], %select_n3A_1041 {strides = array<i32>} : memref<256xi32, #tpu.memory_space<vmem>>, vector<16xi32>,
      %shift_right_arithmetic3A_1044 = arith.constant 2 : i32
      %shift_right_arithmetic3A_1045 = vector.broadcast %shift_right_arithmetic3A_1044 : i32 to vector<16xi32>
      %shift_right_arithmetic3A_1046 = arith.shrsi %gather3A_1030, %shift_right_arithmetic3A_1045 : vector<16xi32>
      %gather3A_1047 = tpu.vector_load_idx %arg9[%get3A_1029] : memref<20480xf32, #tpu.memory_space<vmem>>[vector<16xi32>], vector<16xf32>,
      %gather3A_1048 = tpu.vector_load_idx %arg10[%get3A_1029] : memref<20480xf32, #tpu.memory_space<vmem>>[vector<16xi32>], vector<16xf32>,
      %gather3A_1049 = tpu.vector_load_idx %arg11[%get3A_1029] : memref<20480xf32, #tpu.memory_space<vmem>>[vector<16xi32>], vector<16xf32>,
      %gather3A_1050 = tpu.vector_load_idx %arg12[%get3A_1029] : memref<20480xf32, #tpu.memory_space<vmem>>[vector<16xi32>], vector<16xf32>,
      %gather3A_1051 = tpu.vector_load_idx %arg13[%shift_right_arithmetic3A_1046] : memref<24xf32, #tpu.memory_space<vmem>>[vector<16xi32>], vector<16xf32>,
      %gather3A_1052 = tpu.vector_load_idx %arg14[%shift_right_arithmetic3A_1046] : memref<24xf32, #tpu.memory_space<vmem>>[vector<16xi32>], vector<16xf32>,
      %gather3A_1053 = tpu.vector_load_idx %arg15[%shift_right_arithmetic3A_1046] : memref<24xf32, #tpu.memory_space<vmem>>[vector<16xi32>], vector<16xf32>,
      %gather3A_1054 = tpu.vector_load_idx %arg16[%shift_right_arithmetic3A_1046] : memref<24xf32, #tpu.memory_space<vmem>>[vector<16xi32>], vector<16xf32>,
      %sub3A_1055 = arith.subf %gather3A_1049, %gather3A_1047 : vector<16xf32>
      %add3A_1056 = arith.constant 1.000000e+00 : f32
      %add3A_1057 = vector.broadcast %add3A_1056 : f32 to vector<16xf32>
      %add3A_1058 = arith.addf %sub3A_1055, %add3A_1057 : vector<16xf32>
      %sub3A_1059 = arith.subf %gather3A_1050, %gather3A_1048 : vector<16xf32>
      %add3A_1060 = arith.constant 1.000000e+00 : f32
      %add3A_1061 = vector.broadcast %add3A_1060 : f32 to vector<16xf32>
      %add3A_1062 = arith.addf %sub3A_1059, %add3A_1061 : vector<16xf32>
      %mul3A_1063 = arith.constant 5.000000e-01 : f32
      %mul3A_1064 = vector.broadcast %mul3A_1063 : f32 to vector<16xf32>
      %mul3A_1065 = arith.mulf %mul3A_1064, %add3A_1058 : vector<16xf32>
      %add3A_1066 = arith.addf %gather3A_1047, %mul3A_1065 : vector<16xf32>
      %mul3A_1067 = arith.constant 5.000000e-01 : f32
      %mul3A_1068 = vector.broadcast %mul3A_1067 : f32 to vector<16xf32>
      %mul3A_1069 = arith.mulf %mul3A_1068, %add3A_1062 : vector<16xf32>
      %add3A_1070 = arith.addf %gather3A_1048, %mul3A_1069 : vector<16xf32>
      %sub3A_1071 = arith.subf %gather3A_1053, %gather3A_1051 : vector<16xf32>
      %add3A_1072 = arith.constant 1.000000e+00 : f32
      %add3A_1073 = vector.broadcast %add3A_1072 : f32 to vector<16xf32>
      %add3A_1074 = arith.addf %sub3A_1071, %add3A_1073 : vector<16xf32>
      %sub3A_1075 = arith.subf %gather3A_1054, %gather3A_1052 : vector<16xf32>
      %add3A_1076 = arith.constant 1.000000e+00 : f32
      %add3A_1077 = vector.broadcast %add3A_1076 : f32 to vector<16xf32>
      %add3A_1078 = arith.addf %sub3A_1075, %add3A_1077 : vector<16xf32>
      %mul3A_1079 = arith.constant 5.000000e-01 : f32
      %mul3A_1080 = vector.broadcast %mul3A_1079 : f32 to vector<16xf32>
      %mul3A_1081 = arith.mulf %mul3A_1080, %add3A_1074 : vector<16xf32>
      %add3A_1082 = arith.addf %gather3A_1051, %mul3A_1081 : vector<16xf32>
      %mul3A_1083 = arith.constant 5.000000e-01 : f32
      %mul3A_1084 = vector.broadcast %mul3A_1083 : f32 to vector<16xf32>
      %mul3A_1085 = arith.mulf %mul3A_1084, %add3A_1078 : vector<16xf32>
      %add3A_1086 = arith.addf %gather3A_1052, %mul3A_1085 : vector<16xf32>
      %sub3A_1087 = arith.subf %add3A_1082, %add3A_1066 : vector<16xf32>
      %div3A_1088 = arith.divf %sub3A_1087, %add3A_1058 : vector<16xf32>
      %swap3A_1089 = arith.constant 192 : index
      %swap3A_1090 = tpu.vector_load %arg19[%swap3A_1089] {strides = array<i32>} : memref<256xf32, #tpu.memory_space<vmem>>, vector<16xf32>,
      tpu.vector_store %arg19[%swap3A_1089], %div3A_1088 {strides = array<i32>} : memref<256xf32, #tpu.memory_space<vmem>>, vector<16xf32>,
      %sub3A_1091 = arith.subf %add3A_1086, %add3A_1070 : vector<16xf32>
      %div3A_1092 = arith.divf %sub3A_1091, %add3A_1062 : vector<16xf32>
      %swap3A_1093 = arith.constant 192 : index
      %swap3A_1094 = tpu.vector_load %arg20[%swap3A_1093] {strides = array<i32>} : memref<256xf32, #tpu.memory_space<vmem>>, vector<16xf32>,
      tpu.vector_store %arg20[%swap3A_1093], %div3A_1092 {strides = array<i32>} : memref<256xf32, #tpu.memory_space<vmem>>, vector<16xf32>,
      %div3A_1095 = arith.divf %add3A_1074, %add3A_1058 : vector<16xf32>
      %swap3A_1096 = arith.constant 192 : index
      %swap3A_1097 = tpu.vector_load %arg21[%swap3A_1096] {strides = array<i32>} : memref<256xf32, #tpu.memory_space<vmem>>, vector<16xf32>,
      tpu.vector_store %arg21[%swap3A_1096], %div3A_1095 {strides = array<i32>} : memref<256xf32, #tpu.memory_space<vmem>>, vector<16xf32>,
      %div3A_1098 = arith.divf %add3A_1078, %add3A_1062 : vector<16xf32>
      %swap3A_1099 = arith.constant 192 : index
      %swap3A_1100 = tpu.vector_load %arg22[%swap3A_1099] {strides = array<i32>} : memref<256xf32, #tpu.memory_space<vmem>>, vector<16xf32>,
      tpu.vector_store %arg22[%swap3A_1099], %div3A_1098 {strides = array<i32>} : memref<256xf32, #tpu.memory_space<vmem>>, vector<16xf32>,
      %get3A_1101 = arith.constant 208 : index
      %get3A_1102 = tpu.vector_load %arg17[%get3A_1101] {strides = array<i32>} : memref<256xi32, #tpu.memory_space<vmem>>, vector<16xi32>,
      %gather3A_1103 = tpu.vector_load_idx %arg8[%get3A_1102] : memref<20480xi32, #tpu.memory_space<vmem>>[vector<16xi32>], vector<16xi32>,
      %and3A_1104 = arith.constant 3 : i32
      %and3A_1105 = vector.broadcast %and3A_1104 : i32 to vector<16xi32>
      %and3A_1106 = arith.andi %gather3A_1103, %and3A_1105 : vector<16xi32>
      %eq3A_1107 = arith.constant 2 : i32
      %eq3A_1108 = vector.broadcast %eq3A_1107 : i32 to vector<16xi32>
      %eq3A_1109 = arith.cmpi eq, %and3A_1106, %eq3A_1108 : vector<16xi32>
      %jit3A_1110 = arith.constant 1 : i32
      %jit3A_1111 = arith.constant 0 : i32
      %broadcast_in_dim3A_1112 = vector.broadcast %jit3A_1110 : i32 to vector<16xi32>
      %broadcast_in_dim3A_1113 = vector.broadcast %jit3A_1111 : i32 to vector<16xi32>
      %select_n3A_1114 = arith.select %eq3A_1109, %broadcast_in_dim3A_1112, %broadcast_in_dim3A_1113 : vector<16xi1>, vector<16xi32>
      %swap3A_1115 = arith.constant 208 : index
      %swap3A_1116 = tpu.vector_load %arg18[%swap3A_1115] {strides = array<i32>} : memref<256xi32, #tpu.memory_space<vmem>>, vector<16xi32>,
      tpu.vector_store %arg18[%swap3A_1115], %select_n3A_1114 {strides = array<i32>} : memref<256xi32, #tpu.memory_space<vmem>>, vector<16xi32>,
      %shift_right_arithmetic3A_1117 = arith.constant 2 : i32
      %shift_right_arithmetic3A_1118 = vector.broadcast %shift_right_arithmetic3A_1117 : i32 to vector<16xi32>
      %shift_right_arithmetic3A_1119 = arith.shrsi %gather3A_1103, %shift_right_arithmetic3A_1118 : vector<16xi32>
      %gather3A_1120 = tpu.vector_load_idx %arg9[%get3A_1102] : memref<20480xf32, #tpu.memory_space<vmem>>[vector<16xi32>], vector<16xf32>,
      %gather3A_1121 = tpu.vector_load_idx %arg10[%get3A_1102] : memref<20480xf32, #tpu.memory_space<vmem>>[vector<16xi32>], vector<16xf32>,
      %gather3A_1122 = tpu.vector_load_idx %arg11[%get3A_1102] : memref<20480xf32, #tpu.memory_space<vmem>>[vector<16xi32>], vector<16xf32>,
      %gather3A_1123 = tpu.vector_load_idx %arg12[%get3A_1102] : memref<20480xf32, #tpu.memory_space<vmem>>[vector<16xi32>], vector<16xf32>,
      %gather3A_1124 = tpu.vector_load_idx %arg13[%shift_right_arithmetic3A_1119] : memref<24xf32, #tpu.memory_space<vmem>>[vector<16xi32>], vector<16xf32>,
      %gather3A_1125 = tpu.vector_load_idx %arg14[%shift_right_arithmetic3A_1119] : memref<24xf32, #tpu.memory_space<vmem>>[vector<16xi32>], vector<16xf32>,
      %gather3A_1126 = tpu.vector_load_idx %arg15[%shift_right_arithmetic3A_1119] : memref<24xf32, #tpu.memory_space<vmem>>[vector<16xi32>], vector<16xf32>,
      %gather3A_1127 = tpu.vector_load_idx %arg16[%shift_right_arithmetic3A_1119] : memref<24xf32, #tpu.memory_space<vmem>>[vector<16xi32>], vector<16xf32>,
      %sub3A_1128 = arith.subf %gather3A_1122, %gather3A_1120 : vector<16xf32>
      %add3A_1129 = arith.constant 1.000000e+00 : f32
      %add3A_1130 = vector.broadcast %add3A_1129 : f32 to vector<16xf32>
      %add3A_1131 = arith.addf %sub3A_1128, %add3A_1130 : vector<16xf32>
      %sub3A_1132 = arith.subf %gather3A_1123, %gather3A_1121 : vector<16xf32>
      %add3A_1133 = arith.constant 1.000000e+00 : f32
      %add3A_1134 = vector.broadcast %add3A_1133 : f32 to vector<16xf32>
      %add3A_1135 = arith.addf %sub3A_1132, %add3A_1134 : vector<16xf32>
      %mul3A_1136 = arith.constant 5.000000e-01 : f32
      %mul3A_1137 = vector.broadcast %mul3A_1136 : f32 to vector<16xf32>
      %mul3A_1138 = arith.mulf %mul3A_1137, %add3A_1131 : vector<16xf32>
      %add3A_1139 = arith.addf %gather3A_1120, %mul3A_1138 : vector<16xf32>
      %mul3A_1140 = arith.constant 5.000000e-01 : f32
      %mul3A_1141 = vector.broadcast %mul3A_1140 : f32 to vector<16xf32>
      %mul3A_1142 = arith.mulf %mul3A_1141, %add3A_1135 : vector<16xf32>
      %add3A_1143 = arith.addf %gather3A_1121, %mul3A_1142 : vector<16xf32>
      %sub3A_1144 = arith.subf %gather3A_1126, %gather3A_1124 : vector<16xf32>
      %add3A_1145 = arith.constant 1.000000e+00 : f32
      %add3A_1146 = vector.broadcast %add3A_1145 : f32 to vector<16xf32>
      %add3A_1147 = arith.addf %sub3A_1144, %add3A_1146 : vector<16xf32>
      %sub3A_1148 = arith.subf %gather3A_1127, %gather3A_1125 : vector<16xf32>
      %add3A_1149 = arith.constant 1.000000e+00 : f32
      %add3A_1150 = vector.broadcast %add3A_1149 : f32 to vector<16xf32>
      %add3A_1151 = arith.addf %sub3A_1148, %add3A_1150 : vector<16xf32>
      %mul3A_1152 = arith.constant 5.000000e-01 : f32
      %mul3A_1153 = vector.broadcast %mul3A_1152 : f32 to vector<16xf32>
      %mul3A_1154 = arith.mulf %mul3A_1153, %add3A_1147 : vector<16xf32>
      %add3A_1155 = arith.addf %gather3A_1124, %mul3A_1154 : vector<16xf32>
      %mul3A_1156 = arith.constant 5.000000e-01 : f32
      %mul3A_1157 = vector.broadcast %mul3A_1156 : f32 to vector<16xf32>
      %mul3A_1158 = arith.mulf %mul3A_1157, %add3A_1151 : vector<16xf32>
      %add3A_1159 = arith.addf %gather3A_1125, %mul3A_1158 : vector<16xf32>
      %sub3A_1160 = arith.subf %add3A_1155, %add3A_1139 : vector<16xf32>
      %div3A_1161 = arith.divf %sub3A_1160, %add3A_1131 : vector<16xf32>
      %swap3A_1162 = arith.constant 208 : index
      %swap3A_1163 = tpu.vector_load %arg19[%swap3A_1162] {strides = array<i32>} : memref<256xf32, #tpu.memory_space<vmem>>, vector<16xf32>,
      tpu.vector_store %arg19[%swap3A_1162], %div3A_1161 {strides = array<i32>} : memref<256xf32, #tpu.memory_space<vmem>>, vector<16xf32>,
      %sub3A_1164 = arith.subf %add3A_1159, %add3A_1143 : vector<16xf32>
      %div3A_1165 = arith.divf %sub3A_1164, %add3A_1135 : vector<16xf32>
      %swap3A_1166 = arith.constant 208 : index
      %swap3A_1167 = tpu.vector_load %arg20[%swap3A_1166] {strides = array<i32>} : memref<256xf32, #tpu.memory_space<vmem>>, vector<16xf32>,
      tpu.vector_store %arg20[%swap3A_1166], %div3A_1165 {strides = array<i32>} : memref<256xf32, #tpu.memory_space<vmem>>, vector<16xf32>,
      %div3A_1168 = arith.divf %add3A_1147, %add3A_1131 : vector<16xf32>
      %swap3A_1169 = arith.constant 208 : index
      %swap3A_1170 = tpu.vector_load %arg21[%swap3A_1169] {strides = array<i32>} : memref<256xf32, #tpu.memory_space<vmem>>, vector<16xf32>,
      tpu.vector_store %arg21[%swap3A_1169], %div3A_1168 {strides = array<i32>} : memref<256xf32, #tpu.memory_space<vmem>>, vector<16xf32>,
      %div3A_1171 = arith.divf %add3A_1151, %add3A_1135 : vector<16xf32>
      %swap3A_1172 = arith.constant 208 : index
      %swap3A_1173 = tpu.vector_load %arg22[%swap3A_1172] {strides = array<i32>} : memref<256xf32, #tpu.memory_space<vmem>>, vector<16xf32>,
      tpu.vector_store %arg22[%swap3A_1172], %div3A_1171 {strides = array<i32>} : memref<256xf32, #tpu.memory_space<vmem>>, vector<16xf32>,
      %get3A_1174 = arith.constant 224 : index
      %get3A_1175 = tpu.vector_load %arg17[%get3A_1174] {strides = array<i32>} : memref<256xi32, #tpu.memory_space<vmem>>, vector<16xi32>,
      %gather3A_1176 = tpu.vector_load_idx %arg8[%get3A_1175] : memref<20480xi32, #tpu.memory_space<vmem>>[vector<16xi32>], vector<16xi32>,
      %and3A_1177 = arith.constant 3 : i32
      %and3A_1178 = vector.broadcast %and3A_1177 : i32 to vector<16xi32>
      %and3A_1179 = arith.andi %gather3A_1176, %and3A_1178 : vector<16xi32>
      %eq3A_1180 = arith.constant 2 : i32
      %eq3A_1181 = vector.broadcast %eq3A_1180 : i32 to vector<16xi32>
      %eq3A_1182 = arith.cmpi eq, %and3A_1179, %eq3A_1181 : vector<16xi32>
      %jit3A_1183 = arith.constant 1 : i32
      %jit3A_1184 = arith.constant 0 : i32
      %broadcast_in_dim3A_1185 = vector.broadcast %jit3A_1183 : i32 to vector<16xi32>
      %broadcast_in_dim3A_1186 = vector.broadcast %jit3A_1184 : i32 to vector<16xi32>
      %select_n3A_1187 = arith.select %eq3A_1182, %broadcast_in_dim3A_1185, %broadcast_in_dim3A_1186 : vector<16xi1>, vector<16xi32>
      %swap3A_1188 = arith.constant 224 : index
      %swap3A_1189 = tpu.vector_load %arg18[%swap3A_1188] {strides = array<i32>} : memref<256xi32, #tpu.memory_space<vmem>>, vector<16xi32>,
      tpu.vector_store %arg18[%swap3A_1188], %select_n3A_1187 {strides = array<i32>} : memref<256xi32, #tpu.memory_space<vmem>>, vector<16xi32>,
      %shift_right_arithmetic3A_1190 = arith.constant 2 : i32
      %shift_right_arithmetic3A_1191 = vector.broadcast %shift_right_arithmetic3A_1190 : i32 to vector<16xi32>
      %shift_right_arithmetic3A_1192 = arith.shrsi %gather3A_1176, %shift_right_arithmetic3A_1191 : vector<16xi32>
      %gather3A_1193 = tpu.vector_load_idx %arg9[%get3A_1175] : memref<20480xf32, #tpu.memory_space<vmem>>[vector<16xi32>], vector<16xf32>,
      %gather3A_1194 = tpu.vector_load_idx %arg10[%get3A_1175] : memref<20480xf32, #tpu.memory_space<vmem>>[vector<16xi32>], vector<16xf32>,
      %gather3A_1195 = tpu.vector_load_idx %arg11[%get3A_1175] : memref<20480xf32, #tpu.memory_space<vmem>>[vector<16xi32>], vector<16xf32>,
      %gather3A_1196 = tpu.vector_load_idx %arg12[%get3A_1175] : memref<20480xf32, #tpu.memory_space<vmem>>[vector<16xi32>], vector<16xf32>,
      %gather3A_1197 = tpu.vector_load_idx %arg13[%shift_right_arithmetic3A_1192] : memref<24xf32, #tpu.memory_space<vmem>>[vector<16xi32>], vector<16xf32>,
      %gather3A_1198 = tpu.vector_load_idx %arg14[%shift_right_arithmetic3A_1192] : memref<24xf32, #tpu.memory_space<vmem>>[vector<16xi32>], vector<16xf32>,
      %gather3A_1199 = tpu.vector_load_idx %arg15[%shift_right_arithmetic3A_1192] : memref<24xf32, #tpu.memory_space<vmem>>[vector<16xi32>], vector<16xf32>,
      %gather3A_1200 = tpu.vector_load_idx %arg16[%shift_right_arithmetic3A_1192] : memref<24xf32, #tpu.memory_space<vmem>>[vector<16xi32>], vector<16xf32>,
      %sub3A_1201 = arith.subf %gather3A_1195, %gather3A_1193 : vector<16xf32>
      %add3A_1202 = arith.constant 1.000000e+00 : f32
      %add3A_1203 = vector.broadcast %add3A_1202 : f32 to vector<16xf32>
      %add3A_1204 = arith.addf %sub3A_1201, %add3A_1203 : vector<16xf32>
      %sub3A_1205 = arith.subf %gather3A_1196, %gather3A_1194 : vector<16xf32>
      %add3A_1206 = arith.constant 1.000000e+00 : f32
      %add3A_1207 = vector.broadcast %add3A_1206 : f32 to vector<16xf32>
      %add3A_1208 = arith.addf %sub3A_1205, %add3A_1207 : vector<16xf32>
      %mul3A_1209 = arith.constant 5.000000e-01 : f32
      %mul3A_1210 = vector.broadcast %mul3A_1209 : f32 to vector<16xf32>
      %mul3A_1211 = arith.mulf %mul3A_1210, %add3A_1204 : vector<16xf32>
      %add3A_1212 = arith.addf %gather3A_1193, %mul3A_1211 : vector<16xf32>
      %mul3A_1213 = arith.constant 5.000000e-01 : f32
      %mul3A_1214 = vector.broadcast %mul3A_1213 : f32 to vector<16xf32>
      %mul3A_1215 = arith.mulf %mul3A_1214, %add3A_1208 : vector<16xf32>
      %add3A_1216 = arith.addf %gather3A_1194, %mul3A_1215 : vector<16xf32>
      %sub3A_1217 = arith.subf %gather3A_1199, %gather3A_1197 : vector<16xf32>
      %add3A_1218 = arith.constant 1.000000e+00 : f32
      %add3A_1219 = vector.broadcast %add3A_1218 : f32 to vector<16xf32>
      %add3A_1220 = arith.addf %sub3A_1217, %add3A_1219 : vector<16xf32>
      %sub3A_1221 = arith.subf %gather3A_1200, %gather3A_1198 : vector<16xf32>
      %add3A_1222 = arith.constant 1.000000e+00 : f32
      %add3A_1223 = vector.broadcast %add3A_1222 : f32 to vector<16xf32>
      %add3A_1224 = arith.addf %sub3A_1221, %add3A_1223 : vector<16xf32>
      %mul3A_1225 = arith.constant 5.000000e-01 : f32
      %mul3A_1226 = vector.broadcast %mul3A_1225 : f32 to vector<16xf32>
      %mul3A_1227 = arith.mulf %mul3A_1226, %add3A_1220 : vector<16xf32>
      %add3A_1228 = arith.addf %gather3A_1197, %mul3A_1227 : vector<16xf32>
      %mul3A_1229 = arith.constant 5.000000e-01 : f32
      %mul3A_1230 = vector.broadcast %mul3A_1229 : f32 to vector<16xf32>
      %mul3A_1231 = arith.mulf %mul3A_1230, %add3A_1224 : vector<16xf32>
      %add3A_1232 = arith.addf %gather3A_1198, %mul3A_1231 : vector<16xf32>
      %sub3A_1233 = arith.subf %add3A_1228, %add3A_1212 : vector<16xf32>
      %div3A_1234 = arith.divf %sub3A_1233, %add3A_1204 : vector<16xf32>
      %swap3A_1235 = arith.constant 224 : index
      %swap3A_1236 = tpu.vector_load %arg19[%swap3A_1235] {strides = array<i32>} : memref<256xf32, #tpu.memory_space<vmem>>, vector<16xf32>,
      tpu.vector_store %arg19[%swap3A_1235], %div3A_1234 {strides = array<i32>} : memref<256xf32, #tpu.memory_space<vmem>>, vector<16xf32>,
      %sub3A_1237 = arith.subf %add3A_1232, %add3A_1216 : vector<16xf32>
      %div3A_1238 = arith.divf %sub3A_1237, %add3A_1208 : vector<16xf32>
      %swap3A_1239 = arith.constant 224 : index
      %swap3A_1240 = tpu.vector_load %arg20[%swap3A_1239] {strides = array<i32>} : memref<256xf32, #tpu.memory_space<vmem>>, vector<16xf32>,
      tpu.vector_store %arg20[%swap3A_1239], %div3A_1238 {strides = array<i32>} : memref<256xf32, #tpu.memory_space<vmem>>, vector<16xf32>,
      %div3A_1241 = arith.divf %add3A_1220, %add3A_1204 : vector<16xf32>
      %swap3A_1242 = arith.constant 224 : index
      %swap3A_1243 = tpu.vector_load %arg21[%swap3A_1242] {strides = array<i32>} : memref<256xf32, #tpu.memory_space<vmem>>, vector<16xf32>,
      tpu.vector_store %arg21[%swap3A_1242], %div3A_1241 {strides = array<i32>} : memref<256xf32, #tpu.memory_space<vmem>>, vector<16xf32>,
      %div3A_1244 = arith.divf %add3A_1224, %add3A_1208 : vector<16xf32>
      %swap3A_1245 = arith.constant 224 : index
      %swap3A_1246 = tpu.vector_load %arg22[%swap3A_1245] {strides = array<i32>} : memref<256xf32, #tpu.memory_space<vmem>>, vector<16xf32>,
      tpu.vector_store %arg22[%swap3A_1245], %div3A_1244 {strides = array<i32>} : memref<256xf32, #tpu.memory_space<vmem>>, vector<16xf32>,
      %get3A_1247 = arith.constant 240 : index
      %get3A_1248 = tpu.vector_load %arg17[%get3A_1247] {strides = array<i32>} : memref<256xi32, #tpu.memory_space<vmem>>, vector<16xi32>,
      %gather3A_1249 = tpu.vector_load_idx %arg8[%get3A_1248] : memref<20480xi32, #tpu.memory_space<vmem>>[vector<16xi32>], vector<16xi32>,
      %and3A_1250 = arith.constant 3 : i32
      %and3A_1251 = vector.broadcast %and3A_1250 : i32 to vector<16xi32>
      %and3A_1252 = arith.andi %gather3A_1249, %and3A_1251 : vector<16xi32>
      %eq3A_1253 = arith.constant 2 : i32
      %eq3A_1254 = vector.broadcast %eq3A_1253 : i32 to vector<16xi32>
      %eq3A_1255 = arith.cmpi eq, %and3A_1252, %eq3A_1254 : vector<16xi32>
      %jit3A_1256 = arith.constant 1 : i32
      %jit3A_1257 = arith.constant 0 : i32
      %broadcast_in_dim3A_1258 = vector.broadcast %jit3A_1256 : i32 to vector<16xi32>
      %broadcast_in_dim3A_1259 = vector.broadcast %jit3A_1257 : i32 to vector<16xi32>
      %select_n3A_1260 = arith.select %eq3A_1255, %broadcast_in_dim3A_1258, %broadcast_in_dim3A_1259 : vector<16xi1>, vector<16xi32>
      %swap3A_1261 = arith.constant 240 : index
      %swap3A_1262 = tpu.vector_load %arg18[%swap3A_1261] {strides = array<i32>} : memref<256xi32, #tpu.memory_space<vmem>>, vector<16xi32>,
      tpu.vector_store %arg18[%swap3A_1261], %select_n3A_1260 {strides = array<i32>} : memref<256xi32, #tpu.memory_space<vmem>>, vector<16xi32>,
      %shift_right_arithmetic3A_1263 = arith.constant 2 : i32
      %shift_right_arithmetic3A_1264 = vector.broadcast %shift_right_arithmetic3A_1263 : i32 to vector<16xi32>
      %shift_right_arithmetic3A_1265 = arith.shrsi %gather3A_1249, %shift_right_arithmetic3A_1264 : vector<16xi32>
      %gather3A_1266 = tpu.vector_load_idx %arg9[%get3A_1248] : memref<20480xf32, #tpu.memory_space<vmem>>[vector<16xi32>], vector<16xf32>,
      %gather3A_1267 = tpu.vector_load_idx %arg10[%get3A_1248] : memref<20480xf32, #tpu.memory_space<vmem>>[vector<16xi32>], vector<16xf32>,
      %gather3A_1268 = tpu.vector_load_idx %arg11[%get3A_1248] : memref<20480xf32, #tpu.memory_space<vmem>>[vector<16xi32>], vector<16xf32>,
      %gather3A_1269 = tpu.vector_load_idx %arg12[%get3A_1248] : memref<20480xf32, #tpu.memory_space<vmem>>[vector<16xi32>], vector<16xf32>,
      %gather3A_1270 = tpu.vector_load_idx %arg13[%shift_right_arithmetic3A_1265] : memref<24xf32, #tpu.memory_space<vmem>>[vector<16xi32>], vector<16xf32>,
      %gather3A_1271 = tpu.vector_load_idx %arg14[%shift_right_arithmetic3A_1265] : memref<24xf32, #tpu.memory_space<vmem>>[vector<16xi32>], vector<16xf32>,
      %gather3A_1272 = tpu.vector_load_idx %arg15[%shift_right_arithmetic3A_1265] : memref<24xf32, #tpu.memory_space<vmem>>[vector<16xi32>], vector<16xf32>,
      %gather3A_1273 = tpu.vector_load_idx %arg16[%shift_right_arithmetic3A_1265] : memref<24xf32, #tpu.memory_space<vmem>>[vector<16xi32>], vector<16xf32>,
      %sub3A_1274 = arith.subf %gather3A_1268, %gather3A_1266 : vector<16xf32>
      %add3A_1275 = arith.constant 1.000000e+00 : f32
      %add3A_1276 = vector.broadcast %add3A_1275 : f32 to vector<16xf32>
      %add3A_1277 = arith.addf %sub3A_1274, %add3A_1276 : vector<16xf32>
      %sub3A_1278 = arith.subf %gather3A_1269, %gather3A_1267 : vector<16xf32>
      %add3A_1279 = arith.constant 1.000000e+00 : f32
      %add3A_1280 = vector.broadcast %add3A_1279 : f32 to vector<16xf32>
      %add3A_1281 = arith.addf %sub3A_1278, %add3A_1280 : vector<16xf32>
      %mul3A_1282 = arith.constant 5.000000e-01 : f32
      %mul3A_1283 = vector.broadcast %mul3A_1282 : f32 to vector<16xf32>
      %mul3A_1284 = arith.mulf %mul3A_1283, %add3A_1277 : vector<16xf32>
      %add3A_1285 = arith.addf %gather3A_1266, %mul3A_1284 : vector<16xf32>
      %mul3A_1286 = arith.constant 5.000000e-01 : f32
      %mul3A_1287 = vector.broadcast %mul3A_1286 : f32 to vector<16xf32>
      %mul3A_1288 = arith.mulf %mul3A_1287, %add3A_1281 : vector<16xf32>
      %add3A_1289 = arith.addf %gather3A_1267, %mul3A_1288 : vector<16xf32>
      %sub3A_1290 = arith.subf %gather3A_1272, %gather3A_1270 : vector<16xf32>
      %add3A_1291 = arith.constant 1.000000e+00 : f32
      %add3A_1292 = vector.broadcast %add3A_1291 : f32 to vector<16xf32>
      %add3A_1293 = arith.addf %sub3A_1290, %add3A_1292 : vector<16xf32>
      %sub3A_1294 = arith.subf %gather3A_1273, %gather3A_1271 : vector<16xf32>
      %add3A_1295 = arith.constant 1.000000e+00 : f32
      %add3A_1296 = vector.broadcast %add3A_1295 : f32 to vector<16xf32>
      %add3A_1297 = arith.addf %sub3A_1294, %add3A_1296 : vector<16xf32>
      %mul3A_1298 = arith.constant 5.000000e-01 : f32
      %mul3A_1299 = vector.broadcast %mul3A_1298 : f32 to vector<16xf32>
      %mul3A_1300 = arith.mulf %mul3A_1299, %add3A_1293 : vector<16xf32>
      %add3A_1301 = arith.addf %gather3A_1270, %mul3A_1300 : vector<16xf32>
      %mul3A_1302 = arith.constant 5.000000e-01 : f32
      %mul3A_1303 = vector.broadcast %mul3A_1302 : f32 to vector<16xf32>
      %mul3A_1304 = arith.mulf %mul3A_1303, %add3A_1297 : vector<16xf32>
      %add3A_1305 = arith.addf %gather3A_1271, %mul3A_1304 : vector<16xf32>
      %sub3A_1306 = arith.subf %add3A_1301, %add3A_1285 : vector<16xf32>
      %div3A_1307 = arith.divf %sub3A_1306, %add3A_1277 : vector<16xf32>
      %swap3A_1308 = arith.constant 240 : index
      %swap3A_1309 = tpu.vector_load %arg19[%swap3A_1308] {strides = array<i32>} : memref<256xf32, #tpu.memory_space<vmem>>, vector<16xf32>,
      tpu.vector_store %arg19[%swap3A_1308], %div3A_1307 {strides = array<i32>} : memref<256xf32, #tpu.memory_space<vmem>>, vector<16xf32>,
      %sub3A_1310 = arith.subf %add3A_1305, %add3A_1289 : vector<16xf32>
      %div3A_1311 = arith.divf %sub3A_1310, %add3A_1281 : vector<16xf32>
      %swap3A_1312 = arith.constant 240 : index
      %swap3A_1313 = tpu.vector_load %arg20[%swap3A_1312] {strides = array<i32>} : memref<256xf32, #tpu.memory_space<vmem>>, vector<16xf32>,
      tpu.vector_store %arg20[%swap3A_1312], %div3A_1311 {strides = array<i32>} : memref<256xf32, #tpu.memory_space<vmem>>, vector<16xf32>,
      %div3A_1314 = arith.divf %add3A_1293, %add3A_1277 : vector<16xf32>
      %swap3A_1315 = arith.constant 240 : index
      %swap3A_1316 = tpu.vector_load %arg21[%swap3A_1315] {strides = array<i32>} : memref<256xf32, #tpu.memory_space<vmem>>, vector<16xf32>,
      tpu.vector_store %arg21[%swap3A_1315], %div3A_1314 {strides = array<i32>} : memref<256xf32, #tpu.memory_space<vmem>>, vector<16xf32>,
      %div3A_1317 = arith.divf %add3A_1297, %add3A_1281 : vector<16xf32>
      %swap3A_1318 = arith.constant 240 : index
      %swap3A_1319 = tpu.vector_load %arg22[%swap3A_1318] {strides = array<i32>} : memref<256xf32, #tpu.memory_space<vmem>>, vector<16xf32>,
      tpu.vector_store %arg22[%swap3A_1318], %div3A_1317 {strides = array<i32>} : memref<256xf32, #tpu.memory_space<vmem>>, vector<16xf32>,
      "tpu.region"() ({
        %run_scoped3A_1323 = tpu.sem_alloc : memref<!tpu.dma_semaphore, #tpu.memory_space<semaphore_mem>>
        %dma_start3A_1324 = arith.constant 0 : i32
        %dma_start3A_1325 = tpu.memref_slice %arg5[%add3A, %dma_start3A_1324] : memref<8x256xi32, #tpu.memory_space<hbm>> -> memref<1x256xi32, #tpu.memory_space<hbm>>
        %dma_start3A_1326 = tpu.memref_squeeze %dma_start3A_1325 : memref<1x256xi32, #tpu.memory_space<hbm>> -> memref<256xi32, #tpu.memory_space<hbm>>
        %dma_start3A_1327 = arith.constant 0 : i32
        %dma_start3A_1328 = tpu.memref_slice %arg5[%add3A, %dma_start3A_1327] : memref<8x256xi32, #tpu.memory_space<hbm>> -> memref<1x256xi32, #tpu.memory_space<hbm>>
        %dma_start3A_1329 = tpu.memref_squeeze %dma_start3A_1328 : memref<1x256xi32, #tpu.memory_space<hbm>> -> memref<256xi32, #tpu.memory_space<hbm>>
        tpu.enqueue_dma source(%arg17 : memref<256xi32, #tpu.memory_space<vmem>>) target(%dma_start3A_1329 : memref<256xi32, #tpu.memory_space<hbm>>) target_semaphore(%run_scoped3A_1323 : memref<!tpu.dma_semaphore, #tpu.memory_space<semaphore_mem>>)
        %dma_wait3A_1330 = arith.constant 0 : i32
        %dma_wait3A_1331 = tpu.memref_slice %arg5[%add3A, %dma_wait3A_1330] : memref<8x256xi32, #tpu.memory_space<hbm>> -> memref<1x256xi32, #tpu.memory_space<hbm>>
        %dma_wait3A_1332 = tpu.memref_squeeze %dma_wait3A_1331 : memref<1x256xi32, #tpu.memory_space<hbm>> -> memref<256xi32, #tpu.memory_space<hbm>>
        %dma_wait3A_1333 = arith.constant 0 : i32
        %dma_wait3A_1334 = tpu.memref_slice %arg5[%add3A, %dma_wait3A_1333] : memref<8x256xi32, #tpu.memory_space<hbm>> -> memref<1x256xi32, #tpu.memory_space<hbm>>
        %dma_wait3A_1335 = tpu.memref_squeeze %dma_wait3A_1334 : memref<1x256xi32, #tpu.memory_space<hbm>> -> memref<256xi32, #tpu.memory_space<hbm>>
        tpu.wait_dma2 semaphore(%run_scoped3A_1323 : memref<!tpu.dma_semaphore, #tpu.memory_space<semaphore_mem>>) src(%arg17 : memref<256xi32, #tpu.memory_space<vmem>>) dst(%dma_wait3A_1335 : memref<256xi32, #tpu.memory_space<hbm>>)
        tpu.yield
      }) : () -> ()
      "tpu.region"() ({
        %run_scoped3A_1323 = tpu.sem_alloc : memref<!tpu.dma_semaphore, #tpu.memory_space<semaphore_mem>>
        %dma_start3A_1324 = arith.constant 0 : i32
        %dma_start3A_1325 = tpu.memref_slice %arg6[%add3A, %dma_start3A_1324] : memref<8x256xi32, #tpu.memory_space<hbm>> -> memref<1x256xi32, #tpu.memory_space<hbm>>
        %dma_start3A_1326 = tpu.memref_squeeze %dma_start3A_1325 : memref<1x256xi32, #tpu.memory_space<hbm>> -> memref<256xi32, #tpu.memory_space<hbm>>
        %dma_start3A_1327 = arith.constant 0 : i32
        %dma_start3A_1328 = tpu.memref_slice %arg6[%add3A, %dma_start3A_1327] : memref<8x256xi32, #tpu.memory_space<hbm>> -> memref<1x256xi32, #tpu.memory_space<hbm>>
        %dma_start3A_1329 = tpu.memref_squeeze %dma_start3A_1328 : memref<1x256xi32, #tpu.memory_space<hbm>> -> memref<256xi32, #tpu.memory_space<hbm>>
        tpu.enqueue_dma source(%arg18 : memref<256xi32, #tpu.memory_space<vmem>>) target(%dma_start3A_1329 : memref<256xi32, #tpu.memory_space<hbm>>) target_semaphore(%run_scoped3A_1323 : memref<!tpu.dma_semaphore, #tpu.memory_space<semaphore_mem>>)
        %dma_wait3A_1330 = arith.constant 0 : i32
        %dma_wait3A_1331 = tpu.memref_slice %arg6[%add3A, %dma_wait3A_1330] : memref<8x256xi32, #tpu.memory_space<hbm>> -> memref<1x256xi32, #tpu.memory_space<hbm>>
        %dma_wait3A_1332 = tpu.memref_squeeze %dma_wait3A_1331 : memref<1x256xi32, #tpu.memory_space<hbm>> -> memref<256xi32, #tpu.memory_space<hbm>>
        %dma_wait3A_1333 = arith.constant 0 : i32
        %dma_wait3A_1334 = tpu.memref_slice %arg6[%add3A, %dma_wait3A_1333] : memref<8x256xi32, #tpu.memory_space<hbm>> -> memref<1x256xi32, #tpu.memory_space<hbm>>
        %dma_wait3A_1335 = tpu.memref_squeeze %dma_wait3A_1334 : memref<1x256xi32, #tpu.memory_space<hbm>> -> memref<256xi32, #tpu.memory_space<hbm>>
        tpu.wait_dma2 semaphore(%run_scoped3A_1323 : memref<!tpu.dma_semaphore, #tpu.memory_space<semaphore_mem>>) src(%arg18 : memref<256xi32, #tpu.memory_space<vmem>>) dst(%dma_wait3A_1335 : memref<256xi32, #tpu.memory_space<hbm>>)
        tpu.yield
      }) : () -> ()
      %run_scoped3A = arith.constant 0 : i32
      "tpu.region"() ({
        %run_scoped3A_1323 = tpu.sem_alloc : memref<!tpu.dma_semaphore, #tpu.memory_space<semaphore_mem>>
        %dma_start3A_1324 = arith.constant 0 : i32
        %dma_start3A_1325 = tpu.memref_slice %arg7[%add3A, %run_scoped3A, %dma_start3A_1324] : memref<8x4x256xf32, #tpu.memory_space<hbm>> -> memref<1x1x256xf32, #tpu.memory_space<hbm>>
        %dma_start3A_1326 = tpu.memref_squeeze %dma_start3A_1325 : memref<1x1x256xf32, #tpu.memory_space<hbm>> -> memref<256xf32, #tpu.memory_space<hbm>>
        %dma_start3A_1327 = arith.constant 0 : i32
        %dma_start3A_1328 = tpu.memref_slice %arg7[%add3A, %run_scoped3A, %dma_start3A_1327] : memref<8x4x256xf32, #tpu.memory_space<hbm>> -> memref<1x1x256xf32, #tpu.memory_space<hbm>>
        %dma_start3A_1329 = tpu.memref_squeeze %dma_start3A_1328 : memref<1x1x256xf32, #tpu.memory_space<hbm>> -> memref<256xf32, #tpu.memory_space<hbm>>
        tpu.enqueue_dma source(%arg19 : memref<256xf32, #tpu.memory_space<vmem>>) target(%dma_start3A_1329 : memref<256xf32, #tpu.memory_space<hbm>>) target_semaphore(%run_scoped3A_1323 : memref<!tpu.dma_semaphore, #tpu.memory_space<semaphore_mem>>)
        %dma_wait3A_1330 = arith.constant 0 : i32
        %dma_wait3A_1331 = tpu.memref_slice %arg7[%add3A, %run_scoped3A, %dma_wait3A_1330] : memref<8x4x256xf32, #tpu.memory_space<hbm>> -> memref<1x1x256xf32, #tpu.memory_space<hbm>>
        %dma_wait3A_1332 = tpu.memref_squeeze %dma_wait3A_1331 : memref<1x1x256xf32, #tpu.memory_space<hbm>> -> memref<256xf32, #tpu.memory_space<hbm>>
        %dma_wait3A_1333 = arith.constant 0 : i32
        %dma_wait3A_1334 = tpu.memref_slice %arg7[%add3A, %run_scoped3A, %dma_wait3A_1333] : memref<8x4x256xf32, #tpu.memory_space<hbm>> -> memref<1x1x256xf32, #tpu.memory_space<hbm>>
        %dma_wait3A_1335 = tpu.memref_squeeze %dma_wait3A_1334 : memref<1x1x256xf32, #tpu.memory_space<hbm>> -> memref<256xf32, #tpu.memory_space<hbm>>
        tpu.wait_dma2 semaphore(%run_scoped3A_1323 : memref<!tpu.dma_semaphore, #tpu.memory_space<semaphore_mem>>) src(%arg19 : memref<256xf32, #tpu.memory_space<vmem>>) dst(%dma_wait3A_1335 : memref<256xf32, #tpu.memory_space<hbm>>)
        tpu.yield
      }) : () -> ()
      %run_scoped3A_1320 = arith.constant 1 : i32
      "tpu.region"() ({
        %run_scoped3A_1323 = tpu.sem_alloc : memref<!tpu.dma_semaphore, #tpu.memory_space<semaphore_mem>>
        %dma_start3A_1324 = arith.constant 0 : i32
        %dma_start3A_1325 = tpu.memref_slice %arg7[%add3A, %run_scoped3A_1320, %dma_start3A_1324] : memref<8x4x256xf32, #tpu.memory_space<hbm>> -> memref<1x1x256xf32, #tpu.memory_space<hbm>>
        %dma_start3A_1326 = tpu.memref_squeeze %dma_start3A_1325 : memref<1x1x256xf32, #tpu.memory_space<hbm>> -> memref<256xf32, #tpu.memory_space<hbm>>
        %dma_start3A_1327 = arith.constant 0 : i32
        %dma_start3A_1328 = tpu.memref_slice %arg7[%add3A, %run_scoped3A_1320, %dma_start3A_1327] : memref<8x4x256xf32, #tpu.memory_space<hbm>> -> memref<1x1x256xf32, #tpu.memory_space<hbm>>
        %dma_start3A_1329 = tpu.memref_squeeze %dma_start3A_1328 : memref<1x1x256xf32, #tpu.memory_space<hbm>> -> memref<256xf32, #tpu.memory_space<hbm>>
        tpu.enqueue_dma source(%arg20 : memref<256xf32, #tpu.memory_space<vmem>>) target(%dma_start3A_1329 : memref<256xf32, #tpu.memory_space<hbm>>) target_semaphore(%run_scoped3A_1323 : memref<!tpu.dma_semaphore, #tpu.memory_space<semaphore_mem>>)
        %dma_wait3A_1330 = arith.constant 0 : i32
        %dma_wait3A_1331 = tpu.memref_slice %arg7[%add3A, %run_scoped3A_1320, %dma_wait3A_1330] : memref<8x4x256xf32, #tpu.memory_space<hbm>> -> memref<1x1x256xf32, #tpu.memory_space<hbm>>
        %dma_wait3A_1332 = tpu.memref_squeeze %dma_wait3A_1331 : memref<1x1x256xf32, #tpu.memory_space<hbm>> -> memref<256xf32, #tpu.memory_space<hbm>>
        %dma_wait3A_1333 = arith.constant 0 : i32
        %dma_wait3A_1334 = tpu.memref_slice %arg7[%add3A, %run_scoped3A_1320, %dma_wait3A_1333] : memref<8x4x256xf32, #tpu.memory_space<hbm>> -> memref<1x1x256xf32, #tpu.memory_space<hbm>>
        %dma_wait3A_1335 = tpu.memref_squeeze %dma_wait3A_1334 : memref<1x1x256xf32, #tpu.memory_space<hbm>> -> memref<256xf32, #tpu.memory_space<hbm>>
        tpu.wait_dma2 semaphore(%run_scoped3A_1323 : memref<!tpu.dma_semaphore, #tpu.memory_space<semaphore_mem>>) src(%arg20 : memref<256xf32, #tpu.memory_space<vmem>>) dst(%dma_wait3A_1335 : memref<256xf32, #tpu.memory_space<hbm>>)
        tpu.yield
      }) : () -> ()
      %run_scoped3A_1321 = arith.constant 2 : i32
      "tpu.region"() ({
        %run_scoped3A_1323 = tpu.sem_alloc : memref<!tpu.dma_semaphore, #tpu.memory_space<semaphore_mem>>
        %dma_start3A_1324 = arith.constant 0 : i32
        %dma_start3A_1325 = tpu.memref_slice %arg7[%add3A, %run_scoped3A_1321, %dma_start3A_1324] : memref<8x4x256xf32, #tpu.memory_space<hbm>> -> memref<1x1x256xf32, #tpu.memory_space<hbm>>
        %dma_start3A_1326 = tpu.memref_squeeze %dma_start3A_1325 : memref<1x1x256xf32, #tpu.memory_space<hbm>> -> memref<256xf32, #tpu.memory_space<hbm>>
        %dma_start3A_1327 = arith.constant 0 : i32
        %dma_start3A_1328 = tpu.memref_slice %arg7[%add3A, %run_scoped3A_1321, %dma_start3A_1327] : memref<8x4x256xf32, #tpu.memory_space<hbm>> -> memref<1x1x256xf32, #tpu.memory_space<hbm>>
        %dma_start3A_1329 = tpu.memref_squeeze %dma_start3A_1328 : memref<1x1x256xf32, #tpu.memory_space<hbm>> -> memref<256xf32, #tpu.memory_space<hbm>>
        tpu.enqueue_dma source(%arg21 : memref<256xf32, #tpu.memory_space<vmem>>) target(%dma_start3A_1329 : memref<256xf32, #tpu.memory_space<hbm>>) target_semaphore(%run_scoped3A_1323 : memref<!tpu.dma_semaphore, #tpu.memory_space<semaphore_mem>>)
        %dma_wait3A_1330 = arith.constant 0 : i32
        %dma_wait3A_1331 = tpu.memref_slice %arg7[%add3A, %run_scoped3A_1321, %dma_wait3A_1330] : memref<8x4x256xf32, #tpu.memory_space<hbm>> -> memref<1x1x256xf32, #tpu.memory_space<hbm>>
        %dma_wait3A_1332 = tpu.memref_squeeze %dma_wait3A_1331 : memref<1x1x256xf32, #tpu.memory_space<hbm>> -> memref<256xf32, #tpu.memory_space<hbm>>
        %dma_wait3A_1333 = arith.constant 0 : i32
        %dma_wait3A_1334 = tpu.memref_slice %arg7[%add3A, %run_scoped3A_1321, %dma_wait3A_1333] : memref<8x4x256xf32, #tpu.memory_space<hbm>> -> memref<1x1x256xf32, #tpu.memory_space<hbm>>
        %dma_wait3A_1335 = tpu.memref_squeeze %dma_wait3A_1334 : memref<1x1x256xf32, #tpu.memory_space<hbm>> -> memref<256xf32, #tpu.memory_space<hbm>>
        tpu.wait_dma2 semaphore(%run_scoped3A_1323 : memref<!tpu.dma_semaphore, #tpu.memory_space<semaphore_mem>>) src(%arg21 : memref<256xf32, #tpu.memory_space<vmem>>) dst(%dma_wait3A_1335 : memref<256xf32, #tpu.memory_space<hbm>>)
        tpu.yield
      }) : () -> ()
      %run_scoped3A_1322 = arith.constant 3 : i32
      "tpu.region"() ({
        %run_scoped3A_1323 = tpu.sem_alloc : memref<!tpu.dma_semaphore, #tpu.memory_space<semaphore_mem>>
        %dma_start3A_1324 = arith.constant 0 : i32
        %dma_start3A_1325 = tpu.memref_slice %arg7[%add3A, %run_scoped3A_1322, %dma_start3A_1324] : memref<8x4x256xf32, #tpu.memory_space<hbm>> -> memref<1x1x256xf32, #tpu.memory_space<hbm>>
        %dma_start3A_1326 = tpu.memref_squeeze %dma_start3A_1325 : memref<1x1x256xf32, #tpu.memory_space<hbm>> -> memref<256xf32, #tpu.memory_space<hbm>>
        %dma_start3A_1327 = arith.constant 0 : i32
        %dma_start3A_1328 = tpu.memref_slice %arg7[%add3A, %run_scoped3A_1322, %dma_start3A_1327] : memref<8x4x256xf32, #tpu.memory_space<hbm>> -> memref<1x1x256xf32, #tpu.memory_space<hbm>>
        %dma_start3A_1329 = tpu.memref_squeeze %dma_start3A_1328 : memref<1x1x256xf32, #tpu.memory_space<hbm>> -> memref<256xf32, #tpu.memory_space<hbm>>
        tpu.enqueue_dma source(%arg22 : memref<256xf32, #tpu.memory_space<vmem>>) target(%dma_start3A_1329 : memref<256xf32, #tpu.memory_space<hbm>>) target_semaphore(%run_scoped3A_1323 : memref<!tpu.dma_semaphore, #tpu.memory_space<semaphore_mem>>)
        %dma_wait3A_1330 = arith.constant 0 : i32
        %dma_wait3A_1331 = tpu.memref_slice %arg7[%add3A, %run_scoped3A_1322, %dma_wait3A_1330] : memref<8x4x256xf32, #tpu.memory_space<hbm>> -> memref<1x1x256xf32, #tpu.memory_space<hbm>>
        %dma_wait3A_1332 = tpu.memref_squeeze %dma_wait3A_1331 : memref<1x1x256xf32, #tpu.memory_space<hbm>> -> memref<256xf32, #tpu.memory_space<hbm>>
        %dma_wait3A_1333 = arith.constant 0 : i32
        %dma_wait3A_1334 = tpu.memref_slice %arg7[%add3A, %run_scoped3A_1322, %dma_wait3A_1333] : memref<8x4x256xf32, #tpu.memory_space<hbm>> -> memref<1x1x256xf32, #tpu.memory_space<hbm>>
        %dma_wait3A_1335 = tpu.memref_squeeze %dma_wait3A_1334 : memref<1x1x256xf32, #tpu.memory_space<hbm>> -> memref<256xf32, #tpu.memory_space<hbm>>
        tpu.wait_dma2 semaphore(%run_scoped3A_1323 : memref<!tpu.dma_semaphore, #tpu.memory_space<semaphore_mem>>) src(%arg22 : memref<256xf32, #tpu.memory_space<vmem>>) dst(%dma_wait3A_1335 : memref<256xf32, #tpu.memory_space<hbm>>)
        tpu.yield
      }) : () -> ()
    } else {
    }
    return
  }
}

module attributes {stable_mosaic.version = 14 : i64} {
  func.func @_tc_label_body(%arg0: i32, %arg1: i32, %arg2: i32, %arg3: memref<4x16x128xf32, #tpu.memory_space<vmem>>, %arg4: memref<1x4x16x128xf32, #tpu.memory_space<vmem>>, %arg5: memref<1x1x20x4xf32, #tpu.memory_space<vmem>>, %arg6: memref<1x16x128xi32, #tpu.memory_space<vmem>>, %arg7: memref<10x20x16x128xf32, #tpu.memory_space<vmem>>, %arg8: memref<10x16x128xi32, #tpu.memory_space<vmem>>, %arg9: memref<20x16x128xf32, #tpu.memory_space<vmem>>, %arg10: memref<8x20xf32, #tpu.memory_space<smem>>) attributes {dimension_semantics = [#tpu.dimension_semantics<arbitrary>, #tpu.dimension_semantics<arbitrary>, #tpu.dimension_semantics<arbitrary>], iteration_bounds = array<i64: 8, 2, 10>, scalar_prefetch = 0 : i64, scratch_operands = 4 : i64, tpu.core_type = #tpu.core_type<tc>, window_params = [{transform_indices = @transform_0, window_bounds = array<i64: 4, 16, 128>}, {transform_indices = @transform_1, window_bounds = array<i64: 1, 4, 16, 128>}, {transform_indices = @transform_2, window_bounds = array<i64: 1, 1, 20, 4>}, {transform_indices = @transform_3, window_bounds = array<i64: 1, 16, 128>}]} {
    %eq3A = arith.constant 0 : i32
    %eq3A_0 = arith.cmpi eq, %arg1, %eq3A : i32
    %convert_element_type3A = arith.extui %eq3A_0 : i1 to i32
    %cond3A = arith.constant 0 : i32
    %cond3A_1 = arith.cmpi ne, %convert_element_type3A, %cond3A : i32
    scf.if %cond3A_1 {
      %get3A = arith.constant 0 : index
      %get3A_7 = arith.constant 0 : index
      %get3A_8 = arith.constant 0 : index
      %get3A_9 = vector.load %arg3[%get3A, %get3A_7, %get3A_8] : memref<4x16x128xf32, #tpu.memory_space<vmem>>, vector<1x16x128xf32>
      %get3A_10 = vector.shape_cast %get3A_9 : vector<1x16x128xf32> to vector<16x128xf32>
      %get3A_11 = arith.constant 1 : index
      %get3A_12 = arith.constant 0 : index
      %get3A_13 = arith.constant 0 : index
      %get3A_14 = vector.load %arg3[%get3A_11, %get3A_12, %get3A_13] : memref<4x16x128xf32, #tpu.memory_space<vmem>>, vector<1x16x128xf32>
      %get3A_15 = vector.shape_cast %get3A_14 : vector<1x16x128xf32> to vector<16x128xf32>
      %get3A_16 = arith.constant 2 : index
      %get3A_17 = arith.constant 0 : index
      %get3A_18 = arith.constant 0 : index
      %get3A_19 = vector.load %arg3[%get3A_16, %get3A_17, %get3A_18] : memref<4x16x128xf32, #tpu.memory_space<vmem>>, vector<1x16x128xf32>
      %get3A_20 = vector.shape_cast %get3A_19 : vector<1x16x128xf32> to vector<16x128xf32>
      %get3A_21 = arith.constant 3 : index
      %get3A_22 = arith.constant 0 : index
      %get3A_23 = arith.constant 0 : index
      %get3A_24 = vector.load %arg3[%get3A_21, %get3A_22, %get3A_23] : memref<4x16x128xf32, #tpu.memory_space<vmem>>, vector<1x16x128xf32>
      %get3A_25 = vector.shape_cast %get3A_24 : vector<1x16x128xf32> to vector<16x128xf32>
      %sub3A = arith.subf %get3A_20, %get3A_10 : vector<16x128xf32>
      %add3A = arith.constant 1.000000e+00 : f32
      %add3A_26 = vector.broadcast %add3A : f32 to vector<16x128xf32>
      %add3A_27 = arith.addf %sub3A, %add3A_26 : vector<16x128xf32>
      %sub3A_28 = arith.subf %get3A_25, %get3A_15 : vector<16x128xf32>
      %add3A_29 = arith.constant 1.000000e+00 : f32
      %add3A_30 = vector.broadcast %add3A_29 : f32 to vector<16x128xf32>
      %add3A_31 = arith.addf %sub3A_28, %add3A_30 : vector<16x128xf32>
      %mul3A = arith.constant 5.000000e-01 : f32
      %mul3A_32 = vector.broadcast %mul3A : f32 to vector<16x128xf32>
      %mul3A_33 = arith.mulf %mul3A_32, %add3A_27 : vector<16x128xf32>
      %add3A_34 = arith.addf %get3A_10, %mul3A_33 : vector<16x128xf32>
      %mul3A_35 = arith.constant 5.000000e-01 : f32
      %mul3A_36 = vector.broadcast %mul3A_35 : f32 to vector<16x128xf32>
      %mul3A_37 = arith.mulf %mul3A_36, %add3A_31 : vector<16x128xf32>
      %add3A_38 = arith.addf %get3A_15, %mul3A_37 : vector<16x128xf32>
      %get3A_39 = arith.constant 0 : index
      %get3A_40 = arith.constant 0 : index
      %get3A_41 = arith.constant 0 : index
      %get3A_42 = arith.constant 0 : index
      %get3A_43 = vector.load %arg4[%get3A_39, %get3A_40, %get3A_41, %get3A_42] : memref<1x4x16x128xf32, #tpu.memory_space<vmem>>, vector<1x1x16x128xf32>
      %get3A_44 = vector.shape_cast %get3A_43 : vector<1x1x16x128xf32> to vector<16x128xf32>
      %get3A_45 = arith.constant 0 : index
      %get3A_46 = arith.constant 1 : index
      %get3A_47 = arith.constant 0 : index
      %get3A_48 = arith.constant 0 : index
      %get3A_49 = vector.load %arg4[%get3A_45, %get3A_46, %get3A_47, %get3A_48] : memref<1x4x16x128xf32, #tpu.memory_space<vmem>>, vector<1x1x16x128xf32>
      %get3A_50 = vector.shape_cast %get3A_49 : vector<1x1x16x128xf32> to vector<16x128xf32>
      %get3A_51 = arith.constant 0 : index
      %get3A_52 = arith.constant 2 : index
      %get3A_53 = arith.constant 0 : index
      %get3A_54 = arith.constant 0 : index
      %get3A_55 = vector.load %arg4[%get3A_51, %get3A_52, %get3A_53, %get3A_54] : memref<1x4x16x128xf32, #tpu.memory_space<vmem>>, vector<1x1x16x128xf32>
      %get3A_56 = vector.shape_cast %get3A_55 : vector<1x1x16x128xf32> to vector<16x128xf32>
      %get3A_57 = arith.constant 0 : index
      %get3A_58 = arith.constant 3 : index
      %get3A_59 = arith.constant 0 : index
      %get3A_60 = arith.constant 0 : index
      %get3A_61 = vector.load %arg4[%get3A_57, %get3A_58, %get3A_59, %get3A_60] : memref<1x4x16x128xf32, #tpu.memory_space<vmem>>, vector<1x1x16x128xf32>
      %get3A_62 = vector.shape_cast %get3A_61 : vector<1x1x16x128xf32> to vector<16x128xf32>
      %mul3A_63 = arith.mulf %get3A_44, %add3A_27 : vector<16x128xf32>
      %add3A_64 = arith.addf %mul3A_63, %add3A_34 : vector<16x128xf32>
      %mul3A_65 = arith.mulf %get3A_50, %add3A_31 : vector<16x128xf32>
      %add3A_66 = arith.addf %mul3A_65, %add3A_38 : vector<16x128xf32>
      %exp3A = math.exp %get3A_56 : vector<16x128xf32>
      %mul3A_67 = arith.mulf %exp3A, %add3A_27 : vector<16x128xf32>
      %exp3A_68 = math.exp %get3A_62 : vector<16x128xf32>
      %mul3A_69 = arith.mulf %exp3A_68, %add3A_31 : vector<16x128xf32>
      %mul3A_70 = arith.constant 5.000000e-01 : f32
      %mul3A_71 = vector.broadcast %mul3A_70 : f32 to vector<16x128xf32>
      %mul3A_72 = arith.mulf %mul3A_71, %mul3A_67 : vector<16x128xf32>
      %sub3A_73 = arith.subf %add3A_64, %mul3A_72 : vector<16x128xf32>
      %mul3A_74 = arith.constant 5.000000e-01 : f32
      %mul3A_75 = vector.broadcast %mul3A_74 : f32 to vector<16x128xf32>
      %mul3A_76 = arith.mulf %mul3A_75, %mul3A_69 : vector<16x128xf32>
      %sub3A_77 = arith.subf %add3A_66, %mul3A_76 : vector<16x128xf32>
      %mul3A_78 = arith.constant 5.000000e-01 : f32
      %mul3A_79 = vector.broadcast %mul3A_78 : f32 to vector<16x128xf32>
      %mul3A_80 = arith.mulf %mul3A_79, %mul3A_67 : vector<16x128xf32>
      %add3A_81 = arith.addf %add3A_64, %mul3A_80 : vector<16x128xf32>
      %sub3A_82 = arith.constant 1.000000e+00 : f32
      %sub3A_83 = vector.broadcast %sub3A_82 : f32 to vector<16x128xf32>
      %sub3A_84 = arith.subf %add3A_81, %sub3A_83 : vector<16x128xf32>
      %mul3A_85 = arith.constant 5.000000e-01 : f32
      %mul3A_86 = vector.broadcast %mul3A_85 : f32 to vector<16x128xf32>
      %mul3A_87 = arith.mulf %mul3A_86, %mul3A_69 : vector<16x128xf32>
      %add3A_88 = arith.addf %add3A_66, %mul3A_87 : vector<16x128xf32>
      %sub3A_89 = arith.constant 1.000000e+00 : f32
      %sub3A_90 = vector.broadcast %sub3A_89 : f32 to vector<16x128xf32>
      %sub3A_91 = arith.subf %add3A_88, %sub3A_90 : vector<16x128xf32>
      %ge3A = arith.constant 0.000000e+00 : f32
      %ge3A_92 = vector.broadcast %ge3A : f32 to vector<16x128xf32>
      %ge3A_93 = arith.cmpf oge, %sub3A_73, %ge3A_92 : vector<16x128xf32>
      %ge3A_94 = arith.constant 0.000000e+00 : f32
      %ge3A_95 = vector.broadcast %ge3A_94 : f32 to vector<16x128xf32>
      %ge3A_96 = arith.cmpf oge, %sub3A_77, %ge3A_95 : vector<16x128xf32>
      %and3A = arith.andi %ge3A_93, %ge3A_96 : vector<16x128xi1>
      %lt3A = arith.constant 6.000000e+02 : f32
      %lt3A_97 = vector.broadcast %lt3A : f32 to vector<16x128xf32>
      %lt3A_98 = arith.cmpf olt, %sub3A_84, %lt3A_97 : vector<16x128xf32>
      %and3A_99 = arith.andi %and3A, %lt3A_98 : vector<16x128xi1>
      %lt3A_100 = arith.constant 6.000000e+02 : f32
      %lt3A_101 = vector.broadcast %lt3A_100 : f32 to vector<16x128xf32>
      %lt3A_102 = arith.cmpf olt, %sub3A_91, %lt3A_101 : vector<16x128xf32>
      %and3A_103 = arith.andi %and3A_99, %lt3A_102 : vector<16x128xi1>
      %convert_element_type3A_104 = arith.extui %and3A_103 : vector<16x128xi1> to vector<16x128xi32>
      %swap3A = arith.index_cast %arg2 : i32 to index
      %swap3A_105 = arith.constant 0 : index
      %swap3A_106 = arith.constant 0 : index
      %swap3A_107 = vector.load %arg8[%swap3A, %swap3A_105, %swap3A_106] : memref<10x16x128xi32, #tpu.memory_space<vmem>>, vector<1x16x128xi32>
      %swap3A_108 = vector.shape_cast %swap3A_107 : vector<1x16x128xi32> to vector<16x128xi32>
      %swap3A_109 = vector.shape_cast %convert_element_type3A_104 : vector<16x128xi32> to vector<1x16x128xi32>
      tpu.vector_store %arg8[%swap3A, %swap3A_105, %swap3A_106], %swap3A_109 {strides = array<i32>} : memref<10x16x128xi32, #tpu.memory_space<vmem>>, vector<1x16x128xi32>,
      %sub3A_110 = arith.subf %sub3A_84, %sub3A_73 : vector<16x128xf32>
      %add3A_111 = arith.constant 1.000000e+00 : f32
      %add3A_112 = vector.broadcast %add3A_111 : f32 to vector<16x128xf32>
      %add3A_113 = arith.addf %sub3A_110, %add3A_112 : vector<16x128xf32>
      %sub3A_114 = arith.subf %sub3A_91, %sub3A_77 : vector<16x128xf32>
      %add3A_115 = arith.constant 1.000000e+00 : f32
      %add3A_116 = vector.broadcast %add3A_115 : f32 to vector<16x128xf32>
      %add3A_117 = arith.addf %sub3A_114, %add3A_116 : vector<16x128xf32>
      %mul3A_118 = arith.mulf %add3A_113, %add3A_117 : vector<16x128xf32>
      %get3A_119 = arith.constant 0 : index
      %get3A_120 = arith.constant 0 : index
      %get3A_121 = arith.constant 0 : index
      %get3A_122 = arith.constant 0 : index
      %get3A_123 = vector.load %arg5[%get3A_119, %get3A_120, %get3A_121, %get3A_122] : memref<1x1x20x4xf32, #tpu.memory_space<vmem>>, vector<1x1x1x1xf32>
      %get3A_124 = vector.extract %get3A_123[0, 0, 0, 0] : f32 from vector<1x1x1x1xf32>
      %get3A_125 = arith.constant 0 : index
      %get3A_126 = arith.constant 0 : index
      %get3A_127 = arith.constant 0 : index
      %get3A_128 = arith.constant 1 : index
      %get3A_129 = vector.load %arg5[%get3A_125, %get3A_126, %get3A_127, %get3A_128] : memref<1x1x20x4xf32, #tpu.memory_space<vmem>>, vector<1x1x1x1xf32>
      %get3A_130 = vector.extract %get3A_129[0, 0, 0, 0] : f32 from vector<1x1x1x1xf32>
      %get3A_131 = arith.constant 0 : index
      %get3A_132 = arith.constant 0 : index
      %get3A_133 = arith.constant 0 : index
      %get3A_134 = arith.constant 2 : index
      %get3A_135 = vector.load %arg5[%get3A_131, %get3A_132, %get3A_133, %get3A_134] : memref<1x1x20x4xf32, #tpu.memory_space<vmem>>, vector<1x1x1x1xf32>
      %get3A_136 = vector.extract %get3A_135[0, 0, 0, 0] : f32 from vector<1x1x1x1xf32>
      %get3A_137 = arith.constant 0 : index
      %get3A_138 = arith.constant 0 : index
      %get3A_139 = arith.constant 0 : index
      %get3A_140 = arith.constant 3 : index
      %get3A_141 = vector.load %arg5[%get3A_137, %get3A_138, %get3A_139, %get3A_140] : memref<1x1x20x4xf32, #tpu.memory_space<vmem>>, vector<1x1x1x1xf32>
      %get3A_142 = vector.extract %get3A_141[0, 0, 0, 0] : f32 from vector<1x1x1x1xf32>
      %min3A = vector.broadcast %get3A_136 : f32 to vector<16x128xf32>
      %min3A_143 = arith.minimumf %sub3A_84, %min3A : vector<16x128xf32>
      %max3A = vector.broadcast %get3A_124 : f32 to vector<16x128xf32>
      %max3A_144 = arith.maximumf %sub3A_73, %max3A : vector<16x128xf32>
      %sub3A_145 = arith.subf %min3A_143, %max3A_144 : vector<16x128xf32>
      %add3A_146 = arith.constant 1.000000e+00 : f32
      %add3A_147 = vector.broadcast %add3A_146 : f32 to vector<16x128xf32>
      %add3A_148 = arith.addf %sub3A_145, %add3A_147 : vector<16x128xf32>
      %max3A_149 = arith.constant 0.000000e+00 : f32
      %max3A_150 = vector.broadcast %max3A_149 : f32 to vector<16x128xf32>
      %max3A_151 = arith.maximumf %add3A_148, %max3A_150 : vector<16x128xf32>
      %min3A_152 = vector.broadcast %get3A_142 : f32 to vector<16x128xf32>
      %min3A_153 = arith.minimumf %sub3A_91, %min3A_152 : vector<16x128xf32>
      %max3A_154 = vector.broadcast %get3A_130 : f32 to vector<16x128xf32>
      %max3A_155 = arith.maximumf %sub3A_77, %max3A_154 : vector<16x128xf32>
      %sub3A_156 = arith.subf %min3A_153, %max3A_155 : vector<16x128xf32>
      %add3A_157 = arith.constant 1.000000e+00 : f32
      %add3A_158 = vector.broadcast %add3A_157 : f32 to vector<16x128xf32>
      %add3A_159 = arith.addf %sub3A_156, %add3A_158 : vector<16x128xf32>
      %max3A_160 = arith.constant 0.000000e+00 : f32
      %max3A_161 = vector.broadcast %max3A_160 : f32 to vector<16x128xf32>
      %max3A_162 = arith.maximumf %add3A_159, %max3A_161 : vector<16x128xf32>
      %mul3A_163 = arith.mulf %max3A_151, %max3A_162 : vector<16x128xf32>
      %sub3A_164 = arith.subf %get3A_136, %get3A_124 : f32
      %add3A_165 = arith.constant 1.000000e+00 : f32
      %add3A_166 = arith.addf %sub3A_164, %add3A_165 : f32
      %sub3A_167 = arith.subf %get3A_142, %get3A_130 : f32
      %add3A_168 = arith.constant 1.000000e+00 : f32
      %add3A_169 = arith.addf %sub3A_167, %add3A_168 : f32
      %mul3A_170 = arith.mulf %add3A_166, %add3A_169 : f32
      %add3A_171 = vector.broadcast %mul3A_170 : f32 to vector<16x128xf32>
      %add3A_172 = arith.addf %mul3A_118, %add3A_171 : vector<16x128xf32>
      %sub3A_173 = arith.subf %add3A_172, %mul3A_163 : vector<16x128xf32>
      %div3A = arith.divf %mul3A_163, %sub3A_173 : vector<16x128xf32>
      %jit3A = arith.constant -1.000000e+00 : f32
      %broadcast_in_dim3A = vector.broadcast %jit3A : f32 to vector<16x128xf32>
      %select_n3A = arith.select %and3A_103, %div3A, %broadcast_in_dim3A : vector<16x128xi1>, vector<16x128xf32>
      %swap3A_174 = arith.index_cast %arg2 : i32 to index
      %swap3A_175 = arith.constant 0 : index
      %swap3A_176 = arith.constant 0 : index
      %swap3A_177 = arith.constant 0 : index
      %swap3A_178 = vector.load %arg7[%swap3A_174, %swap3A_175, %swap3A_176, %swap3A_177] : memref<10x20x16x128xf32, #tpu.memory_space<vmem>>, vector<1x1x16x128xf32>
      %swap3A_179 = vector.shape_cast %swap3A_178 : vector<1x1x16x128xf32> to vector<16x128xf32>
      %swap3A_180 = vector.shape_cast %select_n3A : vector<16x128xf32> to vector<1x1x16x128xf32>
      tpu.vector_store %arg7[%swap3A_174, %swap3A_175, %swap3A_176, %swap3A_177], %swap3A_180 {strides = array<i32>} : memref<10x20x16x128xf32, #tpu.memory_space<vmem>>, vector<1x1x16x128xf32>,
      %eq3A_181 = arith.constant 0 : i32
      %eq3A_182 = arith.cmpi eq, %arg2, %eq3A_181 : i32
      %convert_element_type3A_183 = arith.extui %eq3A_182 : i1 to i32
      %cond3A_184 = arith.constant 0 : i32
      %cond3A_185 = arith.cmpi ne, %convert_element_type3A_183, %cond3A_184 : i32
      scf.if %cond3A_185 {
        %swap3A_1677 = arith.constant 0 : index
        %swap3A_1678 = arith.constant 0 : index
        %swap3A_1679 = arith.constant 0 : index
        %swap3A_1680 = vector.load %arg9[%swap3A_1677, %swap3A_1678, %swap3A_1679] : memref<20x16x128xf32, #tpu.memory_space<vmem>>, vector<1x16x128xf32>
        %swap3A_1681 = vector.shape_cast %swap3A_1680 : vector<1x16x128xf32> to vector<16x128xf32>
        %swap3A_1682 = vector.shape_cast %select_n3A : vector<16x128xf32> to vector<1x16x128xf32>
        tpu.vector_store %arg9[%swap3A_1677, %swap3A_1678, %swap3A_1679], %swap3A_1682 {strides = array<i32>} : memref<20x16x128xf32, #tpu.memory_space<vmem>>, vector<1x16x128xf32>,
      } else {
      }
      %gt3A = arith.constant 0 : i32
      %gt3A_186 = arith.cmpi sgt, %arg2, %gt3A : i32
      %convert_element_type3A_187 = arith.extui %gt3A_186 : i1 to i32
      %cond3A_188 = arith.constant 0 : i32
      %cond3A_189 = arith.cmpi ne, %convert_element_type3A_187, %cond3A_188 : i32
      scf.if %cond3A_189 {
        %get3A_1677 = arith.constant 0 : index
        %get3A_1678 = arith.constant 0 : index
        %get3A_1679 = arith.constant 0 : index
        %get3A_1680 = vector.load %arg9[%get3A_1677, %get3A_1678, %get3A_1679] : memref<20x16x128xf32, #tpu.memory_space<vmem>>, vector<1x16x128xf32>
        %get3A_1681 = vector.shape_cast %get3A_1680 : vector<1x16x128xf32> to vector<16x128xf32>
        %max3A_1682 = arith.maximumf %get3A_1681, %select_n3A : vector<16x128xf32>
        %swap3A_1683 = arith.constant 0 : index
        %swap3A_1684 = arith.constant 0 : index
        %swap3A_1685 = arith.constant 0 : index
        %swap3A_1686 = vector.load %arg9[%swap3A_1683, %swap3A_1684, %swap3A_1685] : memref<20x16x128xf32, #tpu.memory_space<vmem>>, vector<1x16x128xf32>
        %swap3A_1687 = vector.shape_cast %swap3A_1686 : vector<1x16x128xf32> to vector<16x128xf32>
        %swap3A_1688 = vector.shape_cast %max3A_1682 : vector<16x128xf32> to vector<1x16x128xf32>
        tpu.vector_store %arg9[%swap3A_1683, %swap3A_1684, %swap3A_1685], %swap3A_1688 {strides = array<i32>} : memref<20x16x128xf32, #tpu.memory_space<vmem>>, vector<1x16x128xf32>,
      } else {
      }
      %get3A_190 = arith.constant 0 : index
      %get3A_191 = arith.constant 0 : index
      %get3A_192 = arith.constant 1 : index
      %get3A_193 = arith.constant 0 : index
      %get3A_194 = vector.load %arg5[%get3A_190, %get3A_191, %get3A_192, %get3A_193] : memref<1x1x20x4xf32, #tpu.memory_space<vmem>>, vector<1x1x1x1xf32>
      %get3A_195 = vector.extract %get3A_194[0, 0, 0, 0] : f32 from vector<1x1x1x1xf32>
      %get3A_196 = arith.constant 0 : index
      %get3A_197 = arith.constant 0 : index
      %get3A_198 = arith.constant 1 : index
      %get3A_199 = arith.constant 1 : index
      %get3A_200 = vector.load %arg5[%get3A_196, %get3A_197, %get3A_198, %get3A_199] : memref<1x1x20x4xf32, #tpu.memory_space<vmem>>, vector<1x1x1x1xf32>
      %get3A_201 = vector.extract %get3A_200[0, 0, 0, 0] : f32 from vector<1x1x1x1xf32>
      %get3A_202 = arith.constant 0 : index
      %get3A_203 = arith.constant 0 : index
      %get3A_204 = arith.constant 1 : index
      %get3A_205 = arith.constant 2 : index
      %get3A_206 = vector.load %arg5[%get3A_202, %get3A_203, %get3A_204, %get3A_205] : memref<1x1x20x4xf32, #tpu.memory_space<vmem>>, vector<1x1x1x1xf32>
      %get3A_207 = vector.extract %get3A_206[0, 0, 0, 0] : f32 from vector<1x1x1x1xf32>
      %get3A_208 = arith.constant 0 : index
      %get3A_209 = arith.constant 0 : index
      %get3A_210 = arith.constant 1 : index
      %get3A_211 = arith.constant 3 : index
      %get3A_212 = vector.load %arg5[%get3A_208, %get3A_209, %get3A_210, %get3A_211] : memref<1x1x20x4xf32, #tpu.memory_space<vmem>>, vector<1x1x1x1xf32>
      %get3A_213 = vector.extract %get3A_212[0, 0, 0, 0] : f32 from vector<1x1x1x1xf32>
      %min3A_214 = vector.broadcast %get3A_207 : f32 to vector<16x128xf32>
      %min3A_215 = arith.minimumf %sub3A_84, %min3A_214 : vector<16x128xf32>
      %max3A_216 = vector.broadcast %get3A_195 : f32 to vector<16x128xf32>
      %max3A_217 = arith.maximumf %sub3A_73, %max3A_216 : vector<16x128xf32>
      %sub3A_218 = arith.subf %min3A_215, %max3A_217 : vector<16x128xf32>
      %add3A_219 = arith.constant 1.000000e+00 : f32
      %add3A_220 = vector.broadcast %add3A_219 : f32 to vector<16x128xf32>
      %add3A_221 = arith.addf %sub3A_218, %add3A_220 : vector<16x128xf32>
      %max3A_222 = arith.constant 0.000000e+00 : f32
      %max3A_223 = vector.broadcast %max3A_222 : f32 to vector<16x128xf32>
      %max3A_224 = arith.maximumf %add3A_221, %max3A_223 : vector<16x128xf32>
      %min3A_225 = vector.broadcast %get3A_213 : f32 to vector<16x128xf32>
      %min3A_226 = arith.minimumf %sub3A_91, %min3A_225 : vector<16x128xf32>
      %max3A_227 = vector.broadcast %get3A_201 : f32 to vector<16x128xf32>
      %max3A_228 = arith.maximumf %sub3A_77, %max3A_227 : vector<16x128xf32>
      %sub3A_229 = arith.subf %min3A_226, %max3A_228 : vector<16x128xf32>
      %add3A_230 = arith.constant 1.000000e+00 : f32
      %add3A_231 = vector.broadcast %add3A_230 : f32 to vector<16x128xf32>
      %add3A_232 = arith.addf %sub3A_229, %add3A_231 : vector<16x128xf32>
      %max3A_233 = arith.constant 0.000000e+00 : f32
      %max3A_234 = vector.broadcast %max3A_233 : f32 to vector<16x128xf32>
      %max3A_235 = arith.maximumf %add3A_232, %max3A_234 : vector<16x128xf32>
      %mul3A_236 = arith.mulf %max3A_224, %max3A_235 : vector<16x128xf32>
      %sub3A_237 = arith.subf %get3A_207, %get3A_195 : f32
      %add3A_238 = arith.constant 1.000000e+00 : f32
      %add3A_239 = arith.addf %sub3A_237, %add3A_238 : f32
      %sub3A_240 = arith.subf %get3A_213, %get3A_201 : f32
      %add3A_241 = arith.constant 1.000000e+00 : f32
      %add3A_242 = arith.addf %sub3A_240, %add3A_241 : f32
      %mul3A_243 = arith.mulf %add3A_239, %add3A_242 : f32
      %add3A_244 = vector.broadcast %mul3A_243 : f32 to vector<16x128xf32>
      %add3A_245 = arith.addf %mul3A_118, %add3A_244 : vector<16x128xf32>
      %sub3A_246 = arith.subf %add3A_245, %mul3A_236 : vector<16x128xf32>
      %div3A_247 = arith.divf %mul3A_236, %sub3A_246 : vector<16x128xf32>
      %jit3A_248 = arith.constant -1.000000e+00 : f32
      %broadcast_in_dim3A_249 = vector.broadcast %jit3A_248 : f32 to vector<16x128xf32>
      %select_n3A_250 = arith.select %and3A_103, %div3A_247, %broadcast_in_dim3A_249 : vector<16x128xi1>, vector<16x128xf32>
      %swap3A_251 = arith.index_cast %arg2 : i32 to index
      %swap3A_252 = arith.constant 1 : index
      %swap3A_253 = arith.constant 0 : index
      %swap3A_254 = arith.constant 0 : index
      %swap3A_255 = vector.load %arg7[%swap3A_251, %swap3A_252, %swap3A_253, %swap3A_254] : memref<10x20x16x128xf32, #tpu.memory_space<vmem>>, vector<1x1x16x128xf32>
      %swap3A_256 = vector.shape_cast %swap3A_255 : vector<1x1x16x128xf32> to vector<16x128xf32>
      %swap3A_257 = vector.shape_cast %select_n3A_250 : vector<16x128xf32> to vector<1x1x16x128xf32>
      tpu.vector_store %arg7[%swap3A_251, %swap3A_252, %swap3A_253, %swap3A_254], %swap3A_257 {strides = array<i32>} : memref<10x20x16x128xf32, #tpu.memory_space<vmem>>, vector<1x1x16x128xf32>,
      %eq3A_258 = arith.constant 0 : i32
      %eq3A_259 = arith.cmpi eq, %arg2, %eq3A_258 : i32
      %convert_element_type3A_260 = arith.extui %eq3A_259 : i1 to i32
      %cond3A_261 = arith.constant 0 : i32
      %cond3A_262 = arith.cmpi ne, %convert_element_type3A_260, %cond3A_261 : i32
      scf.if %cond3A_262 {
        %swap3A_1677 = arith.constant 1 : index
        %swap3A_1678 = arith.constant 0 : index
        %swap3A_1679 = arith.constant 0 : index
        %swap3A_1680 = vector.load %arg9[%swap3A_1677, %swap3A_1678, %swap3A_1679] : memref<20x16x128xf32, #tpu.memory_space<vmem>>, vector<1x16x128xf32>
        %swap3A_1681 = vector.shape_cast %swap3A_1680 : vector<1x16x128xf32> to vector<16x128xf32>
        %swap3A_1682 = vector.shape_cast %select_n3A_250 : vector<16x128xf32> to vector<1x16x128xf32>
        tpu.vector_store %arg9[%swap3A_1677, %swap3A_1678, %swap3A_1679], %swap3A_1682 {strides = array<i32>} : memref<20x16x128xf32, #tpu.memory_space<vmem>>, vector<1x16x128xf32>,
      } else {
      }
      %gt3A_263 = arith.constant 0 : i32
      %gt3A_264 = arith.cmpi sgt, %arg2, %gt3A_263 : i32
      %convert_element_type3A_265 = arith.extui %gt3A_264 : i1 to i32
      %cond3A_266 = arith.constant 0 : i32
      %cond3A_267 = arith.cmpi ne, %convert_element_type3A_265, %cond3A_266 : i32
      scf.if %cond3A_267 {
        %get3A_1677 = arith.constant 1 : index
        %get3A_1678 = arith.constant 0 : index
        %get3A_1679 = arith.constant 0 : index
        %get3A_1680 = vector.load %arg9[%get3A_1677, %get3A_1678, %get3A_1679] : memref<20x16x128xf32, #tpu.memory_space<vmem>>, vector<1x16x128xf32>
        %get3A_1681 = vector.shape_cast %get3A_1680 : vector<1x16x128xf32> to vector<16x128xf32>
        %max3A_1682 = arith.maximumf %get3A_1681, %select_n3A_250 : vector<16x128xf32>
        %swap3A_1683 = arith.constant 1 : index
        %swap3A_1684 = arith.constant 0 : index
        %swap3A_1685 = arith.constant 0 : index
        %swap3A_1686 = vector.load %arg9[%swap3A_1683, %swap3A_1684, %swap3A_1685] : memref<20x16x128xf32, #tpu.memory_space<vmem>>, vector<1x16x128xf32>
        %swap3A_1687 = vector.shape_cast %swap3A_1686 : vector<1x16x128xf32> to vector<16x128xf32>
        %swap3A_1688 = vector.shape_cast %max3A_1682 : vector<16x128xf32> to vector<1x16x128xf32>
        tpu.vector_store %arg9[%swap3A_1683, %swap3A_1684, %swap3A_1685], %swap3A_1688 {strides = array<i32>} : memref<20x16x128xf32, #tpu.memory_space<vmem>>, vector<1x16x128xf32>,
      } else {
      }
      %get3A_268 = arith.constant 0 : index
      %get3A_269 = arith.constant 0 : index
      %get3A_270 = arith.constant 2 : index
      %get3A_271 = arith.constant 0 : index
      %get3A_272 = vector.load %arg5[%get3A_268, %get3A_269, %get3A_270, %get3A_271] : memref<1x1x20x4xf32, #tpu.memory_space<vmem>>, vector<1x1x1x1xf32>
      %get3A_273 = vector.extract %get3A_272[0, 0, 0, 0] : f32 from vector<1x1x1x1xf32>
      %get3A_274 = arith.constant 0 : index
      %get3A_275 = arith.constant 0 : index
      %get3A_276 = arith.constant 2 : index
      %get3A_277 = arith.constant 1 : index
      %get3A_278 = vector.load %arg5[%get3A_274, %get3A_275, %get3A_276, %get3A_277] : memref<1x1x20x4xf32, #tpu.memory_space<vmem>>, vector<1x1x1x1xf32>
      %get3A_279 = vector.extract %get3A_278[0, 0, 0, 0] : f32 from vector<1x1x1x1xf32>
      %get3A_280 = arith.constant 0 : index
      %get3A_281 = arith.constant 0 : index
      %get3A_282 = arith.constant 2 : index
      %get3A_283 = arith.constant 2 : index
      %get3A_284 = vector.load %arg5[%get3A_280, %get3A_281, %get3A_282, %get3A_283] : memref<1x1x20x4xf32, #tpu.memory_space<vmem>>, vector<1x1x1x1xf32>
      %get3A_285 = vector.extract %get3A_284[0, 0, 0, 0] : f32 from vector<1x1x1x1xf32>
      %get3A_286 = arith.constant 0 : index
      %get3A_287 = arith.constant 0 : index
      %get3A_288 = arith.constant 2 : index
      %get3A_289 = arith.constant 3 : index
      %get3A_290 = vector.load %arg5[%get3A_286, %get3A_287, %get3A_288, %get3A_289] : memref<1x1x20x4xf32, #tpu.memory_space<vmem>>, vector<1x1x1x1xf32>
      %get3A_291 = vector.extract %get3A_290[0, 0, 0, 0] : f32 from vector<1x1x1x1xf32>
      %min3A_292 = vector.broadcast %get3A_285 : f32 to vector<16x128xf32>
      %min3A_293 = arith.minimumf %sub3A_84, %min3A_292 : vector<16x128xf32>
      %max3A_294 = vector.broadcast %get3A_273 : f32 to vector<16x128xf32>
      %max3A_295 = arith.maximumf %sub3A_73, %max3A_294 : vector<16x128xf32>
      %sub3A_296 = arith.subf %min3A_293, %max3A_295 : vector<16x128xf32>
      %add3A_297 = arith.constant 1.000000e+00 : f32
      %add3A_298 = vector.broadcast %add3A_297 : f32 to vector<16x128xf32>
      %add3A_299 = arith.addf %sub3A_296, %add3A_298 : vector<16x128xf32>
      %max3A_300 = arith.constant 0.000000e+00 : f32
      %max3A_301 = vector.broadcast %max3A_300 : f32 to vector<16x128xf32>
      %max3A_302 = arith.maximumf %add3A_299, %max3A_301 : vector<16x128xf32>
      %min3A_303 = vector.broadcast %get3A_291 : f32 to vector<16x128xf32>
      %min3A_304 = arith.minimumf %sub3A_91, %min3A_303 : vector<16x128xf32>
      %max3A_305 = vector.broadcast %get3A_279 : f32 to vector<16x128xf32>
      %max3A_306 = arith.maximumf %sub3A_77, %max3A_305 : vector<16x128xf32>
      %sub3A_307 = arith.subf %min3A_304, %max3A_306 : vector<16x128xf32>
      %add3A_308 = arith.constant 1.000000e+00 : f32
      %add3A_309 = vector.broadcast %add3A_308 : f32 to vector<16x128xf32>
      %add3A_310 = arith.addf %sub3A_307, %add3A_309 : vector<16x128xf32>
      %max3A_311 = arith.constant 0.000000e+00 : f32
      %max3A_312 = vector.broadcast %max3A_311 : f32 to vector<16x128xf32>
      %max3A_313 = arith.maximumf %add3A_310, %max3A_312 : vector<16x128xf32>
      %mul3A_314 = arith.mulf %max3A_302, %max3A_313 : vector<16x128xf32>
      %sub3A_315 = arith.subf %get3A_285, %get3A_273 : f32
      %add3A_316 = arith.constant 1.000000e+00 : f32
      %add3A_317 = arith.addf %sub3A_315, %add3A_316 : f32
      %sub3A_318 = arith.subf %get3A_291, %get3A_279 : f32
      %add3A_319 = arith.constant 1.000000e+00 : f32
      %add3A_320 = arith.addf %sub3A_318, %add3A_319 : f32
      %mul3A_321 = arith.mulf %add3A_317, %add3A_320 : f32
      %add3A_322 = vector.broadcast %mul3A_321 : f32 to vector<16x128xf32>
      %add3A_323 = arith.addf %mul3A_118, %add3A_322 : vector<16x128xf32>
      %sub3A_324 = arith.subf %add3A_323, %mul3A_314 : vector<16x128xf32>
      %div3A_325 = arith.divf %mul3A_314, %sub3A_324 : vector<16x128xf32>
      %jit3A_326 = arith.constant -1.000000e+00 : f32
      %broadcast_in_dim3A_327 = vector.broadcast %jit3A_326 : f32 to vector<16x128xf32>
      %select_n3A_328 = arith.select %and3A_103, %div3A_325, %broadcast_in_dim3A_327 : vector<16x128xi1>, vector<16x128xf32>
      %swap3A_329 = arith.index_cast %arg2 : i32 to index
      %swap3A_330 = arith.constant 2 : index
      %swap3A_331 = arith.constant 0 : index
      %swap3A_332 = arith.constant 0 : index
      %swap3A_333 = vector.load %arg7[%swap3A_329, %swap3A_330, %swap3A_331, %swap3A_332] : memref<10x20x16x128xf32, #tpu.memory_space<vmem>>, vector<1x1x16x128xf32>
      %swap3A_334 = vector.shape_cast %swap3A_333 : vector<1x1x16x128xf32> to vector<16x128xf32>
      %swap3A_335 = vector.shape_cast %select_n3A_328 : vector<16x128xf32> to vector<1x1x16x128xf32>
      tpu.vector_store %arg7[%swap3A_329, %swap3A_330, %swap3A_331, %swap3A_332], %swap3A_335 {strides = array<i32>} : memref<10x20x16x128xf32, #tpu.memory_space<vmem>>, vector<1x1x16x128xf32>,
      %eq3A_336 = arith.constant 0 : i32
      %eq3A_337 = arith.cmpi eq, %arg2, %eq3A_336 : i32
      %convert_element_type3A_338 = arith.extui %eq3A_337 : i1 to i32
      %cond3A_339 = arith.constant 0 : i32
      %cond3A_340 = arith.cmpi ne, %convert_element_type3A_338, %cond3A_339 : i32
      scf.if %cond3A_340 {
        %swap3A_1677 = arith.constant 2 : index
        %swap3A_1678 = arith.constant 0 : index
        %swap3A_1679 = arith.constant 0 : index
        %swap3A_1680 = vector.load %arg9[%swap3A_1677, %swap3A_1678, %swap3A_1679] : memref<20x16x128xf32, #tpu.memory_space<vmem>>, vector<1x16x128xf32>
        %swap3A_1681 = vector.shape_cast %swap3A_1680 : vector<1x16x128xf32> to vector<16x128xf32>
        %swap3A_1682 = vector.shape_cast %select_n3A_328 : vector<16x128xf32> to vector<1x16x128xf32>
        tpu.vector_store %arg9[%swap3A_1677, %swap3A_1678, %swap3A_1679], %swap3A_1682 {strides = array<i32>} : memref<20x16x128xf32, #tpu.memory_space<vmem>>, vector<1x16x128xf32>,
      } else {
      }
      %gt3A_341 = arith.constant 0 : i32
      %gt3A_342 = arith.cmpi sgt, %arg2, %gt3A_341 : i32
      %convert_element_type3A_343 = arith.extui %gt3A_342 : i1 to i32
      %cond3A_344 = arith.constant 0 : i32
      %cond3A_345 = arith.cmpi ne, %convert_element_type3A_343, %cond3A_344 : i32
      scf.if %cond3A_345 {
        %get3A_1677 = arith.constant 2 : index
        %get3A_1678 = arith.constant 0 : index
        %get3A_1679 = arith.constant 0 : index
        %get3A_1680 = vector.load %arg9[%get3A_1677, %get3A_1678, %get3A_1679] : memref<20x16x128xf32, #tpu.memory_space<vmem>>, vector<1x16x128xf32>
        %get3A_1681 = vector.shape_cast %get3A_1680 : vector<1x16x128xf32> to vector<16x128xf32>
        %max3A_1682 = arith.maximumf %get3A_1681, %select_n3A_328 : vector<16x128xf32>
        %swap3A_1683 = arith.constant 2 : index
        %swap3A_1684 = arith.constant 0 : index
        %swap3A_1685 = arith.constant 0 : index
        %swap3A_1686 = vector.load %arg9[%swap3A_1683, %swap3A_1684, %swap3A_1685] : memref<20x16x128xf32, #tpu.memory_space<vmem>>, vector<1x16x128xf32>
        %swap3A_1687 = vector.shape_cast %swap3A_1686 : vector<1x16x128xf32> to vector<16x128xf32>
        %swap3A_1688 = vector.shape_cast %max3A_1682 : vector<16x128xf32> to vector<1x16x128xf32>
        tpu.vector_store %arg9[%swap3A_1683, %swap3A_1684, %swap3A_1685], %swap3A_1688 {strides = array<i32>} : memref<20x16x128xf32, #tpu.memory_space<vmem>>, vector<1x16x128xf32>,
      } else {
      }
      %get3A_346 = arith.constant 0 : index
      %get3A_347 = arith.constant 0 : index
      %get3A_348 = arith.constant 3 : index
      %get3A_349 = arith.constant 0 : index
      %get3A_350 = vector.load %arg5[%get3A_346, %get3A_347, %get3A_348, %get3A_349] : memref<1x1x20x4xf32, #tpu.memory_space<vmem>>, vector<1x1x1x1xf32>
      %get3A_351 = vector.extract %get3A_350[0, 0, 0, 0] : f32 from vector<1x1x1x1xf32>
      %get3A_352 = arith.constant 0 : index
      %get3A_353 = arith.constant 0 : index
      %get3A_354 = arith.constant 3 : index
      %get3A_355 = arith.constant 1 : index
      %get3A_356 = vector.load %arg5[%get3A_352, %get3A_353, %get3A_354, %get3A_355] : memref<1x1x20x4xf32, #tpu.memory_space<vmem>>, vector<1x1x1x1xf32>
      %get3A_357 = vector.extract %get3A_356[0, 0, 0, 0] : f32 from vector<1x1x1x1xf32>
      %get3A_358 = arith.constant 0 : index
      %get3A_359 = arith.constant 0 : index
      %get3A_360 = arith.constant 3 : index
      %get3A_361 = arith.constant 2 : index
      %get3A_362 = vector.load %arg5[%get3A_358, %get3A_359, %get3A_360, %get3A_361] : memref<1x1x20x4xf32, #tpu.memory_space<vmem>>, vector<1x1x1x1xf32>
      %get3A_363 = vector.extract %get3A_362[0, 0, 0, 0] : f32 from vector<1x1x1x1xf32>
      %get3A_364 = arith.constant 0 : index
      %get3A_365 = arith.constant 0 : index
      %get3A_366 = arith.constant 3 : index
      %get3A_367 = arith.constant 3 : index
      %get3A_368 = vector.load %arg5[%get3A_364, %get3A_365, %get3A_366, %get3A_367] : memref<1x1x20x4xf32, #tpu.memory_space<vmem>>, vector<1x1x1x1xf32>
      %get3A_369 = vector.extract %get3A_368[0, 0, 0, 0] : f32 from vector<1x1x1x1xf32>
      %min3A_370 = vector.broadcast %get3A_363 : f32 to vector<16x128xf32>
      %min3A_371 = arith.minimumf %sub3A_84, %min3A_370 : vector<16x128xf32>
      %max3A_372 = vector.broadcast %get3A_351 : f32 to vector<16x128xf32>
      %max3A_373 = arith.maximumf %sub3A_73, %max3A_372 : vector<16x128xf32>
      %sub3A_374 = arith.subf %min3A_371, %max3A_373 : vector<16x128xf32>
      %add3A_375 = arith.constant 1.000000e+00 : f32
      %add3A_376 = vector.broadcast %add3A_375 : f32 to vector<16x128xf32>
      %add3A_377 = arith.addf %sub3A_374, %add3A_376 : vector<16x128xf32>
      %max3A_378 = arith.constant 0.000000e+00 : f32
      %max3A_379 = vector.broadcast %max3A_378 : f32 to vector<16x128xf32>
      %max3A_380 = arith.maximumf %add3A_377, %max3A_379 : vector<16x128xf32>
      %min3A_381 = vector.broadcast %get3A_369 : f32 to vector<16x128xf32>
      %min3A_382 = arith.minimumf %sub3A_91, %min3A_381 : vector<16x128xf32>
      %max3A_383 = vector.broadcast %get3A_357 : f32 to vector<16x128xf32>
      %max3A_384 = arith.maximumf %sub3A_77, %max3A_383 : vector<16x128xf32>
      %sub3A_385 = arith.subf %min3A_382, %max3A_384 : vector<16x128xf32>
      %add3A_386 = arith.constant 1.000000e+00 : f32
      %add3A_387 = vector.broadcast %add3A_386 : f32 to vector<16x128xf32>
      %add3A_388 = arith.addf %sub3A_385, %add3A_387 : vector<16x128xf32>
      %max3A_389 = arith.constant 0.000000e+00 : f32
      %max3A_390 = vector.broadcast %max3A_389 : f32 to vector<16x128xf32>
      %max3A_391 = arith.maximumf %add3A_388, %max3A_390 : vector<16x128xf32>
      %mul3A_392 = arith.mulf %max3A_380, %max3A_391 : vector<16x128xf32>
      %sub3A_393 = arith.subf %get3A_363, %get3A_351 : f32
      %add3A_394 = arith.constant 1.000000e+00 : f32
      %add3A_395 = arith.addf %sub3A_393, %add3A_394 : f32
      %sub3A_396 = arith.subf %get3A_369, %get3A_357 : f32
      %add3A_397 = arith.constant 1.000000e+00 : f32
      %add3A_398 = arith.addf %sub3A_396, %add3A_397 : f32
      %mul3A_399 = arith.mulf %add3A_395, %add3A_398 : f32
      %add3A_400 = vector.broadcast %mul3A_399 : f32 to vector<16x128xf32>
      %add3A_401 = arith.addf %mul3A_118, %add3A_400 : vector<16x128xf32>
      %sub3A_402 = arith.subf %add3A_401, %mul3A_392 : vector<16x128xf32>
      %div3A_403 = arith.divf %mul3A_392, %sub3A_402 : vector<16x128xf32>
      %jit3A_404 = arith.constant -1.000000e+00 : f32
      %broadcast_in_dim3A_405 = vector.broadcast %jit3A_404 : f32 to vector<16x128xf32>
      %select_n3A_406 = arith.select %and3A_103, %div3A_403, %broadcast_in_dim3A_405 : vector<16x128xi1>, vector<16x128xf32>
      %swap3A_407 = arith.index_cast %arg2 : i32 to index
      %swap3A_408 = arith.constant 3 : index
      %swap3A_409 = arith.constant 0 : index
      %swap3A_410 = arith.constant 0 : index
      %swap3A_411 = vector.load %arg7[%swap3A_407, %swap3A_408, %swap3A_409, %swap3A_410] : memref<10x20x16x128xf32, #tpu.memory_space<vmem>>, vector<1x1x16x128xf32>
      %swap3A_412 = vector.shape_cast %swap3A_411 : vector<1x1x16x128xf32> to vector<16x128xf32>
      %swap3A_413 = vector.shape_cast %select_n3A_406 : vector<16x128xf32> to vector<1x1x16x128xf32>
      tpu.vector_store %arg7[%swap3A_407, %swap3A_408, %swap3A_409, %swap3A_410], %swap3A_413 {strides = array<i32>} : memref<10x20x16x128xf32, #tpu.memory_space<vmem>>, vector<1x1x16x128xf32>,
      %eq3A_414 = arith.constant 0 : i32
      %eq3A_415 = arith.cmpi eq, %arg2, %eq3A_414 : i32
      %convert_element_type3A_416 = arith.extui %eq3A_415 : i1 to i32
      %cond3A_417 = arith.constant 0 : i32
      %cond3A_418 = arith.cmpi ne, %convert_element_type3A_416, %cond3A_417 : i32
      scf.if %cond3A_418 {
        %swap3A_1677 = arith.constant 3 : index
        %swap3A_1678 = arith.constant 0 : index
        %swap3A_1679 = arith.constant 0 : index
        %swap3A_1680 = vector.load %arg9[%swap3A_1677, %swap3A_1678, %swap3A_1679] : memref<20x16x128xf32, #tpu.memory_space<vmem>>, vector<1x16x128xf32>
        %swap3A_1681 = vector.shape_cast %swap3A_1680 : vector<1x16x128xf32> to vector<16x128xf32>
        %swap3A_1682 = vector.shape_cast %select_n3A_406 : vector<16x128xf32> to vector<1x16x128xf32>
        tpu.vector_store %arg9[%swap3A_1677, %swap3A_1678, %swap3A_1679], %swap3A_1682 {strides = array<i32>} : memref<20x16x128xf32, #tpu.memory_space<vmem>>, vector<1x16x128xf32>,
      } else {
      }
      %gt3A_419 = arith.constant 0 : i32
      %gt3A_420 = arith.cmpi sgt, %arg2, %gt3A_419 : i32
      %convert_element_type3A_421 = arith.extui %gt3A_420 : i1 to i32
      %cond3A_422 = arith.constant 0 : i32
      %cond3A_423 = arith.cmpi ne, %convert_element_type3A_421, %cond3A_422 : i32
      scf.if %cond3A_423 {
        %get3A_1677 = arith.constant 3 : index
        %get3A_1678 = arith.constant 0 : index
        %get3A_1679 = arith.constant 0 : index
        %get3A_1680 = vector.load %arg9[%get3A_1677, %get3A_1678, %get3A_1679] : memref<20x16x128xf32, #tpu.memory_space<vmem>>, vector<1x16x128xf32>
        %get3A_1681 = vector.shape_cast %get3A_1680 : vector<1x16x128xf32> to vector<16x128xf32>
        %max3A_1682 = arith.maximumf %get3A_1681, %select_n3A_406 : vector<16x128xf32>
        %swap3A_1683 = arith.constant 3 : index
        %swap3A_1684 = arith.constant 0 : index
        %swap3A_1685 = arith.constant 0 : index
        %swap3A_1686 = vector.load %arg9[%swap3A_1683, %swap3A_1684, %swap3A_1685] : memref<20x16x128xf32, #tpu.memory_space<vmem>>, vector<1x16x128xf32>
        %swap3A_1687 = vector.shape_cast %swap3A_1686 : vector<1x16x128xf32> to vector<16x128xf32>
        %swap3A_1688 = vector.shape_cast %max3A_1682 : vector<16x128xf32> to vector<1x16x128xf32>
        tpu.vector_store %arg9[%swap3A_1683, %swap3A_1684, %swap3A_1685], %swap3A_1688 {strides = array<i32>} : memref<20x16x128xf32, #tpu.memory_space<vmem>>, vector<1x16x128xf32>,
      } else {
      }
      %get3A_424 = arith.constant 0 : index
      %get3A_425 = arith.constant 0 : index
      %get3A_426 = arith.constant 4 : index
      %get3A_427 = arith.constant 0 : index
      %get3A_428 = vector.load %arg5[%get3A_424, %get3A_425, %get3A_426, %get3A_427] : memref<1x1x20x4xf32, #tpu.memory_space<vmem>>, vector<1x1x1x1xf32>
      %get3A_429 = vector.extract %get3A_428[0, 0, 0, 0] : f32 from vector<1x1x1x1xf32>
      %get3A_430 = arith.constant 0 : index
      %get3A_431 = arith.constant 0 : index
      %get3A_432 = arith.constant 4 : index
      %get3A_433 = arith.constant 1 : index
      %get3A_434 = vector.load %arg5[%get3A_430, %get3A_431, %get3A_432, %get3A_433] : memref<1x1x20x4xf32, #tpu.memory_space<vmem>>, vector<1x1x1x1xf32>
      %get3A_435 = vector.extract %get3A_434[0, 0, 0, 0] : f32 from vector<1x1x1x1xf32>
      %get3A_436 = arith.constant 0 : index
      %get3A_437 = arith.constant 0 : index
      %get3A_438 = arith.constant 4 : index
      %get3A_439 = arith.constant 2 : index
      %get3A_440 = vector.load %arg5[%get3A_436, %get3A_437, %get3A_438, %get3A_439] : memref<1x1x20x4xf32, #tpu.memory_space<vmem>>, vector<1x1x1x1xf32>
      %get3A_441 = vector.extract %get3A_440[0, 0, 0, 0] : f32 from vector<1x1x1x1xf32>
      %get3A_442 = arith.constant 0 : index
      %get3A_443 = arith.constant 0 : index
      %get3A_444 = arith.constant 4 : index
      %get3A_445 = arith.constant 3 : index
      %get3A_446 = vector.load %arg5[%get3A_442, %get3A_443, %get3A_444, %get3A_445] : memref<1x1x20x4xf32, #tpu.memory_space<vmem>>, vector<1x1x1x1xf32>
      %get3A_447 = vector.extract %get3A_446[0, 0, 0, 0] : f32 from vector<1x1x1x1xf32>
      %min3A_448 = vector.broadcast %get3A_441 : f32 to vector<16x128xf32>
      %min3A_449 = arith.minimumf %sub3A_84, %min3A_448 : vector<16x128xf32>
      %max3A_450 = vector.broadcast %get3A_429 : f32 to vector<16x128xf32>
      %max3A_451 = arith.maximumf %sub3A_73, %max3A_450 : vector<16x128xf32>
      %sub3A_452 = arith.subf %min3A_449, %max3A_451 : vector<16x128xf32>
      %add3A_453 = arith.constant 1.000000e+00 : f32
      %add3A_454 = vector.broadcast %add3A_453 : f32 to vector<16x128xf32>
      %add3A_455 = arith.addf %sub3A_452, %add3A_454 : vector<16x128xf32>
      %max3A_456 = arith.constant 0.000000e+00 : f32
      %max3A_457 = vector.broadcast %max3A_456 : f32 to vector<16x128xf32>
      %max3A_458 = arith.maximumf %add3A_455, %max3A_457 : vector<16x128xf32>
      %min3A_459 = vector.broadcast %get3A_447 : f32 to vector<16x128xf32>
      %min3A_460 = arith.minimumf %sub3A_91, %min3A_459 : vector<16x128xf32>
      %max3A_461 = vector.broadcast %get3A_435 : f32 to vector<16x128xf32>
      %max3A_462 = arith.maximumf %sub3A_77, %max3A_461 : vector<16x128xf32>
      %sub3A_463 = arith.subf %min3A_460, %max3A_462 : vector<16x128xf32>
      %add3A_464 = arith.constant 1.000000e+00 : f32
      %add3A_465 = vector.broadcast %add3A_464 : f32 to vector<16x128xf32>
      %add3A_466 = arith.addf %sub3A_463, %add3A_465 : vector<16x128xf32>
      %max3A_467 = arith.constant 0.000000e+00 : f32
      %max3A_468 = vector.broadcast %max3A_467 : f32 to vector<16x128xf32>
      %max3A_469 = arith.maximumf %add3A_466, %max3A_468 : vector<16x128xf32>
      %mul3A_470 = arith.mulf %max3A_458, %max3A_469 : vector<16x128xf32>
      %sub3A_471 = arith.subf %get3A_441, %get3A_429 : f32
      %add3A_472 = arith.constant 1.000000e+00 : f32
      %add3A_473 = arith.addf %sub3A_471, %add3A_472 : f32
      %sub3A_474 = arith.subf %get3A_447, %get3A_435 : f32
      %add3A_475 = arith.constant 1.000000e+00 : f32
      %add3A_476 = arith.addf %sub3A_474, %add3A_475 : f32
      %mul3A_477 = arith.mulf %add3A_473, %add3A_476 : f32
      %add3A_478 = vector.broadcast %mul3A_477 : f32 to vector<16x128xf32>
      %add3A_479 = arith.addf %mul3A_118, %add3A_478 : vector<16x128xf32>
      %sub3A_480 = arith.subf %add3A_479, %mul3A_470 : vector<16x128xf32>
      %div3A_481 = arith.divf %mul3A_470, %sub3A_480 : vector<16x128xf32>
      %jit3A_482 = arith.constant -1.000000e+00 : f32
      %broadcast_in_dim3A_483 = vector.broadcast %jit3A_482 : f32 to vector<16x128xf32>
      %select_n3A_484 = arith.select %and3A_103, %div3A_481, %broadcast_in_dim3A_483 : vector<16x128xi1>, vector<16x128xf32>
      %swap3A_485 = arith.index_cast %arg2 : i32 to index
      %swap3A_486 = arith.constant 4 : index
      %swap3A_487 = arith.constant 0 : index
      %swap3A_488 = arith.constant 0 : index
      %swap3A_489 = vector.load %arg7[%swap3A_485, %swap3A_486, %swap3A_487, %swap3A_488] : memref<10x20x16x128xf32, #tpu.memory_space<vmem>>, vector<1x1x16x128xf32>
      %swap3A_490 = vector.shape_cast %swap3A_489 : vector<1x1x16x128xf32> to vector<16x128xf32>
      %swap3A_491 = vector.shape_cast %select_n3A_484 : vector<16x128xf32> to vector<1x1x16x128xf32>
      tpu.vector_store %arg7[%swap3A_485, %swap3A_486, %swap3A_487, %swap3A_488], %swap3A_491 {strides = array<i32>} : memref<10x20x16x128xf32, #tpu.memory_space<vmem>>, vector<1x1x16x128xf32>,
      %eq3A_492 = arith.constant 0 : i32
      %eq3A_493 = arith.cmpi eq, %arg2, %eq3A_492 : i32
      %convert_element_type3A_494 = arith.extui %eq3A_493 : i1 to i32
      %cond3A_495 = arith.constant 0 : i32
      %cond3A_496 = arith.cmpi ne, %convert_element_type3A_494, %cond3A_495 : i32
      scf.if %cond3A_496 {
        %swap3A_1677 = arith.constant 4 : index
        %swap3A_1678 = arith.constant 0 : index
        %swap3A_1679 = arith.constant 0 : index
        %swap3A_1680 = vector.load %arg9[%swap3A_1677, %swap3A_1678, %swap3A_1679] : memref<20x16x128xf32, #tpu.memory_space<vmem>>, vector<1x16x128xf32>
        %swap3A_1681 = vector.shape_cast %swap3A_1680 : vector<1x16x128xf32> to vector<16x128xf32>
        %swap3A_1682 = vector.shape_cast %select_n3A_484 : vector<16x128xf32> to vector<1x16x128xf32>
        tpu.vector_store %arg9[%swap3A_1677, %swap3A_1678, %swap3A_1679], %swap3A_1682 {strides = array<i32>} : memref<20x16x128xf32, #tpu.memory_space<vmem>>, vector<1x16x128xf32>,
      } else {
      }
      %gt3A_497 = arith.constant 0 : i32
      %gt3A_498 = arith.cmpi sgt, %arg2, %gt3A_497 : i32
      %convert_element_type3A_499 = arith.extui %gt3A_498 : i1 to i32
      %cond3A_500 = arith.constant 0 : i32
      %cond3A_501 = arith.cmpi ne, %convert_element_type3A_499, %cond3A_500 : i32
      scf.if %cond3A_501 {
        %get3A_1677 = arith.constant 4 : index
        %get3A_1678 = arith.constant 0 : index
        %get3A_1679 = arith.constant 0 : index
        %get3A_1680 = vector.load %arg9[%get3A_1677, %get3A_1678, %get3A_1679] : memref<20x16x128xf32, #tpu.memory_space<vmem>>, vector<1x16x128xf32>
        %get3A_1681 = vector.shape_cast %get3A_1680 : vector<1x16x128xf32> to vector<16x128xf32>
        %max3A_1682 = arith.maximumf %get3A_1681, %select_n3A_484 : vector<16x128xf32>
        %swap3A_1683 = arith.constant 4 : index
        %swap3A_1684 = arith.constant 0 : index
        %swap3A_1685 = arith.constant 0 : index
        %swap3A_1686 = vector.load %arg9[%swap3A_1683, %swap3A_1684, %swap3A_1685] : memref<20x16x128xf32, #tpu.memory_space<vmem>>, vector<1x16x128xf32>
        %swap3A_1687 = vector.shape_cast %swap3A_1686 : vector<1x16x128xf32> to vector<16x128xf32>
        %swap3A_1688 = vector.shape_cast %max3A_1682 : vector<16x128xf32> to vector<1x16x128xf32>
        tpu.vector_store %arg9[%swap3A_1683, %swap3A_1684, %swap3A_1685], %swap3A_1688 {strides = array<i32>} : memref<20x16x128xf32, #tpu.memory_space<vmem>>, vector<1x16x128xf32>,
      } else {
      }
      %get3A_502 = arith.constant 0 : index
      %get3A_503 = arith.constant 0 : index
      %get3A_504 = arith.constant 5 : index
      %get3A_505 = arith.constant 0 : index
      %get3A_506 = vector.load %arg5[%get3A_502, %get3A_503, %get3A_504, %get3A_505] : memref<1x1x20x4xf32, #tpu.memory_space<vmem>>, vector<1x1x1x1xf32>
      %get3A_507 = vector.extract %get3A_506[0, 0, 0, 0] : f32 from vector<1x1x1x1xf32>
      %get3A_508 = arith.constant 0 : index
      %get3A_509 = arith.constant 0 : index
      %get3A_510 = arith.constant 5 : index
      %get3A_511 = arith.constant 1 : index
      %get3A_512 = vector.load %arg5[%get3A_508, %get3A_509, %get3A_510, %get3A_511] : memref<1x1x20x4xf32, #tpu.memory_space<vmem>>, vector<1x1x1x1xf32>
      %get3A_513 = vector.extract %get3A_512[0, 0, 0, 0] : f32 from vector<1x1x1x1xf32>
      %get3A_514 = arith.constant 0 : index
      %get3A_515 = arith.constant 0 : index
      %get3A_516 = arith.constant 5 : index
      %get3A_517 = arith.constant 2 : index
      %get3A_518 = vector.load %arg5[%get3A_514, %get3A_515, %get3A_516, %get3A_517] : memref<1x1x20x4xf32, #tpu.memory_space<vmem>>, vector<1x1x1x1xf32>
      %get3A_519 = vector.extract %get3A_518[0, 0, 0, 0] : f32 from vector<1x1x1x1xf32>
      %get3A_520 = arith.constant 0 : index
      %get3A_521 = arith.constant 0 : index
      %get3A_522 = arith.constant 5 : index
      %get3A_523 = arith.constant 3 : index
      %get3A_524 = vector.load %arg5[%get3A_520, %get3A_521, %get3A_522, %get3A_523] : memref<1x1x20x4xf32, #tpu.memory_space<vmem>>, vector<1x1x1x1xf32>
      %get3A_525 = vector.extract %get3A_524[0, 0, 0, 0] : f32 from vector<1x1x1x1xf32>
      %min3A_526 = vector.broadcast %get3A_519 : f32 to vector<16x128xf32>
      %min3A_527 = arith.minimumf %sub3A_84, %min3A_526 : vector<16x128xf32>
      %max3A_528 = vector.broadcast %get3A_507 : f32 to vector<16x128xf32>
      %max3A_529 = arith.maximumf %sub3A_73, %max3A_528 : vector<16x128xf32>
      %sub3A_530 = arith.subf %min3A_527, %max3A_529 : vector<16x128xf32>
      %add3A_531 = arith.constant 1.000000e+00 : f32
      %add3A_532 = vector.broadcast %add3A_531 : f32 to vector<16x128xf32>
      %add3A_533 = arith.addf %sub3A_530, %add3A_532 : vector<16x128xf32>
      %max3A_534 = arith.constant 0.000000e+00 : f32
      %max3A_535 = vector.broadcast %max3A_534 : f32 to vector<16x128xf32>
      %max3A_536 = arith.maximumf %add3A_533, %max3A_535 : vector<16x128xf32>
      %min3A_537 = vector.broadcast %get3A_525 : f32 to vector<16x128xf32>
      %min3A_538 = arith.minimumf %sub3A_91, %min3A_537 : vector<16x128xf32>
      %max3A_539 = vector.broadcast %get3A_513 : f32 to vector<16x128xf32>
      %max3A_540 = arith.maximumf %sub3A_77, %max3A_539 : vector<16x128xf32>
      %sub3A_541 = arith.subf %min3A_538, %max3A_540 : vector<16x128xf32>
      %add3A_542 = arith.constant 1.000000e+00 : f32
      %add3A_543 = vector.broadcast %add3A_542 : f32 to vector<16x128xf32>
      %add3A_544 = arith.addf %sub3A_541, %add3A_543 : vector<16x128xf32>
      %max3A_545 = arith.constant 0.000000e+00 : f32
      %max3A_546 = vector.broadcast %max3A_545 : f32 to vector<16x128xf32>
      %max3A_547 = arith.maximumf %add3A_544, %max3A_546 : vector<16x128xf32>
      %mul3A_548 = arith.mulf %max3A_536, %max3A_547 : vector<16x128xf32>
      %sub3A_549 = arith.subf %get3A_519, %get3A_507 : f32
      %add3A_550 = arith.constant 1.000000e+00 : f32
      %add3A_551 = arith.addf %sub3A_549, %add3A_550 : f32
      %sub3A_552 = arith.subf %get3A_525, %get3A_513 : f32
      %add3A_553 = arith.constant 1.000000e+00 : f32
      %add3A_554 = arith.addf %sub3A_552, %add3A_553 : f32
      %mul3A_555 = arith.mulf %add3A_551, %add3A_554 : f32
      %add3A_556 = vector.broadcast %mul3A_555 : f32 to vector<16x128xf32>
      %add3A_557 = arith.addf %mul3A_118, %add3A_556 : vector<16x128xf32>
      %sub3A_558 = arith.subf %add3A_557, %mul3A_548 : vector<16x128xf32>
      %div3A_559 = arith.divf %mul3A_548, %sub3A_558 : vector<16x128xf32>
      %jit3A_560 = arith.constant -1.000000e+00 : f32
      %broadcast_in_dim3A_561 = vector.broadcast %jit3A_560 : f32 to vector<16x128xf32>
      %select_n3A_562 = arith.select %and3A_103, %div3A_559, %broadcast_in_dim3A_561 : vector<16x128xi1>, vector<16x128xf32>
      %swap3A_563 = arith.index_cast %arg2 : i32 to index
      %swap3A_564 = arith.constant 5 : index
      %swap3A_565 = arith.constant 0 : index
      %swap3A_566 = arith.constant 0 : index
      %swap3A_567 = vector.load %arg7[%swap3A_563, %swap3A_564, %swap3A_565, %swap3A_566] : memref<10x20x16x128xf32, #tpu.memory_space<vmem>>, vector<1x1x16x128xf32>
      %swap3A_568 = vector.shape_cast %swap3A_567 : vector<1x1x16x128xf32> to vector<16x128xf32>
      %swap3A_569 = vector.shape_cast %select_n3A_562 : vector<16x128xf32> to vector<1x1x16x128xf32>
      tpu.vector_store %arg7[%swap3A_563, %swap3A_564, %swap3A_565, %swap3A_566], %swap3A_569 {strides = array<i32>} : memref<10x20x16x128xf32, #tpu.memory_space<vmem>>, vector<1x1x16x128xf32>,
      %eq3A_570 = arith.constant 0 : i32
      %eq3A_571 = arith.cmpi eq, %arg2, %eq3A_570 : i32
      %convert_element_type3A_572 = arith.extui %eq3A_571 : i1 to i32
      %cond3A_573 = arith.constant 0 : i32
      %cond3A_574 = arith.cmpi ne, %convert_element_type3A_572, %cond3A_573 : i32
      scf.if %cond3A_574 {
        %swap3A_1677 = arith.constant 5 : index
        %swap3A_1678 = arith.constant 0 : index
        %swap3A_1679 = arith.constant 0 : index
        %swap3A_1680 = vector.load %arg9[%swap3A_1677, %swap3A_1678, %swap3A_1679] : memref<20x16x128xf32, #tpu.memory_space<vmem>>, vector<1x16x128xf32>
        %swap3A_1681 = vector.shape_cast %swap3A_1680 : vector<1x16x128xf32> to vector<16x128xf32>
        %swap3A_1682 = vector.shape_cast %select_n3A_562 : vector<16x128xf32> to vector<1x16x128xf32>
        tpu.vector_store %arg9[%swap3A_1677, %swap3A_1678, %swap3A_1679], %swap3A_1682 {strides = array<i32>} : memref<20x16x128xf32, #tpu.memory_space<vmem>>, vector<1x16x128xf32>,
      } else {
      }
      %gt3A_575 = arith.constant 0 : i32
      %gt3A_576 = arith.cmpi sgt, %arg2, %gt3A_575 : i32
      %convert_element_type3A_577 = arith.extui %gt3A_576 : i1 to i32
      %cond3A_578 = arith.constant 0 : i32
      %cond3A_579 = arith.cmpi ne, %convert_element_type3A_577, %cond3A_578 : i32
      scf.if %cond3A_579 {
        %get3A_1677 = arith.constant 5 : index
        %get3A_1678 = arith.constant 0 : index
        %get3A_1679 = arith.constant 0 : index
        %get3A_1680 = vector.load %arg9[%get3A_1677, %get3A_1678, %get3A_1679] : memref<20x16x128xf32, #tpu.memory_space<vmem>>, vector<1x16x128xf32>
        %get3A_1681 = vector.shape_cast %get3A_1680 : vector<1x16x128xf32> to vector<16x128xf32>
        %max3A_1682 = arith.maximumf %get3A_1681, %select_n3A_562 : vector<16x128xf32>
        %swap3A_1683 = arith.constant 5 : index
        %swap3A_1684 = arith.constant 0 : index
        %swap3A_1685 = arith.constant 0 : index
        %swap3A_1686 = vector.load %arg9[%swap3A_1683, %swap3A_1684, %swap3A_1685] : memref<20x16x128xf32, #tpu.memory_space<vmem>>, vector<1x16x128xf32>
        %swap3A_1687 = vector.shape_cast %swap3A_1686 : vector<1x16x128xf32> to vector<16x128xf32>
        %swap3A_1688 = vector.shape_cast %max3A_1682 : vector<16x128xf32> to vector<1x16x128xf32>
        tpu.vector_store %arg9[%swap3A_1683, %swap3A_1684, %swap3A_1685], %swap3A_1688 {strides = array<i32>} : memref<20x16x128xf32, #tpu.memory_space<vmem>>, vector<1x16x128xf32>,
      } else {
      }
      %get3A_580 = arith.constant 0 : index
      %get3A_581 = arith.constant 0 : index
      %get3A_582 = arith.constant 6 : index
      %get3A_583 = arith.constant 0 : index
      %get3A_584 = vector.load %arg5[%get3A_580, %get3A_581, %get3A_582, %get3A_583] : memref<1x1x20x4xf32, #tpu.memory_space<vmem>>, vector<1x1x1x1xf32>
      %get3A_585 = vector.extract %get3A_584[0, 0, 0, 0] : f32 from vector<1x1x1x1xf32>
      %get3A_586 = arith.constant 0 : index
      %get3A_587 = arith.constant 0 : index
      %get3A_588 = arith.constant 6 : index
      %get3A_589 = arith.constant 1 : index
      %get3A_590 = vector.load %arg5[%get3A_586, %get3A_587, %get3A_588, %get3A_589] : memref<1x1x20x4xf32, #tpu.memory_space<vmem>>, vector<1x1x1x1xf32>
      %get3A_591 = vector.extract %get3A_590[0, 0, 0, 0] : f32 from vector<1x1x1x1xf32>
      %get3A_592 = arith.constant 0 : index
      %get3A_593 = arith.constant 0 : index
      %get3A_594 = arith.constant 6 : index
      %get3A_595 = arith.constant 2 : index
      %get3A_596 = vector.load %arg5[%get3A_592, %get3A_593, %get3A_594, %get3A_595] : memref<1x1x20x4xf32, #tpu.memory_space<vmem>>, vector<1x1x1x1xf32>
      %get3A_597 = vector.extract %get3A_596[0, 0, 0, 0] : f32 from vector<1x1x1x1xf32>
      %get3A_598 = arith.constant 0 : index
      %get3A_599 = arith.constant 0 : index
      %get3A_600 = arith.constant 6 : index
      %get3A_601 = arith.constant 3 : index
      %get3A_602 = vector.load %arg5[%get3A_598, %get3A_599, %get3A_600, %get3A_601] : memref<1x1x20x4xf32, #tpu.memory_space<vmem>>, vector<1x1x1x1xf32>
      %get3A_603 = vector.extract %get3A_602[0, 0, 0, 0] : f32 from vector<1x1x1x1xf32>
      %min3A_604 = vector.broadcast %get3A_597 : f32 to vector<16x128xf32>
      %min3A_605 = arith.minimumf %sub3A_84, %min3A_604 : vector<16x128xf32>
      %max3A_606 = vector.broadcast %get3A_585 : f32 to vector<16x128xf32>
      %max3A_607 = arith.maximumf %sub3A_73, %max3A_606 : vector<16x128xf32>
      %sub3A_608 = arith.subf %min3A_605, %max3A_607 : vector<16x128xf32>
      %add3A_609 = arith.constant 1.000000e+00 : f32
      %add3A_610 = vector.broadcast %add3A_609 : f32 to vector<16x128xf32>
      %add3A_611 = arith.addf %sub3A_608, %add3A_610 : vector<16x128xf32>
      %max3A_612 = arith.constant 0.000000e+00 : f32
      %max3A_613 = vector.broadcast %max3A_612 : f32 to vector<16x128xf32>
      %max3A_614 = arith.maximumf %add3A_611, %max3A_613 : vector<16x128xf32>
      %min3A_615 = vector.broadcast %get3A_603 : f32 to vector<16x128xf32>
      %min3A_616 = arith.minimumf %sub3A_91, %min3A_615 : vector<16x128xf32>
      %max3A_617 = vector.broadcast %get3A_591 : f32 to vector<16x128xf32>
      %max3A_618 = arith.maximumf %sub3A_77, %max3A_617 : vector<16x128xf32>
      %sub3A_619 = arith.subf %min3A_616, %max3A_618 : vector<16x128xf32>
      %add3A_620 = arith.constant 1.000000e+00 : f32
      %add3A_621 = vector.broadcast %add3A_620 : f32 to vector<16x128xf32>
      %add3A_622 = arith.addf %sub3A_619, %add3A_621 : vector<16x128xf32>
      %max3A_623 = arith.constant 0.000000e+00 : f32
      %max3A_624 = vector.broadcast %max3A_623 : f32 to vector<16x128xf32>
      %max3A_625 = arith.maximumf %add3A_622, %max3A_624 : vector<16x128xf32>
      %mul3A_626 = arith.mulf %max3A_614, %max3A_625 : vector<16x128xf32>
      %sub3A_627 = arith.subf %get3A_597, %get3A_585 : f32
      %add3A_628 = arith.constant 1.000000e+00 : f32
      %add3A_629 = arith.addf %sub3A_627, %add3A_628 : f32
      %sub3A_630 = arith.subf %get3A_603, %get3A_591 : f32
      %add3A_631 = arith.constant 1.000000e+00 : f32
      %add3A_632 = arith.addf %sub3A_630, %add3A_631 : f32
      %mul3A_633 = arith.mulf %add3A_629, %add3A_632 : f32
      %add3A_634 = vector.broadcast %mul3A_633 : f32 to vector<16x128xf32>
      %add3A_635 = arith.addf %mul3A_118, %add3A_634 : vector<16x128xf32>
      %sub3A_636 = arith.subf %add3A_635, %mul3A_626 : vector<16x128xf32>
      %div3A_637 = arith.divf %mul3A_626, %sub3A_636 : vector<16x128xf32>
      %jit3A_638 = arith.constant -1.000000e+00 : f32
      %broadcast_in_dim3A_639 = vector.broadcast %jit3A_638 : f32 to vector<16x128xf32>
      %select_n3A_640 = arith.select %and3A_103, %div3A_637, %broadcast_in_dim3A_639 : vector<16x128xi1>, vector<16x128xf32>
      %swap3A_641 = arith.index_cast %arg2 : i32 to index
      %swap3A_642 = arith.constant 6 : index
      %swap3A_643 = arith.constant 0 : index
      %swap3A_644 = arith.constant 0 : index
      %swap3A_645 = vector.load %arg7[%swap3A_641, %swap3A_642, %swap3A_643, %swap3A_644] : memref<10x20x16x128xf32, #tpu.memory_space<vmem>>, vector<1x1x16x128xf32>
      %swap3A_646 = vector.shape_cast %swap3A_645 : vector<1x1x16x128xf32> to vector<16x128xf32>
      %swap3A_647 = vector.shape_cast %select_n3A_640 : vector<16x128xf32> to vector<1x1x16x128xf32>
      tpu.vector_store %arg7[%swap3A_641, %swap3A_642, %swap3A_643, %swap3A_644], %swap3A_647 {strides = array<i32>} : memref<10x20x16x128xf32, #tpu.memory_space<vmem>>, vector<1x1x16x128xf32>,
      %eq3A_648 = arith.constant 0 : i32
      %eq3A_649 = arith.cmpi eq, %arg2, %eq3A_648 : i32
      %convert_element_type3A_650 = arith.extui %eq3A_649 : i1 to i32
      %cond3A_651 = arith.constant 0 : i32
      %cond3A_652 = arith.cmpi ne, %convert_element_type3A_650, %cond3A_651 : i32
      scf.if %cond3A_652 {
        %swap3A_1677 = arith.constant 6 : index
        %swap3A_1678 = arith.constant 0 : index
        %swap3A_1679 = arith.constant 0 : index
        %swap3A_1680 = vector.load %arg9[%swap3A_1677, %swap3A_1678, %swap3A_1679] : memref<20x16x128xf32, #tpu.memory_space<vmem>>, vector<1x16x128xf32>
        %swap3A_1681 = vector.shape_cast %swap3A_1680 : vector<1x16x128xf32> to vector<16x128xf32>
        %swap3A_1682 = vector.shape_cast %select_n3A_640 : vector<16x128xf32> to vector<1x16x128xf32>
        tpu.vector_store %arg9[%swap3A_1677, %swap3A_1678, %swap3A_1679], %swap3A_1682 {strides = array<i32>} : memref<20x16x128xf32, #tpu.memory_space<vmem>>, vector<1x16x128xf32>,
      } else {
      }
      %gt3A_653 = arith.constant 0 : i32
      %gt3A_654 = arith.cmpi sgt, %arg2, %gt3A_653 : i32
      %convert_element_type3A_655 = arith.extui %gt3A_654 : i1 to i32
      %cond3A_656 = arith.constant 0 : i32
      %cond3A_657 = arith.cmpi ne, %convert_element_type3A_655, %cond3A_656 : i32
      scf.if %cond3A_657 {
        %get3A_1677 = arith.constant 6 : index
        %get3A_1678 = arith.constant 0 : index
        %get3A_1679 = arith.constant 0 : index
        %get3A_1680 = vector.load %arg9[%get3A_1677, %get3A_1678, %get3A_1679] : memref<20x16x128xf32, #tpu.memory_space<vmem>>, vector<1x16x128xf32>
        %get3A_1681 = vector.shape_cast %get3A_1680 : vector<1x16x128xf32> to vector<16x128xf32>
        %max3A_1682 = arith.maximumf %get3A_1681, %select_n3A_640 : vector<16x128xf32>
        %swap3A_1683 = arith.constant 6 : index
        %swap3A_1684 = arith.constant 0 : index
        %swap3A_1685 = arith.constant 0 : index
        %swap3A_1686 = vector.load %arg9[%swap3A_1683, %swap3A_1684, %swap3A_1685] : memref<20x16x128xf32, #tpu.memory_space<vmem>>, vector<1x16x128xf32>
        %swap3A_1687 = vector.shape_cast %swap3A_1686 : vector<1x16x128xf32> to vector<16x128xf32>
        %swap3A_1688 = vector.shape_cast %max3A_1682 : vector<16x128xf32> to vector<1x16x128xf32>
        tpu.vector_store %arg9[%swap3A_1683, %swap3A_1684, %swap3A_1685], %swap3A_1688 {strides = array<i32>} : memref<20x16x128xf32, #tpu.memory_space<vmem>>, vector<1x16x128xf32>,
      } else {
      }
      %get3A_658 = arith.constant 0 : index
      %get3A_659 = arith.constant 0 : index
      %get3A_660 = arith.constant 7 : index
      %get3A_661 = arith.constant 0 : index
      %get3A_662 = vector.load %arg5[%get3A_658, %get3A_659, %get3A_660, %get3A_661] : memref<1x1x20x4xf32, #tpu.memory_space<vmem>>, vector<1x1x1x1xf32>
      %get3A_663 = vector.extract %get3A_662[0, 0, 0, 0] : f32 from vector<1x1x1x1xf32>
      %get3A_664 = arith.constant 0 : index
      %get3A_665 = arith.constant 0 : index
      %get3A_666 = arith.constant 7 : index
      %get3A_667 = arith.constant 1 : index
      %get3A_668 = vector.load %arg5[%get3A_664, %get3A_665, %get3A_666, %get3A_667] : memref<1x1x20x4xf32, #tpu.memory_space<vmem>>, vector<1x1x1x1xf32>
      %get3A_669 = vector.extract %get3A_668[0, 0, 0, 0] : f32 from vector<1x1x1x1xf32>
      %get3A_670 = arith.constant 0 : index
      %get3A_671 = arith.constant 0 : index
      %get3A_672 = arith.constant 7 : index
      %get3A_673 = arith.constant 2 : index
      %get3A_674 = vector.load %arg5[%get3A_670, %get3A_671, %get3A_672, %get3A_673] : memref<1x1x20x4xf32, #tpu.memory_space<vmem>>, vector<1x1x1x1xf32>
      %get3A_675 = vector.extract %get3A_674[0, 0, 0, 0] : f32 from vector<1x1x1x1xf32>
      %get3A_676 = arith.constant 0 : index
      %get3A_677 = arith.constant 0 : index
      %get3A_678 = arith.constant 7 : index
      %get3A_679 = arith.constant 3 : index
      %get3A_680 = vector.load %arg5[%get3A_676, %get3A_677, %get3A_678, %get3A_679] : memref<1x1x20x4xf32, #tpu.memory_space<vmem>>, vector<1x1x1x1xf32>
      %get3A_681 = vector.extract %get3A_680[0, 0, 0, 0] : f32 from vector<1x1x1x1xf32>
      %min3A_682 = vector.broadcast %get3A_675 : f32 to vector<16x128xf32>
      %min3A_683 = arith.minimumf %sub3A_84, %min3A_682 : vector<16x128xf32>
      %max3A_684 = vector.broadcast %get3A_663 : f32 to vector<16x128xf32>
      %max3A_685 = arith.maximumf %sub3A_73, %max3A_684 : vector<16x128xf32>
      %sub3A_686 = arith.subf %min3A_683, %max3A_685 : vector<16x128xf32>
      %add3A_687 = arith.constant 1.000000e+00 : f32
      %add3A_688 = vector.broadcast %add3A_687 : f32 to vector<16x128xf32>
      %add3A_689 = arith.addf %sub3A_686, %add3A_688 : vector<16x128xf32>
      %max3A_690 = arith.constant 0.000000e+00 : f32
      %max3A_691 = vector.broadcast %max3A_690 : f32 to vector<16x128xf32>
      %max3A_692 = arith.maximumf %add3A_689, %max3A_691 : vector<16x128xf32>
      %min3A_693 = vector.broadcast %get3A_681 : f32 to vector<16x128xf32>
      %min3A_694 = arith.minimumf %sub3A_91, %min3A_693 : vector<16x128xf32>
      %max3A_695 = vector.broadcast %get3A_669 : f32 to vector<16x128xf32>
      %max3A_696 = arith.maximumf %sub3A_77, %max3A_695 : vector<16x128xf32>
      %sub3A_697 = arith.subf %min3A_694, %max3A_696 : vector<16x128xf32>
      %add3A_698 = arith.constant 1.000000e+00 : f32
      %add3A_699 = vector.broadcast %add3A_698 : f32 to vector<16x128xf32>
      %add3A_700 = arith.addf %sub3A_697, %add3A_699 : vector<16x128xf32>
      %max3A_701 = arith.constant 0.000000e+00 : f32
      %max3A_702 = vector.broadcast %max3A_701 : f32 to vector<16x128xf32>
      %max3A_703 = arith.maximumf %add3A_700, %max3A_702 : vector<16x128xf32>
      %mul3A_704 = arith.mulf %max3A_692, %max3A_703 : vector<16x128xf32>
      %sub3A_705 = arith.subf %get3A_675, %get3A_663 : f32
      %add3A_706 = arith.constant 1.000000e+00 : f32
      %add3A_707 = arith.addf %sub3A_705, %add3A_706 : f32
      %sub3A_708 = arith.subf %get3A_681, %get3A_669 : f32
      %add3A_709 = arith.constant 1.000000e+00 : f32
      %add3A_710 = arith.addf %sub3A_708, %add3A_709 : f32
      %mul3A_711 = arith.mulf %add3A_707, %add3A_710 : f32
      %add3A_712 = vector.broadcast %mul3A_711 : f32 to vector<16x128xf32>
      %add3A_713 = arith.addf %mul3A_118, %add3A_712 : vector<16x128xf32>
      %sub3A_714 = arith.subf %add3A_713, %mul3A_704 : vector<16x128xf32>
      %div3A_715 = arith.divf %mul3A_704, %sub3A_714 : vector<16x128xf32>
      %jit3A_716 = arith.constant -1.000000e+00 : f32
      %broadcast_in_dim3A_717 = vector.broadcast %jit3A_716 : f32 to vector<16x128xf32>
      %select_n3A_718 = arith.select %and3A_103, %div3A_715, %broadcast_in_dim3A_717 : vector<16x128xi1>, vector<16x128xf32>
      %swap3A_719 = arith.index_cast %arg2 : i32 to index
      %swap3A_720 = arith.constant 7 : index
      %swap3A_721 = arith.constant 0 : index
      %swap3A_722 = arith.constant 0 : index
      %swap3A_723 = vector.load %arg7[%swap3A_719, %swap3A_720, %swap3A_721, %swap3A_722] : memref<10x20x16x128xf32, #tpu.memory_space<vmem>>, vector<1x1x16x128xf32>
      %swap3A_724 = vector.shape_cast %swap3A_723 : vector<1x1x16x128xf32> to vector<16x128xf32>
      %swap3A_725 = vector.shape_cast %select_n3A_718 : vector<16x128xf32> to vector<1x1x16x128xf32>
      tpu.vector_store %arg7[%swap3A_719, %swap3A_720, %swap3A_721, %swap3A_722], %swap3A_725 {strides = array<i32>} : memref<10x20x16x128xf32, #tpu.memory_space<vmem>>, vector<1x1x16x128xf32>,
      %eq3A_726 = arith.constant 0 : i32
      %eq3A_727 = arith.cmpi eq, %arg2, %eq3A_726 : i32
      %convert_element_type3A_728 = arith.extui %eq3A_727 : i1 to i32
      %cond3A_729 = arith.constant 0 : i32
      %cond3A_730 = arith.cmpi ne, %convert_element_type3A_728, %cond3A_729 : i32
      scf.if %cond3A_730 {
        %swap3A_1677 = arith.constant 7 : index
        %swap3A_1678 = arith.constant 0 : index
        %swap3A_1679 = arith.constant 0 : index
        %swap3A_1680 = vector.load %arg9[%swap3A_1677, %swap3A_1678, %swap3A_1679] : memref<20x16x128xf32, #tpu.memory_space<vmem>>, vector<1x16x128xf32>
        %swap3A_1681 = vector.shape_cast %swap3A_1680 : vector<1x16x128xf32> to vector<16x128xf32>
        %swap3A_1682 = vector.shape_cast %select_n3A_718 : vector<16x128xf32> to vector<1x16x128xf32>
        tpu.vector_store %arg9[%swap3A_1677, %swap3A_1678, %swap3A_1679], %swap3A_1682 {strides = array<i32>} : memref<20x16x128xf32, #tpu.memory_space<vmem>>, vector<1x16x128xf32>,
      } else {
      }
      %gt3A_731 = arith.constant 0 : i32
      %gt3A_732 = arith.cmpi sgt, %arg2, %gt3A_731 : i32
      %convert_element_type3A_733 = arith.extui %gt3A_732 : i1 to i32
      %cond3A_734 = arith.constant 0 : i32
      %cond3A_735 = arith.cmpi ne, %convert_element_type3A_733, %cond3A_734 : i32
      scf.if %cond3A_735 {
        %get3A_1677 = arith.constant 7 : index
        %get3A_1678 = arith.constant 0 : index
        %get3A_1679 = arith.constant 0 : index
        %get3A_1680 = vector.load %arg9[%get3A_1677, %get3A_1678, %get3A_1679] : memref<20x16x128xf32, #tpu.memory_space<vmem>>, vector<1x16x128xf32>
        %get3A_1681 = vector.shape_cast %get3A_1680 : vector<1x16x128xf32> to vector<16x128xf32>
        %max3A_1682 = arith.maximumf %get3A_1681, %select_n3A_718 : vector<16x128xf32>
        %swap3A_1683 = arith.constant 7 : index
        %swap3A_1684 = arith.constant 0 : index
        %swap3A_1685 = arith.constant 0 : index
        %swap3A_1686 = vector.load %arg9[%swap3A_1683, %swap3A_1684, %swap3A_1685] : memref<20x16x128xf32, #tpu.memory_space<vmem>>, vector<1x16x128xf32>
        %swap3A_1687 = vector.shape_cast %swap3A_1686 : vector<1x16x128xf32> to vector<16x128xf32>
        %swap3A_1688 = vector.shape_cast %max3A_1682 : vector<16x128xf32> to vector<1x16x128xf32>
        tpu.vector_store %arg9[%swap3A_1683, %swap3A_1684, %swap3A_1685], %swap3A_1688 {strides = array<i32>} : memref<20x16x128xf32, #tpu.memory_space<vmem>>, vector<1x16x128xf32>,
      } else {
      }
      %get3A_736 = arith.constant 0 : index
      %get3A_737 = arith.constant 0 : index
      %get3A_738 = arith.constant 8 : index
      %get3A_739 = arith.constant 0 : index
      %get3A_740 = vector.load %arg5[%get3A_736, %get3A_737, %get3A_738, %get3A_739] : memref<1x1x20x4xf32, #tpu.memory_space<vmem>>, vector<1x1x1x1xf32>
      %get3A_741 = vector.extract %get3A_740[0, 0, 0, 0] : f32 from vector<1x1x1x1xf32>
      %get3A_742 = arith.constant 0 : index
      %get3A_743 = arith.constant 0 : index
      %get3A_744 = arith.constant 8 : index
      %get3A_745 = arith.constant 1 : index
      %get3A_746 = vector.load %arg5[%get3A_742, %get3A_743, %get3A_744, %get3A_745] : memref<1x1x20x4xf32, #tpu.memory_space<vmem>>, vector<1x1x1x1xf32>
      %get3A_747 = vector.extract %get3A_746[0, 0, 0, 0] : f32 from vector<1x1x1x1xf32>
      %get3A_748 = arith.constant 0 : index
      %get3A_749 = arith.constant 0 : index
      %get3A_750 = arith.constant 8 : index
      %get3A_751 = arith.constant 2 : index
      %get3A_752 = vector.load %arg5[%get3A_748, %get3A_749, %get3A_750, %get3A_751] : memref<1x1x20x4xf32, #tpu.memory_space<vmem>>, vector<1x1x1x1xf32>
      %get3A_753 = vector.extract %get3A_752[0, 0, 0, 0] : f32 from vector<1x1x1x1xf32>
      %get3A_754 = arith.constant 0 : index
      %get3A_755 = arith.constant 0 : index
      %get3A_756 = arith.constant 8 : index
      %get3A_757 = arith.constant 3 : index
      %get3A_758 = vector.load %arg5[%get3A_754, %get3A_755, %get3A_756, %get3A_757] : memref<1x1x20x4xf32, #tpu.memory_space<vmem>>, vector<1x1x1x1xf32>
      %get3A_759 = vector.extract %get3A_758[0, 0, 0, 0] : f32 from vector<1x1x1x1xf32>
      %min3A_760 = vector.broadcast %get3A_753 : f32 to vector<16x128xf32>
      %min3A_761 = arith.minimumf %sub3A_84, %min3A_760 : vector<16x128xf32>
      %max3A_762 = vector.broadcast %get3A_741 : f32 to vector<16x128xf32>
      %max3A_763 = arith.maximumf %sub3A_73, %max3A_762 : vector<16x128xf32>
      %sub3A_764 = arith.subf %min3A_761, %max3A_763 : vector<16x128xf32>
      %add3A_765 = arith.constant 1.000000e+00 : f32
      %add3A_766 = vector.broadcast %add3A_765 : f32 to vector<16x128xf32>
      %add3A_767 = arith.addf %sub3A_764, %add3A_766 : vector<16x128xf32>
      %max3A_768 = arith.constant 0.000000e+00 : f32
      %max3A_769 = vector.broadcast %max3A_768 : f32 to vector<16x128xf32>
      %max3A_770 = arith.maximumf %add3A_767, %max3A_769 : vector<16x128xf32>
      %min3A_771 = vector.broadcast %get3A_759 : f32 to vector<16x128xf32>
      %min3A_772 = arith.minimumf %sub3A_91, %min3A_771 : vector<16x128xf32>
      %max3A_773 = vector.broadcast %get3A_747 : f32 to vector<16x128xf32>
      %max3A_774 = arith.maximumf %sub3A_77, %max3A_773 : vector<16x128xf32>
      %sub3A_775 = arith.subf %min3A_772, %max3A_774 : vector<16x128xf32>
      %add3A_776 = arith.constant 1.000000e+00 : f32
      %add3A_777 = vector.broadcast %add3A_776 : f32 to vector<16x128xf32>
      %add3A_778 = arith.addf %sub3A_775, %add3A_777 : vector<16x128xf32>
      %max3A_779 = arith.constant 0.000000e+00 : f32
      %max3A_780 = vector.broadcast %max3A_779 : f32 to vector<16x128xf32>
      %max3A_781 = arith.maximumf %add3A_778, %max3A_780 : vector<16x128xf32>
      %mul3A_782 = arith.mulf %max3A_770, %max3A_781 : vector<16x128xf32>
      %sub3A_783 = arith.subf %get3A_753, %get3A_741 : f32
      %add3A_784 = arith.constant 1.000000e+00 : f32
      %add3A_785 = arith.addf %sub3A_783, %add3A_784 : f32
      %sub3A_786 = arith.subf %get3A_759, %get3A_747 : f32
      %add3A_787 = arith.constant 1.000000e+00 : f32
      %add3A_788 = arith.addf %sub3A_786, %add3A_787 : f32
      %mul3A_789 = arith.mulf %add3A_785, %add3A_788 : f32
      %add3A_790 = vector.broadcast %mul3A_789 : f32 to vector<16x128xf32>
      %add3A_791 = arith.addf %mul3A_118, %add3A_790 : vector<16x128xf32>
      %sub3A_792 = arith.subf %add3A_791, %mul3A_782 : vector<16x128xf32>
      %div3A_793 = arith.divf %mul3A_782, %sub3A_792 : vector<16x128xf32>
      %jit3A_794 = arith.constant -1.000000e+00 : f32
      %broadcast_in_dim3A_795 = vector.broadcast %jit3A_794 : f32 to vector<16x128xf32>
      %select_n3A_796 = arith.select %and3A_103, %div3A_793, %broadcast_in_dim3A_795 : vector<16x128xi1>, vector<16x128xf32>
      %swap3A_797 = arith.index_cast %arg2 : i32 to index
      %swap3A_798 = arith.constant 8 : index
      %swap3A_799 = arith.constant 0 : index
      %swap3A_800 = arith.constant 0 : index
      %swap3A_801 = vector.load %arg7[%swap3A_797, %swap3A_798, %swap3A_799, %swap3A_800] : memref<10x20x16x128xf32, #tpu.memory_space<vmem>>, vector<1x1x16x128xf32>
      %swap3A_802 = vector.shape_cast %swap3A_801 : vector<1x1x16x128xf32> to vector<16x128xf32>
      %swap3A_803 = vector.shape_cast %select_n3A_796 : vector<16x128xf32> to vector<1x1x16x128xf32>
      tpu.vector_store %arg7[%swap3A_797, %swap3A_798, %swap3A_799, %swap3A_800], %swap3A_803 {strides = array<i32>} : memref<10x20x16x128xf32, #tpu.memory_space<vmem>>, vector<1x1x16x128xf32>,
      %eq3A_804 = arith.constant 0 : i32
      %eq3A_805 = arith.cmpi eq, %arg2, %eq3A_804 : i32
      %convert_element_type3A_806 = arith.extui %eq3A_805 : i1 to i32
      %cond3A_807 = arith.constant 0 : i32
      %cond3A_808 = arith.cmpi ne, %convert_element_type3A_806, %cond3A_807 : i32
      scf.if %cond3A_808 {
        %swap3A_1677 = arith.constant 8 : index
        %swap3A_1678 = arith.constant 0 : index
        %swap3A_1679 = arith.constant 0 : index
        %swap3A_1680 = vector.load %arg9[%swap3A_1677, %swap3A_1678, %swap3A_1679] : memref<20x16x128xf32, #tpu.memory_space<vmem>>, vector<1x16x128xf32>
        %swap3A_1681 = vector.shape_cast %swap3A_1680 : vector<1x16x128xf32> to vector<16x128xf32>
        %swap3A_1682 = vector.shape_cast %select_n3A_796 : vector<16x128xf32> to vector<1x16x128xf32>
        tpu.vector_store %arg9[%swap3A_1677, %swap3A_1678, %swap3A_1679], %swap3A_1682 {strides = array<i32>} : memref<20x16x128xf32, #tpu.memory_space<vmem>>, vector<1x16x128xf32>,
      } else {
      }
      %gt3A_809 = arith.constant 0 : i32
      %gt3A_810 = arith.cmpi sgt, %arg2, %gt3A_809 : i32
      %convert_element_type3A_811 = arith.extui %gt3A_810 : i1 to i32
      %cond3A_812 = arith.constant 0 : i32
      %cond3A_813 = arith.cmpi ne, %convert_element_type3A_811, %cond3A_812 : i32
      scf.if %cond3A_813 {
        %get3A_1677 = arith.constant 8 : index
        %get3A_1678 = arith.constant 0 : index
        %get3A_1679 = arith.constant 0 : index
        %get3A_1680 = vector.load %arg9[%get3A_1677, %get3A_1678, %get3A_1679] : memref<20x16x128xf32, #tpu.memory_space<vmem>>, vector<1x16x128xf32>
        %get3A_1681 = vector.shape_cast %get3A_1680 : vector<1x16x128xf32> to vector<16x128xf32>
        %max3A_1682 = arith.maximumf %get3A_1681, %select_n3A_796 : vector<16x128xf32>
        %swap3A_1683 = arith.constant 8 : index
        %swap3A_1684 = arith.constant 0 : index
        %swap3A_1685 = arith.constant 0 : index
        %swap3A_1686 = vector.load %arg9[%swap3A_1683, %swap3A_1684, %swap3A_1685] : memref<20x16x128xf32, #tpu.memory_space<vmem>>, vector<1x16x128xf32>
        %swap3A_1687 = vector.shape_cast %swap3A_1686 : vector<1x16x128xf32> to vector<16x128xf32>
        %swap3A_1688 = vector.shape_cast %max3A_1682 : vector<16x128xf32> to vector<1x16x128xf32>
        tpu.vector_store %arg9[%swap3A_1683, %swap3A_1684, %swap3A_1685], %swap3A_1688 {strides = array<i32>} : memref<20x16x128xf32, #tpu.memory_space<vmem>>, vector<1x16x128xf32>,
      } else {
      }
      %get3A_814 = arith.constant 0 : index
      %get3A_815 = arith.constant 0 : index
      %get3A_816 = arith.constant 9 : index
      %get3A_817 = arith.constant 0 : index
      %get3A_818 = vector.load %arg5[%get3A_814, %get3A_815, %get3A_816, %get3A_817] : memref<1x1x20x4xf32, #tpu.memory_space<vmem>>, vector<1x1x1x1xf32>
      %get3A_819 = vector.extract %get3A_818[0, 0, 0, 0] : f32 from vector<1x1x1x1xf32>
      %get3A_820 = arith.constant 0 : index
      %get3A_821 = arith.constant 0 : index
      %get3A_822 = arith.constant 9 : index
      %get3A_823 = arith.constant 1 : index
      %get3A_824 = vector.load %arg5[%get3A_820, %get3A_821, %get3A_822, %get3A_823] : memref<1x1x20x4xf32, #tpu.memory_space<vmem>>, vector<1x1x1x1xf32>
      %get3A_825 = vector.extract %get3A_824[0, 0, 0, 0] : f32 from vector<1x1x1x1xf32>
      %get3A_826 = arith.constant 0 : index
      %get3A_827 = arith.constant 0 : index
      %get3A_828 = arith.constant 9 : index
      %get3A_829 = arith.constant 2 : index
      %get3A_830 = vector.load %arg5[%get3A_826, %get3A_827, %get3A_828, %get3A_829] : memref<1x1x20x4xf32, #tpu.memory_space<vmem>>, vector<1x1x1x1xf32>
      %get3A_831 = vector.extract %get3A_830[0, 0, 0, 0] : f32 from vector<1x1x1x1xf32>
      %get3A_832 = arith.constant 0 : index
      %get3A_833 = arith.constant 0 : index
      %get3A_834 = arith.constant 9 : index
      %get3A_835 = arith.constant 3 : index
      %get3A_836 = vector.load %arg5[%get3A_832, %get3A_833, %get3A_834, %get3A_835] : memref<1x1x20x4xf32, #tpu.memory_space<vmem>>, vector<1x1x1x1xf32>
      %get3A_837 = vector.extract %get3A_836[0, 0, 0, 0] : f32 from vector<1x1x1x1xf32>
      %min3A_838 = vector.broadcast %get3A_831 : f32 to vector<16x128xf32>
      %min3A_839 = arith.minimumf %sub3A_84, %min3A_838 : vector<16x128xf32>
      %max3A_840 = vector.broadcast %get3A_819 : f32 to vector<16x128xf32>
      %max3A_841 = arith.maximumf %sub3A_73, %max3A_840 : vector<16x128xf32>
      %sub3A_842 = arith.subf %min3A_839, %max3A_841 : vector<16x128xf32>
      %add3A_843 = arith.constant 1.000000e+00 : f32
      %add3A_844 = vector.broadcast %add3A_843 : f32 to vector<16x128xf32>
      %add3A_845 = arith.addf %sub3A_842, %add3A_844 : vector<16x128xf32>
      %max3A_846 = arith.constant 0.000000e+00 : f32
      %max3A_847 = vector.broadcast %max3A_846 : f32 to vector<16x128xf32>
      %max3A_848 = arith.maximumf %add3A_845, %max3A_847 : vector<16x128xf32>
      %min3A_849 = vector.broadcast %get3A_837 : f32 to vector<16x128xf32>
      %min3A_850 = arith.minimumf %sub3A_91, %min3A_849 : vector<16x128xf32>
      %max3A_851 = vector.broadcast %get3A_825 : f32 to vector<16x128xf32>
      %max3A_852 = arith.maximumf %sub3A_77, %max3A_851 : vector<16x128xf32>
      %sub3A_853 = arith.subf %min3A_850, %max3A_852 : vector<16x128xf32>
      %add3A_854 = arith.constant 1.000000e+00 : f32
      %add3A_855 = vector.broadcast %add3A_854 : f32 to vector<16x128xf32>
      %add3A_856 = arith.addf %sub3A_853, %add3A_855 : vector<16x128xf32>
      %max3A_857 = arith.constant 0.000000e+00 : f32
      %max3A_858 = vector.broadcast %max3A_857 : f32 to vector<16x128xf32>
      %max3A_859 = arith.maximumf %add3A_856, %max3A_858 : vector<16x128xf32>
      %mul3A_860 = arith.mulf %max3A_848, %max3A_859 : vector<16x128xf32>
      %sub3A_861 = arith.subf %get3A_831, %get3A_819 : f32
      %add3A_862 = arith.constant 1.000000e+00 : f32
      %add3A_863 = arith.addf %sub3A_861, %add3A_862 : f32
      %sub3A_864 = arith.subf %get3A_837, %get3A_825 : f32
      %add3A_865 = arith.constant 1.000000e+00 : f32
      %add3A_866 = arith.addf %sub3A_864, %add3A_865 : f32
      %mul3A_867 = arith.mulf %add3A_863, %add3A_866 : f32
      %add3A_868 = vector.broadcast %mul3A_867 : f32 to vector<16x128xf32>
      %add3A_869 = arith.addf %mul3A_118, %add3A_868 : vector<16x128xf32>
      %sub3A_870 = arith.subf %add3A_869, %mul3A_860 : vector<16x128xf32>
      %div3A_871 = arith.divf %mul3A_860, %sub3A_870 : vector<16x128xf32>
      %jit3A_872 = arith.constant -1.000000e+00 : f32
      %broadcast_in_dim3A_873 = vector.broadcast %jit3A_872 : f32 to vector<16x128xf32>
      %select_n3A_874 = arith.select %and3A_103, %div3A_871, %broadcast_in_dim3A_873 : vector<16x128xi1>, vector<16x128xf32>
      %swap3A_875 = arith.index_cast %arg2 : i32 to index
      %swap3A_876 = arith.constant 9 : index
      %swap3A_877 = arith.constant 0 : index
      %swap3A_878 = arith.constant 0 : index
      %swap3A_879 = vector.load %arg7[%swap3A_875, %swap3A_876, %swap3A_877, %swap3A_878] : memref<10x20x16x128xf32, #tpu.memory_space<vmem>>, vector<1x1x16x128xf32>
      %swap3A_880 = vector.shape_cast %swap3A_879 : vector<1x1x16x128xf32> to vector<16x128xf32>
      %swap3A_881 = vector.shape_cast %select_n3A_874 : vector<16x128xf32> to vector<1x1x16x128xf32>
      tpu.vector_store %arg7[%swap3A_875, %swap3A_876, %swap3A_877, %swap3A_878], %swap3A_881 {strides = array<i32>} : memref<10x20x16x128xf32, #tpu.memory_space<vmem>>, vector<1x1x16x128xf32>,
      %eq3A_882 = arith.constant 0 : i32
      %eq3A_883 = arith.cmpi eq, %arg2, %eq3A_882 : i32
      %convert_element_type3A_884 = arith.extui %eq3A_883 : i1 to i32
      %cond3A_885 = arith.constant 0 : i32
      %cond3A_886 = arith.cmpi ne, %convert_element_type3A_884, %cond3A_885 : i32
      scf.if %cond3A_886 {
        %swap3A_1677 = arith.constant 9 : index
        %swap3A_1678 = arith.constant 0 : index
        %swap3A_1679 = arith.constant 0 : index
        %swap3A_1680 = vector.load %arg9[%swap3A_1677, %swap3A_1678, %swap3A_1679] : memref<20x16x128xf32, #tpu.memory_space<vmem>>, vector<1x16x128xf32>
        %swap3A_1681 = vector.shape_cast %swap3A_1680 : vector<1x16x128xf32> to vector<16x128xf32>
        %swap3A_1682 = vector.shape_cast %select_n3A_874 : vector<16x128xf32> to vector<1x16x128xf32>
        tpu.vector_store %arg9[%swap3A_1677, %swap3A_1678, %swap3A_1679], %swap3A_1682 {strides = array<i32>} : memref<20x16x128xf32, #tpu.memory_space<vmem>>, vector<1x16x128xf32>,
      } else {
      }
      %gt3A_887 = arith.constant 0 : i32
      %gt3A_888 = arith.cmpi sgt, %arg2, %gt3A_887 : i32
      %convert_element_type3A_889 = arith.extui %gt3A_888 : i1 to i32
      %cond3A_890 = arith.constant 0 : i32
      %cond3A_891 = arith.cmpi ne, %convert_element_type3A_889, %cond3A_890 : i32
      scf.if %cond3A_891 {
        %get3A_1677 = arith.constant 9 : index
        %get3A_1678 = arith.constant 0 : index
        %get3A_1679 = arith.constant 0 : index
        %get3A_1680 = vector.load %arg9[%get3A_1677, %get3A_1678, %get3A_1679] : memref<20x16x128xf32, #tpu.memory_space<vmem>>, vector<1x16x128xf32>
        %get3A_1681 = vector.shape_cast %get3A_1680 : vector<1x16x128xf32> to vector<16x128xf32>
        %max3A_1682 = arith.maximumf %get3A_1681, %select_n3A_874 : vector<16x128xf32>
        %swap3A_1683 = arith.constant 9 : index
        %swap3A_1684 = arith.constant 0 : index
        %swap3A_1685 = arith.constant 0 : index
        %swap3A_1686 = vector.load %arg9[%swap3A_1683, %swap3A_1684, %swap3A_1685] : memref<20x16x128xf32, #tpu.memory_space<vmem>>, vector<1x16x128xf32>
        %swap3A_1687 = vector.shape_cast %swap3A_1686 : vector<1x16x128xf32> to vector<16x128xf32>
        %swap3A_1688 = vector.shape_cast %max3A_1682 : vector<16x128xf32> to vector<1x16x128xf32>
        tpu.vector_store %arg9[%swap3A_1683, %swap3A_1684, %swap3A_1685], %swap3A_1688 {strides = array<i32>} : memref<20x16x128xf32, #tpu.memory_space<vmem>>, vector<1x16x128xf32>,
      } else {
      }
      %get3A_892 = arith.constant 0 : index
      %get3A_893 = arith.constant 0 : index
      %get3A_894 = arith.constant 10 : index
      %get3A_895 = arith.constant 0 : index
      %get3A_896 = vector.load %arg5[%get3A_892, %get3A_893, %get3A_894, %get3A_895] : memref<1x1x20x4xf32, #tpu.memory_space<vmem>>, vector<1x1x1x1xf32>
      %get3A_897 = vector.extract %get3A_896[0, 0, 0, 0] : f32 from vector<1x1x1x1xf32>
      %get3A_898 = arith.constant 0 : index
      %get3A_899 = arith.constant 0 : index
      %get3A_900 = arith.constant 10 : index
      %get3A_901 = arith.constant 1 : index
      %get3A_902 = vector.load %arg5[%get3A_898, %get3A_899, %get3A_900, %get3A_901] : memref<1x1x20x4xf32, #tpu.memory_space<vmem>>, vector<1x1x1x1xf32>
      %get3A_903 = vector.extract %get3A_902[0, 0, 0, 0] : f32 from vector<1x1x1x1xf32>
      %get3A_904 = arith.constant 0 : index
      %get3A_905 = arith.constant 0 : index
      %get3A_906 = arith.constant 10 : index
      %get3A_907 = arith.constant 2 : index
      %get3A_908 = vector.load %arg5[%get3A_904, %get3A_905, %get3A_906, %get3A_907] : memref<1x1x20x4xf32, #tpu.memory_space<vmem>>, vector<1x1x1x1xf32>
      %get3A_909 = vector.extract %get3A_908[0, 0, 0, 0] : f32 from vector<1x1x1x1xf32>
      %get3A_910 = arith.constant 0 : index
      %get3A_911 = arith.constant 0 : index
      %get3A_912 = arith.constant 10 : index
      %get3A_913 = arith.constant 3 : index
      %get3A_914 = vector.load %arg5[%get3A_910, %get3A_911, %get3A_912, %get3A_913] : memref<1x1x20x4xf32, #tpu.memory_space<vmem>>, vector<1x1x1x1xf32>
      %get3A_915 = vector.extract %get3A_914[0, 0, 0, 0] : f32 from vector<1x1x1x1xf32>
      %min3A_916 = vector.broadcast %get3A_909 : f32 to vector<16x128xf32>
      %min3A_917 = arith.minimumf %sub3A_84, %min3A_916 : vector<16x128xf32>
      %max3A_918 = vector.broadcast %get3A_897 : f32 to vector<16x128xf32>
      %max3A_919 = arith.maximumf %sub3A_73, %max3A_918 : vector<16x128xf32>
      %sub3A_920 = arith.subf %min3A_917, %max3A_919 : vector<16x128xf32>
      %add3A_921 = arith.constant 1.000000e+00 : f32
      %add3A_922 = vector.broadcast %add3A_921 : f32 to vector<16x128xf32>
      %add3A_923 = arith.addf %sub3A_920, %add3A_922 : vector<16x128xf32>
      %max3A_924 = arith.constant 0.000000e+00 : f32
      %max3A_925 = vector.broadcast %max3A_924 : f32 to vector<16x128xf32>
      %max3A_926 = arith.maximumf %add3A_923, %max3A_925 : vector<16x128xf32>
      %min3A_927 = vector.broadcast %get3A_915 : f32 to vector<16x128xf32>
      %min3A_928 = arith.minimumf %sub3A_91, %min3A_927 : vector<16x128xf32>
      %max3A_929 = vector.broadcast %get3A_903 : f32 to vector<16x128xf32>
      %max3A_930 = arith.maximumf %sub3A_77, %max3A_929 : vector<16x128xf32>
      %sub3A_931 = arith.subf %min3A_928, %max3A_930 : vector<16x128xf32>
      %add3A_932 = arith.constant 1.000000e+00 : f32
      %add3A_933 = vector.broadcast %add3A_932 : f32 to vector<16x128xf32>
      %add3A_934 = arith.addf %sub3A_931, %add3A_933 : vector<16x128xf32>
      %max3A_935 = arith.constant 0.000000e+00 : f32
      %max3A_936 = vector.broadcast %max3A_935 : f32 to vector<16x128xf32>
      %max3A_937 = arith.maximumf %add3A_934, %max3A_936 : vector<16x128xf32>
      %mul3A_938 = arith.mulf %max3A_926, %max3A_937 : vector<16x128xf32>
      %sub3A_939 = arith.subf %get3A_909, %get3A_897 : f32
      %add3A_940 = arith.constant 1.000000e+00 : f32
      %add3A_941 = arith.addf %sub3A_939, %add3A_940 : f32
      %sub3A_942 = arith.subf %get3A_915, %get3A_903 : f32
      %add3A_943 = arith.constant 1.000000e+00 : f32
      %add3A_944 = arith.addf %sub3A_942, %add3A_943 : f32
      %mul3A_945 = arith.mulf %add3A_941, %add3A_944 : f32
      %add3A_946 = vector.broadcast %mul3A_945 : f32 to vector<16x128xf32>
      %add3A_947 = arith.addf %mul3A_118, %add3A_946 : vector<16x128xf32>
      %sub3A_948 = arith.subf %add3A_947, %mul3A_938 : vector<16x128xf32>
      %div3A_949 = arith.divf %mul3A_938, %sub3A_948 : vector<16x128xf32>
      %jit3A_950 = arith.constant -1.000000e+00 : f32
      %broadcast_in_dim3A_951 = vector.broadcast %jit3A_950 : f32 to vector<16x128xf32>
      %select_n3A_952 = arith.select %and3A_103, %div3A_949, %broadcast_in_dim3A_951 : vector<16x128xi1>, vector<16x128xf32>
      %swap3A_953 = arith.index_cast %arg2 : i32 to index
      %swap3A_954 = arith.constant 10 : index
      %swap3A_955 = arith.constant 0 : index
      %swap3A_956 = arith.constant 0 : index
      %swap3A_957 = vector.load %arg7[%swap3A_953, %swap3A_954, %swap3A_955, %swap3A_956] : memref<10x20x16x128xf32, #tpu.memory_space<vmem>>, vector<1x1x16x128xf32>
      %swap3A_958 = vector.shape_cast %swap3A_957 : vector<1x1x16x128xf32> to vector<16x128xf32>
      %swap3A_959 = vector.shape_cast %select_n3A_952 : vector<16x128xf32> to vector<1x1x16x128xf32>
      tpu.vector_store %arg7[%swap3A_953, %swap3A_954, %swap3A_955, %swap3A_956], %swap3A_959 {strides = array<i32>} : memref<10x20x16x128xf32, #tpu.memory_space<vmem>>, vector<1x1x16x128xf32>,
      %eq3A_960 = arith.constant 0 : i32
      %eq3A_961 = arith.cmpi eq, %arg2, %eq3A_960 : i32
      %convert_element_type3A_962 = arith.extui %eq3A_961 : i1 to i32
      %cond3A_963 = arith.constant 0 : i32
      %cond3A_964 = arith.cmpi ne, %convert_element_type3A_962, %cond3A_963 : i32
      scf.if %cond3A_964 {
        %swap3A_1677 = arith.constant 10 : index
        %swap3A_1678 = arith.constant 0 : index
        %swap3A_1679 = arith.constant 0 : index
        %swap3A_1680 = vector.load %arg9[%swap3A_1677, %swap3A_1678, %swap3A_1679] : memref<20x16x128xf32, #tpu.memory_space<vmem>>, vector<1x16x128xf32>
        %swap3A_1681 = vector.shape_cast %swap3A_1680 : vector<1x16x128xf32> to vector<16x128xf32>
        %swap3A_1682 = vector.shape_cast %select_n3A_952 : vector<16x128xf32> to vector<1x16x128xf32>
        tpu.vector_store %arg9[%swap3A_1677, %swap3A_1678, %swap3A_1679], %swap3A_1682 {strides = array<i32>} : memref<20x16x128xf32, #tpu.memory_space<vmem>>, vector<1x16x128xf32>,
      } else {
      }
      %gt3A_965 = arith.constant 0 : i32
      %gt3A_966 = arith.cmpi sgt, %arg2, %gt3A_965 : i32
      %convert_element_type3A_967 = arith.extui %gt3A_966 : i1 to i32
      %cond3A_968 = arith.constant 0 : i32
      %cond3A_969 = arith.cmpi ne, %convert_element_type3A_967, %cond3A_968 : i32
      scf.if %cond3A_969 {
        %get3A_1677 = arith.constant 10 : index
        %get3A_1678 = arith.constant 0 : index
        %get3A_1679 = arith.constant 0 : index
        %get3A_1680 = vector.load %arg9[%get3A_1677, %get3A_1678, %get3A_1679] : memref<20x16x128xf32, #tpu.memory_space<vmem>>, vector<1x16x128xf32>
        %get3A_1681 = vector.shape_cast %get3A_1680 : vector<1x16x128xf32> to vector<16x128xf32>
        %max3A_1682 = arith.maximumf %get3A_1681, %select_n3A_952 : vector<16x128xf32>
        %swap3A_1683 = arith.constant 10 : index
        %swap3A_1684 = arith.constant 0 : index
        %swap3A_1685 = arith.constant 0 : index
        %swap3A_1686 = vector.load %arg9[%swap3A_1683, %swap3A_1684, %swap3A_1685] : memref<20x16x128xf32, #tpu.memory_space<vmem>>, vector<1x16x128xf32>
        %swap3A_1687 = vector.shape_cast %swap3A_1686 : vector<1x16x128xf32> to vector<16x128xf32>
        %swap3A_1688 = vector.shape_cast %max3A_1682 : vector<16x128xf32> to vector<1x16x128xf32>
        tpu.vector_store %arg9[%swap3A_1683, %swap3A_1684, %swap3A_1685], %swap3A_1688 {strides = array<i32>} : memref<20x16x128xf32, #tpu.memory_space<vmem>>, vector<1x16x128xf32>,
      } else {
      }
      %get3A_970 = arith.constant 0 : index
      %get3A_971 = arith.constant 0 : index
      %get3A_972 = arith.constant 11 : index
      %get3A_973 = arith.constant 0 : index
      %get3A_974 = vector.load %arg5[%get3A_970, %get3A_971, %get3A_972, %get3A_973] : memref<1x1x20x4xf32, #tpu.memory_space<vmem>>, vector<1x1x1x1xf32>
      %get3A_975 = vector.extract %get3A_974[0, 0, 0, 0] : f32 from vector<1x1x1x1xf32>
      %get3A_976 = arith.constant 0 : index
      %get3A_977 = arith.constant 0 : index
      %get3A_978 = arith.constant 11 : index
      %get3A_979 = arith.constant 1 : index
      %get3A_980 = vector.load %arg5[%get3A_976, %get3A_977, %get3A_978, %get3A_979] : memref<1x1x20x4xf32, #tpu.memory_space<vmem>>, vector<1x1x1x1xf32>
      %get3A_981 = vector.extract %get3A_980[0, 0, 0, 0] : f32 from vector<1x1x1x1xf32>
      %get3A_982 = arith.constant 0 : index
      %get3A_983 = arith.constant 0 : index
      %get3A_984 = arith.constant 11 : index
      %get3A_985 = arith.constant 2 : index
      %get3A_986 = vector.load %arg5[%get3A_982, %get3A_983, %get3A_984, %get3A_985] : memref<1x1x20x4xf32, #tpu.memory_space<vmem>>, vector<1x1x1x1xf32>
      %get3A_987 = vector.extract %get3A_986[0, 0, 0, 0] : f32 from vector<1x1x1x1xf32>
      %get3A_988 = arith.constant 0 : index
      %get3A_989 = arith.constant 0 : index
      %get3A_990 = arith.constant 11 : index
      %get3A_991 = arith.constant 3 : index
      %get3A_992 = vector.load %arg5[%get3A_988, %get3A_989, %get3A_990, %get3A_991] : memref<1x1x20x4xf32, #tpu.memory_space<vmem>>, vector<1x1x1x1xf32>
      %get3A_993 = vector.extract %get3A_992[0, 0, 0, 0] : f32 from vector<1x1x1x1xf32>
      %min3A_994 = vector.broadcast %get3A_987 : f32 to vector<16x128xf32>
      %min3A_995 = arith.minimumf %sub3A_84, %min3A_994 : vector<16x128xf32>
      %max3A_996 = vector.broadcast %get3A_975 : f32 to vector<16x128xf32>
      %max3A_997 = arith.maximumf %sub3A_73, %max3A_996 : vector<16x128xf32>
      %sub3A_998 = arith.subf %min3A_995, %max3A_997 : vector<16x128xf32>
      %add3A_999 = arith.constant 1.000000e+00 : f32
      %add3A_1000 = vector.broadcast %add3A_999 : f32 to vector<16x128xf32>
      %add3A_1001 = arith.addf %sub3A_998, %add3A_1000 : vector<16x128xf32>
      %max3A_1002 = arith.constant 0.000000e+00 : f32
      %max3A_1003 = vector.broadcast %max3A_1002 : f32 to vector<16x128xf32>
      %max3A_1004 = arith.maximumf %add3A_1001, %max3A_1003 : vector<16x128xf32>
      %min3A_1005 = vector.broadcast %get3A_993 : f32 to vector<16x128xf32>
      %min3A_1006 = arith.minimumf %sub3A_91, %min3A_1005 : vector<16x128xf32>
      %max3A_1007 = vector.broadcast %get3A_981 : f32 to vector<16x128xf32>
      %max3A_1008 = arith.maximumf %sub3A_77, %max3A_1007 : vector<16x128xf32>
      %sub3A_1009 = arith.subf %min3A_1006, %max3A_1008 : vector<16x128xf32>
      %add3A_1010 = arith.constant 1.000000e+00 : f32
      %add3A_1011 = vector.broadcast %add3A_1010 : f32 to vector<16x128xf32>
      %add3A_1012 = arith.addf %sub3A_1009, %add3A_1011 : vector<16x128xf32>
      %max3A_1013 = arith.constant 0.000000e+00 : f32
      %max3A_1014 = vector.broadcast %max3A_1013 : f32 to vector<16x128xf32>
      %max3A_1015 = arith.maximumf %add3A_1012, %max3A_1014 : vector<16x128xf32>
      %mul3A_1016 = arith.mulf %max3A_1004, %max3A_1015 : vector<16x128xf32>
      %sub3A_1017 = arith.subf %get3A_987, %get3A_975 : f32
      %add3A_1018 = arith.constant 1.000000e+00 : f32
      %add3A_1019 = arith.addf %sub3A_1017, %add3A_1018 : f32
      %sub3A_1020 = arith.subf %get3A_993, %get3A_981 : f32
      %add3A_1021 = arith.constant 1.000000e+00 : f32
      %add3A_1022 = arith.addf %sub3A_1020, %add3A_1021 : f32
      %mul3A_1023 = arith.mulf %add3A_1019, %add3A_1022 : f32
      %add3A_1024 = vector.broadcast %mul3A_1023 : f32 to vector<16x128xf32>
      %add3A_1025 = arith.addf %mul3A_118, %add3A_1024 : vector<16x128xf32>
      %sub3A_1026 = arith.subf %add3A_1025, %mul3A_1016 : vector<16x128xf32>
      %div3A_1027 = arith.divf %mul3A_1016, %sub3A_1026 : vector<16x128xf32>
      %jit3A_1028 = arith.constant -1.000000e+00 : f32
      %broadcast_in_dim3A_1029 = vector.broadcast %jit3A_1028 : f32 to vector<16x128xf32>
      %select_n3A_1030 = arith.select %and3A_103, %div3A_1027, %broadcast_in_dim3A_1029 : vector<16x128xi1>, vector<16x128xf32>
      %swap3A_1031 = arith.index_cast %arg2 : i32 to index
      %swap3A_1032 = arith.constant 11 : index
      %swap3A_1033 = arith.constant 0 : index
      %swap3A_1034 = arith.constant 0 : index
      %swap3A_1035 = vector.load %arg7[%swap3A_1031, %swap3A_1032, %swap3A_1033, %swap3A_1034] : memref<10x20x16x128xf32, #tpu.memory_space<vmem>>, vector<1x1x16x128xf32>
      %swap3A_1036 = vector.shape_cast %swap3A_1035 : vector<1x1x16x128xf32> to vector<16x128xf32>
      %swap3A_1037 = vector.shape_cast %select_n3A_1030 : vector<16x128xf32> to vector<1x1x16x128xf32>
      tpu.vector_store %arg7[%swap3A_1031, %swap3A_1032, %swap3A_1033, %swap3A_1034], %swap3A_1037 {strides = array<i32>} : memref<10x20x16x128xf32, #tpu.memory_space<vmem>>, vector<1x1x16x128xf32>,
      %eq3A_1038 = arith.constant 0 : i32
      %eq3A_1039 = arith.cmpi eq, %arg2, %eq3A_1038 : i32
      %convert_element_type3A_1040 = arith.extui %eq3A_1039 : i1 to i32
      %cond3A_1041 = arith.constant 0 : i32
      %cond3A_1042 = arith.cmpi ne, %convert_element_type3A_1040, %cond3A_1041 : i32
      scf.if %cond3A_1042 {
        %swap3A_1677 = arith.constant 11 : index
        %swap3A_1678 = arith.constant 0 : index
        %swap3A_1679 = arith.constant 0 : index
        %swap3A_1680 = vector.load %arg9[%swap3A_1677, %swap3A_1678, %swap3A_1679] : memref<20x16x128xf32, #tpu.memory_space<vmem>>, vector<1x16x128xf32>
        %swap3A_1681 = vector.shape_cast %swap3A_1680 : vector<1x16x128xf32> to vector<16x128xf32>
        %swap3A_1682 = vector.shape_cast %select_n3A_1030 : vector<16x128xf32> to vector<1x16x128xf32>
        tpu.vector_store %arg9[%swap3A_1677, %swap3A_1678, %swap3A_1679], %swap3A_1682 {strides = array<i32>} : memref<20x16x128xf32, #tpu.memory_space<vmem>>, vector<1x16x128xf32>,
      } else {
      }
      %gt3A_1043 = arith.constant 0 : i32
      %gt3A_1044 = arith.cmpi sgt, %arg2, %gt3A_1043 : i32
      %convert_element_type3A_1045 = arith.extui %gt3A_1044 : i1 to i32
      %cond3A_1046 = arith.constant 0 : i32
      %cond3A_1047 = arith.cmpi ne, %convert_element_type3A_1045, %cond3A_1046 : i32
      scf.if %cond3A_1047 {
        %get3A_1677 = arith.constant 11 : index
        %get3A_1678 = arith.constant 0 : index
        %get3A_1679 = arith.constant 0 : index
        %get3A_1680 = vector.load %arg9[%get3A_1677, %get3A_1678, %get3A_1679] : memref<20x16x128xf32, #tpu.memory_space<vmem>>, vector<1x16x128xf32>
        %get3A_1681 = vector.shape_cast %get3A_1680 : vector<1x16x128xf32> to vector<16x128xf32>
        %max3A_1682 = arith.maximumf %get3A_1681, %select_n3A_1030 : vector<16x128xf32>
        %swap3A_1683 = arith.constant 11 : index
        %swap3A_1684 = arith.constant 0 : index
        %swap3A_1685 = arith.constant 0 : index
        %swap3A_1686 = vector.load %arg9[%swap3A_1683, %swap3A_1684, %swap3A_1685] : memref<20x16x128xf32, #tpu.memory_space<vmem>>, vector<1x16x128xf32>
        %swap3A_1687 = vector.shape_cast %swap3A_1686 : vector<1x16x128xf32> to vector<16x128xf32>
        %swap3A_1688 = vector.shape_cast %max3A_1682 : vector<16x128xf32> to vector<1x16x128xf32>
        tpu.vector_store %arg9[%swap3A_1683, %swap3A_1684, %swap3A_1685], %swap3A_1688 {strides = array<i32>} : memref<20x16x128xf32, #tpu.memory_space<vmem>>, vector<1x16x128xf32>,
      } else {
      }
      %get3A_1048 = arith.constant 0 : index
      %get3A_1049 = arith.constant 0 : index
      %get3A_1050 = arith.constant 12 : index
      %get3A_1051 = arith.constant 0 : index
      %get3A_1052 = vector.load %arg5[%get3A_1048, %get3A_1049, %get3A_1050, %get3A_1051] : memref<1x1x20x4xf32, #tpu.memory_space<vmem>>, vector<1x1x1x1xf32>
      %get3A_1053 = vector.extract %get3A_1052[0, 0, 0, 0] : f32 from vector<1x1x1x1xf32>
      %get3A_1054 = arith.constant 0 : index
      %get3A_1055 = arith.constant 0 : index
      %get3A_1056 = arith.constant 12 : index
      %get3A_1057 = arith.constant 1 : index
      %get3A_1058 = vector.load %arg5[%get3A_1054, %get3A_1055, %get3A_1056, %get3A_1057] : memref<1x1x20x4xf32, #tpu.memory_space<vmem>>, vector<1x1x1x1xf32>
      %get3A_1059 = vector.extract %get3A_1058[0, 0, 0, 0] : f32 from vector<1x1x1x1xf32>
      %get3A_1060 = arith.constant 0 : index
      %get3A_1061 = arith.constant 0 : index
      %get3A_1062 = arith.constant 12 : index
      %get3A_1063 = arith.constant 2 : index
      %get3A_1064 = vector.load %arg5[%get3A_1060, %get3A_1061, %get3A_1062, %get3A_1063] : memref<1x1x20x4xf32, #tpu.memory_space<vmem>>, vector<1x1x1x1xf32>
      %get3A_1065 = vector.extract %get3A_1064[0, 0, 0, 0] : f32 from vector<1x1x1x1xf32>
      %get3A_1066 = arith.constant 0 : index
      %get3A_1067 = arith.constant 0 : index
      %get3A_1068 = arith.constant 12 : index
      %get3A_1069 = arith.constant 3 : index
      %get3A_1070 = vector.load %arg5[%get3A_1066, %get3A_1067, %get3A_1068, %get3A_1069] : memref<1x1x20x4xf32, #tpu.memory_space<vmem>>, vector<1x1x1x1xf32>
      %get3A_1071 = vector.extract %get3A_1070[0, 0, 0, 0] : f32 from vector<1x1x1x1xf32>
      %min3A_1072 = vector.broadcast %get3A_1065 : f32 to vector<16x128xf32>
      %min3A_1073 = arith.minimumf %sub3A_84, %min3A_1072 : vector<16x128xf32>
      %max3A_1074 = vector.broadcast %get3A_1053 : f32 to vector<16x128xf32>
      %max3A_1075 = arith.maximumf %sub3A_73, %max3A_1074 : vector<16x128xf32>
      %sub3A_1076 = arith.subf %min3A_1073, %max3A_1075 : vector<16x128xf32>
      %add3A_1077 = arith.constant 1.000000e+00 : f32
      %add3A_1078 = vector.broadcast %add3A_1077 : f32 to vector<16x128xf32>
      %add3A_1079 = arith.addf %sub3A_1076, %add3A_1078 : vector<16x128xf32>
      %max3A_1080 = arith.constant 0.000000e+00 : f32
      %max3A_1081 = vector.broadcast %max3A_1080 : f32 to vector<16x128xf32>
      %max3A_1082 = arith.maximumf %add3A_1079, %max3A_1081 : vector<16x128xf32>
      %min3A_1083 = vector.broadcast %get3A_1071 : f32 to vector<16x128xf32>
      %min3A_1084 = arith.minimumf %sub3A_91, %min3A_1083 : vector<16x128xf32>
      %max3A_1085 = vector.broadcast %get3A_1059 : f32 to vector<16x128xf32>
      %max3A_1086 = arith.maximumf %sub3A_77, %max3A_1085 : vector<16x128xf32>
      %sub3A_1087 = arith.subf %min3A_1084, %max3A_1086 : vector<16x128xf32>
      %add3A_1088 = arith.constant 1.000000e+00 : f32
      %add3A_1089 = vector.broadcast %add3A_1088 : f32 to vector<16x128xf32>
      %add3A_1090 = arith.addf %sub3A_1087, %add3A_1089 : vector<16x128xf32>
      %max3A_1091 = arith.constant 0.000000e+00 : f32
      %max3A_1092 = vector.broadcast %max3A_1091 : f32 to vector<16x128xf32>
      %max3A_1093 = arith.maximumf %add3A_1090, %max3A_1092 : vector<16x128xf32>
      %mul3A_1094 = arith.mulf %max3A_1082, %max3A_1093 : vector<16x128xf32>
      %sub3A_1095 = arith.subf %get3A_1065, %get3A_1053 : f32
      %add3A_1096 = arith.constant 1.000000e+00 : f32
      %add3A_1097 = arith.addf %sub3A_1095, %add3A_1096 : f32
      %sub3A_1098 = arith.subf %get3A_1071, %get3A_1059 : f32
      %add3A_1099 = arith.constant 1.000000e+00 : f32
      %add3A_1100 = arith.addf %sub3A_1098, %add3A_1099 : f32
      %mul3A_1101 = arith.mulf %add3A_1097, %add3A_1100 : f32
      %add3A_1102 = vector.broadcast %mul3A_1101 : f32 to vector<16x128xf32>
      %add3A_1103 = arith.addf %mul3A_118, %add3A_1102 : vector<16x128xf32>
      %sub3A_1104 = arith.subf %add3A_1103, %mul3A_1094 : vector<16x128xf32>
      %div3A_1105 = arith.divf %mul3A_1094, %sub3A_1104 : vector<16x128xf32>
      %jit3A_1106 = arith.constant -1.000000e+00 : f32
      %broadcast_in_dim3A_1107 = vector.broadcast %jit3A_1106 : f32 to vector<16x128xf32>
      %select_n3A_1108 = arith.select %and3A_103, %div3A_1105, %broadcast_in_dim3A_1107 : vector<16x128xi1>, vector<16x128xf32>
      %swap3A_1109 = arith.index_cast %arg2 : i32 to index
      %swap3A_1110 = arith.constant 12 : index
      %swap3A_1111 = arith.constant 0 : index
      %swap3A_1112 = arith.constant 0 : index
      %swap3A_1113 = vector.load %arg7[%swap3A_1109, %swap3A_1110, %swap3A_1111, %swap3A_1112] : memref<10x20x16x128xf32, #tpu.memory_space<vmem>>, vector<1x1x16x128xf32>
      %swap3A_1114 = vector.shape_cast %swap3A_1113 : vector<1x1x16x128xf32> to vector<16x128xf32>
      %swap3A_1115 = vector.shape_cast %select_n3A_1108 : vector<16x128xf32> to vector<1x1x16x128xf32>
      tpu.vector_store %arg7[%swap3A_1109, %swap3A_1110, %swap3A_1111, %swap3A_1112], %swap3A_1115 {strides = array<i32>} : memref<10x20x16x128xf32, #tpu.memory_space<vmem>>, vector<1x1x16x128xf32>,
      %eq3A_1116 = arith.constant 0 : i32
      %eq3A_1117 = arith.cmpi eq, %arg2, %eq3A_1116 : i32
      %convert_element_type3A_1118 = arith.extui %eq3A_1117 : i1 to i32
      %cond3A_1119 = arith.constant 0 : i32
      %cond3A_1120 = arith.cmpi ne, %convert_element_type3A_1118, %cond3A_1119 : i32
      scf.if %cond3A_1120 {
        %swap3A_1677 = arith.constant 12 : index
        %swap3A_1678 = arith.constant 0 : index
        %swap3A_1679 = arith.constant 0 : index
        %swap3A_1680 = vector.load %arg9[%swap3A_1677, %swap3A_1678, %swap3A_1679] : memref<20x16x128xf32, #tpu.memory_space<vmem>>, vector<1x16x128xf32>
        %swap3A_1681 = vector.shape_cast %swap3A_1680 : vector<1x16x128xf32> to vector<16x128xf32>
        %swap3A_1682 = vector.shape_cast %select_n3A_1108 : vector<16x128xf32> to vector<1x16x128xf32>
        tpu.vector_store %arg9[%swap3A_1677, %swap3A_1678, %swap3A_1679], %swap3A_1682 {strides = array<i32>} : memref<20x16x128xf32, #tpu.memory_space<vmem>>, vector<1x16x128xf32>,
      } else {
      }
      %gt3A_1121 = arith.constant 0 : i32
      %gt3A_1122 = arith.cmpi sgt, %arg2, %gt3A_1121 : i32
      %convert_element_type3A_1123 = arith.extui %gt3A_1122 : i1 to i32
      %cond3A_1124 = arith.constant 0 : i32
      %cond3A_1125 = arith.cmpi ne, %convert_element_type3A_1123, %cond3A_1124 : i32
      scf.if %cond3A_1125 {
        %get3A_1677 = arith.constant 12 : index
        %get3A_1678 = arith.constant 0 : index
        %get3A_1679 = arith.constant 0 : index
        %get3A_1680 = vector.load %arg9[%get3A_1677, %get3A_1678, %get3A_1679] : memref<20x16x128xf32, #tpu.memory_space<vmem>>, vector<1x16x128xf32>
        %get3A_1681 = vector.shape_cast %get3A_1680 : vector<1x16x128xf32> to vector<16x128xf32>
        %max3A_1682 = arith.maximumf %get3A_1681, %select_n3A_1108 : vector<16x128xf32>
        %swap3A_1683 = arith.constant 12 : index
        %swap3A_1684 = arith.constant 0 : index
        %swap3A_1685 = arith.constant 0 : index
        %swap3A_1686 = vector.load %arg9[%swap3A_1683, %swap3A_1684, %swap3A_1685] : memref<20x16x128xf32, #tpu.memory_space<vmem>>, vector<1x16x128xf32>
        %swap3A_1687 = vector.shape_cast %swap3A_1686 : vector<1x16x128xf32> to vector<16x128xf32>
        %swap3A_1688 = vector.shape_cast %max3A_1682 : vector<16x128xf32> to vector<1x16x128xf32>
        tpu.vector_store %arg9[%swap3A_1683, %swap3A_1684, %swap3A_1685], %swap3A_1688 {strides = array<i32>} : memref<20x16x128xf32, #tpu.memory_space<vmem>>, vector<1x16x128xf32>,
      } else {
      }
      %get3A_1126 = arith.constant 0 : index
      %get3A_1127 = arith.constant 0 : index
      %get3A_1128 = arith.constant 13 : index
      %get3A_1129 = arith.constant 0 : index
      %get3A_1130 = vector.load %arg5[%get3A_1126, %get3A_1127, %get3A_1128, %get3A_1129] : memref<1x1x20x4xf32, #tpu.memory_space<vmem>>, vector<1x1x1x1xf32>
      %get3A_1131 = vector.extract %get3A_1130[0, 0, 0, 0] : f32 from vector<1x1x1x1xf32>
      %get3A_1132 = arith.constant 0 : index
      %get3A_1133 = arith.constant 0 : index
      %get3A_1134 = arith.constant 13 : index
      %get3A_1135 = arith.constant 1 : index
      %get3A_1136 = vector.load %arg5[%get3A_1132, %get3A_1133, %get3A_1134, %get3A_1135] : memref<1x1x20x4xf32, #tpu.memory_space<vmem>>, vector<1x1x1x1xf32>
      %get3A_1137 = vector.extract %get3A_1136[0, 0, 0, 0] : f32 from vector<1x1x1x1xf32>
      %get3A_1138 = arith.constant 0 : index
      %get3A_1139 = arith.constant 0 : index
      %get3A_1140 = arith.constant 13 : index
      %get3A_1141 = arith.constant 2 : index
      %get3A_1142 = vector.load %arg5[%get3A_1138, %get3A_1139, %get3A_1140, %get3A_1141] : memref<1x1x20x4xf32, #tpu.memory_space<vmem>>, vector<1x1x1x1xf32>
      %get3A_1143 = vector.extract %get3A_1142[0, 0, 0, 0] : f32 from vector<1x1x1x1xf32>
      %get3A_1144 = arith.constant 0 : index
      %get3A_1145 = arith.constant 0 : index
      %get3A_1146 = arith.constant 13 : index
      %get3A_1147 = arith.constant 3 : index
      %get3A_1148 = vector.load %arg5[%get3A_1144, %get3A_1145, %get3A_1146, %get3A_1147] : memref<1x1x20x4xf32, #tpu.memory_space<vmem>>, vector<1x1x1x1xf32>
      %get3A_1149 = vector.extract %get3A_1148[0, 0, 0, 0] : f32 from vector<1x1x1x1xf32>
      %min3A_1150 = vector.broadcast %get3A_1143 : f32 to vector<16x128xf32>
      %min3A_1151 = arith.minimumf %sub3A_84, %min3A_1150 : vector<16x128xf32>
      %max3A_1152 = vector.broadcast %get3A_1131 : f32 to vector<16x128xf32>
      %max3A_1153 = arith.maximumf %sub3A_73, %max3A_1152 : vector<16x128xf32>
      %sub3A_1154 = arith.subf %min3A_1151, %max3A_1153 : vector<16x128xf32>
      %add3A_1155 = arith.constant 1.000000e+00 : f32
      %add3A_1156 = vector.broadcast %add3A_1155 : f32 to vector<16x128xf32>
      %add3A_1157 = arith.addf %sub3A_1154, %add3A_1156 : vector<16x128xf32>
      %max3A_1158 = arith.constant 0.000000e+00 : f32
      %max3A_1159 = vector.broadcast %max3A_1158 : f32 to vector<16x128xf32>
      %max3A_1160 = arith.maximumf %add3A_1157, %max3A_1159 : vector<16x128xf32>
      %min3A_1161 = vector.broadcast %get3A_1149 : f32 to vector<16x128xf32>
      %min3A_1162 = arith.minimumf %sub3A_91, %min3A_1161 : vector<16x128xf32>
      %max3A_1163 = vector.broadcast %get3A_1137 : f32 to vector<16x128xf32>
      %max3A_1164 = arith.maximumf %sub3A_77, %max3A_1163 : vector<16x128xf32>
      %sub3A_1165 = arith.subf %min3A_1162, %max3A_1164 : vector<16x128xf32>
      %add3A_1166 = arith.constant 1.000000e+00 : f32
      %add3A_1167 = vector.broadcast %add3A_1166 : f32 to vector<16x128xf32>
      %add3A_1168 = arith.addf %sub3A_1165, %add3A_1167 : vector<16x128xf32>
      %max3A_1169 = arith.constant 0.000000e+00 : f32
      %max3A_1170 = vector.broadcast %max3A_1169 : f32 to vector<16x128xf32>
      %max3A_1171 = arith.maximumf %add3A_1168, %max3A_1170 : vector<16x128xf32>
      %mul3A_1172 = arith.mulf %max3A_1160, %max3A_1171 : vector<16x128xf32>
      %sub3A_1173 = arith.subf %get3A_1143, %get3A_1131 : f32
      %add3A_1174 = arith.constant 1.000000e+00 : f32
      %add3A_1175 = arith.addf %sub3A_1173, %add3A_1174 : f32
      %sub3A_1176 = arith.subf %get3A_1149, %get3A_1137 : f32
      %add3A_1177 = arith.constant 1.000000e+00 : f32
      %add3A_1178 = arith.addf %sub3A_1176, %add3A_1177 : f32
      %mul3A_1179 = arith.mulf %add3A_1175, %add3A_1178 : f32
      %add3A_1180 = vector.broadcast %mul3A_1179 : f32 to vector<16x128xf32>
      %add3A_1181 = arith.addf %mul3A_118, %add3A_1180 : vector<16x128xf32>
      %sub3A_1182 = arith.subf %add3A_1181, %mul3A_1172 : vector<16x128xf32>
      %div3A_1183 = arith.divf %mul3A_1172, %sub3A_1182 : vector<16x128xf32>
      %jit3A_1184 = arith.constant -1.000000e+00 : f32
      %broadcast_in_dim3A_1185 = vector.broadcast %jit3A_1184 : f32 to vector<16x128xf32>
      %select_n3A_1186 = arith.select %and3A_103, %div3A_1183, %broadcast_in_dim3A_1185 : vector<16x128xi1>, vector<16x128xf32>
      %swap3A_1187 = arith.index_cast %arg2 : i32 to index
      %swap3A_1188 = arith.constant 13 : index
      %swap3A_1189 = arith.constant 0 : index
      %swap3A_1190 = arith.constant 0 : index
      %swap3A_1191 = vector.load %arg7[%swap3A_1187, %swap3A_1188, %swap3A_1189, %swap3A_1190] : memref<10x20x16x128xf32, #tpu.memory_space<vmem>>, vector<1x1x16x128xf32>
      %swap3A_1192 = vector.shape_cast %swap3A_1191 : vector<1x1x16x128xf32> to vector<16x128xf32>
      %swap3A_1193 = vector.shape_cast %select_n3A_1186 : vector<16x128xf32> to vector<1x1x16x128xf32>
      tpu.vector_store %arg7[%swap3A_1187, %swap3A_1188, %swap3A_1189, %swap3A_1190], %swap3A_1193 {strides = array<i32>} : memref<10x20x16x128xf32, #tpu.memory_space<vmem>>, vector<1x1x16x128xf32>,
      %eq3A_1194 = arith.constant 0 : i32
      %eq3A_1195 = arith.cmpi eq, %arg2, %eq3A_1194 : i32
      %convert_element_type3A_1196 = arith.extui %eq3A_1195 : i1 to i32
      %cond3A_1197 = arith.constant 0 : i32
      %cond3A_1198 = arith.cmpi ne, %convert_element_type3A_1196, %cond3A_1197 : i32
      scf.if %cond3A_1198 {
        %swap3A_1677 = arith.constant 13 : index
        %swap3A_1678 = arith.constant 0 : index
        %swap3A_1679 = arith.constant 0 : index
        %swap3A_1680 = vector.load %arg9[%swap3A_1677, %swap3A_1678, %swap3A_1679] : memref<20x16x128xf32, #tpu.memory_space<vmem>>, vector<1x16x128xf32>
        %swap3A_1681 = vector.shape_cast %swap3A_1680 : vector<1x16x128xf32> to vector<16x128xf32>
        %swap3A_1682 = vector.shape_cast %select_n3A_1186 : vector<16x128xf32> to vector<1x16x128xf32>
        tpu.vector_store %arg9[%swap3A_1677, %swap3A_1678, %swap3A_1679], %swap3A_1682 {strides = array<i32>} : memref<20x16x128xf32, #tpu.memory_space<vmem>>, vector<1x16x128xf32>,
      } else {
      }
      %gt3A_1199 = arith.constant 0 : i32
      %gt3A_1200 = arith.cmpi sgt, %arg2, %gt3A_1199 : i32
      %convert_element_type3A_1201 = arith.extui %gt3A_1200 : i1 to i32
      %cond3A_1202 = arith.constant 0 : i32
      %cond3A_1203 = arith.cmpi ne, %convert_element_type3A_1201, %cond3A_1202 : i32
      scf.if %cond3A_1203 {
        %get3A_1677 = arith.constant 13 : index
        %get3A_1678 = arith.constant 0 : index
        %get3A_1679 = arith.constant 0 : index
        %get3A_1680 = vector.load %arg9[%get3A_1677, %get3A_1678, %get3A_1679] : memref<20x16x128xf32, #tpu.memory_space<vmem>>, vector<1x16x128xf32>
        %get3A_1681 = vector.shape_cast %get3A_1680 : vector<1x16x128xf32> to vector<16x128xf32>
        %max3A_1682 = arith.maximumf %get3A_1681, %select_n3A_1186 : vector<16x128xf32>
        %swap3A_1683 = arith.constant 13 : index
        %swap3A_1684 = arith.constant 0 : index
        %swap3A_1685 = arith.constant 0 : index
        %swap3A_1686 = vector.load %arg9[%swap3A_1683, %swap3A_1684, %swap3A_1685] : memref<20x16x128xf32, #tpu.memory_space<vmem>>, vector<1x16x128xf32>
        %swap3A_1687 = vector.shape_cast %swap3A_1686 : vector<1x16x128xf32> to vector<16x128xf32>
        %swap3A_1688 = vector.shape_cast %max3A_1682 : vector<16x128xf32> to vector<1x16x128xf32>
        tpu.vector_store %arg9[%swap3A_1683, %swap3A_1684, %swap3A_1685], %swap3A_1688 {strides = array<i32>} : memref<20x16x128xf32, #tpu.memory_space<vmem>>, vector<1x16x128xf32>,
      } else {
      }
      %get3A_1204 = arith.constant 0 : index
      %get3A_1205 = arith.constant 0 : index
      %get3A_1206 = arith.constant 14 : index
      %get3A_1207 = arith.constant 0 : index
      %get3A_1208 = vector.load %arg5[%get3A_1204, %get3A_1205, %get3A_1206, %get3A_1207] : memref<1x1x20x4xf32, #tpu.memory_space<vmem>>, vector<1x1x1x1xf32>
      %get3A_1209 = vector.extract %get3A_1208[0, 0, 0, 0] : f32 from vector<1x1x1x1xf32>
      %get3A_1210 = arith.constant 0 : index
      %get3A_1211 = arith.constant 0 : index
      %get3A_1212 = arith.constant 14 : index
      %get3A_1213 = arith.constant 1 : index
      %get3A_1214 = vector.load %arg5[%get3A_1210, %get3A_1211, %get3A_1212, %get3A_1213] : memref<1x1x20x4xf32, #tpu.memory_space<vmem>>, vector<1x1x1x1xf32>
      %get3A_1215 = vector.extract %get3A_1214[0, 0, 0, 0] : f32 from vector<1x1x1x1xf32>
      %get3A_1216 = arith.constant 0 : index
      %get3A_1217 = arith.constant 0 : index
      %get3A_1218 = arith.constant 14 : index
      %get3A_1219 = arith.constant 2 : index
      %get3A_1220 = vector.load %arg5[%get3A_1216, %get3A_1217, %get3A_1218, %get3A_1219] : memref<1x1x20x4xf32, #tpu.memory_space<vmem>>, vector<1x1x1x1xf32>
      %get3A_1221 = vector.extract %get3A_1220[0, 0, 0, 0] : f32 from vector<1x1x1x1xf32>
      %get3A_1222 = arith.constant 0 : index
      %get3A_1223 = arith.constant 0 : index
      %get3A_1224 = arith.constant 14 : index
      %get3A_1225 = arith.constant 3 : index
      %get3A_1226 = vector.load %arg5[%get3A_1222, %get3A_1223, %get3A_1224, %get3A_1225] : memref<1x1x20x4xf32, #tpu.memory_space<vmem>>, vector<1x1x1x1xf32>
      %get3A_1227 = vector.extract %get3A_1226[0, 0, 0, 0] : f32 from vector<1x1x1x1xf32>
      %min3A_1228 = vector.broadcast %get3A_1221 : f32 to vector<16x128xf32>
      %min3A_1229 = arith.minimumf %sub3A_84, %min3A_1228 : vector<16x128xf32>
      %max3A_1230 = vector.broadcast %get3A_1209 : f32 to vector<16x128xf32>
      %max3A_1231 = arith.maximumf %sub3A_73, %max3A_1230 : vector<16x128xf32>
      %sub3A_1232 = arith.subf %min3A_1229, %max3A_1231 : vector<16x128xf32>
      %add3A_1233 = arith.constant 1.000000e+00 : f32
      %add3A_1234 = vector.broadcast %add3A_1233 : f32 to vector<16x128xf32>
      %add3A_1235 = arith.addf %sub3A_1232, %add3A_1234 : vector<16x128xf32>
      %max3A_1236 = arith.constant 0.000000e+00 : f32
      %max3A_1237 = vector.broadcast %max3A_1236 : f32 to vector<16x128xf32>
      %max3A_1238 = arith.maximumf %add3A_1235, %max3A_1237 : vector<16x128xf32>
      %min3A_1239 = vector.broadcast %get3A_1227 : f32 to vector<16x128xf32>
      %min3A_1240 = arith.minimumf %sub3A_91, %min3A_1239 : vector<16x128xf32>
      %max3A_1241 = vector.broadcast %get3A_1215 : f32 to vector<16x128xf32>
      %max3A_1242 = arith.maximumf %sub3A_77, %max3A_1241 : vector<16x128xf32>
      %sub3A_1243 = arith.subf %min3A_1240, %max3A_1242 : vector<16x128xf32>
      %add3A_1244 = arith.constant 1.000000e+00 : f32
      %add3A_1245 = vector.broadcast %add3A_1244 : f32 to vector<16x128xf32>
      %add3A_1246 = arith.addf %sub3A_1243, %add3A_1245 : vector<16x128xf32>
      %max3A_1247 = arith.constant 0.000000e+00 : f32
      %max3A_1248 = vector.broadcast %max3A_1247 : f32 to vector<16x128xf32>
      %max3A_1249 = arith.maximumf %add3A_1246, %max3A_1248 : vector<16x128xf32>
      %mul3A_1250 = arith.mulf %max3A_1238, %max3A_1249 : vector<16x128xf32>
      %sub3A_1251 = arith.subf %get3A_1221, %get3A_1209 : f32
      %add3A_1252 = arith.constant 1.000000e+00 : f32
      %add3A_1253 = arith.addf %sub3A_1251, %add3A_1252 : f32
      %sub3A_1254 = arith.subf %get3A_1227, %get3A_1215 : f32
      %add3A_1255 = arith.constant 1.000000e+00 : f32
      %add3A_1256 = arith.addf %sub3A_1254, %add3A_1255 : f32
      %mul3A_1257 = arith.mulf %add3A_1253, %add3A_1256 : f32
      %add3A_1258 = vector.broadcast %mul3A_1257 : f32 to vector<16x128xf32>
      %add3A_1259 = arith.addf %mul3A_118, %add3A_1258 : vector<16x128xf32>
      %sub3A_1260 = arith.subf %add3A_1259, %mul3A_1250 : vector<16x128xf32>
      %div3A_1261 = arith.divf %mul3A_1250, %sub3A_1260 : vector<16x128xf32>
      %jit3A_1262 = arith.constant -1.000000e+00 : f32
      %broadcast_in_dim3A_1263 = vector.broadcast %jit3A_1262 : f32 to vector<16x128xf32>
      %select_n3A_1264 = arith.select %and3A_103, %div3A_1261, %broadcast_in_dim3A_1263 : vector<16x128xi1>, vector<16x128xf32>
      %swap3A_1265 = arith.index_cast %arg2 : i32 to index
      %swap3A_1266 = arith.constant 14 : index
      %swap3A_1267 = arith.constant 0 : index
      %swap3A_1268 = arith.constant 0 : index
      %swap3A_1269 = vector.load %arg7[%swap3A_1265, %swap3A_1266, %swap3A_1267, %swap3A_1268] : memref<10x20x16x128xf32, #tpu.memory_space<vmem>>, vector<1x1x16x128xf32>
      %swap3A_1270 = vector.shape_cast %swap3A_1269 : vector<1x1x16x128xf32> to vector<16x128xf32>
      %swap3A_1271 = vector.shape_cast %select_n3A_1264 : vector<16x128xf32> to vector<1x1x16x128xf32>
      tpu.vector_store %arg7[%swap3A_1265, %swap3A_1266, %swap3A_1267, %swap3A_1268], %swap3A_1271 {strides = array<i32>} : memref<10x20x16x128xf32, #tpu.memory_space<vmem>>, vector<1x1x16x128xf32>,
      %eq3A_1272 = arith.constant 0 : i32
      %eq3A_1273 = arith.cmpi eq, %arg2, %eq3A_1272 : i32
      %convert_element_type3A_1274 = arith.extui %eq3A_1273 : i1 to i32
      %cond3A_1275 = arith.constant 0 : i32
      %cond3A_1276 = arith.cmpi ne, %convert_element_type3A_1274, %cond3A_1275 : i32
      scf.if %cond3A_1276 {
        %swap3A_1677 = arith.constant 14 : index
        %swap3A_1678 = arith.constant 0 : index
        %swap3A_1679 = arith.constant 0 : index
        %swap3A_1680 = vector.load %arg9[%swap3A_1677, %swap3A_1678, %swap3A_1679] : memref<20x16x128xf32, #tpu.memory_space<vmem>>, vector<1x16x128xf32>
        %swap3A_1681 = vector.shape_cast %swap3A_1680 : vector<1x16x128xf32> to vector<16x128xf32>
        %swap3A_1682 = vector.shape_cast %select_n3A_1264 : vector<16x128xf32> to vector<1x16x128xf32>
        tpu.vector_store %arg9[%swap3A_1677, %swap3A_1678, %swap3A_1679], %swap3A_1682 {strides = array<i32>} : memref<20x16x128xf32, #tpu.memory_space<vmem>>, vector<1x16x128xf32>,
      } else {
      }
      %gt3A_1277 = arith.constant 0 : i32
      %gt3A_1278 = arith.cmpi sgt, %arg2, %gt3A_1277 : i32
      %convert_element_type3A_1279 = arith.extui %gt3A_1278 : i1 to i32
      %cond3A_1280 = arith.constant 0 : i32
      %cond3A_1281 = arith.cmpi ne, %convert_element_type3A_1279, %cond3A_1280 : i32
      scf.if %cond3A_1281 {
        %get3A_1677 = arith.constant 14 : index
        %get3A_1678 = arith.constant 0 : index
        %get3A_1679 = arith.constant 0 : index
        %get3A_1680 = vector.load %arg9[%get3A_1677, %get3A_1678, %get3A_1679] : memref<20x16x128xf32, #tpu.memory_space<vmem>>, vector<1x16x128xf32>
        %get3A_1681 = vector.shape_cast %get3A_1680 : vector<1x16x128xf32> to vector<16x128xf32>
        %max3A_1682 = arith.maximumf %get3A_1681, %select_n3A_1264 : vector<16x128xf32>
        %swap3A_1683 = arith.constant 14 : index
        %swap3A_1684 = arith.constant 0 : index
        %swap3A_1685 = arith.constant 0 : index
        %swap3A_1686 = vector.load %arg9[%swap3A_1683, %swap3A_1684, %swap3A_1685] : memref<20x16x128xf32, #tpu.memory_space<vmem>>, vector<1x16x128xf32>
        %swap3A_1687 = vector.shape_cast %swap3A_1686 : vector<1x16x128xf32> to vector<16x128xf32>
        %swap3A_1688 = vector.shape_cast %max3A_1682 : vector<16x128xf32> to vector<1x16x128xf32>
        tpu.vector_store %arg9[%swap3A_1683, %swap3A_1684, %swap3A_1685], %swap3A_1688 {strides = array<i32>} : memref<20x16x128xf32, #tpu.memory_space<vmem>>, vector<1x16x128xf32>,
      } else {
      }
      %get3A_1282 = arith.constant 0 : index
      %get3A_1283 = arith.constant 0 : index
      %get3A_1284 = arith.constant 15 : index
      %get3A_1285 = arith.constant 0 : index
      %get3A_1286 = vector.load %arg5[%get3A_1282, %get3A_1283, %get3A_1284, %get3A_1285] : memref<1x1x20x4xf32, #tpu.memory_space<vmem>>, vector<1x1x1x1xf32>
      %get3A_1287 = vector.extract %get3A_1286[0, 0, 0, 0] : f32 from vector<1x1x1x1xf32>
      %get3A_1288 = arith.constant 0 : index
      %get3A_1289 = arith.constant 0 : index
      %get3A_1290 = arith.constant 15 : index
      %get3A_1291 = arith.constant 1 : index
      %get3A_1292 = vector.load %arg5[%get3A_1288, %get3A_1289, %get3A_1290, %get3A_1291] : memref<1x1x20x4xf32, #tpu.memory_space<vmem>>, vector<1x1x1x1xf32>
      %get3A_1293 = vector.extract %get3A_1292[0, 0, 0, 0] : f32 from vector<1x1x1x1xf32>
      %get3A_1294 = arith.constant 0 : index
      %get3A_1295 = arith.constant 0 : index
      %get3A_1296 = arith.constant 15 : index
      %get3A_1297 = arith.constant 2 : index
      %get3A_1298 = vector.load %arg5[%get3A_1294, %get3A_1295, %get3A_1296, %get3A_1297] : memref<1x1x20x4xf32, #tpu.memory_space<vmem>>, vector<1x1x1x1xf32>
      %get3A_1299 = vector.extract %get3A_1298[0, 0, 0, 0] : f32 from vector<1x1x1x1xf32>
      %get3A_1300 = arith.constant 0 : index
      %get3A_1301 = arith.constant 0 : index
      %get3A_1302 = arith.constant 15 : index
      %get3A_1303 = arith.constant 3 : index
      %get3A_1304 = vector.load %arg5[%get3A_1300, %get3A_1301, %get3A_1302, %get3A_1303] : memref<1x1x20x4xf32, #tpu.memory_space<vmem>>, vector<1x1x1x1xf32>
      %get3A_1305 = vector.extract %get3A_1304[0, 0, 0, 0] : f32 from vector<1x1x1x1xf32>
      %min3A_1306 = vector.broadcast %get3A_1299 : f32 to vector<16x128xf32>
      %min3A_1307 = arith.minimumf %sub3A_84, %min3A_1306 : vector<16x128xf32>
      %max3A_1308 = vector.broadcast %get3A_1287 : f32 to vector<16x128xf32>
      %max3A_1309 = arith.maximumf %sub3A_73, %max3A_1308 : vector<16x128xf32>
      %sub3A_1310 = arith.subf %min3A_1307, %max3A_1309 : vector<16x128xf32>
      %add3A_1311 = arith.constant 1.000000e+00 : f32
      %add3A_1312 = vector.broadcast %add3A_1311 : f32 to vector<16x128xf32>
      %add3A_1313 = arith.addf %sub3A_1310, %add3A_1312 : vector<16x128xf32>
      %max3A_1314 = arith.constant 0.000000e+00 : f32
      %max3A_1315 = vector.broadcast %max3A_1314 : f32 to vector<16x128xf32>
      %max3A_1316 = arith.maximumf %add3A_1313, %max3A_1315 : vector<16x128xf32>
      %min3A_1317 = vector.broadcast %get3A_1305 : f32 to vector<16x128xf32>
      %min3A_1318 = arith.minimumf %sub3A_91, %min3A_1317 : vector<16x128xf32>
      %max3A_1319 = vector.broadcast %get3A_1293 : f32 to vector<16x128xf32>
      %max3A_1320 = arith.maximumf %sub3A_77, %max3A_1319 : vector<16x128xf32>
      %sub3A_1321 = arith.subf %min3A_1318, %max3A_1320 : vector<16x128xf32>
      %add3A_1322 = arith.constant 1.000000e+00 : f32
      %add3A_1323 = vector.broadcast %add3A_1322 : f32 to vector<16x128xf32>
      %add3A_1324 = arith.addf %sub3A_1321, %add3A_1323 : vector<16x128xf32>
      %max3A_1325 = arith.constant 0.000000e+00 : f32
      %max3A_1326 = vector.broadcast %max3A_1325 : f32 to vector<16x128xf32>
      %max3A_1327 = arith.maximumf %add3A_1324, %max3A_1326 : vector<16x128xf32>
      %mul3A_1328 = arith.mulf %max3A_1316, %max3A_1327 : vector<16x128xf32>
      %sub3A_1329 = arith.subf %get3A_1299, %get3A_1287 : f32
      %add3A_1330 = arith.constant 1.000000e+00 : f32
      %add3A_1331 = arith.addf %sub3A_1329, %add3A_1330 : f32
      %sub3A_1332 = arith.subf %get3A_1305, %get3A_1293 : f32
      %add3A_1333 = arith.constant 1.000000e+00 : f32
      %add3A_1334 = arith.addf %sub3A_1332, %add3A_1333 : f32
      %mul3A_1335 = arith.mulf %add3A_1331, %add3A_1334 : f32
      %add3A_1336 = vector.broadcast %mul3A_1335 : f32 to vector<16x128xf32>
      %add3A_1337 = arith.addf %mul3A_118, %add3A_1336 : vector<16x128xf32>
      %sub3A_1338 = arith.subf %add3A_1337, %mul3A_1328 : vector<16x128xf32>
      %div3A_1339 = arith.divf %mul3A_1328, %sub3A_1338 : vector<16x128xf32>
      %jit3A_1340 = arith.constant -1.000000e+00 : f32
      %broadcast_in_dim3A_1341 = vector.broadcast %jit3A_1340 : f32 to vector<16x128xf32>
      %select_n3A_1342 = arith.select %and3A_103, %div3A_1339, %broadcast_in_dim3A_1341 : vector<16x128xi1>, vector<16x128xf32>
      %swap3A_1343 = arith.index_cast %arg2 : i32 to index
      %swap3A_1344 = arith.constant 15 : index
      %swap3A_1345 = arith.constant 0 : index
      %swap3A_1346 = arith.constant 0 : index
      %swap3A_1347 = vector.load %arg7[%swap3A_1343, %swap3A_1344, %swap3A_1345, %swap3A_1346] : memref<10x20x16x128xf32, #tpu.memory_space<vmem>>, vector<1x1x16x128xf32>
      %swap3A_1348 = vector.shape_cast %swap3A_1347 : vector<1x1x16x128xf32> to vector<16x128xf32>
      %swap3A_1349 = vector.shape_cast %select_n3A_1342 : vector<16x128xf32> to vector<1x1x16x128xf32>
      tpu.vector_store %arg7[%swap3A_1343, %swap3A_1344, %swap3A_1345, %swap3A_1346], %swap3A_1349 {strides = array<i32>} : memref<10x20x16x128xf32, #tpu.memory_space<vmem>>, vector<1x1x16x128xf32>,
      %eq3A_1350 = arith.constant 0 : i32
      %eq3A_1351 = arith.cmpi eq, %arg2, %eq3A_1350 : i32
      %convert_element_type3A_1352 = arith.extui %eq3A_1351 : i1 to i32
      %cond3A_1353 = arith.constant 0 : i32
      %cond3A_1354 = arith.cmpi ne, %convert_element_type3A_1352, %cond3A_1353 : i32
      scf.if %cond3A_1354 {
        %swap3A_1677 = arith.constant 15 : index
        %swap3A_1678 = arith.constant 0 : index
        %swap3A_1679 = arith.constant 0 : index
        %swap3A_1680 = vector.load %arg9[%swap3A_1677, %swap3A_1678, %swap3A_1679] : memref<20x16x128xf32, #tpu.memory_space<vmem>>, vector<1x16x128xf32>
        %swap3A_1681 = vector.shape_cast %swap3A_1680 : vector<1x16x128xf32> to vector<16x128xf32>
        %swap3A_1682 = vector.shape_cast %select_n3A_1342 : vector<16x128xf32> to vector<1x16x128xf32>
        tpu.vector_store %arg9[%swap3A_1677, %swap3A_1678, %swap3A_1679], %swap3A_1682 {strides = array<i32>} : memref<20x16x128xf32, #tpu.memory_space<vmem>>, vector<1x16x128xf32>,
      } else {
      }
      %gt3A_1355 = arith.constant 0 : i32
      %gt3A_1356 = arith.cmpi sgt, %arg2, %gt3A_1355 : i32
      %convert_element_type3A_1357 = arith.extui %gt3A_1356 : i1 to i32
      %cond3A_1358 = arith.constant 0 : i32
      %cond3A_1359 = arith.cmpi ne, %convert_element_type3A_1357, %cond3A_1358 : i32
      scf.if %cond3A_1359 {
        %get3A_1677 = arith.constant 15 : index
        %get3A_1678 = arith.constant 0 : index
        %get3A_1679 = arith.constant 0 : index
        %get3A_1680 = vector.load %arg9[%get3A_1677, %get3A_1678, %get3A_1679] : memref<20x16x128xf32, #tpu.memory_space<vmem>>, vector<1x16x128xf32>
        %get3A_1681 = vector.shape_cast %get3A_1680 : vector<1x16x128xf32> to vector<16x128xf32>
        %max3A_1682 = arith.maximumf %get3A_1681, %select_n3A_1342 : vector<16x128xf32>
        %swap3A_1683 = arith.constant 15 : index
        %swap3A_1684 = arith.constant 0 : index
        %swap3A_1685 = arith.constant 0 : index
        %swap3A_1686 = vector.load %arg9[%swap3A_1683, %swap3A_1684, %swap3A_1685] : memref<20x16x128xf32, #tpu.memory_space<vmem>>, vector<1x16x128xf32>
        %swap3A_1687 = vector.shape_cast %swap3A_1686 : vector<1x16x128xf32> to vector<16x128xf32>
        %swap3A_1688 = vector.shape_cast %max3A_1682 : vector<16x128xf32> to vector<1x16x128xf32>
        tpu.vector_store %arg9[%swap3A_1683, %swap3A_1684, %swap3A_1685], %swap3A_1688 {strides = array<i32>} : memref<20x16x128xf32, #tpu.memory_space<vmem>>, vector<1x16x128xf32>,
      } else {
      }
      %get3A_1360 = arith.constant 0 : index
      %get3A_1361 = arith.constant 0 : index
      %get3A_1362 = arith.constant 16 : index
      %get3A_1363 = arith.constant 0 : index
      %get3A_1364 = vector.load %arg5[%get3A_1360, %get3A_1361, %get3A_1362, %get3A_1363] : memref<1x1x20x4xf32, #tpu.memory_space<vmem>>, vector<1x1x1x1xf32>
      %get3A_1365 = vector.extract %get3A_1364[0, 0, 0, 0] : f32 from vector<1x1x1x1xf32>
      %get3A_1366 = arith.constant 0 : index
      %get3A_1367 = arith.constant 0 : index
      %get3A_1368 = arith.constant 16 : index
      %get3A_1369 = arith.constant 1 : index
      %get3A_1370 = vector.load %arg5[%get3A_1366, %get3A_1367, %get3A_1368, %get3A_1369] : memref<1x1x20x4xf32, #tpu.memory_space<vmem>>, vector<1x1x1x1xf32>
      %get3A_1371 = vector.extract %get3A_1370[0, 0, 0, 0] : f32 from vector<1x1x1x1xf32>
      %get3A_1372 = arith.constant 0 : index
      %get3A_1373 = arith.constant 0 : index
      %get3A_1374 = arith.constant 16 : index
      %get3A_1375 = arith.constant 2 : index
      %get3A_1376 = vector.load %arg5[%get3A_1372, %get3A_1373, %get3A_1374, %get3A_1375] : memref<1x1x20x4xf32, #tpu.memory_space<vmem>>, vector<1x1x1x1xf32>
      %get3A_1377 = vector.extract %get3A_1376[0, 0, 0, 0] : f32 from vector<1x1x1x1xf32>
      %get3A_1378 = arith.constant 0 : index
      %get3A_1379 = arith.constant 0 : index
      %get3A_1380 = arith.constant 16 : index
      %get3A_1381 = arith.constant 3 : index
      %get3A_1382 = vector.load %arg5[%get3A_1378, %get3A_1379, %get3A_1380, %get3A_1381] : memref<1x1x20x4xf32, #tpu.memory_space<vmem>>, vector<1x1x1x1xf32>
      %get3A_1383 = vector.extract %get3A_1382[0, 0, 0, 0] : f32 from vector<1x1x1x1xf32>
      %min3A_1384 = vector.broadcast %get3A_1377 : f32 to vector<16x128xf32>
      %min3A_1385 = arith.minimumf %sub3A_84, %min3A_1384 : vector<16x128xf32>
      %max3A_1386 = vector.broadcast %get3A_1365 : f32 to vector<16x128xf32>
      %max3A_1387 = arith.maximumf %sub3A_73, %max3A_1386 : vector<16x128xf32>
      %sub3A_1388 = arith.subf %min3A_1385, %max3A_1387 : vector<16x128xf32>
      %add3A_1389 = arith.constant 1.000000e+00 : f32
      %add3A_1390 = vector.broadcast %add3A_1389 : f32 to vector<16x128xf32>
      %add3A_1391 = arith.addf %sub3A_1388, %add3A_1390 : vector<16x128xf32>
      %max3A_1392 = arith.constant 0.000000e+00 : f32
      %max3A_1393 = vector.broadcast %max3A_1392 : f32 to vector<16x128xf32>
      %max3A_1394 = arith.maximumf %add3A_1391, %max3A_1393 : vector<16x128xf32>
      %min3A_1395 = vector.broadcast %get3A_1383 : f32 to vector<16x128xf32>
      %min3A_1396 = arith.minimumf %sub3A_91, %min3A_1395 : vector<16x128xf32>
      %max3A_1397 = vector.broadcast %get3A_1371 : f32 to vector<16x128xf32>
      %max3A_1398 = arith.maximumf %sub3A_77, %max3A_1397 : vector<16x128xf32>
      %sub3A_1399 = arith.subf %min3A_1396, %max3A_1398 : vector<16x128xf32>
      %add3A_1400 = arith.constant 1.000000e+00 : f32
      %add3A_1401 = vector.broadcast %add3A_1400 : f32 to vector<16x128xf32>
      %add3A_1402 = arith.addf %sub3A_1399, %add3A_1401 : vector<16x128xf32>
      %max3A_1403 = arith.constant 0.000000e+00 : f32
      %max3A_1404 = vector.broadcast %max3A_1403 : f32 to vector<16x128xf32>
      %max3A_1405 = arith.maximumf %add3A_1402, %max3A_1404 : vector<16x128xf32>
      %mul3A_1406 = arith.mulf %max3A_1394, %max3A_1405 : vector<16x128xf32>
      %sub3A_1407 = arith.subf %get3A_1377, %get3A_1365 : f32
      %add3A_1408 = arith.constant 1.000000e+00 : f32
      %add3A_1409 = arith.addf %sub3A_1407, %add3A_1408 : f32
      %sub3A_1410 = arith.subf %get3A_1383, %get3A_1371 : f32
      %add3A_1411 = arith.constant 1.000000e+00 : f32
      %add3A_1412 = arith.addf %sub3A_1410, %add3A_1411 : f32
      %mul3A_1413 = arith.mulf %add3A_1409, %add3A_1412 : f32
      %add3A_1414 = vector.broadcast %mul3A_1413 : f32 to vector<16x128xf32>
      %add3A_1415 = arith.addf %mul3A_118, %add3A_1414 : vector<16x128xf32>
      %sub3A_1416 = arith.subf %add3A_1415, %mul3A_1406 : vector<16x128xf32>
      %div3A_1417 = arith.divf %mul3A_1406, %sub3A_1416 : vector<16x128xf32>
      %jit3A_1418 = arith.constant -1.000000e+00 : f32
      %broadcast_in_dim3A_1419 = vector.broadcast %jit3A_1418 : f32 to vector<16x128xf32>
      %select_n3A_1420 = arith.select %and3A_103, %div3A_1417, %broadcast_in_dim3A_1419 : vector<16x128xi1>, vector<16x128xf32>
      %swap3A_1421 = arith.index_cast %arg2 : i32 to index
      %swap3A_1422 = arith.constant 16 : index
      %swap3A_1423 = arith.constant 0 : index
      %swap3A_1424 = arith.constant 0 : index
      %swap3A_1425 = vector.load %arg7[%swap3A_1421, %swap3A_1422, %swap3A_1423, %swap3A_1424] : memref<10x20x16x128xf32, #tpu.memory_space<vmem>>, vector<1x1x16x128xf32>
      %swap3A_1426 = vector.shape_cast %swap3A_1425 : vector<1x1x16x128xf32> to vector<16x128xf32>
      %swap3A_1427 = vector.shape_cast %select_n3A_1420 : vector<16x128xf32> to vector<1x1x16x128xf32>
      tpu.vector_store %arg7[%swap3A_1421, %swap3A_1422, %swap3A_1423, %swap3A_1424], %swap3A_1427 {strides = array<i32>} : memref<10x20x16x128xf32, #tpu.memory_space<vmem>>, vector<1x1x16x128xf32>,
      %eq3A_1428 = arith.constant 0 : i32
      %eq3A_1429 = arith.cmpi eq, %arg2, %eq3A_1428 : i32
      %convert_element_type3A_1430 = arith.extui %eq3A_1429 : i1 to i32
      %cond3A_1431 = arith.constant 0 : i32
      %cond3A_1432 = arith.cmpi ne, %convert_element_type3A_1430, %cond3A_1431 : i32
      scf.if %cond3A_1432 {
        %swap3A_1677 = arith.constant 16 : index
        %swap3A_1678 = arith.constant 0 : index
        %swap3A_1679 = arith.constant 0 : index
        %swap3A_1680 = vector.load %arg9[%swap3A_1677, %swap3A_1678, %swap3A_1679] : memref<20x16x128xf32, #tpu.memory_space<vmem>>, vector<1x16x128xf32>
        %swap3A_1681 = vector.shape_cast %swap3A_1680 : vector<1x16x128xf32> to vector<16x128xf32>
        %swap3A_1682 = vector.shape_cast %select_n3A_1420 : vector<16x128xf32> to vector<1x16x128xf32>
        tpu.vector_store %arg9[%swap3A_1677, %swap3A_1678, %swap3A_1679], %swap3A_1682 {strides = array<i32>} : memref<20x16x128xf32, #tpu.memory_space<vmem>>, vector<1x16x128xf32>,
      } else {
      }
      %gt3A_1433 = arith.constant 0 : i32
      %gt3A_1434 = arith.cmpi sgt, %arg2, %gt3A_1433 : i32
      %convert_element_type3A_1435 = arith.extui %gt3A_1434 : i1 to i32
      %cond3A_1436 = arith.constant 0 : i32
      %cond3A_1437 = arith.cmpi ne, %convert_element_type3A_1435, %cond3A_1436 : i32
      scf.if %cond3A_1437 {
        %get3A_1677 = arith.constant 16 : index
        %get3A_1678 = arith.constant 0 : index
        %get3A_1679 = arith.constant 0 : index
        %get3A_1680 = vector.load %arg9[%get3A_1677, %get3A_1678, %get3A_1679] : memref<20x16x128xf32, #tpu.memory_space<vmem>>, vector<1x16x128xf32>
        %get3A_1681 = vector.shape_cast %get3A_1680 : vector<1x16x128xf32> to vector<16x128xf32>
        %max3A_1682 = arith.maximumf %get3A_1681, %select_n3A_1420 : vector<16x128xf32>
        %swap3A_1683 = arith.constant 16 : index
        %swap3A_1684 = arith.constant 0 : index
        %swap3A_1685 = arith.constant 0 : index
        %swap3A_1686 = vector.load %arg9[%swap3A_1683, %swap3A_1684, %swap3A_1685] : memref<20x16x128xf32, #tpu.memory_space<vmem>>, vector<1x16x128xf32>
        %swap3A_1687 = vector.shape_cast %swap3A_1686 : vector<1x16x128xf32> to vector<16x128xf32>
        %swap3A_1688 = vector.shape_cast %max3A_1682 : vector<16x128xf32> to vector<1x16x128xf32>
        tpu.vector_store %arg9[%swap3A_1683, %swap3A_1684, %swap3A_1685], %swap3A_1688 {strides = array<i32>} : memref<20x16x128xf32, #tpu.memory_space<vmem>>, vector<1x16x128xf32>,
      } else {
      }
      %get3A_1438 = arith.constant 0 : index
      %get3A_1439 = arith.constant 0 : index
      %get3A_1440 = arith.constant 17 : index
      %get3A_1441 = arith.constant 0 : index
      %get3A_1442 = vector.load %arg5[%get3A_1438, %get3A_1439, %get3A_1440, %get3A_1441] : memref<1x1x20x4xf32, #tpu.memory_space<vmem>>, vector<1x1x1x1xf32>
      %get3A_1443 = vector.extract %get3A_1442[0, 0, 0, 0] : f32 from vector<1x1x1x1xf32>
      %get3A_1444 = arith.constant 0 : index
      %get3A_1445 = arith.constant 0 : index
      %get3A_1446 = arith.constant 17 : index
      %get3A_1447 = arith.constant 1 : index
      %get3A_1448 = vector.load %arg5[%get3A_1444, %get3A_1445, %get3A_1446, %get3A_1447] : memref<1x1x20x4xf32, #tpu.memory_space<vmem>>, vector<1x1x1x1xf32>
      %get3A_1449 = vector.extract %get3A_1448[0, 0, 0, 0] : f32 from vector<1x1x1x1xf32>
      %get3A_1450 = arith.constant 0 : index
      %get3A_1451 = arith.constant 0 : index
      %get3A_1452 = arith.constant 17 : index
      %get3A_1453 = arith.constant 2 : index
      %get3A_1454 = vector.load %arg5[%get3A_1450, %get3A_1451, %get3A_1452, %get3A_1453] : memref<1x1x20x4xf32, #tpu.memory_space<vmem>>, vector<1x1x1x1xf32>
      %get3A_1455 = vector.extract %get3A_1454[0, 0, 0, 0] : f32 from vector<1x1x1x1xf32>
      %get3A_1456 = arith.constant 0 : index
      %get3A_1457 = arith.constant 0 : index
      %get3A_1458 = arith.constant 17 : index
      %get3A_1459 = arith.constant 3 : index
      %get3A_1460 = vector.load %arg5[%get3A_1456, %get3A_1457, %get3A_1458, %get3A_1459] : memref<1x1x20x4xf32, #tpu.memory_space<vmem>>, vector<1x1x1x1xf32>
      %get3A_1461 = vector.extract %get3A_1460[0, 0, 0, 0] : f32 from vector<1x1x1x1xf32>
      %min3A_1462 = vector.broadcast %get3A_1455 : f32 to vector<16x128xf32>
      %min3A_1463 = arith.minimumf %sub3A_84, %min3A_1462 : vector<16x128xf32>
      %max3A_1464 = vector.broadcast %get3A_1443 : f32 to vector<16x128xf32>
      %max3A_1465 = arith.maximumf %sub3A_73, %max3A_1464 : vector<16x128xf32>
      %sub3A_1466 = arith.subf %min3A_1463, %max3A_1465 : vector<16x128xf32>
      %add3A_1467 = arith.constant 1.000000e+00 : f32
      %add3A_1468 = vector.broadcast %add3A_1467 : f32 to vector<16x128xf32>
      %add3A_1469 = arith.addf %sub3A_1466, %add3A_1468 : vector<16x128xf32>
      %max3A_1470 = arith.constant 0.000000e+00 : f32
      %max3A_1471 = vector.broadcast %max3A_1470 : f32 to vector<16x128xf32>
      %max3A_1472 = arith.maximumf %add3A_1469, %max3A_1471 : vector<16x128xf32>
      %min3A_1473 = vector.broadcast %get3A_1461 : f32 to vector<16x128xf32>
      %min3A_1474 = arith.minimumf %sub3A_91, %min3A_1473 : vector<16x128xf32>
      %max3A_1475 = vector.broadcast %get3A_1449 : f32 to vector<16x128xf32>
      %max3A_1476 = arith.maximumf %sub3A_77, %max3A_1475 : vector<16x128xf32>
      %sub3A_1477 = arith.subf %min3A_1474, %max3A_1476 : vector<16x128xf32>
      %add3A_1478 = arith.constant 1.000000e+00 : f32
      %add3A_1479 = vector.broadcast %add3A_1478 : f32 to vector<16x128xf32>
      %add3A_1480 = arith.addf %sub3A_1477, %add3A_1479 : vector<16x128xf32>
      %max3A_1481 = arith.constant 0.000000e+00 : f32
      %max3A_1482 = vector.broadcast %max3A_1481 : f32 to vector<16x128xf32>
      %max3A_1483 = arith.maximumf %add3A_1480, %max3A_1482 : vector<16x128xf32>
      %mul3A_1484 = arith.mulf %max3A_1472, %max3A_1483 : vector<16x128xf32>
      %sub3A_1485 = arith.subf %get3A_1455, %get3A_1443 : f32
      %add3A_1486 = arith.constant 1.000000e+00 : f32
      %add3A_1487 = arith.addf %sub3A_1485, %add3A_1486 : f32
      %sub3A_1488 = arith.subf %get3A_1461, %get3A_1449 : f32
      %add3A_1489 = arith.constant 1.000000e+00 : f32
      %add3A_1490 = arith.addf %sub3A_1488, %add3A_1489 : f32
      %mul3A_1491 = arith.mulf %add3A_1487, %add3A_1490 : f32
      %add3A_1492 = vector.broadcast %mul3A_1491 : f32 to vector<16x128xf32>
      %add3A_1493 = arith.addf %mul3A_118, %add3A_1492 : vector<16x128xf32>
      %sub3A_1494 = arith.subf %add3A_1493, %mul3A_1484 : vector<16x128xf32>
      %div3A_1495 = arith.divf %mul3A_1484, %sub3A_1494 : vector<16x128xf32>
      %jit3A_1496 = arith.constant -1.000000e+00 : f32
      %broadcast_in_dim3A_1497 = vector.broadcast %jit3A_1496 : f32 to vector<16x128xf32>
      %select_n3A_1498 = arith.select %and3A_103, %div3A_1495, %broadcast_in_dim3A_1497 : vector<16x128xi1>, vector<16x128xf32>
      %swap3A_1499 = arith.index_cast %arg2 : i32 to index
      %swap3A_1500 = arith.constant 17 : index
      %swap3A_1501 = arith.constant 0 : index
      %swap3A_1502 = arith.constant 0 : index
      %swap3A_1503 = vector.load %arg7[%swap3A_1499, %swap3A_1500, %swap3A_1501, %swap3A_1502] : memref<10x20x16x128xf32, #tpu.memory_space<vmem>>, vector<1x1x16x128xf32>
      %swap3A_1504 = vector.shape_cast %swap3A_1503 : vector<1x1x16x128xf32> to vector<16x128xf32>
      %swap3A_1505 = vector.shape_cast %select_n3A_1498 : vector<16x128xf32> to vector<1x1x16x128xf32>
      tpu.vector_store %arg7[%swap3A_1499, %swap3A_1500, %swap3A_1501, %swap3A_1502], %swap3A_1505 {strides = array<i32>} : memref<10x20x16x128xf32, #tpu.memory_space<vmem>>, vector<1x1x16x128xf32>,
      %eq3A_1506 = arith.constant 0 : i32
      %eq3A_1507 = arith.cmpi eq, %arg2, %eq3A_1506 : i32
      %convert_element_type3A_1508 = arith.extui %eq3A_1507 : i1 to i32
      %cond3A_1509 = arith.constant 0 : i32
      %cond3A_1510 = arith.cmpi ne, %convert_element_type3A_1508, %cond3A_1509 : i32
      scf.if %cond3A_1510 {
        %swap3A_1677 = arith.constant 17 : index
        %swap3A_1678 = arith.constant 0 : index
        %swap3A_1679 = arith.constant 0 : index
        %swap3A_1680 = vector.load %arg9[%swap3A_1677, %swap3A_1678, %swap3A_1679] : memref<20x16x128xf32, #tpu.memory_space<vmem>>, vector<1x16x128xf32>
        %swap3A_1681 = vector.shape_cast %swap3A_1680 : vector<1x16x128xf32> to vector<16x128xf32>
        %swap3A_1682 = vector.shape_cast %select_n3A_1498 : vector<16x128xf32> to vector<1x16x128xf32>
        tpu.vector_store %arg9[%swap3A_1677, %swap3A_1678, %swap3A_1679], %swap3A_1682 {strides = array<i32>} : memref<20x16x128xf32, #tpu.memory_space<vmem>>, vector<1x16x128xf32>,
      } else {
      }
      %gt3A_1511 = arith.constant 0 : i32
      %gt3A_1512 = arith.cmpi sgt, %arg2, %gt3A_1511 : i32
      %convert_element_type3A_1513 = arith.extui %gt3A_1512 : i1 to i32
      %cond3A_1514 = arith.constant 0 : i32
      %cond3A_1515 = arith.cmpi ne, %convert_element_type3A_1513, %cond3A_1514 : i32
      scf.if %cond3A_1515 {
        %get3A_1677 = arith.constant 17 : index
        %get3A_1678 = arith.constant 0 : index
        %get3A_1679 = arith.constant 0 : index
        %get3A_1680 = vector.load %arg9[%get3A_1677, %get3A_1678, %get3A_1679] : memref<20x16x128xf32, #tpu.memory_space<vmem>>, vector<1x16x128xf32>
        %get3A_1681 = vector.shape_cast %get3A_1680 : vector<1x16x128xf32> to vector<16x128xf32>
        %max3A_1682 = arith.maximumf %get3A_1681, %select_n3A_1498 : vector<16x128xf32>
        %swap3A_1683 = arith.constant 17 : index
        %swap3A_1684 = arith.constant 0 : index
        %swap3A_1685 = arith.constant 0 : index
        %swap3A_1686 = vector.load %arg9[%swap3A_1683, %swap3A_1684, %swap3A_1685] : memref<20x16x128xf32, #tpu.memory_space<vmem>>, vector<1x16x128xf32>
        %swap3A_1687 = vector.shape_cast %swap3A_1686 : vector<1x16x128xf32> to vector<16x128xf32>
        %swap3A_1688 = vector.shape_cast %max3A_1682 : vector<16x128xf32> to vector<1x16x128xf32>
        tpu.vector_store %arg9[%swap3A_1683, %swap3A_1684, %swap3A_1685], %swap3A_1688 {strides = array<i32>} : memref<20x16x128xf32, #tpu.memory_space<vmem>>, vector<1x16x128xf32>,
      } else {
      }
      %get3A_1516 = arith.constant 0 : index
      %get3A_1517 = arith.constant 0 : index
      %get3A_1518 = arith.constant 18 : index
      %get3A_1519 = arith.constant 0 : index
      %get3A_1520 = vector.load %arg5[%get3A_1516, %get3A_1517, %get3A_1518, %get3A_1519] : memref<1x1x20x4xf32, #tpu.memory_space<vmem>>, vector<1x1x1x1xf32>
      %get3A_1521 = vector.extract %get3A_1520[0, 0, 0, 0] : f32 from vector<1x1x1x1xf32>
      %get3A_1522 = arith.constant 0 : index
      %get3A_1523 = arith.constant 0 : index
      %get3A_1524 = arith.constant 18 : index
      %get3A_1525 = arith.constant 1 : index
      %get3A_1526 = vector.load %arg5[%get3A_1522, %get3A_1523, %get3A_1524, %get3A_1525] : memref<1x1x20x4xf32, #tpu.memory_space<vmem>>, vector<1x1x1x1xf32>
      %get3A_1527 = vector.extract %get3A_1526[0, 0, 0, 0] : f32 from vector<1x1x1x1xf32>
      %get3A_1528 = arith.constant 0 : index
      %get3A_1529 = arith.constant 0 : index
      %get3A_1530 = arith.constant 18 : index
      %get3A_1531 = arith.constant 2 : index
      %get3A_1532 = vector.load %arg5[%get3A_1528, %get3A_1529, %get3A_1530, %get3A_1531] : memref<1x1x20x4xf32, #tpu.memory_space<vmem>>, vector<1x1x1x1xf32>
      %get3A_1533 = vector.extract %get3A_1532[0, 0, 0, 0] : f32 from vector<1x1x1x1xf32>
      %get3A_1534 = arith.constant 0 : index
      %get3A_1535 = arith.constant 0 : index
      %get3A_1536 = arith.constant 18 : index
      %get3A_1537 = arith.constant 3 : index
      %get3A_1538 = vector.load %arg5[%get3A_1534, %get3A_1535, %get3A_1536, %get3A_1537] : memref<1x1x20x4xf32, #tpu.memory_space<vmem>>, vector<1x1x1x1xf32>
      %get3A_1539 = vector.extract %get3A_1538[0, 0, 0, 0] : f32 from vector<1x1x1x1xf32>
      %min3A_1540 = vector.broadcast %get3A_1533 : f32 to vector<16x128xf32>
      %min3A_1541 = arith.minimumf %sub3A_84, %min3A_1540 : vector<16x128xf32>
      %max3A_1542 = vector.broadcast %get3A_1521 : f32 to vector<16x128xf32>
      %max3A_1543 = arith.maximumf %sub3A_73, %max3A_1542 : vector<16x128xf32>
      %sub3A_1544 = arith.subf %min3A_1541, %max3A_1543 : vector<16x128xf32>
      %add3A_1545 = arith.constant 1.000000e+00 : f32
      %add3A_1546 = vector.broadcast %add3A_1545 : f32 to vector<16x128xf32>
      %add3A_1547 = arith.addf %sub3A_1544, %add3A_1546 : vector<16x128xf32>
      %max3A_1548 = arith.constant 0.000000e+00 : f32
      %max3A_1549 = vector.broadcast %max3A_1548 : f32 to vector<16x128xf32>
      %max3A_1550 = arith.maximumf %add3A_1547, %max3A_1549 : vector<16x128xf32>
      %min3A_1551 = vector.broadcast %get3A_1539 : f32 to vector<16x128xf32>
      %min3A_1552 = arith.minimumf %sub3A_91, %min3A_1551 : vector<16x128xf32>
      %max3A_1553 = vector.broadcast %get3A_1527 : f32 to vector<16x128xf32>
      %max3A_1554 = arith.maximumf %sub3A_77, %max3A_1553 : vector<16x128xf32>
      %sub3A_1555 = arith.subf %min3A_1552, %max3A_1554 : vector<16x128xf32>
      %add3A_1556 = arith.constant 1.000000e+00 : f32
      %add3A_1557 = vector.broadcast %add3A_1556 : f32 to vector<16x128xf32>
      %add3A_1558 = arith.addf %sub3A_1555, %add3A_1557 : vector<16x128xf32>
      %max3A_1559 = arith.constant 0.000000e+00 : f32
      %max3A_1560 = vector.broadcast %max3A_1559 : f32 to vector<16x128xf32>
      %max3A_1561 = arith.maximumf %add3A_1558, %max3A_1560 : vector<16x128xf32>
      %mul3A_1562 = arith.mulf %max3A_1550, %max3A_1561 : vector<16x128xf32>
      %sub3A_1563 = arith.subf %get3A_1533, %get3A_1521 : f32
      %add3A_1564 = arith.constant 1.000000e+00 : f32
      %add3A_1565 = arith.addf %sub3A_1563, %add3A_1564 : f32
      %sub3A_1566 = arith.subf %get3A_1539, %get3A_1527 : f32
      %add3A_1567 = arith.constant 1.000000e+00 : f32
      %add3A_1568 = arith.addf %sub3A_1566, %add3A_1567 : f32
      %mul3A_1569 = arith.mulf %add3A_1565, %add3A_1568 : f32
      %add3A_1570 = vector.broadcast %mul3A_1569 : f32 to vector<16x128xf32>
      %add3A_1571 = arith.addf %mul3A_118, %add3A_1570 : vector<16x128xf32>
      %sub3A_1572 = arith.subf %add3A_1571, %mul3A_1562 : vector<16x128xf32>
      %div3A_1573 = arith.divf %mul3A_1562, %sub3A_1572 : vector<16x128xf32>
      %jit3A_1574 = arith.constant -1.000000e+00 : f32
      %broadcast_in_dim3A_1575 = vector.broadcast %jit3A_1574 : f32 to vector<16x128xf32>
      %select_n3A_1576 = arith.select %and3A_103, %div3A_1573, %broadcast_in_dim3A_1575 : vector<16x128xi1>, vector<16x128xf32>
      %swap3A_1577 = arith.index_cast %arg2 : i32 to index
      %swap3A_1578 = arith.constant 18 : index
      %swap3A_1579 = arith.constant 0 : index
      %swap3A_1580 = arith.constant 0 : index
      %swap3A_1581 = vector.load %arg7[%swap3A_1577, %swap3A_1578, %swap3A_1579, %swap3A_1580] : memref<10x20x16x128xf32, #tpu.memory_space<vmem>>, vector<1x1x16x128xf32>
      %swap3A_1582 = vector.shape_cast %swap3A_1581 : vector<1x1x16x128xf32> to vector<16x128xf32>
      %swap3A_1583 = vector.shape_cast %select_n3A_1576 : vector<16x128xf32> to vector<1x1x16x128xf32>
      tpu.vector_store %arg7[%swap3A_1577, %swap3A_1578, %swap3A_1579, %swap3A_1580], %swap3A_1583 {strides = array<i32>} : memref<10x20x16x128xf32, #tpu.memory_space<vmem>>, vector<1x1x16x128xf32>,
      %eq3A_1584 = arith.constant 0 : i32
      %eq3A_1585 = arith.cmpi eq, %arg2, %eq3A_1584 : i32
      %convert_element_type3A_1586 = arith.extui %eq3A_1585 : i1 to i32
      %cond3A_1587 = arith.constant 0 : i32
      %cond3A_1588 = arith.cmpi ne, %convert_element_type3A_1586, %cond3A_1587 : i32
      scf.if %cond3A_1588 {
        %swap3A_1677 = arith.constant 18 : index
        %swap3A_1678 = arith.constant 0 : index
        %swap3A_1679 = arith.constant 0 : index
        %swap3A_1680 = vector.load %arg9[%swap3A_1677, %swap3A_1678, %swap3A_1679] : memref<20x16x128xf32, #tpu.memory_space<vmem>>, vector<1x16x128xf32>
        %swap3A_1681 = vector.shape_cast %swap3A_1680 : vector<1x16x128xf32> to vector<16x128xf32>
        %swap3A_1682 = vector.shape_cast %select_n3A_1576 : vector<16x128xf32> to vector<1x16x128xf32>
        tpu.vector_store %arg9[%swap3A_1677, %swap3A_1678, %swap3A_1679], %swap3A_1682 {strides = array<i32>} : memref<20x16x128xf32, #tpu.memory_space<vmem>>, vector<1x16x128xf32>,
      } else {
      }
      %gt3A_1589 = arith.constant 0 : i32
      %gt3A_1590 = arith.cmpi sgt, %arg2, %gt3A_1589 : i32
      %convert_element_type3A_1591 = arith.extui %gt3A_1590 : i1 to i32
      %cond3A_1592 = arith.constant 0 : i32
      %cond3A_1593 = arith.cmpi ne, %convert_element_type3A_1591, %cond3A_1592 : i32
      scf.if %cond3A_1593 {
        %get3A_1677 = arith.constant 18 : index
        %get3A_1678 = arith.constant 0 : index
        %get3A_1679 = arith.constant 0 : index
        %get3A_1680 = vector.load %arg9[%get3A_1677, %get3A_1678, %get3A_1679] : memref<20x16x128xf32, #tpu.memory_space<vmem>>, vector<1x16x128xf32>
        %get3A_1681 = vector.shape_cast %get3A_1680 : vector<1x16x128xf32> to vector<16x128xf32>
        %max3A_1682 = arith.maximumf %get3A_1681, %select_n3A_1576 : vector<16x128xf32>
        %swap3A_1683 = arith.constant 18 : index
        %swap3A_1684 = arith.constant 0 : index
        %swap3A_1685 = arith.constant 0 : index
        %swap3A_1686 = vector.load %arg9[%swap3A_1683, %swap3A_1684, %swap3A_1685] : memref<20x16x128xf32, #tpu.memory_space<vmem>>, vector<1x16x128xf32>
        %swap3A_1687 = vector.shape_cast %swap3A_1686 : vector<1x16x128xf32> to vector<16x128xf32>
        %swap3A_1688 = vector.shape_cast %max3A_1682 : vector<16x128xf32> to vector<1x16x128xf32>
        tpu.vector_store %arg9[%swap3A_1683, %swap3A_1684, %swap3A_1685], %swap3A_1688 {strides = array<i32>} : memref<20x16x128xf32, #tpu.memory_space<vmem>>, vector<1x16x128xf32>,
      } else {
      }
      %get3A_1594 = arith.constant 0 : index
      %get3A_1595 = arith.constant 0 : index
      %get3A_1596 = arith.constant 19 : index
      %get3A_1597 = arith.constant 0 : index
      %get3A_1598 = vector.load %arg5[%get3A_1594, %get3A_1595, %get3A_1596, %get3A_1597] : memref<1x1x20x4xf32, #tpu.memory_space<vmem>>, vector<1x1x1x1xf32>
      %get3A_1599 = vector.extract %get3A_1598[0, 0, 0, 0] : f32 from vector<1x1x1x1xf32>
      %get3A_1600 = arith.constant 0 : index
      %get3A_1601 = arith.constant 0 : index
      %get3A_1602 = arith.constant 19 : index
      %get3A_1603 = arith.constant 1 : index
      %get3A_1604 = vector.load %arg5[%get3A_1600, %get3A_1601, %get3A_1602, %get3A_1603] : memref<1x1x20x4xf32, #tpu.memory_space<vmem>>, vector<1x1x1x1xf32>
      %get3A_1605 = vector.extract %get3A_1604[0, 0, 0, 0] : f32 from vector<1x1x1x1xf32>
      %get3A_1606 = arith.constant 0 : index
      %get3A_1607 = arith.constant 0 : index
      %get3A_1608 = arith.constant 19 : index
      %get3A_1609 = arith.constant 2 : index
      %get3A_1610 = vector.load %arg5[%get3A_1606, %get3A_1607, %get3A_1608, %get3A_1609] : memref<1x1x20x4xf32, #tpu.memory_space<vmem>>, vector<1x1x1x1xf32>
      %get3A_1611 = vector.extract %get3A_1610[0, 0, 0, 0] : f32 from vector<1x1x1x1xf32>
      %get3A_1612 = arith.constant 0 : index
      %get3A_1613 = arith.constant 0 : index
      %get3A_1614 = arith.constant 19 : index
      %get3A_1615 = arith.constant 3 : index
      %get3A_1616 = vector.load %arg5[%get3A_1612, %get3A_1613, %get3A_1614, %get3A_1615] : memref<1x1x20x4xf32, #tpu.memory_space<vmem>>, vector<1x1x1x1xf32>
      %get3A_1617 = vector.extract %get3A_1616[0, 0, 0, 0] : f32 from vector<1x1x1x1xf32>
      %min3A_1618 = vector.broadcast %get3A_1611 : f32 to vector<16x128xf32>
      %min3A_1619 = arith.minimumf %sub3A_84, %min3A_1618 : vector<16x128xf32>
      %max3A_1620 = vector.broadcast %get3A_1599 : f32 to vector<16x128xf32>
      %max3A_1621 = arith.maximumf %sub3A_73, %max3A_1620 : vector<16x128xf32>
      %sub3A_1622 = arith.subf %min3A_1619, %max3A_1621 : vector<16x128xf32>
      %add3A_1623 = arith.constant 1.000000e+00 : f32
      %add3A_1624 = vector.broadcast %add3A_1623 : f32 to vector<16x128xf32>
      %add3A_1625 = arith.addf %sub3A_1622, %add3A_1624 : vector<16x128xf32>
      %max3A_1626 = arith.constant 0.000000e+00 : f32
      %max3A_1627 = vector.broadcast %max3A_1626 : f32 to vector<16x128xf32>
      %max3A_1628 = arith.maximumf %add3A_1625, %max3A_1627 : vector<16x128xf32>
      %min3A_1629 = vector.broadcast %get3A_1617 : f32 to vector<16x128xf32>
      %min3A_1630 = arith.minimumf %sub3A_91, %min3A_1629 : vector<16x128xf32>
      %max3A_1631 = vector.broadcast %get3A_1605 : f32 to vector<16x128xf32>
      %max3A_1632 = arith.maximumf %sub3A_77, %max3A_1631 : vector<16x128xf32>
      %sub3A_1633 = arith.subf %min3A_1630, %max3A_1632 : vector<16x128xf32>
      %add3A_1634 = arith.constant 1.000000e+00 : f32
      %add3A_1635 = vector.broadcast %add3A_1634 : f32 to vector<16x128xf32>
      %add3A_1636 = arith.addf %sub3A_1633, %add3A_1635 : vector<16x128xf32>
      %max3A_1637 = arith.constant 0.000000e+00 : f32
      %max3A_1638 = vector.broadcast %max3A_1637 : f32 to vector<16x128xf32>
      %max3A_1639 = arith.maximumf %add3A_1636, %max3A_1638 : vector<16x128xf32>
      %mul3A_1640 = arith.mulf %max3A_1628, %max3A_1639 : vector<16x128xf32>
      %sub3A_1641 = arith.subf %get3A_1611, %get3A_1599 : f32
      %add3A_1642 = arith.constant 1.000000e+00 : f32
      %add3A_1643 = arith.addf %sub3A_1641, %add3A_1642 : f32
      %sub3A_1644 = arith.subf %get3A_1617, %get3A_1605 : f32
      %add3A_1645 = arith.constant 1.000000e+00 : f32
      %add3A_1646 = arith.addf %sub3A_1644, %add3A_1645 : f32
      %mul3A_1647 = arith.mulf %add3A_1643, %add3A_1646 : f32
      %add3A_1648 = vector.broadcast %mul3A_1647 : f32 to vector<16x128xf32>
      %add3A_1649 = arith.addf %mul3A_118, %add3A_1648 : vector<16x128xf32>
      %sub3A_1650 = arith.subf %add3A_1649, %mul3A_1640 : vector<16x128xf32>
      %div3A_1651 = arith.divf %mul3A_1640, %sub3A_1650 : vector<16x128xf32>
      %jit3A_1652 = arith.constant -1.000000e+00 : f32
      %broadcast_in_dim3A_1653 = vector.broadcast %jit3A_1652 : f32 to vector<16x128xf32>
      %select_n3A_1654 = arith.select %and3A_103, %div3A_1651, %broadcast_in_dim3A_1653 : vector<16x128xi1>, vector<16x128xf32>
      %swap3A_1655 = arith.index_cast %arg2 : i32 to index
      %swap3A_1656 = arith.constant 19 : index
      %swap3A_1657 = arith.constant 0 : index
      %swap3A_1658 = arith.constant 0 : index
      %swap3A_1659 = vector.load %arg7[%swap3A_1655, %swap3A_1656, %swap3A_1657, %swap3A_1658] : memref<10x20x16x128xf32, #tpu.memory_space<vmem>>, vector<1x1x16x128xf32>
      %swap3A_1660 = vector.shape_cast %swap3A_1659 : vector<1x1x16x128xf32> to vector<16x128xf32>
      %swap3A_1661 = vector.shape_cast %select_n3A_1654 : vector<16x128xf32> to vector<1x1x16x128xf32>
      tpu.vector_store %arg7[%swap3A_1655, %swap3A_1656, %swap3A_1657, %swap3A_1658], %swap3A_1661 {strides = array<i32>} : memref<10x20x16x128xf32, #tpu.memory_space<vmem>>, vector<1x1x16x128xf32>,
      %eq3A_1662 = arith.constant 0 : i32
      %eq3A_1663 = arith.cmpi eq, %arg2, %eq3A_1662 : i32
      %convert_element_type3A_1664 = arith.extui %eq3A_1663 : i1 to i32
      %cond3A_1665 = arith.constant 0 : i32
      %cond3A_1666 = arith.cmpi ne, %convert_element_type3A_1664, %cond3A_1665 : i32
      scf.if %cond3A_1666 {
        %swap3A_1677 = arith.constant 19 : index
        %swap3A_1678 = arith.constant 0 : index
        %swap3A_1679 = arith.constant 0 : index
        %swap3A_1680 = vector.load %arg9[%swap3A_1677, %swap3A_1678, %swap3A_1679] : memref<20x16x128xf32, #tpu.memory_space<vmem>>, vector<1x16x128xf32>
        %swap3A_1681 = vector.shape_cast %swap3A_1680 : vector<1x16x128xf32> to vector<16x128xf32>
        %swap3A_1682 = vector.shape_cast %select_n3A_1654 : vector<16x128xf32> to vector<1x16x128xf32>
        tpu.vector_store %arg9[%swap3A_1677, %swap3A_1678, %swap3A_1679], %swap3A_1682 {strides = array<i32>} : memref<20x16x128xf32, #tpu.memory_space<vmem>>, vector<1x16x128xf32>,
      } else {
      }
      %gt3A_1667 = arith.constant 0 : i32
      %gt3A_1668 = arith.cmpi sgt, %arg2, %gt3A_1667 : i32
      %convert_element_type3A_1669 = arith.extui %gt3A_1668 : i1 to i32
      %cond3A_1670 = arith.constant 0 : i32
      %cond3A_1671 = arith.cmpi ne, %convert_element_type3A_1669, %cond3A_1670 : i32
      scf.if %cond3A_1671 {
        %get3A_1677 = arith.constant 19 : index
        %get3A_1678 = arith.constant 0 : index
        %get3A_1679 = arith.constant 0 : index
        %get3A_1680 = vector.load %arg9[%get3A_1677, %get3A_1678, %get3A_1679] : memref<20x16x128xf32, #tpu.memory_space<vmem>>, vector<1x16x128xf32>
        %get3A_1681 = vector.shape_cast %get3A_1680 : vector<1x16x128xf32> to vector<16x128xf32>
        %max3A_1682 = arith.maximumf %get3A_1681, %select_n3A_1654 : vector<16x128xf32>
        %swap3A_1683 = arith.constant 19 : index
        %swap3A_1684 = arith.constant 0 : index
        %swap3A_1685 = arith.constant 0 : index
        %swap3A_1686 = vector.load %arg9[%swap3A_1683, %swap3A_1684, %swap3A_1685] : memref<20x16x128xf32, #tpu.memory_space<vmem>>, vector<1x16x128xf32>
        %swap3A_1687 = vector.shape_cast %swap3A_1686 : vector<1x16x128xf32> to vector<16x128xf32>
        %swap3A_1688 = vector.shape_cast %max3A_1682 : vector<16x128xf32> to vector<1x16x128xf32>
        tpu.vector_store %arg9[%swap3A_1683, %swap3A_1684, %swap3A_1685], %swap3A_1688 {strides = array<i32>} : memref<20x16x128xf32, #tpu.memory_space<vmem>>, vector<1x16x128xf32>,
      } else {
      }
      %eq3A_1672 = arith.constant 9 : i32
      %eq3A_1673 = arith.cmpi eq, %arg2, %eq3A_1672 : i32
      %convert_element_type3A_1674 = arith.extui %eq3A_1673 : i1 to i32
      %cond3A_1675 = arith.constant 0 : i32
      %cond3A_1676 = arith.cmpi ne, %convert_element_type3A_1674, %cond3A_1675 : i32
      scf.if %cond3A_1676 {
        %get3A_1677 = arith.constant 0 : index
        %get3A_1678 = arith.constant 0 : index
        %get3A_1679 = arith.constant 0 : index
        %get3A_1680 = vector.load %arg9[%get3A_1677, %get3A_1678, %get3A_1679] : memref<20x16x128xf32, #tpu.memory_space<vmem>>, vector<1x16x128xf32>
        %get3A_1681 = vector.shape_cast %get3A_1680 : vector<1x16x128xf32> to vector<16x128xf32>
        %reduce_max3A = vector.shape_cast %get3A_1681 : vector<16x128xf32> to vector<1x16x128xf32>
        %reduce_max3A_1682 = arith.constant dense<0xFF800000> : vector<1xf32>
        %reduce_max3A_1683 = vector.multi_reduction <maximumf>, %reduce_max3A, %reduce_max3A_1682 [1, 2] : vector<1x16x128xf32> to vector<1xf32>
        %reduce_max3A_1684 = vector.shape_cast %reduce_max3A_1683 : vector<1xf32> to vector<1x1x1xf32>
        %reduce_max3A_1685 = vector.extract %reduce_max3A_1684[0, 0, 0] : f32 from vector<1x1x1xf32>
        %swap3A_1686 = arith.index_cast %arg0 : i32 to index
        %swap3A_1687 = arith.constant 0 : index
        %swap3A_1688 = memref.load %arg10[%swap3A_1686, %swap3A_1687] : memref<8x20xf32, #tpu.memory_space<smem>>
        memref.store %reduce_max3A_1685, %arg10[%swap3A_1686, %swap3A_1687] : memref<8x20xf32, #tpu.memory_space<smem>>
        %get3A_1689 = arith.constant 1 : index
        %get3A_1690 = arith.constant 0 : index
        %get3A_1691 = arith.constant 0 : index
        %get3A_1692 = vector.load %arg9[%get3A_1689, %get3A_1690, %get3A_1691] : memref<20x16x128xf32, #tpu.memory_space<vmem>>, vector<1x16x128xf32>
        %get3A_1693 = vector.shape_cast %get3A_1692 : vector<1x16x128xf32> to vector<16x128xf32>
        %reduce_max3A_1694 = vector.shape_cast %get3A_1693 : vector<16x128xf32> to vector<1x16x128xf32>
        %reduce_max3A_1695 = arith.constant dense<0xFF800000> : vector<1xf32>
        %reduce_max3A_1696 = vector.multi_reduction <maximumf>, %reduce_max3A_1694, %reduce_max3A_1695 [1, 2] : vector<1x16x128xf32> to vector<1xf32>
        %reduce_max3A_1697 = vector.shape_cast %reduce_max3A_1696 : vector<1xf32> to vector<1x1x1xf32>
        %reduce_max3A_1698 = vector.extract %reduce_max3A_1697[0, 0, 0] : f32 from vector<1x1x1xf32>
        %swap3A_1699 = arith.index_cast %arg0 : i32 to index
        %swap3A_1700 = arith.constant 1 : index
        %swap3A_1701 = memref.load %arg10[%swap3A_1699, %swap3A_1700] : memref<8x20xf32, #tpu.memory_space<smem>>
        memref.store %reduce_max3A_1698, %arg10[%swap3A_1699, %swap3A_1700] : memref<8x20xf32, #tpu.memory_space<smem>>
        %get3A_1702 = arith.constant 2 : index
        %get3A_1703 = arith.constant 0 : index
        %get3A_1704 = arith.constant 0 : index
        %get3A_1705 = vector.load %arg9[%get3A_1702, %get3A_1703, %get3A_1704] : memref<20x16x128xf32, #tpu.memory_space<vmem>>, vector<1x16x128xf32>
        %get3A_1706 = vector.shape_cast %get3A_1705 : vector<1x16x128xf32> to vector<16x128xf32>
        %reduce_max3A_1707 = vector.shape_cast %get3A_1706 : vector<16x128xf32> to vector<1x16x128xf32>
        %reduce_max3A_1708 = arith.constant dense<0xFF800000> : vector<1xf32>
        %reduce_max3A_1709 = vector.multi_reduction <maximumf>, %reduce_max3A_1707, %reduce_max3A_1708 [1, 2] : vector<1x16x128xf32> to vector<1xf32>
        %reduce_max3A_1710 = vector.shape_cast %reduce_max3A_1709 : vector<1xf32> to vector<1x1x1xf32>
        %reduce_max3A_1711 = vector.extract %reduce_max3A_1710[0, 0, 0] : f32 from vector<1x1x1xf32>
        %swap3A_1712 = arith.index_cast %arg0 : i32 to index
        %swap3A_1713 = arith.constant 2 : index
        %swap3A_1714 = memref.load %arg10[%swap3A_1712, %swap3A_1713] : memref<8x20xf32, #tpu.memory_space<smem>>
        memref.store %reduce_max3A_1711, %arg10[%swap3A_1712, %swap3A_1713] : memref<8x20xf32, #tpu.memory_space<smem>>
        %get3A_1715 = arith.constant 3 : index
        %get3A_1716 = arith.constant 0 : index
        %get3A_1717 = arith.constant 0 : index
        %get3A_1718 = vector.load %arg9[%get3A_1715, %get3A_1716, %get3A_1717] : memref<20x16x128xf32, #tpu.memory_space<vmem>>, vector<1x16x128xf32>
        %get3A_1719 = vector.shape_cast %get3A_1718 : vector<1x16x128xf32> to vector<16x128xf32>
        %reduce_max3A_1720 = vector.shape_cast %get3A_1719 : vector<16x128xf32> to vector<1x16x128xf32>
        %reduce_max3A_1721 = arith.constant dense<0xFF800000> : vector<1xf32>
        %reduce_max3A_1722 = vector.multi_reduction <maximumf>, %reduce_max3A_1720, %reduce_max3A_1721 [1, 2] : vector<1x16x128xf32> to vector<1xf32>
        %reduce_max3A_1723 = vector.shape_cast %reduce_max3A_1722 : vector<1xf32> to vector<1x1x1xf32>
        %reduce_max3A_1724 = vector.extract %reduce_max3A_1723[0, 0, 0] : f32 from vector<1x1x1xf32>
        %swap3A_1725 = arith.index_cast %arg0 : i32 to index
        %swap3A_1726 = arith.constant 3 : index
        %swap3A_1727 = memref.load %arg10[%swap3A_1725, %swap3A_1726] : memref<8x20xf32, #tpu.memory_space<smem>>
        memref.store %reduce_max3A_1724, %arg10[%swap3A_1725, %swap3A_1726] : memref<8x20xf32, #tpu.memory_space<smem>>
        %get3A_1728 = arith.constant 4 : index
        %get3A_1729 = arith.constant 0 : index
        %get3A_1730 = arith.constant 0 : index
        %get3A_1731 = vector.load %arg9[%get3A_1728, %get3A_1729, %get3A_1730] : memref<20x16x128xf32, #tpu.memory_space<vmem>>, vector<1x16x128xf32>
        %get3A_1732 = vector.shape_cast %get3A_1731 : vector<1x16x128xf32> to vector<16x128xf32>
        %reduce_max3A_1733 = vector.shape_cast %get3A_1732 : vector<16x128xf32> to vector<1x16x128xf32>
        %reduce_max3A_1734 = arith.constant dense<0xFF800000> : vector<1xf32>
        %reduce_max3A_1735 = vector.multi_reduction <maximumf>, %reduce_max3A_1733, %reduce_max3A_1734 [1, 2] : vector<1x16x128xf32> to vector<1xf32>
        %reduce_max3A_1736 = vector.shape_cast %reduce_max3A_1735 : vector<1xf32> to vector<1x1x1xf32>
        %reduce_max3A_1737 = vector.extract %reduce_max3A_1736[0, 0, 0] : f32 from vector<1x1x1xf32>
        %swap3A_1738 = arith.index_cast %arg0 : i32 to index
        %swap3A_1739 = arith.constant 4 : index
        %swap3A_1740 = memref.load %arg10[%swap3A_1738, %swap3A_1739] : memref<8x20xf32, #tpu.memory_space<smem>>
        memref.store %reduce_max3A_1737, %arg10[%swap3A_1738, %swap3A_1739] : memref<8x20xf32, #tpu.memory_space<smem>>
        %get3A_1741 = arith.constant 5 : index
        %get3A_1742 = arith.constant 0 : index
        %get3A_1743 = arith.constant 0 : index
        %get3A_1744 = vector.load %arg9[%get3A_1741, %get3A_1742, %get3A_1743] : memref<20x16x128xf32, #tpu.memory_space<vmem>>, vector<1x16x128xf32>
        %get3A_1745 = vector.shape_cast %get3A_1744 : vector<1x16x128xf32> to vector<16x128xf32>
        %reduce_max3A_1746 = vector.shape_cast %get3A_1745 : vector<16x128xf32> to vector<1x16x128xf32>
        %reduce_max3A_1747 = arith.constant dense<0xFF800000> : vector<1xf32>
        %reduce_max3A_1748 = vector.multi_reduction <maximumf>, %reduce_max3A_1746, %reduce_max3A_1747 [1, 2] : vector<1x16x128xf32> to vector<1xf32>
        %reduce_max3A_1749 = vector.shape_cast %reduce_max3A_1748 : vector<1xf32> to vector<1x1x1xf32>
        %reduce_max3A_1750 = vector.extract %reduce_max3A_1749[0, 0, 0] : f32 from vector<1x1x1xf32>
        %swap3A_1751 = arith.index_cast %arg0 : i32 to index
        %swap3A_1752 = arith.constant 5 : index
        %swap3A_1753 = memref.load %arg10[%swap3A_1751, %swap3A_1752] : memref<8x20xf32, #tpu.memory_space<smem>>
        memref.store %reduce_max3A_1750, %arg10[%swap3A_1751, %swap3A_1752] : memref<8x20xf32, #tpu.memory_space<smem>>
        %get3A_1754 = arith.constant 6 : index
        %get3A_1755 = arith.constant 0 : index
        %get3A_1756 = arith.constant 0 : index
        %get3A_1757 = vector.load %arg9[%get3A_1754, %get3A_1755, %get3A_1756] : memref<20x16x128xf32, #tpu.memory_space<vmem>>, vector<1x16x128xf32>
        %get3A_1758 = vector.shape_cast %get3A_1757 : vector<1x16x128xf32> to vector<16x128xf32>
        %reduce_max3A_1759 = vector.shape_cast %get3A_1758 : vector<16x128xf32> to vector<1x16x128xf32>
        %reduce_max3A_1760 = arith.constant dense<0xFF800000> : vector<1xf32>
        %reduce_max3A_1761 = vector.multi_reduction <maximumf>, %reduce_max3A_1759, %reduce_max3A_1760 [1, 2] : vector<1x16x128xf32> to vector<1xf32>
        %reduce_max3A_1762 = vector.shape_cast %reduce_max3A_1761 : vector<1xf32> to vector<1x1x1xf32>
        %reduce_max3A_1763 = vector.extract %reduce_max3A_1762[0, 0, 0] : f32 from vector<1x1x1xf32>
        %swap3A_1764 = arith.index_cast %arg0 : i32 to index
        %swap3A_1765 = arith.constant 6 : index
        %swap3A_1766 = memref.load %arg10[%swap3A_1764, %swap3A_1765] : memref<8x20xf32, #tpu.memory_space<smem>>
        memref.store %reduce_max3A_1763, %arg10[%swap3A_1764, %swap3A_1765] : memref<8x20xf32, #tpu.memory_space<smem>>
        %get3A_1767 = arith.constant 7 : index
        %get3A_1768 = arith.constant 0 : index
        %get3A_1769 = arith.constant 0 : index
        %get3A_1770 = vector.load %arg9[%get3A_1767, %get3A_1768, %get3A_1769] : memref<20x16x128xf32, #tpu.memory_space<vmem>>, vector<1x16x128xf32>
        %get3A_1771 = vector.shape_cast %get3A_1770 : vector<1x16x128xf32> to vector<16x128xf32>
        %reduce_max3A_1772 = vector.shape_cast %get3A_1771 : vector<16x128xf32> to vector<1x16x128xf32>
        %reduce_max3A_1773 = arith.constant dense<0xFF800000> : vector<1xf32>
        %reduce_max3A_1774 = vector.multi_reduction <maximumf>, %reduce_max3A_1772, %reduce_max3A_1773 [1, 2] : vector<1x16x128xf32> to vector<1xf32>
        %reduce_max3A_1775 = vector.shape_cast %reduce_max3A_1774 : vector<1xf32> to vector<1x1x1xf32>
        %reduce_max3A_1776 = vector.extract %reduce_max3A_1775[0, 0, 0] : f32 from vector<1x1x1xf32>
        %swap3A_1777 = arith.index_cast %arg0 : i32 to index
        %swap3A_1778 = arith.constant 7 : index
        %swap3A_1779 = memref.load %arg10[%swap3A_1777, %swap3A_1778] : memref<8x20xf32, #tpu.memory_space<smem>>
        memref.store %reduce_max3A_1776, %arg10[%swap3A_1777, %swap3A_1778] : memref<8x20xf32, #tpu.memory_space<smem>>
        %get3A_1780 = arith.constant 8 : index
        %get3A_1781 = arith.constant 0 : index
        %get3A_1782 = arith.constant 0 : index
        %get3A_1783 = vector.load %arg9[%get3A_1780, %get3A_1781, %get3A_1782] : memref<20x16x128xf32, #tpu.memory_space<vmem>>, vector<1x16x128xf32>
        %get3A_1784 = vector.shape_cast %get3A_1783 : vector<1x16x128xf32> to vector<16x128xf32>
        %reduce_max3A_1785 = vector.shape_cast %get3A_1784 : vector<16x128xf32> to vector<1x16x128xf32>
        %reduce_max3A_1786 = arith.constant dense<0xFF800000> : vector<1xf32>
        %reduce_max3A_1787 = vector.multi_reduction <maximumf>, %reduce_max3A_1785, %reduce_max3A_1786 [1, 2] : vector<1x16x128xf32> to vector<1xf32>
        %reduce_max3A_1788 = vector.shape_cast %reduce_max3A_1787 : vector<1xf32> to vector<1x1x1xf32>
        %reduce_max3A_1789 = vector.extract %reduce_max3A_1788[0, 0, 0] : f32 from vector<1x1x1xf32>
        %swap3A_1790 = arith.index_cast %arg0 : i32 to index
        %swap3A_1791 = arith.constant 8 : index
        %swap3A_1792 = memref.load %arg10[%swap3A_1790, %swap3A_1791] : memref<8x20xf32, #tpu.memory_space<smem>>
        memref.store %reduce_max3A_1789, %arg10[%swap3A_1790, %swap3A_1791] : memref<8x20xf32, #tpu.memory_space<smem>>
        %get3A_1793 = arith.constant 9 : index
        %get3A_1794 = arith.constant 0 : index
        %get3A_1795 = arith.constant 0 : index
        %get3A_1796 = vector.load %arg9[%get3A_1793, %get3A_1794, %get3A_1795] : memref<20x16x128xf32, #tpu.memory_space<vmem>>, vector<1x16x128xf32>
        %get3A_1797 = vector.shape_cast %get3A_1796 : vector<1x16x128xf32> to vector<16x128xf32>
        %reduce_max3A_1798 = vector.shape_cast %get3A_1797 : vector<16x128xf32> to vector<1x16x128xf32>
        %reduce_max3A_1799 = arith.constant dense<0xFF800000> : vector<1xf32>
        %reduce_max3A_1800 = vector.multi_reduction <maximumf>, %reduce_max3A_1798, %reduce_max3A_1799 [1, 2] : vector<1x16x128xf32> to vector<1xf32>
        %reduce_max3A_1801 = vector.shape_cast %reduce_max3A_1800 : vector<1xf32> to vector<1x1x1xf32>
        %reduce_max3A_1802 = vector.extract %reduce_max3A_1801[0, 0, 0] : f32 from vector<1x1x1xf32>
        %swap3A_1803 = arith.index_cast %arg0 : i32 to index
        %swap3A_1804 = arith.constant 9 : index
        %swap3A_1805 = memref.load %arg10[%swap3A_1803, %swap3A_1804] : memref<8x20xf32, #tpu.memory_space<smem>>
        memref.store %reduce_max3A_1802, %arg10[%swap3A_1803, %swap3A_1804] : memref<8x20xf32, #tpu.memory_space<smem>>
        %get3A_1806 = arith.constant 10 : index
        %get3A_1807 = arith.constant 0 : index
        %get3A_1808 = arith.constant 0 : index
        %get3A_1809 = vector.load %arg9[%get3A_1806, %get3A_1807, %get3A_1808] : memref<20x16x128xf32, #tpu.memory_space<vmem>>, vector<1x16x128xf32>
        %get3A_1810 = vector.shape_cast %get3A_1809 : vector<1x16x128xf32> to vector<16x128xf32>
        %reduce_max3A_1811 = vector.shape_cast %get3A_1810 : vector<16x128xf32> to vector<1x16x128xf32>
        %reduce_max3A_1812 = arith.constant dense<0xFF800000> : vector<1xf32>
        %reduce_max3A_1813 = vector.multi_reduction <maximumf>, %reduce_max3A_1811, %reduce_max3A_1812 [1, 2] : vector<1x16x128xf32> to vector<1xf32>
        %reduce_max3A_1814 = vector.shape_cast %reduce_max3A_1813 : vector<1xf32> to vector<1x1x1xf32>
        %reduce_max3A_1815 = vector.extract %reduce_max3A_1814[0, 0, 0] : f32 from vector<1x1x1xf32>
        %swap3A_1816 = arith.index_cast %arg0 : i32 to index
        %swap3A_1817 = arith.constant 10 : index
        %swap3A_1818 = memref.load %arg10[%swap3A_1816, %swap3A_1817] : memref<8x20xf32, #tpu.memory_space<smem>>
        memref.store %reduce_max3A_1815, %arg10[%swap3A_1816, %swap3A_1817] : memref<8x20xf32, #tpu.memory_space<smem>>
        %get3A_1819 = arith.constant 11 : index
        %get3A_1820 = arith.constant 0 : index
        %get3A_1821 = arith.constant 0 : index
        %get3A_1822 = vector.load %arg9[%get3A_1819, %get3A_1820, %get3A_1821] : memref<20x16x128xf32, #tpu.memory_space<vmem>>, vector<1x16x128xf32>
        %get3A_1823 = vector.shape_cast %get3A_1822 : vector<1x16x128xf32> to vector<16x128xf32>
        %reduce_max3A_1824 = vector.shape_cast %get3A_1823 : vector<16x128xf32> to vector<1x16x128xf32>
        %reduce_max3A_1825 = arith.constant dense<0xFF800000> : vector<1xf32>
        %reduce_max3A_1826 = vector.multi_reduction <maximumf>, %reduce_max3A_1824, %reduce_max3A_1825 [1, 2] : vector<1x16x128xf32> to vector<1xf32>
        %reduce_max3A_1827 = vector.shape_cast %reduce_max3A_1826 : vector<1xf32> to vector<1x1x1xf32>
        %reduce_max3A_1828 = vector.extract %reduce_max3A_1827[0, 0, 0] : f32 from vector<1x1x1xf32>
        %swap3A_1829 = arith.index_cast %arg0 : i32 to index
        %swap3A_1830 = arith.constant 11 : index
        %swap3A_1831 = memref.load %arg10[%swap3A_1829, %swap3A_1830] : memref<8x20xf32, #tpu.memory_space<smem>>
        memref.store %reduce_max3A_1828, %arg10[%swap3A_1829, %swap3A_1830] : memref<8x20xf32, #tpu.memory_space<smem>>
        %get3A_1832 = arith.constant 12 : index
        %get3A_1833 = arith.constant 0 : index
        %get3A_1834 = arith.constant 0 : index
        %get3A_1835 = vector.load %arg9[%get3A_1832, %get3A_1833, %get3A_1834] : memref<20x16x128xf32, #tpu.memory_space<vmem>>, vector<1x16x128xf32>
        %get3A_1836 = vector.shape_cast %get3A_1835 : vector<1x16x128xf32> to vector<16x128xf32>
        %reduce_max3A_1837 = vector.shape_cast %get3A_1836 : vector<16x128xf32> to vector<1x16x128xf32>
        %reduce_max3A_1838 = arith.constant dense<0xFF800000> : vector<1xf32>
        %reduce_max3A_1839 = vector.multi_reduction <maximumf>, %reduce_max3A_1837, %reduce_max3A_1838 [1, 2] : vector<1x16x128xf32> to vector<1xf32>
        %reduce_max3A_1840 = vector.shape_cast %reduce_max3A_1839 : vector<1xf32> to vector<1x1x1xf32>
        %reduce_max3A_1841 = vector.extract %reduce_max3A_1840[0, 0, 0] : f32 from vector<1x1x1xf32>
        %swap3A_1842 = arith.index_cast %arg0 : i32 to index
        %swap3A_1843 = arith.constant 12 : index
        %swap3A_1844 = memref.load %arg10[%swap3A_1842, %swap3A_1843] : memref<8x20xf32, #tpu.memory_space<smem>>
        memref.store %reduce_max3A_1841, %arg10[%swap3A_1842, %swap3A_1843] : memref<8x20xf32, #tpu.memory_space<smem>>
        %get3A_1845 = arith.constant 13 : index
        %get3A_1846 = arith.constant 0 : index
        %get3A_1847 = arith.constant 0 : index
        %get3A_1848 = vector.load %arg9[%get3A_1845, %get3A_1846, %get3A_1847] : memref<20x16x128xf32, #tpu.memory_space<vmem>>, vector<1x16x128xf32>
        %get3A_1849 = vector.shape_cast %get3A_1848 : vector<1x16x128xf32> to vector<16x128xf32>
        %reduce_max3A_1850 = vector.shape_cast %get3A_1849 : vector<16x128xf32> to vector<1x16x128xf32>
        %reduce_max3A_1851 = arith.constant dense<0xFF800000> : vector<1xf32>
        %reduce_max3A_1852 = vector.multi_reduction <maximumf>, %reduce_max3A_1850, %reduce_max3A_1851 [1, 2] : vector<1x16x128xf32> to vector<1xf32>
        %reduce_max3A_1853 = vector.shape_cast %reduce_max3A_1852 : vector<1xf32> to vector<1x1x1xf32>
        %reduce_max3A_1854 = vector.extract %reduce_max3A_1853[0, 0, 0] : f32 from vector<1x1x1xf32>
        %swap3A_1855 = arith.index_cast %arg0 : i32 to index
        %swap3A_1856 = arith.constant 13 : index
        %swap3A_1857 = memref.load %arg10[%swap3A_1855, %swap3A_1856] : memref<8x20xf32, #tpu.memory_space<smem>>
        memref.store %reduce_max3A_1854, %arg10[%swap3A_1855, %swap3A_1856] : memref<8x20xf32, #tpu.memory_space<smem>>
        %get3A_1858 = arith.constant 14 : index
        %get3A_1859 = arith.constant 0 : index
        %get3A_1860 = arith.constant 0 : index
        %get3A_1861 = vector.load %arg9[%get3A_1858, %get3A_1859, %get3A_1860] : memref<20x16x128xf32, #tpu.memory_space<vmem>>, vector<1x16x128xf32>
        %get3A_1862 = vector.shape_cast %get3A_1861 : vector<1x16x128xf32> to vector<16x128xf32>
        %reduce_max3A_1863 = vector.shape_cast %get3A_1862 : vector<16x128xf32> to vector<1x16x128xf32>
        %reduce_max3A_1864 = arith.constant dense<0xFF800000> : vector<1xf32>
        %reduce_max3A_1865 = vector.multi_reduction <maximumf>, %reduce_max3A_1863, %reduce_max3A_1864 [1, 2] : vector<1x16x128xf32> to vector<1xf32>
        %reduce_max3A_1866 = vector.shape_cast %reduce_max3A_1865 : vector<1xf32> to vector<1x1x1xf32>
        %reduce_max3A_1867 = vector.extract %reduce_max3A_1866[0, 0, 0] : f32 from vector<1x1x1xf32>
        %swap3A_1868 = arith.index_cast %arg0 : i32 to index
        %swap3A_1869 = arith.constant 14 : index
        %swap3A_1870 = memref.load %arg10[%swap3A_1868, %swap3A_1869] : memref<8x20xf32, #tpu.memory_space<smem>>
        memref.store %reduce_max3A_1867, %arg10[%swap3A_1868, %swap3A_1869] : memref<8x20xf32, #tpu.memory_space<smem>>
        %get3A_1871 = arith.constant 15 : index
        %get3A_1872 = arith.constant 0 : index
        %get3A_1873 = arith.constant 0 : index
        %get3A_1874 = vector.load %arg9[%get3A_1871, %get3A_1872, %get3A_1873] : memref<20x16x128xf32, #tpu.memory_space<vmem>>, vector<1x16x128xf32>
        %get3A_1875 = vector.shape_cast %get3A_1874 : vector<1x16x128xf32> to vector<16x128xf32>
        %reduce_max3A_1876 = vector.shape_cast %get3A_1875 : vector<16x128xf32> to vector<1x16x128xf32>
        %reduce_max3A_1877 = arith.constant dense<0xFF800000> : vector<1xf32>
        %reduce_max3A_1878 = vector.multi_reduction <maximumf>, %reduce_max3A_1876, %reduce_max3A_1877 [1, 2] : vector<1x16x128xf32> to vector<1xf32>
        %reduce_max3A_1879 = vector.shape_cast %reduce_max3A_1878 : vector<1xf32> to vector<1x1x1xf32>
        %reduce_max3A_1880 = vector.extract %reduce_max3A_1879[0, 0, 0] : f32 from vector<1x1x1xf32>
        %swap3A_1881 = arith.index_cast %arg0 : i32 to index
        %swap3A_1882 = arith.constant 15 : index
        %swap3A_1883 = memref.load %arg10[%swap3A_1881, %swap3A_1882] : memref<8x20xf32, #tpu.memory_space<smem>>
        memref.store %reduce_max3A_1880, %arg10[%swap3A_1881, %swap3A_1882] : memref<8x20xf32, #tpu.memory_space<smem>>
        %get3A_1884 = arith.constant 16 : index
        %get3A_1885 = arith.constant 0 : index
        %get3A_1886 = arith.constant 0 : index
        %get3A_1887 = vector.load %arg9[%get3A_1884, %get3A_1885, %get3A_1886] : memref<20x16x128xf32, #tpu.memory_space<vmem>>, vector<1x16x128xf32>
        %get3A_1888 = vector.shape_cast %get3A_1887 : vector<1x16x128xf32> to vector<16x128xf32>
        %reduce_max3A_1889 = vector.shape_cast %get3A_1888 : vector<16x128xf32> to vector<1x16x128xf32>
        %reduce_max3A_1890 = arith.constant dense<0xFF800000> : vector<1xf32>
        %reduce_max3A_1891 = vector.multi_reduction <maximumf>, %reduce_max3A_1889, %reduce_max3A_1890 [1, 2] : vector<1x16x128xf32> to vector<1xf32>
        %reduce_max3A_1892 = vector.shape_cast %reduce_max3A_1891 : vector<1xf32> to vector<1x1x1xf32>
        %reduce_max3A_1893 = vector.extract %reduce_max3A_1892[0, 0, 0] : f32 from vector<1x1x1xf32>
        %swap3A_1894 = arith.index_cast %arg0 : i32 to index
        %swap3A_1895 = arith.constant 16 : index
        %swap3A_1896 = memref.load %arg10[%swap3A_1894, %swap3A_1895] : memref<8x20xf32, #tpu.memory_space<smem>>
        memref.store %reduce_max3A_1893, %arg10[%swap3A_1894, %swap3A_1895] : memref<8x20xf32, #tpu.memory_space<smem>>
        %get3A_1897 = arith.constant 17 : index
        %get3A_1898 = arith.constant 0 : index
        %get3A_1899 = arith.constant 0 : index
        %get3A_1900 = vector.load %arg9[%get3A_1897, %get3A_1898, %get3A_1899] : memref<20x16x128xf32, #tpu.memory_space<vmem>>, vector<1x16x128xf32>
        %get3A_1901 = vector.shape_cast %get3A_1900 : vector<1x16x128xf32> to vector<16x128xf32>
        %reduce_max3A_1902 = vector.shape_cast %get3A_1901 : vector<16x128xf32> to vector<1x16x128xf32>
        %reduce_max3A_1903 = arith.constant dense<0xFF800000> : vector<1xf32>
        %reduce_max3A_1904 = vector.multi_reduction <maximumf>, %reduce_max3A_1902, %reduce_max3A_1903 [1, 2] : vector<1x16x128xf32> to vector<1xf32>
        %reduce_max3A_1905 = vector.shape_cast %reduce_max3A_1904 : vector<1xf32> to vector<1x1x1xf32>
        %reduce_max3A_1906 = vector.extract %reduce_max3A_1905[0, 0, 0] : f32 from vector<1x1x1xf32>
        %swap3A_1907 = arith.index_cast %arg0 : i32 to index
        %swap3A_1908 = arith.constant 17 : index
        %swap3A_1909 = memref.load %arg10[%swap3A_1907, %swap3A_1908] : memref<8x20xf32, #tpu.memory_space<smem>>
        memref.store %reduce_max3A_1906, %arg10[%swap3A_1907, %swap3A_1908] : memref<8x20xf32, #tpu.memory_space<smem>>
        %get3A_1910 = arith.constant 18 : index
        %get3A_1911 = arith.constant 0 : index
        %get3A_1912 = arith.constant 0 : index
        %get3A_1913 = vector.load %arg9[%get3A_1910, %get3A_1911, %get3A_1912] : memref<20x16x128xf32, #tpu.memory_space<vmem>>, vector<1x16x128xf32>
        %get3A_1914 = vector.shape_cast %get3A_1913 : vector<1x16x128xf32> to vector<16x128xf32>
        %reduce_max3A_1915 = vector.shape_cast %get3A_1914 : vector<16x128xf32> to vector<1x16x128xf32>
        %reduce_max3A_1916 = arith.constant dense<0xFF800000> : vector<1xf32>
        %reduce_max3A_1917 = vector.multi_reduction <maximumf>, %reduce_max3A_1915, %reduce_max3A_1916 [1, 2] : vector<1x16x128xf32> to vector<1xf32>
        %reduce_max3A_1918 = vector.shape_cast %reduce_max3A_1917 : vector<1xf32> to vector<1x1x1xf32>
        %reduce_max3A_1919 = vector.extract %reduce_max3A_1918[0, 0, 0] : f32 from vector<1x1x1xf32>
        %swap3A_1920 = arith.index_cast %arg0 : i32 to index
        %swap3A_1921 = arith.constant 18 : index
        %swap3A_1922 = memref.load %arg10[%swap3A_1920, %swap3A_1921] : memref<8x20xf32, #tpu.memory_space<smem>>
        memref.store %reduce_max3A_1919, %arg10[%swap3A_1920, %swap3A_1921] : memref<8x20xf32, #tpu.memory_space<smem>>
        %get3A_1923 = arith.constant 19 : index
        %get3A_1924 = arith.constant 0 : index
        %get3A_1925 = arith.constant 0 : index
        %get3A_1926 = vector.load %arg9[%get3A_1923, %get3A_1924, %get3A_1925] : memref<20x16x128xf32, #tpu.memory_space<vmem>>, vector<1x16x128xf32>
        %get3A_1927 = vector.shape_cast %get3A_1926 : vector<1x16x128xf32> to vector<16x128xf32>
        %reduce_max3A_1928 = vector.shape_cast %get3A_1927 : vector<16x128xf32> to vector<1x16x128xf32>
        %reduce_max3A_1929 = arith.constant dense<0xFF800000> : vector<1xf32>
        %reduce_max3A_1930 = vector.multi_reduction <maximumf>, %reduce_max3A_1928, %reduce_max3A_1929 [1, 2] : vector<1x16x128xf32> to vector<1xf32>
        %reduce_max3A_1931 = vector.shape_cast %reduce_max3A_1930 : vector<1xf32> to vector<1x1x1xf32>
        %reduce_max3A_1932 = vector.extract %reduce_max3A_1931[0, 0, 0] : f32 from vector<1x1x1xf32>
        %swap3A_1933 = arith.index_cast %arg0 : i32 to index
        %swap3A_1934 = arith.constant 19 : index
        %swap3A_1935 = memref.load %arg10[%swap3A_1933, %swap3A_1934] : memref<8x20xf32, #tpu.memory_space<smem>>
        memref.store %reduce_max3A_1932, %arg10[%swap3A_1933, %swap3A_1934] : memref<8x20xf32, #tpu.memory_space<smem>>
      } else {
      }
    } else {
    }
    %eq3A_2 = arith.constant 1 : i32
    %eq3A_3 = arith.cmpi eq, %arg1, %eq3A_2 : i32
    %convert_element_type3A_4 = arith.extui %eq3A_3 : i1 to i32
    %cond3A_5 = arith.constant 0 : i32
    %cond3A_6 = arith.cmpi ne, %convert_element_type3A_4, %cond3A_5 : i32
    scf.if %cond3A_6 {
      %get3A = arith.index_cast %arg2 : i32 to index
      %get3A_7 = arith.constant 0 : index
      %get3A_8 = arith.constant 0 : index
      %get3A_9 = arith.constant 0 : index
      %get3A_10 = vector.load %arg7[%get3A, %get3A_7, %get3A_8, %get3A_9] : memref<10x20x16x128xf32, #tpu.memory_space<vmem>>, vector<1x1x16x128xf32>
      %get3A_11 = vector.shape_cast %get3A_10 : vector<1x1x16x128xf32> to vector<16x128xf32>
      %get3A_12 = arith.index_cast %arg0 : i32 to index
      %get3A_13 = arith.constant 0 : index
      %get3A_14 = memref.load %arg10[%get3A_12, %get3A_13] : memref<8x20xf32, #tpu.memory_space<smem>>
      %eq3A_15 = vector.broadcast %get3A_14 : f32 to vector<16x128xf32>
      %eq3A_16 = arith.cmpf oeq, %get3A_11, %eq3A_15 : vector<16x128xf32>
      %ge3A = arith.constant 0.699999988 : f32
      %ge3A_17 = vector.broadcast %ge3A : f32 to vector<16x128xf32>
      %ge3A_18 = arith.cmpf oge, %get3A_11, %ge3A_17 : vector<16x128xf32>
      %ge3A_19 = arith.constant 3.000000e-01 : f32
      %ge3A_20 = vector.broadcast %ge3A_19 : f32 to vector<16x128xf32>
      %ge3A_21 = arith.cmpf oge, %get3A_11, %ge3A_20 : vector<16x128xf32>
      %broadcast_in_dim3A = arith.constant 0 : i32
      %broadcast_in_dim3A_22 = vector.broadcast %broadcast_in_dim3A : i32 to vector<16x128xi32>
      %get3A_23 = arith.index_cast %arg2 : i32 to index
      %get3A_24 = arith.constant 1 : index
      %get3A_25 = arith.constant 0 : index
      %get3A_26 = arith.constant 0 : index
      %get3A_27 = vector.load %arg7[%get3A_23, %get3A_24, %get3A_25, %get3A_26] : memref<10x20x16x128xf32, #tpu.memory_space<vmem>>, vector<1x1x16x128xf32>
      %get3A_28 = vector.shape_cast %get3A_27 : vector<1x1x16x128xf32> to vector<16x128xf32>
      %get3A_29 = arith.index_cast %arg0 : i32 to index
      %get3A_30 = arith.constant 1 : index
      %get3A_31 = memref.load %arg10[%get3A_29, %get3A_30] : memref<8x20xf32, #tpu.memory_space<smem>>
      %eq3A_32 = vector.broadcast %get3A_31 : f32 to vector<16x128xf32>
      %eq3A_33 = arith.cmpf oeq, %get3A_28, %eq3A_32 : vector<16x128xf32>
      %or3A = arith.ori %eq3A_16, %eq3A_33 : vector<16x128xi1>
      %ge3A_34 = arith.constant 0.699999988 : f32
      %ge3A_35 = vector.broadcast %ge3A_34 : f32 to vector<16x128xf32>
      %ge3A_36 = arith.cmpf oge, %get3A_28, %ge3A_35 : vector<16x128xf32>
      %or3A_37 = arith.ori %ge3A_18, %ge3A_36 : vector<16x128xi1>
      %ge3A_38 = arith.constant 3.000000e-01 : f32
      %ge3A_39 = vector.broadcast %ge3A_38 : f32 to vector<16x128xf32>
      %ge3A_40 = arith.cmpf oge, %get3A_28, %ge3A_39 : vector<16x128xf32>
      %or3A_41 = arith.ori %ge3A_21, %ge3A_40 : vector<16x128xi1>
      %gt3A = arith.cmpf ogt, %get3A_28, %get3A_11 : vector<16x128xf32>
      %jit3A = arith.constant 1 : i32
      %broadcast_in_dim3A_42 = vector.broadcast %jit3A : i32 to vector<16x128xi32>
      %select_n3A = arith.select %gt3A, %broadcast_in_dim3A_42, %broadcast_in_dim3A_22 : vector<16x128xi1>, vector<16x128xi32>
      %max3A = arith.maximumf %get3A_11, %get3A_28 : vector<16x128xf32>
      %get3A_43 = arith.index_cast %arg2 : i32 to index
      %get3A_44 = arith.constant 2 : index
      %get3A_45 = arith.constant 0 : index
      %get3A_46 = arith.constant 0 : index
      %get3A_47 = vector.load %arg7[%get3A_43, %get3A_44, %get3A_45, %get3A_46] : memref<10x20x16x128xf32, #tpu.memory_space<vmem>>, vector<1x1x16x128xf32>
      %get3A_48 = vector.shape_cast %get3A_47 : vector<1x1x16x128xf32> to vector<16x128xf32>
      %get3A_49 = arith.index_cast %arg0 : i32 to index
      %get3A_50 = arith.constant 2 : index
      %get3A_51 = memref.load %arg10[%get3A_49, %get3A_50] : memref<8x20xf32, #tpu.memory_space<smem>>
      %eq3A_52 = vector.broadcast %get3A_51 : f32 to vector<16x128xf32>
      %eq3A_53 = arith.cmpf oeq, %get3A_48, %eq3A_52 : vector<16x128xf32>
      %or3A_54 = arith.ori %or3A, %eq3A_53 : vector<16x128xi1>
      %ge3A_55 = arith.constant 0.699999988 : f32
      %ge3A_56 = vector.broadcast %ge3A_55 : f32 to vector<16x128xf32>
      %ge3A_57 = arith.cmpf oge, %get3A_48, %ge3A_56 : vector<16x128xf32>
      %or3A_58 = arith.ori %or3A_37, %ge3A_57 : vector<16x128xi1>
      %ge3A_59 = arith.constant 3.000000e-01 : f32
      %ge3A_60 = vector.broadcast %ge3A_59 : f32 to vector<16x128xf32>
      %ge3A_61 = arith.cmpf oge, %get3A_48, %ge3A_60 : vector<16x128xf32>
      %or3A_62 = arith.ori %or3A_41, %ge3A_61 : vector<16x128xi1>
      %gt3A_63 = arith.cmpf ogt, %get3A_48, %max3A : vector<16x128xf32>
      %jit3A_64 = arith.constant 2 : i32
      %broadcast_in_dim3A_65 = vector.broadcast %jit3A_64 : i32 to vector<16x128xi32>
      %select_n3A_66 = arith.select %gt3A_63, %broadcast_in_dim3A_65, %select_n3A : vector<16x128xi1>, vector<16x128xi32>
      %max3A_67 = arith.maximumf %max3A, %get3A_48 : vector<16x128xf32>
      %get3A_68 = arith.index_cast %arg2 : i32 to index
      %get3A_69 = arith.constant 3 : index
      %get3A_70 = arith.constant 0 : index
      %get3A_71 = arith.constant 0 : index
      %get3A_72 = vector.load %arg7[%get3A_68, %get3A_69, %get3A_70, %get3A_71] : memref<10x20x16x128xf32, #tpu.memory_space<vmem>>, vector<1x1x16x128xf32>
      %get3A_73 = vector.shape_cast %get3A_72 : vector<1x1x16x128xf32> to vector<16x128xf32>
      %get3A_74 = arith.index_cast %arg0 : i32 to index
      %get3A_75 = arith.constant 3 : index
      %get3A_76 = memref.load %arg10[%get3A_74, %get3A_75] : memref<8x20xf32, #tpu.memory_space<smem>>
      %eq3A_77 = vector.broadcast %get3A_76 : f32 to vector<16x128xf32>
      %eq3A_78 = arith.cmpf oeq, %get3A_73, %eq3A_77 : vector<16x128xf32>
      %or3A_79 = arith.ori %or3A_54, %eq3A_78 : vector<16x128xi1>
      %ge3A_80 = arith.constant 0.699999988 : f32
      %ge3A_81 = vector.broadcast %ge3A_80 : f32 to vector<16x128xf32>
      %ge3A_82 = arith.cmpf oge, %get3A_73, %ge3A_81 : vector<16x128xf32>
      %or3A_83 = arith.ori %or3A_58, %ge3A_82 : vector<16x128xi1>
      %ge3A_84 = arith.constant 3.000000e-01 : f32
      %ge3A_85 = vector.broadcast %ge3A_84 : f32 to vector<16x128xf32>
      %ge3A_86 = arith.cmpf oge, %get3A_73, %ge3A_85 : vector<16x128xf32>
      %or3A_87 = arith.ori %or3A_62, %ge3A_86 : vector<16x128xi1>
      %gt3A_88 = arith.cmpf ogt, %get3A_73, %max3A_67 : vector<16x128xf32>
      %jit3A_89 = arith.constant 3 : i32
      %broadcast_in_dim3A_90 = vector.broadcast %jit3A_89 : i32 to vector<16x128xi32>
      %select_n3A_91 = arith.select %gt3A_88, %broadcast_in_dim3A_90, %select_n3A_66 : vector<16x128xi1>, vector<16x128xi32>
      %max3A_92 = arith.maximumf %max3A_67, %get3A_73 : vector<16x128xf32>
      %get3A_93 = arith.index_cast %arg2 : i32 to index
      %get3A_94 = arith.constant 4 : index
      %get3A_95 = arith.constant 0 : index
      %get3A_96 = arith.constant 0 : index
      %get3A_97 = vector.load %arg7[%get3A_93, %get3A_94, %get3A_95, %get3A_96] : memref<10x20x16x128xf32, #tpu.memory_space<vmem>>, vector<1x1x16x128xf32>
      %get3A_98 = vector.shape_cast %get3A_97 : vector<1x1x16x128xf32> to vector<16x128xf32>
      %get3A_99 = arith.index_cast %arg0 : i32 to index
      %get3A_100 = arith.constant 4 : index
      %get3A_101 = memref.load %arg10[%get3A_99, %get3A_100] : memref<8x20xf32, #tpu.memory_space<smem>>
      %eq3A_102 = vector.broadcast %get3A_101 : f32 to vector<16x128xf32>
      %eq3A_103 = arith.cmpf oeq, %get3A_98, %eq3A_102 : vector<16x128xf32>
      %or3A_104 = arith.ori %or3A_79, %eq3A_103 : vector<16x128xi1>
      %ge3A_105 = arith.constant 0.699999988 : f32
      %ge3A_106 = vector.broadcast %ge3A_105 : f32 to vector<16x128xf32>
      %ge3A_107 = arith.cmpf oge, %get3A_98, %ge3A_106 : vector<16x128xf32>
      %or3A_108 = arith.ori %or3A_83, %ge3A_107 : vector<16x128xi1>
      %ge3A_109 = arith.constant 3.000000e-01 : f32
      %ge3A_110 = vector.broadcast %ge3A_109 : f32 to vector<16x128xf32>
      %ge3A_111 = arith.cmpf oge, %get3A_98, %ge3A_110 : vector<16x128xf32>
      %or3A_112 = arith.ori %or3A_87, %ge3A_111 : vector<16x128xi1>
      %gt3A_113 = arith.cmpf ogt, %get3A_98, %max3A_92 : vector<16x128xf32>
      %jit3A_114 = arith.constant 4 : i32
      %broadcast_in_dim3A_115 = vector.broadcast %jit3A_114 : i32 to vector<16x128xi32>
      %select_n3A_116 = arith.select %gt3A_113, %broadcast_in_dim3A_115, %select_n3A_91 : vector<16x128xi1>, vector<16x128xi32>
      %max3A_117 = arith.maximumf %max3A_92, %get3A_98 : vector<16x128xf32>
      %get3A_118 = arith.index_cast %arg2 : i32 to index
      %get3A_119 = arith.constant 5 : index
      %get3A_120 = arith.constant 0 : index
      %get3A_121 = arith.constant 0 : index
      %get3A_122 = vector.load %arg7[%get3A_118, %get3A_119, %get3A_120, %get3A_121] : memref<10x20x16x128xf32, #tpu.memory_space<vmem>>, vector<1x1x16x128xf32>
      %get3A_123 = vector.shape_cast %get3A_122 : vector<1x1x16x128xf32> to vector<16x128xf32>
      %get3A_124 = arith.index_cast %arg0 : i32 to index
      %get3A_125 = arith.constant 5 : index
      %get3A_126 = memref.load %arg10[%get3A_124, %get3A_125] : memref<8x20xf32, #tpu.memory_space<smem>>
      %eq3A_127 = vector.broadcast %get3A_126 : f32 to vector<16x128xf32>
      %eq3A_128 = arith.cmpf oeq, %get3A_123, %eq3A_127 : vector<16x128xf32>
      %or3A_129 = arith.ori %or3A_104, %eq3A_128 : vector<16x128xi1>
      %ge3A_130 = arith.constant 0.699999988 : f32
      %ge3A_131 = vector.broadcast %ge3A_130 : f32 to vector<16x128xf32>
      %ge3A_132 = arith.cmpf oge, %get3A_123, %ge3A_131 : vector<16x128xf32>
      %or3A_133 = arith.ori %or3A_108, %ge3A_132 : vector<16x128xi1>
      %ge3A_134 = arith.constant 3.000000e-01 : f32
      %ge3A_135 = vector.broadcast %ge3A_134 : f32 to vector<16x128xf32>
      %ge3A_136 = arith.cmpf oge, %get3A_123, %ge3A_135 : vector<16x128xf32>
      %or3A_137 = arith.ori %or3A_112, %ge3A_136 : vector<16x128xi1>
      %gt3A_138 = arith.cmpf ogt, %get3A_123, %max3A_117 : vector<16x128xf32>
      %jit3A_139 = arith.constant 5 : i32
      %broadcast_in_dim3A_140 = vector.broadcast %jit3A_139 : i32 to vector<16x128xi32>
      %select_n3A_141 = arith.select %gt3A_138, %broadcast_in_dim3A_140, %select_n3A_116 : vector<16x128xi1>, vector<16x128xi32>
      %max3A_142 = arith.maximumf %max3A_117, %get3A_123 : vector<16x128xf32>
      %get3A_143 = arith.index_cast %arg2 : i32 to index
      %get3A_144 = arith.constant 6 : index
      %get3A_145 = arith.constant 0 : index
      %get3A_146 = arith.constant 0 : index
      %get3A_147 = vector.load %arg7[%get3A_143, %get3A_144, %get3A_145, %get3A_146] : memref<10x20x16x128xf32, #tpu.memory_space<vmem>>, vector<1x1x16x128xf32>
      %get3A_148 = vector.shape_cast %get3A_147 : vector<1x1x16x128xf32> to vector<16x128xf32>
      %get3A_149 = arith.index_cast %arg0 : i32 to index
      %get3A_150 = arith.constant 6 : index
      %get3A_151 = memref.load %arg10[%get3A_149, %get3A_150] : memref<8x20xf32, #tpu.memory_space<smem>>
      %eq3A_152 = vector.broadcast %get3A_151 : f32 to vector<16x128xf32>
      %eq3A_153 = arith.cmpf oeq, %get3A_148, %eq3A_152 : vector<16x128xf32>
      %or3A_154 = arith.ori %or3A_129, %eq3A_153 : vector<16x128xi1>
      %ge3A_155 = arith.constant 0.699999988 : f32
      %ge3A_156 = vector.broadcast %ge3A_155 : f32 to vector<16x128xf32>
      %ge3A_157 = arith.cmpf oge, %get3A_148, %ge3A_156 : vector<16x128xf32>
      %or3A_158 = arith.ori %or3A_133, %ge3A_157 : vector<16x128xi1>
      %ge3A_159 = arith.constant 3.000000e-01 : f32
      %ge3A_160 = vector.broadcast %ge3A_159 : f32 to vector<16x128xf32>
      %ge3A_161 = arith.cmpf oge, %get3A_148, %ge3A_160 : vector<16x128xf32>
      %or3A_162 = arith.ori %or3A_137, %ge3A_161 : vector<16x128xi1>
      %gt3A_163 = arith.cmpf ogt, %get3A_148, %max3A_142 : vector<16x128xf32>
      %jit3A_164 = arith.constant 6 : i32
      %broadcast_in_dim3A_165 = vector.broadcast %jit3A_164 : i32 to vector<16x128xi32>
      %select_n3A_166 = arith.select %gt3A_163, %broadcast_in_dim3A_165, %select_n3A_141 : vector<16x128xi1>, vector<16x128xi32>
      %max3A_167 = arith.maximumf %max3A_142, %get3A_148 : vector<16x128xf32>
      %get3A_168 = arith.index_cast %arg2 : i32 to index
      %get3A_169 = arith.constant 7 : index
      %get3A_170 = arith.constant 0 : index
      %get3A_171 = arith.constant 0 : index
      %get3A_172 = vector.load %arg7[%get3A_168, %get3A_169, %get3A_170, %get3A_171] : memref<10x20x16x128xf32, #tpu.memory_space<vmem>>, vector<1x1x16x128xf32>
      %get3A_173 = vector.shape_cast %get3A_172 : vector<1x1x16x128xf32> to vector<16x128xf32>
      %get3A_174 = arith.index_cast %arg0 : i32 to index
      %get3A_175 = arith.constant 7 : index
      %get3A_176 = memref.load %arg10[%get3A_174, %get3A_175] : memref<8x20xf32, #tpu.memory_space<smem>>
      %eq3A_177 = vector.broadcast %get3A_176 : f32 to vector<16x128xf32>
      %eq3A_178 = arith.cmpf oeq, %get3A_173, %eq3A_177 : vector<16x128xf32>
      %or3A_179 = arith.ori %or3A_154, %eq3A_178 : vector<16x128xi1>
      %ge3A_180 = arith.constant 0.699999988 : f32
      %ge3A_181 = vector.broadcast %ge3A_180 : f32 to vector<16x128xf32>
      %ge3A_182 = arith.cmpf oge, %get3A_173, %ge3A_181 : vector<16x128xf32>
      %or3A_183 = arith.ori %or3A_158, %ge3A_182 : vector<16x128xi1>
      %ge3A_184 = arith.constant 3.000000e-01 : f32
      %ge3A_185 = vector.broadcast %ge3A_184 : f32 to vector<16x128xf32>
      %ge3A_186 = arith.cmpf oge, %get3A_173, %ge3A_185 : vector<16x128xf32>
      %or3A_187 = arith.ori %or3A_162, %ge3A_186 : vector<16x128xi1>
      %gt3A_188 = arith.cmpf ogt, %get3A_173, %max3A_167 : vector<16x128xf32>
      %jit3A_189 = arith.constant 7 : i32
      %broadcast_in_dim3A_190 = vector.broadcast %jit3A_189 : i32 to vector<16x128xi32>
      %select_n3A_191 = arith.select %gt3A_188, %broadcast_in_dim3A_190, %select_n3A_166 : vector<16x128xi1>, vector<16x128xi32>
      %max3A_192 = arith.maximumf %max3A_167, %get3A_173 : vector<16x128xf32>
      %get3A_193 = arith.index_cast %arg2 : i32 to index
      %get3A_194 = arith.constant 8 : index
      %get3A_195 = arith.constant 0 : index
      %get3A_196 = arith.constant 0 : index
      %get3A_197 = vector.load %arg7[%get3A_193, %get3A_194, %get3A_195, %get3A_196] : memref<10x20x16x128xf32, #tpu.memory_space<vmem>>, vector<1x1x16x128xf32>
      %get3A_198 = vector.shape_cast %get3A_197 : vector<1x1x16x128xf32> to vector<16x128xf32>
      %get3A_199 = arith.index_cast %arg0 : i32 to index
      %get3A_200 = arith.constant 8 : index
      %get3A_201 = memref.load %arg10[%get3A_199, %get3A_200] : memref<8x20xf32, #tpu.memory_space<smem>>
      %eq3A_202 = vector.broadcast %get3A_201 : f32 to vector<16x128xf32>
      %eq3A_203 = arith.cmpf oeq, %get3A_198, %eq3A_202 : vector<16x128xf32>
      %or3A_204 = arith.ori %or3A_179, %eq3A_203 : vector<16x128xi1>
      %ge3A_205 = arith.constant 0.699999988 : f32
      %ge3A_206 = vector.broadcast %ge3A_205 : f32 to vector<16x128xf32>
      %ge3A_207 = arith.cmpf oge, %get3A_198, %ge3A_206 : vector<16x128xf32>
      %or3A_208 = arith.ori %or3A_183, %ge3A_207 : vector<16x128xi1>
      %ge3A_209 = arith.constant 3.000000e-01 : f32
      %ge3A_210 = vector.broadcast %ge3A_209 : f32 to vector<16x128xf32>
      %ge3A_211 = arith.cmpf oge, %get3A_198, %ge3A_210 : vector<16x128xf32>
      %or3A_212 = arith.ori %or3A_187, %ge3A_211 : vector<16x128xi1>
      %gt3A_213 = arith.cmpf ogt, %get3A_198, %max3A_192 : vector<16x128xf32>
      %jit3A_214 = arith.constant 8 : i32
      %broadcast_in_dim3A_215 = vector.broadcast %jit3A_214 : i32 to vector<16x128xi32>
      %select_n3A_216 = arith.select %gt3A_213, %broadcast_in_dim3A_215, %select_n3A_191 : vector<16x128xi1>, vector<16x128xi32>
      %max3A_217 = arith.maximumf %max3A_192, %get3A_198 : vector<16x128xf32>
      %get3A_218 = arith.index_cast %arg2 : i32 to index
      %get3A_219 = arith.constant 9 : index
      %get3A_220 = arith.constant 0 : index
      %get3A_221 = arith.constant 0 : index
      %get3A_222 = vector.load %arg7[%get3A_218, %get3A_219, %get3A_220, %get3A_221] : memref<10x20x16x128xf32, #tpu.memory_space<vmem>>, vector<1x1x16x128xf32>
      %get3A_223 = vector.shape_cast %get3A_222 : vector<1x1x16x128xf32> to vector<16x128xf32>
      %get3A_224 = arith.index_cast %arg0 : i32 to index
      %get3A_225 = arith.constant 9 : index
      %get3A_226 = memref.load %arg10[%get3A_224, %get3A_225] : memref<8x20xf32, #tpu.memory_space<smem>>
      %eq3A_227 = vector.broadcast %get3A_226 : f32 to vector<16x128xf32>
      %eq3A_228 = arith.cmpf oeq, %get3A_223, %eq3A_227 : vector<16x128xf32>
      %or3A_229 = arith.ori %or3A_204, %eq3A_228 : vector<16x128xi1>
      %ge3A_230 = arith.constant 0.699999988 : f32
      %ge3A_231 = vector.broadcast %ge3A_230 : f32 to vector<16x128xf32>
      %ge3A_232 = arith.cmpf oge, %get3A_223, %ge3A_231 : vector<16x128xf32>
      %or3A_233 = arith.ori %or3A_208, %ge3A_232 : vector<16x128xi1>
      %ge3A_234 = arith.constant 3.000000e-01 : f32
      %ge3A_235 = vector.broadcast %ge3A_234 : f32 to vector<16x128xf32>
      %ge3A_236 = arith.cmpf oge, %get3A_223, %ge3A_235 : vector<16x128xf32>
      %or3A_237 = arith.ori %or3A_212, %ge3A_236 : vector<16x128xi1>
      %gt3A_238 = arith.cmpf ogt, %get3A_223, %max3A_217 : vector<16x128xf32>
      %jit3A_239 = arith.constant 9 : i32
      %broadcast_in_dim3A_240 = vector.broadcast %jit3A_239 : i32 to vector<16x128xi32>
      %select_n3A_241 = arith.select %gt3A_238, %broadcast_in_dim3A_240, %select_n3A_216 : vector<16x128xi1>, vector<16x128xi32>
      %max3A_242 = arith.maximumf %max3A_217, %get3A_223 : vector<16x128xf32>
      %get3A_243 = arith.index_cast %arg2 : i32 to index
      %get3A_244 = arith.constant 10 : index
      %get3A_245 = arith.constant 0 : index
      %get3A_246 = arith.constant 0 : index
      %get3A_247 = vector.load %arg7[%get3A_243, %get3A_244, %get3A_245, %get3A_246] : memref<10x20x16x128xf32, #tpu.memory_space<vmem>>, vector<1x1x16x128xf32>
      %get3A_248 = vector.shape_cast %get3A_247 : vector<1x1x16x128xf32> to vector<16x128xf32>
      %get3A_249 = arith.index_cast %arg0 : i32 to index
      %get3A_250 = arith.constant 10 : index
      %get3A_251 = memref.load %arg10[%get3A_249, %get3A_250] : memref<8x20xf32, #tpu.memory_space<smem>>
      %eq3A_252 = vector.broadcast %get3A_251 : f32 to vector<16x128xf32>
      %eq3A_253 = arith.cmpf oeq, %get3A_248, %eq3A_252 : vector<16x128xf32>
      %or3A_254 = arith.ori %or3A_229, %eq3A_253 : vector<16x128xi1>
      %ge3A_255 = arith.constant 0.699999988 : f32
      %ge3A_256 = vector.broadcast %ge3A_255 : f32 to vector<16x128xf32>
      %ge3A_257 = arith.cmpf oge, %get3A_248, %ge3A_256 : vector<16x128xf32>
      %or3A_258 = arith.ori %or3A_233, %ge3A_257 : vector<16x128xi1>
      %ge3A_259 = arith.constant 3.000000e-01 : f32
      %ge3A_260 = vector.broadcast %ge3A_259 : f32 to vector<16x128xf32>
      %ge3A_261 = arith.cmpf oge, %get3A_248, %ge3A_260 : vector<16x128xf32>
      %or3A_262 = arith.ori %or3A_237, %ge3A_261 : vector<16x128xi1>
      %gt3A_263 = arith.cmpf ogt, %get3A_248, %max3A_242 : vector<16x128xf32>
      %jit3A_264 = arith.constant 10 : i32
      %broadcast_in_dim3A_265 = vector.broadcast %jit3A_264 : i32 to vector<16x128xi32>
      %select_n3A_266 = arith.select %gt3A_263, %broadcast_in_dim3A_265, %select_n3A_241 : vector<16x128xi1>, vector<16x128xi32>
      %max3A_267 = arith.maximumf %max3A_242, %get3A_248 : vector<16x128xf32>
      %get3A_268 = arith.index_cast %arg2 : i32 to index
      %get3A_269 = arith.constant 11 : index
      %get3A_270 = arith.constant 0 : index
      %get3A_271 = arith.constant 0 : index
      %get3A_272 = vector.load %arg7[%get3A_268, %get3A_269, %get3A_270, %get3A_271] : memref<10x20x16x128xf32, #tpu.memory_space<vmem>>, vector<1x1x16x128xf32>
      %get3A_273 = vector.shape_cast %get3A_272 : vector<1x1x16x128xf32> to vector<16x128xf32>
      %get3A_274 = arith.index_cast %arg0 : i32 to index
      %get3A_275 = arith.constant 11 : index
      %get3A_276 = memref.load %arg10[%get3A_274, %get3A_275] : memref<8x20xf32, #tpu.memory_space<smem>>
      %eq3A_277 = vector.broadcast %get3A_276 : f32 to vector<16x128xf32>
      %eq3A_278 = arith.cmpf oeq, %get3A_273, %eq3A_277 : vector<16x128xf32>
      %or3A_279 = arith.ori %or3A_254, %eq3A_278 : vector<16x128xi1>
      %ge3A_280 = arith.constant 0.699999988 : f32
      %ge3A_281 = vector.broadcast %ge3A_280 : f32 to vector<16x128xf32>
      %ge3A_282 = arith.cmpf oge, %get3A_273, %ge3A_281 : vector<16x128xf32>
      %or3A_283 = arith.ori %or3A_258, %ge3A_282 : vector<16x128xi1>
      %ge3A_284 = arith.constant 3.000000e-01 : f32
      %ge3A_285 = vector.broadcast %ge3A_284 : f32 to vector<16x128xf32>
      %ge3A_286 = arith.cmpf oge, %get3A_273, %ge3A_285 : vector<16x128xf32>
      %or3A_287 = arith.ori %or3A_262, %ge3A_286 : vector<16x128xi1>
      %gt3A_288 = arith.cmpf ogt, %get3A_273, %max3A_267 : vector<16x128xf32>
      %jit3A_289 = arith.constant 11 : i32
      %broadcast_in_dim3A_290 = vector.broadcast %jit3A_289 : i32 to vector<16x128xi32>
      %select_n3A_291 = arith.select %gt3A_288, %broadcast_in_dim3A_290, %select_n3A_266 : vector<16x128xi1>, vector<16x128xi32>
      %max3A_292 = arith.maximumf %max3A_267, %get3A_273 : vector<16x128xf32>
      %get3A_293 = arith.index_cast %arg2 : i32 to index
      %get3A_294 = arith.constant 12 : index
      %get3A_295 = arith.constant 0 : index
      %get3A_296 = arith.constant 0 : index
      %get3A_297 = vector.load %arg7[%get3A_293, %get3A_294, %get3A_295, %get3A_296] : memref<10x20x16x128xf32, #tpu.memory_space<vmem>>, vector<1x1x16x128xf32>
      %get3A_298 = vector.shape_cast %get3A_297 : vector<1x1x16x128xf32> to vector<16x128xf32>
      %get3A_299 = arith.index_cast %arg0 : i32 to index
      %get3A_300 = arith.constant 12 : index
      %get3A_301 = memref.load %arg10[%get3A_299, %get3A_300] : memref<8x20xf32, #tpu.memory_space<smem>>
      %eq3A_302 = vector.broadcast %get3A_301 : f32 to vector<16x128xf32>
      %eq3A_303 = arith.cmpf oeq, %get3A_298, %eq3A_302 : vector<16x128xf32>
      %or3A_304 = arith.ori %or3A_279, %eq3A_303 : vector<16x128xi1>
      %ge3A_305 = arith.constant 0.699999988 : f32
      %ge3A_306 = vector.broadcast %ge3A_305 : f32 to vector<16x128xf32>
      %ge3A_307 = arith.cmpf oge, %get3A_298, %ge3A_306 : vector<16x128xf32>
      %or3A_308 = arith.ori %or3A_283, %ge3A_307 : vector<16x128xi1>
      %ge3A_309 = arith.constant 3.000000e-01 : f32
      %ge3A_310 = vector.broadcast %ge3A_309 : f32 to vector<16x128xf32>
      %ge3A_311 = arith.cmpf oge, %get3A_298, %ge3A_310 : vector<16x128xf32>
      %or3A_312 = arith.ori %or3A_287, %ge3A_311 : vector<16x128xi1>
      %gt3A_313 = arith.cmpf ogt, %get3A_298, %max3A_292 : vector<16x128xf32>
      %jit3A_314 = arith.constant 12 : i32
      %broadcast_in_dim3A_315 = vector.broadcast %jit3A_314 : i32 to vector<16x128xi32>
      %select_n3A_316 = arith.select %gt3A_313, %broadcast_in_dim3A_315, %select_n3A_291 : vector<16x128xi1>, vector<16x128xi32>
      %max3A_317 = arith.maximumf %max3A_292, %get3A_298 : vector<16x128xf32>
      %get3A_318 = arith.index_cast %arg2 : i32 to index
      %get3A_319 = arith.constant 13 : index
      %get3A_320 = arith.constant 0 : index
      %get3A_321 = arith.constant 0 : index
      %get3A_322 = vector.load %arg7[%get3A_318, %get3A_319, %get3A_320, %get3A_321] : memref<10x20x16x128xf32, #tpu.memory_space<vmem>>, vector<1x1x16x128xf32>
      %get3A_323 = vector.shape_cast %get3A_322 : vector<1x1x16x128xf32> to vector<16x128xf32>
      %get3A_324 = arith.index_cast %arg0 : i32 to index
      %get3A_325 = arith.constant 13 : index
      %get3A_326 = memref.load %arg10[%get3A_324, %get3A_325] : memref<8x20xf32, #tpu.memory_space<smem>>
      %eq3A_327 = vector.broadcast %get3A_326 : f32 to vector<16x128xf32>
      %eq3A_328 = arith.cmpf oeq, %get3A_323, %eq3A_327 : vector<16x128xf32>
      %or3A_329 = arith.ori %or3A_304, %eq3A_328 : vector<16x128xi1>
      %ge3A_330 = arith.constant 0.699999988 : f32
      %ge3A_331 = vector.broadcast %ge3A_330 : f32 to vector<16x128xf32>
      %ge3A_332 = arith.cmpf oge, %get3A_323, %ge3A_331 : vector<16x128xf32>
      %or3A_333 = arith.ori %or3A_308, %ge3A_332 : vector<16x128xi1>
      %ge3A_334 = arith.constant 3.000000e-01 : f32
      %ge3A_335 = vector.broadcast %ge3A_334 : f32 to vector<16x128xf32>
      %ge3A_336 = arith.cmpf oge, %get3A_323, %ge3A_335 : vector<16x128xf32>
      %or3A_337 = arith.ori %or3A_312, %ge3A_336 : vector<16x128xi1>
      %gt3A_338 = arith.cmpf ogt, %get3A_323, %max3A_317 : vector<16x128xf32>
      %jit3A_339 = arith.constant 13 : i32
      %broadcast_in_dim3A_340 = vector.broadcast %jit3A_339 : i32 to vector<16x128xi32>
      %select_n3A_341 = arith.select %gt3A_338, %broadcast_in_dim3A_340, %select_n3A_316 : vector<16x128xi1>, vector<16x128xi32>
      %max3A_342 = arith.maximumf %max3A_317, %get3A_323 : vector<16x128xf32>
      %get3A_343 = arith.index_cast %arg2 : i32 to index
      %get3A_344 = arith.constant 14 : index
      %get3A_345 = arith.constant 0 : index
      %get3A_346 = arith.constant 0 : index
      %get3A_347 = vector.load %arg7[%get3A_343, %get3A_344, %get3A_345, %get3A_346] : memref<10x20x16x128xf32, #tpu.memory_space<vmem>>, vector<1x1x16x128xf32>
      %get3A_348 = vector.shape_cast %get3A_347 : vector<1x1x16x128xf32> to vector<16x128xf32>
      %get3A_349 = arith.index_cast %arg0 : i32 to index
      %get3A_350 = arith.constant 14 : index
      %get3A_351 = memref.load %arg10[%get3A_349, %get3A_350] : memref<8x20xf32, #tpu.memory_space<smem>>
      %eq3A_352 = vector.broadcast %get3A_351 : f32 to vector<16x128xf32>
      %eq3A_353 = arith.cmpf oeq, %get3A_348, %eq3A_352 : vector<16x128xf32>
      %or3A_354 = arith.ori %or3A_329, %eq3A_353 : vector<16x128xi1>
      %ge3A_355 = arith.constant 0.699999988 : f32
      %ge3A_356 = vector.broadcast %ge3A_355 : f32 to vector<16x128xf32>
      %ge3A_357 = arith.cmpf oge, %get3A_348, %ge3A_356 : vector<16x128xf32>
      %or3A_358 = arith.ori %or3A_333, %ge3A_357 : vector<16x128xi1>
      %ge3A_359 = arith.constant 3.000000e-01 : f32
      %ge3A_360 = vector.broadcast %ge3A_359 : f32 to vector<16x128xf32>
      %ge3A_361 = arith.cmpf oge, %get3A_348, %ge3A_360 : vector<16x128xf32>
      %or3A_362 = arith.ori %or3A_337, %ge3A_361 : vector<16x128xi1>
      %gt3A_363 = arith.cmpf ogt, %get3A_348, %max3A_342 : vector<16x128xf32>
      %jit3A_364 = arith.constant 14 : i32
      %broadcast_in_dim3A_365 = vector.broadcast %jit3A_364 : i32 to vector<16x128xi32>
      %select_n3A_366 = arith.select %gt3A_363, %broadcast_in_dim3A_365, %select_n3A_341 : vector<16x128xi1>, vector<16x128xi32>
      %max3A_367 = arith.maximumf %max3A_342, %get3A_348 : vector<16x128xf32>
      %get3A_368 = arith.index_cast %arg2 : i32 to index
      %get3A_369 = arith.constant 15 : index
      %get3A_370 = arith.constant 0 : index
      %get3A_371 = arith.constant 0 : index
      %get3A_372 = vector.load %arg7[%get3A_368, %get3A_369, %get3A_370, %get3A_371] : memref<10x20x16x128xf32, #tpu.memory_space<vmem>>, vector<1x1x16x128xf32>
      %get3A_373 = vector.shape_cast %get3A_372 : vector<1x1x16x128xf32> to vector<16x128xf32>
      %get3A_374 = arith.index_cast %arg0 : i32 to index
      %get3A_375 = arith.constant 15 : index
      %get3A_376 = memref.load %arg10[%get3A_374, %get3A_375] : memref<8x20xf32, #tpu.memory_space<smem>>
      %eq3A_377 = vector.broadcast %get3A_376 : f32 to vector<16x128xf32>
      %eq3A_378 = arith.cmpf oeq, %get3A_373, %eq3A_377 : vector<16x128xf32>
      %or3A_379 = arith.ori %or3A_354, %eq3A_378 : vector<16x128xi1>
      %ge3A_380 = arith.constant 0.699999988 : f32
      %ge3A_381 = vector.broadcast %ge3A_380 : f32 to vector<16x128xf32>
      %ge3A_382 = arith.cmpf oge, %get3A_373, %ge3A_381 : vector<16x128xf32>
      %or3A_383 = arith.ori %or3A_358, %ge3A_382 : vector<16x128xi1>
      %ge3A_384 = arith.constant 3.000000e-01 : f32
      %ge3A_385 = vector.broadcast %ge3A_384 : f32 to vector<16x128xf32>
      %ge3A_386 = arith.cmpf oge, %get3A_373, %ge3A_385 : vector<16x128xf32>
      %or3A_387 = arith.ori %or3A_362, %ge3A_386 : vector<16x128xi1>
      %gt3A_388 = arith.cmpf ogt, %get3A_373, %max3A_367 : vector<16x128xf32>
      %jit3A_389 = arith.constant 15 : i32
      %broadcast_in_dim3A_390 = vector.broadcast %jit3A_389 : i32 to vector<16x128xi32>
      %select_n3A_391 = arith.select %gt3A_388, %broadcast_in_dim3A_390, %select_n3A_366 : vector<16x128xi1>, vector<16x128xi32>
      %max3A_392 = arith.maximumf %max3A_367, %get3A_373 : vector<16x128xf32>
      %get3A_393 = arith.index_cast %arg2 : i32 to index
      %get3A_394 = arith.constant 16 : index
      %get3A_395 = arith.constant 0 : index
      %get3A_396 = arith.constant 0 : index
      %get3A_397 = vector.load %arg7[%get3A_393, %get3A_394, %get3A_395, %get3A_396] : memref<10x20x16x128xf32, #tpu.memory_space<vmem>>, vector<1x1x16x128xf32>
      %get3A_398 = vector.shape_cast %get3A_397 : vector<1x1x16x128xf32> to vector<16x128xf32>
      %get3A_399 = arith.index_cast %arg0 : i32 to index
      %get3A_400 = arith.constant 16 : index
      %get3A_401 = memref.load %arg10[%get3A_399, %get3A_400] : memref<8x20xf32, #tpu.memory_space<smem>>
      %eq3A_402 = vector.broadcast %get3A_401 : f32 to vector<16x128xf32>
      %eq3A_403 = arith.cmpf oeq, %get3A_398, %eq3A_402 : vector<16x128xf32>
      %or3A_404 = arith.ori %or3A_379, %eq3A_403 : vector<16x128xi1>
      %ge3A_405 = arith.constant 0.699999988 : f32
      %ge3A_406 = vector.broadcast %ge3A_405 : f32 to vector<16x128xf32>
      %ge3A_407 = arith.cmpf oge, %get3A_398, %ge3A_406 : vector<16x128xf32>
      %or3A_408 = arith.ori %or3A_383, %ge3A_407 : vector<16x128xi1>
      %ge3A_409 = arith.constant 3.000000e-01 : f32
      %ge3A_410 = vector.broadcast %ge3A_409 : f32 to vector<16x128xf32>
      %ge3A_411 = arith.cmpf oge, %get3A_398, %ge3A_410 : vector<16x128xf32>
      %or3A_412 = arith.ori %or3A_387, %ge3A_411 : vector<16x128xi1>
      %gt3A_413 = arith.cmpf ogt, %get3A_398, %max3A_392 : vector<16x128xf32>
      %jit3A_414 = arith.constant 16 : i32
      %broadcast_in_dim3A_415 = vector.broadcast %jit3A_414 : i32 to vector<16x128xi32>
      %select_n3A_416 = arith.select %gt3A_413, %broadcast_in_dim3A_415, %select_n3A_391 : vector<16x128xi1>, vector<16x128xi32>
      %max3A_417 = arith.maximumf %max3A_392, %get3A_398 : vector<16x128xf32>
      %get3A_418 = arith.index_cast %arg2 : i32 to index
      %get3A_419 = arith.constant 17 : index
      %get3A_420 = arith.constant 0 : index
      %get3A_421 = arith.constant 0 : index
      %get3A_422 = vector.load %arg7[%get3A_418, %get3A_419, %get3A_420, %get3A_421] : memref<10x20x16x128xf32, #tpu.memory_space<vmem>>, vector<1x1x16x128xf32>
      %get3A_423 = vector.shape_cast %get3A_422 : vector<1x1x16x128xf32> to vector<16x128xf32>
      %get3A_424 = arith.index_cast %arg0 : i32 to index
      %get3A_425 = arith.constant 17 : index
      %get3A_426 = memref.load %arg10[%get3A_424, %get3A_425] : memref<8x20xf32, #tpu.memory_space<smem>>
      %eq3A_427 = vector.broadcast %get3A_426 : f32 to vector<16x128xf32>
      %eq3A_428 = arith.cmpf oeq, %get3A_423, %eq3A_427 : vector<16x128xf32>
      %or3A_429 = arith.ori %or3A_404, %eq3A_428 : vector<16x128xi1>
      %ge3A_430 = arith.constant 0.699999988 : f32
      %ge3A_431 = vector.broadcast %ge3A_430 : f32 to vector<16x128xf32>
      %ge3A_432 = arith.cmpf oge, %get3A_423, %ge3A_431 : vector<16x128xf32>
      %or3A_433 = arith.ori %or3A_408, %ge3A_432 : vector<16x128xi1>
      %ge3A_434 = arith.constant 3.000000e-01 : f32
      %ge3A_435 = vector.broadcast %ge3A_434 : f32 to vector<16x128xf32>
      %ge3A_436 = arith.cmpf oge, %get3A_423, %ge3A_435 : vector<16x128xf32>
      %or3A_437 = arith.ori %or3A_412, %ge3A_436 : vector<16x128xi1>
      %gt3A_438 = arith.cmpf ogt, %get3A_423, %max3A_417 : vector<16x128xf32>
      %jit3A_439 = arith.constant 17 : i32
      %broadcast_in_dim3A_440 = vector.broadcast %jit3A_439 : i32 to vector<16x128xi32>
      %select_n3A_441 = arith.select %gt3A_438, %broadcast_in_dim3A_440, %select_n3A_416 : vector<16x128xi1>, vector<16x128xi32>
      %max3A_442 = arith.maximumf %max3A_417, %get3A_423 : vector<16x128xf32>
      %get3A_443 = arith.index_cast %arg2 : i32 to index
      %get3A_444 = arith.constant 18 : index
      %get3A_445 = arith.constant 0 : index
      %get3A_446 = arith.constant 0 : index
      %get3A_447 = vector.load %arg7[%get3A_443, %get3A_444, %get3A_445, %get3A_446] : memref<10x20x16x128xf32, #tpu.memory_space<vmem>>, vector<1x1x16x128xf32>
      %get3A_448 = vector.shape_cast %get3A_447 : vector<1x1x16x128xf32> to vector<16x128xf32>
      %get3A_449 = arith.index_cast %arg0 : i32 to index
      %get3A_450 = arith.constant 18 : index
      %get3A_451 = memref.load %arg10[%get3A_449, %get3A_450] : memref<8x20xf32, #tpu.memory_space<smem>>
      %eq3A_452 = vector.broadcast %get3A_451 : f32 to vector<16x128xf32>
      %eq3A_453 = arith.cmpf oeq, %get3A_448, %eq3A_452 : vector<16x128xf32>
      %or3A_454 = arith.ori %or3A_429, %eq3A_453 : vector<16x128xi1>
      %ge3A_455 = arith.constant 0.699999988 : f32
      %ge3A_456 = vector.broadcast %ge3A_455 : f32 to vector<16x128xf32>
      %ge3A_457 = arith.cmpf oge, %get3A_448, %ge3A_456 : vector<16x128xf32>
      %or3A_458 = arith.ori %or3A_433, %ge3A_457 : vector<16x128xi1>
      %ge3A_459 = arith.constant 3.000000e-01 : f32
      %ge3A_460 = vector.broadcast %ge3A_459 : f32 to vector<16x128xf32>
      %ge3A_461 = arith.cmpf oge, %get3A_448, %ge3A_460 : vector<16x128xf32>
      %or3A_462 = arith.ori %or3A_437, %ge3A_461 : vector<16x128xi1>
      %gt3A_463 = arith.cmpf ogt, %get3A_448, %max3A_442 : vector<16x128xf32>
      %jit3A_464 = arith.constant 18 : i32
      %broadcast_in_dim3A_465 = vector.broadcast %jit3A_464 : i32 to vector<16x128xi32>
      %select_n3A_466 = arith.select %gt3A_463, %broadcast_in_dim3A_465, %select_n3A_441 : vector<16x128xi1>, vector<16x128xi32>
      %max3A_467 = arith.maximumf %max3A_442, %get3A_448 : vector<16x128xf32>
      %get3A_468 = arith.index_cast %arg2 : i32 to index
      %get3A_469 = arith.constant 19 : index
      %get3A_470 = arith.constant 0 : index
      %get3A_471 = arith.constant 0 : index
      %get3A_472 = vector.load %arg7[%get3A_468, %get3A_469, %get3A_470, %get3A_471] : memref<10x20x16x128xf32, #tpu.memory_space<vmem>>, vector<1x1x16x128xf32>
      %get3A_473 = vector.shape_cast %get3A_472 : vector<1x1x16x128xf32> to vector<16x128xf32>
      %get3A_474 = arith.index_cast %arg0 : i32 to index
      %get3A_475 = arith.constant 19 : index
      %get3A_476 = memref.load %arg10[%get3A_474, %get3A_475] : memref<8x20xf32, #tpu.memory_space<smem>>
      %eq3A_477 = vector.broadcast %get3A_476 : f32 to vector<16x128xf32>
      %eq3A_478 = arith.cmpf oeq, %get3A_473, %eq3A_477 : vector<16x128xf32>
      %or3A_479 = arith.ori %or3A_454, %eq3A_478 : vector<16x128xi1>
      %ge3A_480 = arith.constant 0.699999988 : f32
      %ge3A_481 = vector.broadcast %ge3A_480 : f32 to vector<16x128xf32>
      %ge3A_482 = arith.cmpf oge, %get3A_473, %ge3A_481 : vector<16x128xf32>
      %or3A_483 = arith.ori %or3A_458, %ge3A_482 : vector<16x128xi1>
      %ge3A_484 = arith.constant 3.000000e-01 : f32
      %ge3A_485 = vector.broadcast %ge3A_484 : f32 to vector<16x128xf32>
      %ge3A_486 = arith.cmpf oge, %get3A_473, %ge3A_485 : vector<16x128xf32>
      %or3A_487 = arith.ori %or3A_462, %ge3A_486 : vector<16x128xi1>
      %gt3A_488 = arith.cmpf ogt, %get3A_473, %max3A_467 : vector<16x128xf32>
      %jit3A_489 = arith.constant 19 : i32
      %broadcast_in_dim3A_490 = vector.broadcast %jit3A_489 : i32 to vector<16x128xi32>
      %select_n3A_491 = arith.select %gt3A_488, %broadcast_in_dim3A_490, %select_n3A_466 : vector<16x128xi1>, vector<16x128xi32>
      %get3A_492 = arith.index_cast %arg2 : i32 to index
      %get3A_493 = arith.constant 0 : index
      %get3A_494 = arith.constant 0 : index
      %get3A_495 = vector.load %arg8[%get3A_492, %get3A_493, %get3A_494] : memref<10x16x128xi32, #tpu.memory_space<vmem>>, vector<1x16x128xi32>
      %get3A_496 = vector.shape_cast %get3A_495 : vector<1x16x128xi32> to vector<16x128xi32>
      %ne3A = arith.constant 0 : i32
      %ne3A_497 = vector.broadcast %ne3A : i32 to vector<16x128xi32>
      %ne3A_498 = arith.cmpi ne, %get3A_496, %ne3A_497 : vector<16x128xi32>
      %or3A_499 = arith.ori %or3A_479, %or3A_483 : vector<16x128xi1>
      %and3A = arith.andi %or3A_499, %ne3A_498 : vector<16x128xi1>
      %not3A = arith.constant dense<true> : vector<16x128xi1>
      %not3A_500 = arith.xori %or3A_487, %not3A : vector<16x128xi1>
      %not3A_501 = arith.constant dense<true> : vector<16x128xi1>
      %not3A_502 = arith.xori %or3A_499, %not3A_501 : vector<16x128xi1>
      %and3A_503 = arith.andi %not3A_500, %not3A_502 : vector<16x128xi1>
      %and3A_504 = arith.andi %and3A_503, %ne3A_498 : vector<16x128xi1>
      %convert_element_type3A_505 = arith.extui %and3A : vector<16x128xi1> to vector<16x128xi32>
      %mul3A = arith.constant 2 : i32
      %mul3A_506 = vector.broadcast %mul3A : i32 to vector<16x128xi32>
      %mul3A_507 = arith.muli %convert_element_type3A_505, %mul3A_506 : vector<16x128xi32>
      %convert_element_type3A_508 = arith.extui %and3A_504 : vector<16x128xi1> to vector<16x128xi32>
      %add3A = arith.addi %mul3A_507, %convert_element_type3A_508 : vector<16x128xi32>
      %mul3A_509 = arith.constant 4 : i32
      %mul3A_510 = vector.broadcast %mul3A_509 : i32 to vector<16x128xi32>
      %mul3A_511 = arith.muli %select_n3A_491, %mul3A_510 : vector<16x128xi32>
      %add3A_512 = arith.addi %add3A, %mul3A_511 : vector<16x128xi32>
      %swap3A = arith.constant 0 : index
      %swap3A_513 = arith.constant 0 : index
      %swap3A_514 = arith.constant 0 : index
      %swap3A_515 = vector.load %arg6[%swap3A, %swap3A_513, %swap3A_514] : memref<1x16x128xi32, #tpu.memory_space<vmem>>, vector<1x16x128xi32>
      %swap3A_516 = vector.shape_cast %swap3A_515 : vector<1x16x128xi32> to vector<16x128xi32>
      %swap3A_517 = vector.shape_cast %add3A_512 : vector<16x128xi32> to vector<1x16x128xi32>
      tpu.vector_store %arg6[%swap3A, %swap3A_513, %swap3A_514], %swap3A_517 {strides = array<i32>} : memref<1x16x128xi32, #tpu.memory_space<vmem>>, vector<1x16x128xi32>,
    } else {
    }
    return
  }
  func.func @transform_0(%arg0: i32, %arg1: i32, %arg2: i32) -> (i32, i32, i32) {
    %c0_i32 = arith.constant 0 : i32
    %c0_i32_0 = arith.constant 0 : i32
    %c0_i32_1 = arith.constant 0 : i32
    return %c0_i32, %arg2, %c0_i32_0 : i32, i32, i32
  }
  func.func @transform_1(%arg0: i32, %arg1: i32, %arg2: i32) -> (i32, i32, i32, i32) {
    %c0_i32 = arith.constant 0 : i32
    %c0_i32_0 = arith.constant 0 : i32
    %c0_i32_1 = arith.constant 0 : i32
    return %arg0, %c0_i32, %arg2, %c0_i32_0 : i32, i32, i32, i32
  }
  func.func @transform_2(%arg0: i32, %arg1: i32, %arg2: i32) -> (i32, i32, i32, i32) {
    %c0_i32 = arith.constant 0 : i32
    %c0_i32_0 = arith.constant 0 : i32
    %c0_i32_1 = arith.constant 0 : i32
    %c0_i32_2 = arith.constant 0 : i32
    return %arg0, %c0_i32, %c0_i32_0, %c0_i32_1 : i32, i32, i32, i32
  }
  func.func @transform_3(%arg0: i32, %arg1: i32, %arg2: i32) -> (i32, i32, i32) {
    %c0_i32 = arith.constant 0 : i32
    %c0_i32_0 = arith.constant 0 : i32
    return %arg0, %arg2, %c0_i32 : i32, i32, i32
  }
}

module attributes {stable_mosaic.version = 14 : i64} {
  func.func @_tc_log_body(%arg0: memref<32x256xf32, #tpu.memory_space<vmem>>, %arg1: memref<32x256xf32, #tpu.memory_space<vmem>>) attributes {dimension_semantics = [], scalar_prefetch = 0 : i64, scratch_operands = 0 : i64, tpu.core_type = #tpu.core_type<tc>} {
    %iota3A = tpu.iota {dimensions = array<i32: 0>} : vector<32x256xi32>
    %jit3A = arith.constant 4 : i32
    %eq3A = arith.constant 0 : i32
    %eq3A_0 = arith.cmpi eq, %jit3A, %eq3A : i32
    %jit3A_1 = arith.constant 1 : i32
    %select_n3A = arith.select %eq3A_0, %jit3A_1, %jit3A : i32
    %rem3A = vector.broadcast %select_n3A : i32 to vector<32x256xi32>
    %rem3A_2 = arith.remsi %iota3A, %rem3A : vector<32x256xi32>
    %ne3A = arith.constant 0 : i32
    %ne3A_3 = vector.broadcast %ne3A : i32 to vector<32x256xi32>
    %ne3A_4 = arith.cmpi ne, %rem3A_2, %ne3A_3 : vector<32x256xi32>
    %lt3A = arith.constant 0 : i32
    %lt3A_5 = vector.broadcast %lt3A : i32 to vector<32x256xi32>
    %lt3A_6 = arith.cmpi slt, %rem3A_2, %lt3A_5 : vector<32x256xi32>
    %lt3A_7 = arith.constant 0 : i32
    %lt3A_8 = arith.cmpi slt, %select_n3A, %lt3A_7 : i32
    %ne3A_9 = vector.broadcast %lt3A_8 : i1 to vector<32x256xi1>
    %ne3A_10 = vector.broadcast %ne3A_9 : vector<32x256xi1> to vector<32x256xi1>
    %ne3A_11 = arith.xori %lt3A_6, %ne3A_10 : vector<32x256xi1>
    %and3A = arith.andi %ne3A_11, %ne3A_4 : vector<32x256xi1>
    %add3A = vector.broadcast %select_n3A : i32 to vector<32x256xi32>
    %add3A_12 = arith.addi %rem3A_2, %add3A : vector<32x256xi32>
    %select_n3A_13 = arith.select %and3A, %add3A_12, %rem3A_2 : vector<32x256xi1>, vector<32x256xi32>
    %ge3A = arith.constant 2 : i32
    %ge3A_14 = vector.broadcast %ge3A : i32 to vector<32x256xi32>
    %ge3A_15 = arith.cmpi sge, %select_n3A_13, %ge3A_14 : vector<32x256xi32>
    %get3A = arith.constant 0 : index
    %get3A_16 = arith.constant 0 : index
    %get3A_17 = vector.load %arg0[%get3A, %get3A_16] : memref<32x256xf32, #tpu.memory_space<vmem>>, vector<32x256xf32>
    %log3A = math.log %get3A_17 : vector<32x256xf32>
    %select_n3A_18 = arith.select %ge3A_15, %log3A, %get3A_17 : vector<32x256xi1>, vector<32x256xf32>
    %swap3A = arith.constant 0 : index
    %swap3A_19 = arith.constant 0 : index
    %swap3A_20 = vector.load %arg1[%swap3A, %swap3A_19] : memref<32x256xf32, #tpu.memory_space<vmem>>, vector<32x256xf32>
    tpu.vector_store %arg1[%swap3A, %swap3A_19], %select_n3A_18 {strides = array<i32>} : memref<32x256xf32, #tpu.memory_space<vmem>>, vector<32x256xf32>,
    return
  }
}

</mosaic_0001>

<sc_bundles>
// kernel: kernel.5.cloned.1.call-start
scs
__scs_entry_jumppad:
0x0: {  	(pc) =	sbr.rel $0x88, $3  }
0x1: {  	(tag) =	ssettag $0x0;
	lr =	simm.s32 $0x1  }
0x2: {  	[smem:$0x3F9E] =	sst lr;
	_ =	strace $0xD0000000  }
0x3: {  	_ = 	snop  }
0x4: {  	_ = 	snop  }
0x5: {  	_ = 	snop  }
0x6: {  	_ = 	snop  }
0x7: {  	_ = 	snop  }
__scs_overlays_trampoline_lowered:
0x8: {  	[smem:$0x3FAD] =	sst s0  }
0x9: {  	[smem:$0x3FAE] =	sst s1  }
0xa: {  	[smem:$0x3FAF] =	sst s2  }
0xb: {  	[smem:$0x3FB0] =	sst s3  }
0xc: {  	[smem:$0x3FB1] =	sst s4  }
0xd: {  	[smem:$0x3FB2] =	sst s5  }
0xe: {  	[smem:$0x3FB3] =	sst s6  }
0xf: {  	[smem:$0x3FB4] =	sst s7  }
0x10: {  	[smem:$0x3FB5] =	sst s8  }
0x11: {  	[smem:$0x3FB6] =	sst s9;
	s0 =	simm.s32 @!p0 $0x0  }
0x12: {  	s1 =	sld [smem:$0x3F9C];
	s0 =	simm.s32 @p0 $0x1  }
0x13: {  	[smem:$0x3FB7] =	sst s0;
	s0 =	simm.s32 @!p1 $0x0  }
0x14: {  	s2 =	sld [smem:$0x3F9B];
	s0 =	simm.s32 @p1 $0x1  }
0x15: {  	[smem:$0x3FB8] =	sst s0;
	s0 =	simm.s32 @!p2 $0x0  }
0x16: {  	s3 =	sld [smem:$0x3FDB];
	s0 =	simm.s32 @p2 $0x1  }
0x17: {  	s4 =	simm.s32 $0x1BF5;
	[smem:$0x3FBA] =	sst s0  }
0x18: {  	s0 =	sld [smem:$0x3F9D];
	_ =	swait.ge [sflag:s4], $0x0  }
0x19: {  	s7 =	sld [smem:$0x3F9E]  }
0x1a: {  	s8 =	sadd.s32 $0xFFFFE003, lr  }
0x1b: {  	s9 =	sadd.s32 $0xFFFFFEF7, lr;
	s5 =	simm.s32 $0xFFFFFFFF;
	p2 =	slt.u32 s8, $0xFFFFF086  }
0x1c: {  	p1 =	slt.u32 s9, $0xF7A;
	s5 =	simm.s32 @!p2 $0x0  }
0x1d: {  	s5 =	simm.s32 @p1 $0x1;
	p0 =	seq.s32 s7, s2  }
0x1e: {  	s7 =	smul.u32 @!p0 $0xF7A, s2;
	p2 =	seq.s32 @!p0 s5, $0x0  }
0x1f: {  	s9 =	smul.u32 $0xF7A, s1;
	s8 =	simm.s32 @!p0 $0x1BF5;
	p2 =	por !p2, p0  }
0x20: {  	[sflag:s8] =	ssyncset.s32 @!p0 $0xFFFFF086;
	s6 =	sadd.s32 @!p0 s3, s7;
	s7 =	simm.s32 @!p0 $0x108  }
0x21: {  	s3 =	sadd.s32 s3, s9;
	s6 =	sadd.s32 @!p0 $0x88, s6;
	s7 =	simm.s32 @p2 $0x1082  }
0x22: {  	[simem:s7], [sflag:s8] =	dma.local @!p0 [hbm:s6], $0xF7A  }
0x23: {  	s9 =	sor.u32 $0xD0000000, s2;
	s6 =	simm.s32 $0x108;
	_ =	swait.ge @!p0 [sflag:s8], $0x0  }
0x24: {  	s3 =	sadd.s32 $0x88, s3;
	s6 =	simm.s32 @!p1 $0x1082;
	[sflag:s4] =	ssyncset.s32 $0xFFFFF086  }
0x25: {  	[simem:s6], [sflag:s4] =	dma.local [hbm:s3], $0xF7A  }
0x26: {  	[smem:$0x3F9E] =	sst s1;
	(tag) =	ssettag s2;
	_ =	strace s9  }
0x27: {  	s1 =	sld [smem:$0x3FAE]  }
0x28: {  	s2 =	sld [smem:$0x3FAF]  }
0x29: {  	s4 =	sld [smem:$0x3FB1]  }
0x2a: {  	p0 =	seq.s32 s5, $0x0;
	s5 =	sld [smem:$0x3FB2]  }
0x2b: {  	s6 =	sld [smem:$0x3FB3]  }
0x2c: {  	s7 =	sld [smem:$0x3FB4]  }
0x2d: {  	s3 =	simm.s32 $0x108;
	s8 =	sld [smem:$0x3FB5]  }
0x2e: {  	s3 =	simm.s32 @!p0 $0x1082;
	s9 =	sld [smem:$0x3FB6]  }
0x2f: {  	lr =	sadd.s32 s0, s3;
	s0 =	sld [smem:$0x3FAD]  }
0x30: {  	s3 =	sld [smem:$0x3FB0]  }
0x31: {  	[smem:$0x3FB9] =	sst s10  }
0x32: {  	s10 =	sld [smem:$0x3FB7];
	_ =	sdelay $0x3  }
0x33: {  	p0 =	seq.s32 s10, $0x1;
	s10 =	sld [smem:$0x3FB9];
	_ =	sdelay $0x3  }
0x34: {  	[smem:$0x3FB9] =	sst s10  }
0x35: {  	s10 =	sld [smem:$0x3FB8];
	_ =	sdelay $0x3  }
0x36: {  	p1 =	seq.s32 s10, $0x1;
	s10 =	sld [smem:$0x3FB9];
	_ =	sdelay $0x3  }
0x37: {  	[smem:$0x3FB9] =	sst s10  }
0x38: {  	s10 =	sld [smem:$0x3FBA]  }
0x39: {  	_ = 	snop;
	(pc) =	sbr.ind lr, $3  }
0x3a: {  	_ = 	snop  }
0x3b: {  	_ = 	snop  }
0x3c: {  	p2 =	seq.s32 s10, $0x1;
	s10 =	sld [smem:$0x3FB9]  }
0x3d: {  	_ =	shalt  }
0x3e: {  	_ =	shalt  }
0x3f: {  	_ =	shalt  }
0x40: {  	_ =	shalt  }
0x41: {  	_ =	shalt  }
0x42: {  	_ =	shalt  }
0x43: {  	_ =	shalt  }
0x44: {  	_ =	shalt  }
0x45: {  	_ =	shalt  }
0x46: {  	_ =	shalt  }
0x47: {  	_ =	shalt  }
0x48: {  	_ =	shalt  }
0x49: {  	_ =	shalt  }
0x4a: {  	_ =	shalt  }
0x4b: {  	_ =	shalt  }
0x4c: {  	_ =	shalt  }
0x4d: {  	_ =	shalt  }
0x4e: {  	_ =	shalt  }
0x4f: {  	_ =	shalt  }
0x50: {  	_ =	shalt  }
0x51: {  	_ =	shalt  }
0x52: {  	_ =	shalt  }
0x53: {  	_ =	shalt  }
0x54: {  	_ =	shalt  }
0x55: {  	_ =	shalt  }
0x56: {  	_ =	shalt  }
0x57: {  	_ =	shalt  }
0x58: {  	_ =	shalt  }
0x59: {  	_ =	shalt  }
0x5a: {  	_ =	shalt  }
0x5b: {  	_ =	shalt  }
0x5c: {  	_ =	shalt  }
0x5d: {  	_ =	shalt  }
0x5e: {  	_ =	shalt  }
0x5f: {  	_ =	shalt  }
0x60: {  	_ =	shalt  }
0x61: {  	_ =	shalt  }
0x62: {  	_ =	shalt  }
0x63: {  	_ =	shalt  }
0x64: {  	_ =	shalt  }
0x65: {  	_ =	shalt  }
0x66: {  	_ =	shalt  }
0x67: {  	_ =	shalt  }
0x68: {  	_ =	shalt  }
0x69: {  	_ =	shalt  }
0x6a: {  	_ =	shalt  }
0x6b: {  	_ =	shalt  }
0x6c: {  	_ =	shalt  }
0x6d: {  	_ =	shalt  }
0x6e: {  	_ =	shalt  }
0x6f: {  	_ =	shalt  }
0x70: {  	_ =	shalt  }
0x71: {  	_ =	shalt  }
0x72: {  	_ =	shalt  }
0x73: {  	_ =	shalt  }
0x74: {  	_ =	shalt  }
0x75: {  	_ =	shalt  }
0x76: {  	_ =	shalt  }
0x77: {  	_ =	shalt  }
0x78: {  	_ =	shalt  }
0x79: {  	_ =	shalt  }
0x7a: {  	_ =	shalt  }
0x7b: {  	_ =	shalt  }
0x7c: {  	_ =	shalt  }
0x7d: {  	_ =	shalt  }
0x7e: {  	_ =	shalt  }
0x7f: {  	_ =	shalt  }
0x80: {  	_ =	shalt  }
0x81: {  	_ =	shalt  }
0x82: {  	_ =	shalt  }
0x83: {  	_ =	shalt  }
0x84: {  	_ =	shalt  }
0x85: {  	_ =	shalt  }
0x86: {  	_ =	shalt  }
0x87: {  	_ =	shalt  }
.Lfunc_end0:
.L_simem_size_0:
called_computation_lowered:
.L_overlay_start_0:
0x88: {  	s2 =	sld [smem:$0x3FD9]  }
0x89: {  	s3 =	sld [smem:$0x3FFE];
	_ =	sdelay $0x1  }
0x8a: {  	s1 =	srdreg.scid  }
0x8b: {  	s0 =	sand.u32 $0x1, s1  }
0x8c: {  	s14 =	sshll.u32 s0, $0xA;
	s2 =	sadd.s32 s3, s2  }
0x8d: {  	s2 =	sadd.s32 s2, s14  }
0x8e: {  	[smem:$0x3FC5] =	sst s2  }
0x8f: {  	_ = 	snop  }
0x90: {  	s2 =	sld [smem:$0x3FD0];
	_ =	sdelay $0x2  }
0x91: {  	s15 =	simm.s32 $0xA;
	s4 =	simm.s32 $0x10  }
0x92: {  	[smem:s4], [sflag:s15] =	dma.local [hbm:s2], $0x1  }
0x93: {  	_ =	swait.eq [sflag:s15], $0x1  }
0x94: {  	[sflag:s15] =	ssyncset.done $0x0  }
0x95: {  	s16 =	sld [smem:$0x10];
	[sflag:s15] =	ssyncadd.s32 $0xFFFFFFFF  }
0x96: {  	s17 =	sld [smem:$0x12];
	(tm) =	ssettm $0x1  }
0x97: {  	s18 =	sld [smem:$0x3FFB];
	_ =	sdelay $0x3  }
0x98: {  	_ =	strace s18  }
0x99: {  	s4 =	sld [smem:$0x3FFC];
	_ =	sdelay $0x3  }
0x9a: {  	_ =	strace s4  }
0x9b: {  	s4 =	sld [smem:$0x3FFD];
	_ =	sdelay $0x3  }
0x9c: {  	_ =	strace s4  }
0x9d: {  	_ =	strace $0x8FFFFFFF  }
0x9e: {  	s19 =	sld [smem:$0x3FDB];
	_ =	sdelay $0x1  }
0x9f: {  	s5 =	simm.s32 $_scs_section_size  }
0xa0: {  	s6 =	simm.s32 $_size__tile_overlayer_lowered;
	s7 =	simm.s32 $_tile_overlayer_lowered  }
0xa1: {  	s22 =	simm.s32 $0x1BFF;
	s21 =	sshll.u32 s7, $0x1;
	s4 =	sadd.s32 s5, s19  }
0xa2: {  	s8 =	simm.s32 $0x0;
	s20 =	sshll.u32 s6, $0x1;
	s6 =	sadd.s32 s21, s4  }
0xa3: {  	[timem:s8], [sflag:s22] =	dma.local [hbm:s6], s20  }
0xa4: {  	_ =	swait.ge [sflag:s22], s20  }
0xa5: {  	s5 =	ssub.s32 $0x0, s20;
	[sflag:s22] =	ssyncset.done $0x0  }
0xa6: {  	[sflag:s22] =	ssyncadd.s32 s5;
	_ =	sdelay $0x1  }
0xa7: {  	s23 =	simm.s32 $0x1B8B  }
0xa8: {  	_ =	swait.ge [sflag:s23], $0x1  }
0xa9: {  	[sflag:s23] =	ssyncset.done $0x0  }
0xaa: {  	s25 =	simm.s32 $0x1B8E;
	s24 =	sld [smem:$0x3FFE];
	[sflag:s23] =	ssyncadd.s32 $0xFFFFFFFF  }
0xab: {  	s26 =	simm.s32 $execute0_lowered;
	[smem:$0x3FD2] =	sst s25  }
0xac: {  	s6 =	sshll.u32 s26, $0x1;
	_ =	strace $0x80000046;
	[dreg:$0x1] =	wrdreg $0xFFFFFFFF  }
0xad: {  	s28 =	simm.s32 $_size_execute0_lowered;
	s4 =	sadd.s32 s4, s6;
	[dreg:$0x0] =	wrdreg $0x0  }
0xae: {  	s6 =	sshll.u32 s28, $0x1;
	[dreg:$0x2] =	wrdreg s4  }
0xaf: {  	[dreg:$0x3] =	wrdreg s6  }
0xb0: {  	[dreg:$0x4] =	wrdreg $0xC0  }
0xb1: {  	_ =	task [dreg:s8], $0x5FFFF  }
0xb2: {  	[dreg:$0x1] =	wrdreg $0xFFFFFFFF  }
0xb3: {  	[dreg:$0x0] =	wrdreg $0x60  }
0xb4: {  	[dreg:$0x2] =	wrdreg s24  }
0xb5: {  	[dreg:$0x3] =	wrdreg s16  }
0xb6: {  	[dreg:$0x4] =	wrdreg s17  }
0xb7: {  	[dreg:$0x5] =	wrdreg $0x9  }
0xb8: {  	_ =	task.clear_ibuf [dreg:s8], $0x6FFFF;
	_ =	strace $0x90000046  }
0xb9: {  	s29 =	simm.s32 $0x9;
	_ =	strace $0x80000048  }
0xba: {  	_ =	swait.ge [sflag:s29], $0x1  }
0xbb: {  	[sflag:s29] =	ssyncadd.s32 $0xFFFFFFFF  }
0xbc: {  	_ =	strace $0x90000048  }
0xbd: {  	_ =	sfence  }
0xbe: {  	s30 =	sld [smem:$0x0];
	_ =	sdelay $0x2  }
0xbf: {  	s31 =	sshll.u32 s1, $0xD;
	s1 =	sshrl.u32 s1, $0x2  }
0xc0: {  	s3 =	sand.u32 $0x4000, s31;
	s1 =	sadd.s32 s1, s30  }
0xc1: {  	s0 =	sor.u32 s3, s0;
	s1 =	sshll.u32 s1, $0x11  }
0xc2: {  	s0 =	sor.u32 s1, s0  }
0xc3: {  	s0 =	sadd.s32 $0x8F2B, s0  }
0xc4: {  	[sflag:s0] =	ssyncadd.remote.s32 $0x1  }
0xc5: {  	_ =	sfence.sel $0xFFFF  }
0xc6: {  	[dreg:$0x0] =	wrdreg $0xFFFFFFFF;
	(pc) =	sbr.abs _section_cstart, $3  }
0xc7: {  	[dreg:$0x1] =	wrdreg $0xFFFFFFFF  }
0xc8: {  	_ =	task.clear_ibuf [dreg:s8], $0x2FFFF;
	_ =	strace $0x9FFFFFFF  }
0xc9: {  	(tm) =	ssettm $0x7FFFFFFF  }
tec
execute0_lowered:
.L_overlay_start_1:
0x0: {  	(tag) =	ssettag $0x1  }
0x1: {  	s3 =	stileid.u32  }
0x2: {  	p0 =	sgt.u32 s3, $0x3  }
.Ltmp0:
0x3: {  	_ = 	snop;
	(pc) =	sbr.rel @p0 .LBB2_7-.Ltmp0, $4  }
0x4: {  	s4 =	rddreg [dreg:$0x0]  }
0x5: {  	s1 =	rddreg [dreg:$0x1];
	s2 =	simm.s32 $0x0  }
0x6: {  	[smem:$0x7FF] =	sst s2  }
0x7: {  	s0 =	rddreg [dreg:$0x2];
	_ =	strace $0x80000047  }
0x8: {  	s3 =	srdreg.scid;
	s21 =	stileid.u32;
	s11 =	sadd.s32 $0x3400, s4  }
0x9: {  	s13 =	sadd.s32 $0x8400, s4;
	s19 =	simm.s32 $0x80;
	s20 =	simm.s32 $0x200  }
0xa: {  	s28 =	simm.s32 $0x19100;
	s29 =	simm.s32 $0x19180;
	s30 =	simm.s32 $0x400  }
0xb: {  	s31 =	simm.s32 $0x2;
	s5 =	sand.u32 $0x1, s3;
	s3 =	sshll.u32 s21, $0x1  }
0xc: {  	s21 =	simm.s32 $0x5000;
	s10 =	sor.u32 s5, s3;
	s3 =	sadd.s32 $0xC00, s4  }
0xd: {  	s24 =	ssub.s32 $0x2, s5;
	s12 =	sshll.u32 s10, $0x4;
	s6 =	sshll.u32 s10, $0x7  }
0xe: {  	s25 =	sshrl.u32 s24, $0x1;
	s26 =	sshll.u32 s10, $0x6;
	s15 =	sadd.s32 $0x30, s3  }
0xf: {  	s16 =	sadd.s32 $0x20, s3;
	s17 =	sadd.s32 $0x10, s3;
	s22 =	sadd.s32 s12, s4  }
0x10: {  	s1 =	sadd.s32 s1, s12;
	s6 =	sadd.s32 s0, s6;
	s10 =	sadd.s32 s11, s12  }
0x11: {  	s11 =	sadd.s32 s13, s26;
	s26 =	simm.s32 $0x19080;
	s4 =	simm.s32 $0x0  }
0x12: {  	[dreg:$0x4] =	wrdreg s1;
	s23 =	sadd.s32 $0x8600, s22;
	s0 =	sadd.s32 $0x10, s6  }
0x13: {  	s8 =	sadd.s32 $0x20, s6;
	s9 =	sadd.s32 $0x30, s6;
	s12 =	sadd.s32 $0x30, s11  }
0x14: {  	s13 =	sadd.s32 $0x20, s11;
	s14 =	sadd.s32 $0x10, s11;
	[dreg:$0x5] =	wrdreg s23  }
0x15: {  	s22 =	simm.s32 $0xA000;
	s1 =	simm.s32 $0x1;
	[dreg:$0x6] =	wrdreg s0  }
0x16: {  	s0 =	ssub.s32 s24, s25;
	s23 =	simm.s32 $0xF000;
	s24 =	simm.s32 $0x14000  }
0x17: {  	v0 =	vimm.s32 $0x0;
	s25 =	simm.s32 $0x19000;
	s18 =	smax.u32 s0, $0x1;
	s0 =	simm.s32 $0x19200  }
.LBB2_2:
0x18: {  	[tilespmem:s21], [sflag:$0x1] =	stream.strided.gather [hbm4b:s3+s19], $0x5000, s20, s19, $0x38;
	[tilespmem:$0x19800] =	vst v63  }
0x19: {  	_ = 	snop  }
0x1a: {  	[tilespmem:s22], [sflag:$0x1] =	stream.strided.gather [hbm4b:s17+s19], $0x5000, s20, s19, $0x38;
	[tilespmem:$0x19800] =	vst v63  }
0x1b: {  	_ = 	snop  }
0x1c: {  	[tilespmem:s23], [sflag:$0x1] =	stream.strided.gather [hbm4b:s16+s19], $0x5000, s20, s19, $0x38;
	[tilespmem:$0x19800] =	vst v63  }
0x1d: {  	_ = 	snop  }
0x1e: {  	[tilespmem:s24], [sflag:$0x1] =	stream.strided.gather [hbm4b:s15+s19], $0x5000, s20, s19, $0x38;
	[tilespmem:$0x19800] =	vst v63  }
0x1f: {  	s5 =	simm.s32 $0x0  }
0x20: {  	[tilespmem:s25], [sflag:$0x1] =	stream.linear.gather [hbm4b:s11+s5], $0x80, $0x38;
	[tilespmem:$0x19800] =	vst v63  }
0x21: {  	_ = 	snop  }
0x22: {  	[tilespmem:s26], [sflag:$0x1] =	stream.linear.gather [hbm4b:s14+s5], $0x80, $0x38;
	[tilespmem:$0x19800] =	vst v63  }
0x23: {  	_ = 	snop  }
0x24: {  	[tilespmem:s28], [sflag:$0x1] =	stream.linear.gather [hbm4b:s13+s5], $0x80, $0x38;
	[tilespmem:$0x19800] =	vst v63  }
0x25: {  	_ = 	snop  }
0x26: {  	[tilespmem:s29], [sflag:$0x1] =	stream.linear.gather [hbm4b:s12+s5], $0x80, $0x38;
	[tilespmem:$0x19800] =	vst v63  }
0x27: {  	_ = 	snop  }
0x28: {  	[tilespmem:s5], [sflag:$0x2] =	stream.strided.gather [hbm4b:s10+s19], $0x5000, s30, s19, $0x38;
	[tilespmem:$0x19800] =	vst v63  }
0x29: {  	_ =	swait.ge [sflag:s31], $0x5000  }
0x2a: {  	[sflag:s31] =	ssyncset.done $0x0  }
0x2b: {  	[sflag:s31] =	ssyncadd.s32 $0xFFFFB000  }
0x2c: {  	[tilespmem:$0x19200] =	vst v0  }
0x2d: {  	[tilespmem:$0x19210] =	vst v0  }
0x2e: {  	[tilespmem:$0x19220] =	vst v0  }
0x2f: {  	[tilespmem:$0x19230] =	vst v0  }
0x30: {  	[tilespmem:$0x19240] =	vst v0  }
0x31: {  	[tilespmem:$0x19250] =	vst v0  }
0x32: {  	[tilespmem:$0x19260] =	vst v0  }
0x33: {  	[tilespmem:$0x19270] =	vst v0  }
0x34: {  	[tilespmem:$0x19280] =	vst v0  }
0x35: {  	[tilespmem:$0x19290] =	vst v0  }
0x36: {  	[tilespmem:$0x192A0] =	vst v0  }
0x37: {  	[tilespmem:$0x192B0] =	vst v0  }
0x38: {  	[tilespmem:$0x192C0] =	vst v0  }
0x39: {  	[tilespmem:$0x192D0] =	vst v0  }
0x3a: {  	[tilespmem:$0x192E0] =	vst v0  }
0x3b: {  	s7 =	simm.s32 $0x0;
	[tilespmem:$0x192F0] =	vst v0  }
0x3c: {  	v2 =	vld [tilespmem:s7+$0x0];
	_ =	sdelay $0x2  }
0x3d: {  	v1 =	vimm.s32 $0x0;
	s5 =	simm.s32 $0x40  }
.LBB2_3:
0x3e: {  	p0 =	sne.s32 s5, $0x13FC0  }
.Ltmp1:
0x3f: {  	s7 =	sshra.s32 s5, $0x2;
	s5 =	sadd.s32 $0x40, s5;
	v3 =	vand.u32 $0x3, v2;
	(pc) =	sbr.rel @p0 .LBB2_3-.Ltmp1, $3  }
0x40: {  	v2 =	vld [tilespmem:s7+$0x0];
	vm0 =	veq.s32 v3, $0x2  }
0x41: {  	v3 =	vmpcnt.ones.xlane vm0;
	_ =	sdelay $0x1  }
0x42: {  	v1 =	vadd.s32 v1, v3  }
0x43: {  	s5 =	simm.s32 $0x0  }
0x44: {  	v3 =	vld [tilespmem:s5+$0x0];
	_ =	sdelay $0x4  }
0x45: {  	v3 =	vand.u32 $0x3, v3  }
0x46: {  	vm0 =	veq.s32 v3, $0x2  }
0x47: {  	vm1 =	veq.s32 v3, $0x1;
	v3 =	vsel vm0, $0x1, v0  }
0x48: {  	v2 =	vand.u32 $0x3, v2;
	v4 =	vsel vm1, $0x1, v0;
	(xrf0) =	vadd.scan.msk.s32 $0xffff, v3  }
0x49: {  	vm2 =	veq.s32 v2, $0x2;
	(xrf0) =	vadd.scan.msk.s32 $0xffff, v4  }
0x4a: {  	v2 =	vmpcnt.ones.xlane vm2;
	_ =	sdelay $0x2  }
0x4b: {  	v1 =	vadd.s32 v1, v2  }
0x4c: {  	vm14 =	vlt.s32 v1, $0x80;
	v2, _, _ =	vpop (xrf0)  }
0x4d: {  	v1 =	vnsel vm14, $0x80, v1;
	v3 =	vimm.s32 $0x0;
	v4, _, _ =	vpop (xrf0)  }
0x4e: {  	v1 =	vsub.s32 $0x100, v1;
	v2 =	vadd.s32 v3, v2;
	v4 =	vadd.s32 v3, v4  }
0x4f: {  	vm15 =	vlt.s32 v2, $0x81;
	vm3 =	vle.s32 v4, v1  }
0x50: {  	vm2 =	vmand vm0, vm15;
	vm3 =	vmand vm1, vm3  }
0x51: {  	vm2 =	vmor vm2, vm3  }
0x52: {  	v2 =	vsel vm2, $0x1, v0  }
0x53: {  	(xrf0) =	vadd.scan.msk.s32 $0xffff, v2;
	_ =	sdelay $0x5  }
0x54: {  	v2, _, _ =	vpop (xrf0)  }
0x55: {  	v2 =	vadd.s32 v2, v3  }
0x56: {  	v4 =	vadd.s32 $0xFFFFFFFF, v2;
	_ =	sdelay $0x1  }
0x57: {  	v5 =	vmpcnt.ones.xlane vm0  }
0x58: {  	v7 =	vmpcnt.ones.xlane vm1;
	v8 =	vmpcnt.ones.xlane vm2  }
0x59: {  	v6 =	vadd.s32 v3, v5;
	v2 =	vlaneseq.u32  }
0x5a: {  	s7 =	simm.s32 $0x10;
	v7 =	vadd.s32 v3, v7;
	v8 =	vadd.s32 v3, v8;
	[tilespmem:v4+s0+$0x0] =	vst.idx.msk vm2, v2  }
0x5b: {  	s5 =	simm.s32 $0x80;
	v5 =	vmov v7;
	v3 =	vmov v8;
	v4 =	vmov v6;
	v9 =	vld [tilespmem:s7+$0x0]  }
.LBB2_5:
0x5c: {  	p0 =	sne.s32 s5, $0x13FC0;
	_ =	sdelay $0x3  }
0x5d: {  	v9 =	vand.u32 $0x3, v9  }
0x5e: {  	vm0 =	veq.s32 v9, $0x2  }
0x5f: {  	vm1 =	veq.s32 v9, $0x1;
	v9 =	vsel vm0, $0x1, v0;
	v10 =	vmpcnt.ones.xlane vm0  }
0x60: {  	v11 =	vsel vm1, $0x1, v0;
	v12 =	vmpcnt.ones.xlane vm1;
	(xrf0) =	vadd.scan.msk.s32 $0xffff, v9  }
0x61: {  	v6 =	vadd.s32 v6, v10;
	(xrf0) =	vadd.scan.msk.s32 $0xffff, v11  }
0x62: {  	v7 =	vadd.s32 v7, v12;
	_ =	sdelay $0x3  }
0x63: {  	v9, _, _ =	vpop (xrf0)  }
0x64: {  	v10, _, _ =	vpop (xrf0)  }
0x65: {  	v9 =	vadd.s32 v4, v9;
	v4 =	vmovc v6;
	v10 =	vadd.s32 v5, v10;
	v5 =	vmov v7  }
0x66: {  	vm2 =	vlt.s32 v9, $0x81;
	vm3 =	vle.s32 v10, v1  }
0x67: {  	vm0 =	vmand vm0, vm2;
	vm1 =	vmand vm1, vm3  }
0x68: {  	vm0 =	vmor vm0, vm1  }
0x69: {  	v9 =	vsel vm0, $0x1, v0;
	v10 =	vmpcnt.ones.xlane vm0  }
0x6a: {  	(xrf0) =	vadd.scan.msk.s32 $0xffff, v9  }
0x6b: {  	v8 =	vadd.s32 v8, v10;
	_ =	sdelay $0x4  }
0x6c: {  	v9, _, _ =	vpop (xrf0)  }
0x6d: {  	v9 =	vadd.s32 v9, v3;
	v3 =	vmov v8  }
0x6e: {  	v9 =	vadd.s32 $0xFFFFFFFF, v9;
	_ =	sdelay $0x1  }
.Ltmp2:
0x6f: {  	(pc) =	sbr.rel @p0 .LBB2_5-.Ltmp2, $4  }
0x70: {  	_ = 	snop  }
0x71: {  	v2 =	vadd.s32 $0x10, v2  }
0x72: {  	s7 =	sshra.s32 s5, $0x2;
	[tilespmem:v9+s0+$0x0] =	vst.idx.msk vm0, v2  }
0x73: {  	s5 =	sadd.s32 $0x40, s5;
	v9 =	vld [tilespmem:s7+$0x0]  }
0x74: {  	_ =	sdelay $0x3  }
0x75: {  	v6 =	vand.u32 $0x3, v9  }
0x76: {  	vm0 =	veq.s32 v6, $0x2  }
0x77: {  	vm1 =	veq.s32 v6, $0x1;
	v47 =	vsel vm0, $0x1, v0  }
0x78: {  	v7 =	vsel vm1, $0x1, v0;
	(xrf0) =	vadd.scan.msk.s32 $0xffff, v47  }
0x79: {  	(xrf0) =	vadd.scan.msk.s32 $0xffff, v7;
	_ =	sdelay $0x4  }
0x7a: {  	v6, _, _ =	vpop (xrf0)  }
0x7b: {  	v7, _, _ =	vpop (xrf0)  }
0x7c: {  	v4 =	vadd.s32 v4, v6;
	v5 =	vadd.s32 v5, v7  }
0x7d: {  	vm2 =	vlt.s32 v4, $0x81;
	vm3 =	vle.s32 v5, v1  }
0x7e: {  	vm0 =	vmand vm0, vm2;
	vm1 =	vmand vm1, vm3  }
0x7f: {  	vm0 =	vmor vm0, vm1  }
0x80: {  	v1 =	vsel vm0, $0x1, v0  }
0x81: {  	(xrf0) =	vadd.scan.msk.s32 $0xffff, v1;
	_ =	sdelay $0x5  }
0x82: {  	v1, _, _ =	vpop (xrf0)  }
0x83: {  	v1 =	vadd.s32 v1, v3  }
0x84: {  	v1 =	vadd.s32 $0xFFFFFFFF, v1;
	_ =	sdelay $0x3  }
0x85: {  	v2 =	vadd.s32 $0x10, v2  }
0x86: {  	[tilespmem:v1+s0+$0x0] =	vst.idx.msk vm0, v2  }
0x87: {  	_ =	swait.ge [sflag:s1], $0x5000  }
0x88: {  	[sflag:s1] =	ssyncset.done $0x0  }
0x89: {  	[sflag:s1] =	ssyncadd.s32 $0xFFFFB000  }
0x8a: {  	_ =	swait.ge [sflag:s1], $0x5000  }
0x8b: {  	[sflag:s1] =	ssyncset.done $0x0  }
0x8c: {  	[sflag:s1] =	ssyncadd.s32 $0xFFFFB000  }
0x8d: {  	_ =	swait.ge [sflag:s1], $0x5000  }
0x8e: {  	[sflag:s1] =	ssyncset.done $0x0  }
0x8f: {  	[sflag:s1] =	ssyncadd.s32 $0xFFFFB000  }
0x90: {  	_ =	swait.ge [sflag:s1], $0x5000  }
0x91: {  	[sflag:s1] =	ssyncset.done $0x0  }
0x92: {  	[sflag:s1] =	ssyncadd.s32 $0xFFFFB000  }
0x93: {  	_ =	swait.ge [sflag:s1], $0x80  }
0x94: {  	[sflag:s1] =	ssyncset.done $0x0  }
0x95: {  	[sflag:s1] =	ssyncadd.s32 $0xFFFFFF80  }
0x96: {  	_ =	swait.ge [sflag:s1], $0x80  }
0x97: {  	[sflag:s1] =	ssyncset.done $0x0  }
0x98: {  	[sflag:s1] =	ssyncadd.s32 $0xFFFFFF80  }
0x99: {  	_ =	swait.ge [sflag:s1], $0x80  }
0x9a: {  	[sflag:s1] =	ssyncset.done $0x0  }
0x9b: {  	[sflag:s1] =	ssyncadd.s32 $0xFFFFFF80  }
0x9c: {  	_ =	swait.ge [sflag:s1], $0x80  }
0x9d: {  	[sflag:s1] =	ssyncset.done $0x0  }
0x9e: {  	[sflag:s1] =	ssyncadd.s32 $0xFFFFFF80  }
0x9f: {  	v1 =	vld [tilespmem:$0x19200];
	_ =	sdelay $0x7  }
0xa0: {  	v2 =	vld.idx.msk [tilespmem:v1+s2+$0x0], $0xffff;
	_ =	sdelay $0x4  }
0xa1: {  	v3 =	vand.u32 $0x3, v2  }
0xa2: {  	vm12 =	veq.s32 v3, $0x2  }
0xa3: {  	v3 =	vsel vm12, $0x1, v0  }
0xa4: {  	v2 =	vshra.s32 v2, $0x2;
	[tilespmem:$0x19300] =	vst v3  }
0xa5: {  	v3 =	vld.idx.msk [tilespmem:v1+s21+$0x0], $0xffff  }
0xa6: {  	v48 =	vld.idx.msk [tilespmem:v1+s22+$0x0], $0xffff  }
0xa7: {  	v49 =	vld.idx.msk [tilespmem:v1+s23+$0x0], $0xffff  }
0xa8: {  	v1 =	vld.idx.msk [tilespmem:v1+s24+$0x0], $0xffff  }
0xa9: {  	v50 =	vld.idx.msk [tilespmem:v2+s25+$0x0], $0xffff  }
0xaa: {  	v51 =	vld.idx.msk [tilespmem:v2+s26+$0x0], $0xffff  }
0xab: {  	v8 =	vld.idx.msk [tilespmem:v2+s28+$0x0], $0xffff  }
0xac: {  	v2 =	vld.idx.msk [tilespmem:v2+s29+$0x0], $0xffff;
	v5 =	vsub.f32 v49, v3  }
0xad: {  	v1 =	vsub.f32 v1, v48  }
0xae: {  	v5 =	vadd.f32 $1.000000000e+00, v5  }
0xaf: {  	v1 =	vadd.f32 $1.000000000e+00, v1  }
0xb0: {  	v8 =	vsub.f32 v8, v50;
	(erf) = vrcp.f32 v5  }
0xb1: {  	v2 =	vsub.f32 v2, v51;
	(erf) = vrcp.f32 v1  }
0xb2: {  	v8 =	vadd.f32 $1.000000000e+00, v8  }
0xb3: {  	v2 =	vadd.f32 $1.000000000e+00, v2  }
0xb4: {  	v5 =	vmul.f32 $5.000000000e-01, v5;
	v52 =	vmul.f32 $5.000000000e-01, v8  }
0xb5: {  	v1 =	vmul.f32 $5.000000000e-01, v1;
	v10 =	vmul.f32 $5.000000000e-01, v2  }
0xb6: {  	v3 =	vadd.f32 v5, v3;
	v53 =	vadd.f32 v52, v50  }
0xb7: {  	v1 =	vadd.f32 v1, v48;
	v54 =	vadd.f32 v10, v51  }
0xb8: {  	v55 =	vld [tilespmem:$0x19210];
	v3 =	vsub.f32 v53, v3  }
0xb9: {  	v1 =	vsub.f32 v54, v1;
	v56 =	vpop (erf)  }
0xba: {  	v3 =	vmul.f32 v3, v56;
	v57 =	vpop (erf)  }
0xbb: {  	v1 =	vmul.f32 v1, v57  }
0xbc: {  	[tilespmem:$0x19400] =	vst v3;
	v3 =	vmul.f32 v8, v56  }
0xbd: {  	[tilespmem:$0x19500] =	vst v1;
	v1 =	vmul.f32 v2, v57  }
0xbe: {  	[tilespmem:$0x19600] =	vst v3  }
0xbf: {  	[tilespmem:$0x19700] =	vst v1  }
0xc0: {  	v1 =	vld.idx.msk [tilespmem:v55+s2+$0x0], $0xffff;
	_ =	sdelay $0x4  }
0xc1: {  	v2 =	vand.u32 $0x3, v1  }
0xc2: {  	vm13 =	veq.s32 v2, $0x2  }
0xc3: {  	v2 =	vsel vm13, $0x1, v0  }
0xc4: {  	v1 =	vshra.s32 v1, $0x2;
	[tilespmem:$0x19310] =	vst v2  }
0xc5: {  	v2 =	vld.idx.msk [tilespmem:v55+s21+$0x0], $0xffff  }
0xc6: {  	v3 =	vld.idx.msk [tilespmem:v55+s22+$0x0], $0xffff  }
0xc7: {  	v58 =	vld.idx.msk [tilespmem:v55+s23+$0x0], $0xffff  }
0xc8: {  	v5 =	vld.idx.msk [tilespmem:v55+s24+$0x0], $0xffff  }
0xc9: {  	v59 =	vld.idx.msk [tilespmem:v1+s25+$0x0], $0xffff  }
0xca: {  	v60 =	vld.idx.msk [tilespmem:v1+s26+$0x0], $0xffff  }
0xcb: {  	v61 =	vld.idx.msk [tilespmem:v1+s28+$0x0], $0xffff  }
0xcc: {  	v1 =	vld.idx.msk [tilespmem:v1+s29+$0x0], $0xffff;
	v4 =	vsub.f32 v58, v2  }
0xcd: {  	v5 =	vsub.f32 v5, v3  }
0xce: {  	v4 =	vadd.f32 $1.000000000e+00, v4  }
0xcf: {  	v5 =	vadd.f32 $1.000000000e+00, v5  }
0xd0: {  	v8 =	vsub.f32 v61, v59;
	(erf) = vrcp.f32 v4  }
0xd1: {  	v1 =	vsub.f32 v1, v60;
	(erf) = vrcp.f32 v5  }
0xd2: {  	v8 =	vadd.f32 $1.000000000e+00, v8  }
0xd3: {  	v1 =	vadd.f32 $1.000000000e+00, v1  }
0xd4: {  	v4 =	vmul.f32 $5.000000000e-01, v4;
	v62 =	vmul.f32 $5.000000000e-01, v8  }
0xd5: {  	v5 =	vmul.f32 $5.000000000e-01, v5;
	v63 =	vmul.f32 $5.000000000e-01, v1  }
0xd6: {  	v2 =	vadd.f32 v4, v2;
	v9 =	vadd.f32 v62, v59  }
0xd7: {  	v3 =	vadd.f32 v5, v3;
	v11 =	vadd.f32 v63, v60  }
0xd8: {  	v12 =	vld [tilespmem:$0x19220];
	v2 =	vsub.f32 v9, v2  }
0xd9: {  	v3 =	vsub.f32 v11, v3;
	v13 =	vpop (erf)  }
0xda: {  	v2 =	vmul.f32 v2, v13;
	v14 =	vpop (erf)  }
0xdb: {  	v3 =	vmul.f32 v3, v14  }
0xdc: {  	v1 =	vmul.f32 v1, v14;
	[tilespmem:$0x19410] =	vst v2  }
0xdd: {  	v2 =	vmul.f32 v8, v13;
	[tilespmem:$0x19510] =	vst v3  }
0xde: {  	[tilespmem:$0x19710] =	vst v1  }
0xdf: {  	[tilespmem:$0x19610] =	vst v2  }
0xe0: {  	v1 =	vld.idx.msk [tilespmem:v12+s2+$0x0], $0xffff;
	_ =	sdelay $0x4  }
0xe1: {  	v2 =	vand.u32 $0x3, v1  }
0xe2: {  	vm14 =	veq.s32 v2, $0x2  }
0xe3: {  	v2 =	vsel vm14, $0x1, v0  }
0xe4: {  	v1 =	vshra.s32 v1, $0x2;
	[tilespmem:$0x19320] =	vst v2  }
0xe5: {  	v2 =	vld.idx.msk [tilespmem:v12+s21+$0x0], $0xffff  }
0xe6: {  	v3 =	vld.idx.msk [tilespmem:v12+s22+$0x0], $0xffff  }
0xe7: {  	v15 =	vld.idx.msk [tilespmem:v12+s23+$0x0], $0xffff  }
0xe8: {  	v4 =	vld.idx.msk [tilespmem:v12+s24+$0x0], $0xffff  }
0xe9: {  	v16 =	vld.idx.msk [tilespmem:v1+s25+$0x0], $0xffff  }
0xea: {  	v17 =	vld.idx.msk [tilespmem:v1+s26+$0x0], $0xffff  }
0xeb: {  	v18 =	vld.idx.msk [tilespmem:v1+s28+$0x0], $0xffff  }
0xec: {  	v1 =	vld.idx.msk [tilespmem:v1+s29+$0x0], $0xffff;
	v5 =	vsub.f32 v15, v2  }
0xed: {  	v4 =	vsub.f32 v4, v3  }
0xee: {  	v5 =	vadd.f32 $1.000000000e+00, v5  }
0xef: {  	v4 =	vadd.f32 $1.000000000e+00, v4  }
0xf0: {  	v8 =	vsub.f32 v18, v16;
	(erf) = vrcp.f32 v5  }
0xf1: {  	v1 =	vsub.f32 v1, v17;
	(erf) = vrcp.f32 v4  }
0xf2: {  	v8 =	vadd.f32 $1.000000000e+00, v8  }
0xf3: {  	v1 =	vadd.f32 $1.000000000e+00, v1  }
0xf4: {  	v5 =	vmul.f32 $5.000000000e-01, v5;
	v19 =	vmul.f32 $5.000000000e-01, v8  }
0xf5: {  	v4 =	vmul.f32 $5.000000000e-01, v4;
	v20 =	vmul.f32 $5.000000000e-01, v1  }
0xf6: {  	v2 =	vadd.f32 v5, v2;
	v21 =	vadd.f32 v19, v16  }
0xf7: {  	v3 =	vadd.f32 v4, v3;
	v22 =	vadd.f32 v20, v17  }
0xf8: {  	v23 =	vld [tilespmem:$0x19230];
	v2 =	vsub.f32 v21, v2  }
0xf9: {  	v3 =	vsub.f32 v22, v3;
	v24 =	vpop (erf)  }
0xfa: {  	v2 =	vmul.f32 v2, v24;
	v25 =	vpop (erf)  }
0xfb: {  	v3 =	vmul.f32 v3, v25  }
0xfc: {  	v1 =	vmul.f32 v1, v25;
	[tilespmem:$0x19420] =	vst v2  }
0xfd: {  	v2 =	vmul.f32 v8, v24;
	[tilespmem:$0x19520] =	vst v3  }
0xfe: {  	[tilespmem:$0x19720] =	vst v1  }
0xff: {  	[tilespmem:$0x19620] =	vst v2  }
0x100: {  	v1 =	vld.idx.msk [tilespmem:v23+s2+$0x0], $0xffff;
	_ =	sdelay $0x4  }
0x101: {  	v2 =	vand.u32 $0x3, v1  }
0x102: {  	vm15 =	veq.s32 v2, $0x2  }
0x103: {  	v2 =	vsel vm15, $0x1, v0  }
0x104: {  	v1 =	vshra.s32 v1, $0x2;
	[tilespmem:$0x19330] =	vst v2  }
0x105: {  	v2 =	vld.idx.msk [tilespmem:v23+s21+$0x0], $0xffff  }
0x106: {  	v3 =	vld.idx.msk [tilespmem:v23+s22+$0x0], $0xffff  }
0x107: {  	v26 =	vld.idx.msk [tilespmem:v23+s23+$0x0], $0xffff  }
0x108: {  	v5 =	vld.idx.msk [tilespmem:v23+s24+$0x0], $0xffff  }
0x109: {  	v27 =	vld.idx.msk [tilespmem:v1+s25+$0x0], $0xffff  }
0x10a: {  	v28 =	vld.idx.msk [tilespmem:v1+s26+$0x0], $0xffff  }
0x10b: {  	v29 =	vld.idx.msk [tilespmem:v1+s28+$0x0], $0xffff  }
0x10c: {  	v1 =	vld.idx.msk [tilespmem:v1+s29+$0x0], $0xffff;
	v4 =	vsub.f32 v26, v2  }
0x10d: {  	v5 =	vsub.f32 v5, v3  }
0x10e: {  	v4 =	vadd.f32 $1.000000000e+00, v4  }
0x10f: {  	v5 =	vadd.f32 $1.000000000e+00, v5  }
0x110: {  	v8 =	vsub.f32 v29, v27;
	(erf) = vrcp.f32 v4  }
0x111: {  	v1 =	vsub.f32 v1, v28;
	(erf) = vrcp.f32 v5  }
0x112: {  	v8 =	vadd.f32 $1.000000000e+00, v8  }
0x113: {  	v1 =	vadd.f32 $1.000000000e+00, v1  }
0x114: {  	v4 =	vmul.f32 $5.000000000e-01, v4;
	v30 =	vmul.f32 $5.000000000e-01, v8  }
0x115: {  	v5 =	vmul.f32 $5.000000000e-01, v5;
	v31 =	vmul.f32 $5.000000000e-01, v1  }
0x116: {  	v2 =	vadd.f32 v4, v2;
	v32 =	vadd.f32 v30, v27  }
0x117: {  	v3 =	vadd.f32 v5, v3;
	v33 =	vadd.f32 v31, v28  }
0x118: {  	v34 =	vld [tilespmem:$0x19240];
	v2 =	vsub.f32 v32, v2  }
0x119: {  	v3 =	vsub.f32 v33, v3;
	v35 =	vpop (erf)  }
0x11a: {  	v2 =	vmul.f32 v2, v35;
	v36 =	vpop (erf)  }
0x11b: {  	v3 =	vmul.f32 v3, v36  }
0x11c: {  	v1 =	vmul.f32 v1, v36;
	[tilespmem:$0x19430] =	vst v2  }
0x11d: {  	v2 =	vmul.f32 v8, v35;
	[tilespmem:$0x19530] =	vst v3  }
0x11e: {  	[tilespmem:$0x19730] =	vst v1  }
0x11f: {  	[tilespmem:$0x19630] =	vst v2  }
0x120: {  	v1 =	vld.idx.msk [tilespmem:v34+s2+$0x0], $0xffff;
	_ =	sdelay $0x4  }
0x121: {  	v2 =	vand.u32 $0x3, v1  }
0x122: {  	vm4 =	veq.s32 v2, $0x2  }
0x123: {  	v2 =	vsel vm4, $0x1, v0  }
0x124: {  	v1 =	vshra.s32 v1, $0x2;
	[tilespmem:$0x19340] =	vst v2  }
0x125: {  	v2 =	vld.idx.msk [tilespmem:v34+s21+$0x0], $0xffff  }
0x126: {  	v3 =	vld.idx.msk [tilespmem:v34+s22+$0x0], $0xffff  }
0x127: {  	v37 =	vld.idx.msk [tilespmem:v34+s23+$0x0], $0xffff  }
0x128: {  	v4 =	vld.idx.msk [tilespmem:v34+s24+$0x0], $0xffff  }
0x129: {  	v38 =	vld.idx.msk [tilespmem:v1+s25+$0x0], $0xffff  }
0x12a: {  	v39 =	vld.idx.msk [tilespmem:v1+s26+$0x0], $0xffff  }
0x12b: {  	v40 =	vld.idx.msk [tilespmem:v1+s28+$0x0], $0xffff  }
0x12c: {  	v1 =	vld.idx.msk [tilespmem:v1+s29+$0x0], $0xffff;
	v5 =	vsub.f32 v37, v2  }
0x12d: {  	v4 =	vsub.f32 v4, v3  }
0x12e: {  	v5 =	vadd.f32 $1.000000000e+00, v5  }
0x12f: {  	v4 =	vadd.f32 $1.000000000e+00, v4  }
0x130: {  	v8 =	vsub.f32 v40, v38;
	(erf) = vrcp.f32 v5  }
0x131: {  	v1 =	vsub.f32 v1, v39;
	(erf) = vrcp.f32 v4  }
0x132: {  	v8 =	vadd.f32 $1.000000000e+00, v8  }
0x133: {  	v1 =	vadd.f32 $1.000000000e+00, v1  }
0x134: {  	v5 =	vmul.f32 $5.000000000e-01, v5;
	v41 =	vmul.f32 $5.000000000e-01, v8  }
0x135: {  	v4 =	vmul.f32 $5.000000000e-01, v4;
	v42 =	vmul.f32 $5.000000000e-01, v1  }
0x136: {  	v2 =	vadd.f32 v5, v2;
	v43 =	vadd.f32 v41, v38  }
0x137: {  	v3 =	vadd.f32 v4, v3;
	v44 =	vadd.f32 v42, v39  }
0x138: {  	v45 =	vld [tilespmem:$0x19250];
	v2 =	vsub.f32 v43, v2  }
0x139: {  	v3 =	vsub.f32 v44, v3;
	v46 =	vpop (erf)  }
0x13a: {  	v2 =	vmul.f32 v2, v46;
	v47 =	vpop (erf)  }
0x13b: {  	v3 =	vmul.f32 v3, v47  }
0x13c: {  	v1 =	vmul.f32 v1, v47;
	[tilespmem:$0x19440] =	vst v2  }
0x13d: {  	v2 =	vmul.f32 v8, v46;
	[tilespmem:$0x19540] =	vst v3  }
0x13e: {  	[tilespmem:$0x19740] =	vst v1  }
0x13f: {  	[tilespmem:$0x19640] =	vst v2  }
0x140: {  	v1 =	vld.idx.msk [tilespmem:v45+s2+$0x0], $0xffff;
	_ =	sdelay $0x4  }
0x141: {  	v2 =	vand.u32 $0x3, v1  }
0x142: {  	vm5 =	veq.s32 v2, $0x2  }
0x143: {  	v2 =	vsel vm5, $0x1, v0  }
0x144: {  	v1 =	vshra.s32 v1, $0x2;
	[tilespmem:$0x19350] =	vst v2  }
0x145: {  	v2 =	vld.idx.msk [tilespmem:v45+s21+$0x0], $0xffff  }
0x146: {  	v3 =	vld.idx.msk [tilespmem:v45+s22+$0x0], $0xffff  }
0x147: {  	v48 =	vld.idx.msk [tilespmem:v45+s23+$0x0], $0xffff  }
0x148: {  	v5 =	vld.idx.msk [tilespmem:v45+s24+$0x0], $0xffff  }
0x149: {  	v49 =	vld.idx.msk [tilespmem:v1+s25+$0x0], $0xffff  }
0x14a: {  	v50 =	vld.idx.msk [tilespmem:v1+s26+$0x0], $0xffff  }
0x14b: {  	v51 =	vld.idx.msk [tilespmem:v1+s28+$0x0], $0xffff  }
0x14c: {  	v1 =	vld.idx.msk [tilespmem:v1+s29+$0x0], $0xffff;
	v4 =	vsub.f32 v48, v2  }
0x14d: {  	v5 =	vsub.f32 v5, v3  }
0x14e: {  	v4 =	vadd.f32 $1.000000000e+00, v4  }
0x14f: {  	v5 =	vadd.f32 $1.000000000e+00, v5  }
0x150: {  	v8 =	vsub.f32 v51, v49;
	(erf) = vrcp.f32 v4  }
0x151: {  	v1 =	vsub.f32 v1, v50;
	(erf) = vrcp.f32 v5  }
0x152: {  	v8 =	vadd.f32 $1.000000000e+00, v8  }
0x153: {  	v1 =	vadd.f32 $1.000000000e+00, v1  }
0x154: {  	v4 =	vmul.f32 $5.000000000e-01, v4;
	v52 =	vmul.f32 $5.000000000e-01, v8  }
0x155: {  	v5 =	vmul.f32 $5.000000000e-01, v5;
	v53 =	vmul.f32 $5.000000000e-01, v1  }
0x156: {  	v2 =	vadd.f32 v4, v2;
	v54 =	vadd.f32 v52, v49  }
0x157: {  	v3 =	vadd.f32 v5, v3;
	v55 =	vadd.f32 v53, v50  }
0x158: {  	v56 =	vld [tilespmem:$0x19260];
	v2 =	vsub.f32 v54, v2  }
0x159: {  	v3 =	vsub.f32 v55, v3;
	v57 =	vpop (erf)  }
0x15a: {  	v2 =	vmul.f32 v2, v57;
	v58 =	vpop (erf)  }
0x15b: {  	v3 =	vmul.f32 v3, v58  }
0x15c: {  	v1 =	vmul.f32 v1, v58;
	[tilespmem:$0x19450] =	vst v2  }
0x15d: {  	v2 =	vmul.f32 v8, v57;
	[tilespmem:$0x19550] =	vst v3  }
0x15e: {  	[tilespmem:$0x19750] =	vst v1  }
0x15f: {  	[tilespmem:$0x19650] =	vst v2  }
0x160: {  	v1 =	vld.idx.msk [tilespmem:v56+s2+$0x0], $0xffff;
	_ =	sdelay $0x4  }
0x161: {  	v2 =	vand.u32 $0x3, v1  }
0x162: {  	vm6 =	veq.s32 v2, $0x2  }
0x163: {  	v2 =	vsel vm6, $0x1, v0  }
0x164: {  	v1 =	vshra.s32 v1, $0x2;
	[tilespmem:$0x19360] =	vst v2  }
0x165: {  	v2 =	vld.idx.msk [tilespmem:v56+s21+$0x0], $0xffff  }
0x166: {  	v3 =	vld.idx.msk [tilespmem:v56+s22+$0x0], $0xffff  }
0x167: {  	v59 =	vld.idx.msk [tilespmem:v56+s23+$0x0], $0xffff  }
0x168: {  	v4 =	vld.idx.msk [tilespmem:v56+s24+$0x0], $0xffff  }
0x169: {  	v60 =	vld.idx.msk [tilespmem:v1+s25+$0x0], $0xffff  }
0x16a: {  	v61 =	vld.idx.msk [tilespmem:v1+s26+$0x0], $0xffff  }
0x16b: {  	v62 =	vld.idx.msk [tilespmem:v1+s28+$0x0], $0xffff  }
0x16c: {  	v1 =	vld.idx.msk [tilespmem:v1+s29+$0x0], $0xffff;
	v5 =	vsub.f32 v59, v2  }
0x16d: {  	v4 =	vsub.f32 v4, v3  }
0x16e: {  	v5 =	vadd.f32 $1.000000000e+00, v5  }
0x16f: {  	v4 =	vadd.f32 $1.000000000e+00, v4  }
0x170: {  	v8 =	vsub.f32 v62, v60;
	(erf) = vrcp.f32 v5  }
0x171: {  	v1 =	vsub.f32 v1, v61;
	(erf) = vrcp.f32 v4  }
0x172: {  	v8 =	vadd.f32 $1.000000000e+00, v8  }
0x173: {  	v1 =	vadd.f32 $1.000000000e+00, v1  }
0x174: {  	v5 =	vmul.f32 $5.000000000e-01, v5;
	v63 =	vmul.f32 $5.000000000e-01, v8  }
0x175: {  	v4 =	vmul.f32 $5.000000000e-01, v4;
	v12 =	vmul.f32 $5.000000000e-01, v1  }
0x176: {  	v2 =	vadd.f32 v5, v2;
	v13 =	vadd.f32 v63, v60  }
0x177: {  	v3 =	vadd.f32 v4, v3;
	v14 =	vadd.f32 v12, v61  }
0x178: {  	v15 =	vld [tilespmem:$0x19270];
	v2 =	vsub.f32 v13, v2  }
0x179: {  	v3 =	vsub.f32 v14, v3;
	v16 =	vpop (erf)  }
0x17a: {  	v2 =	vmul.f32 v2, v16;
	v17 =	vpop (erf)  }
0x17b: {  	v3 =	vmul.f32 v3, v17  }
0x17c: {  	v1 =	vmul.f32 v1, v17;
	[tilespmem:$0x19460] =	vst v2  }
0x17d: {  	v2 =	vmul.f32 v8, v16;
	[tilespmem:$0x19560] =	vst v3  }
0x17e: {  	[tilespmem:$0x19760] =	vst v1  }
0x17f: {  	[tilespmem:$0x19660] =	vst v2  }
0x180: {  	v1 =	vld.idx.msk [tilespmem:v15+s2+$0x0], $0xffff;
	_ =	sdelay $0x4  }
0x181: {  	v2 =	vand.u32 $0x3, v1  }
0x182: {  	vm7 =	veq.s32 v2, $0x2  }
0x183: {  	v2 =	vsel vm7, $0x1, v0  }
0x184: {  	v1 =	vshra.s32 v1, $0x2;
	[tilespmem:$0x19370] =	vst v2  }
0x185: {  	v2 =	vld.idx.msk [tilespmem:v15+s21+$0x0], $0xffff  }
0x186: {  	v3 =	vld.idx.msk [tilespmem:v15+s22+$0x0], $0xffff  }
0x187: {  	v18 =	vld.idx.msk [tilespmem:v15+s23+$0x0], $0xffff  }
0x188: {  	v5 =	vld.idx.msk [tilespmem:v15+s24+$0x0], $0xffff  }
0x189: {  	v19 =	vld.idx.msk [tilespmem:v1+s25+$0x0], $0xffff  }
0x18a: {  	v20 =	vld.idx.msk [tilespmem:v1+s26+$0x0], $0xffff  }
0x18b: {  	v21 =	vld.idx.msk [tilespmem:v1+s28+$0x0], $0xffff  }
0x18c: {  	v1 =	vld.idx.msk [tilespmem:v1+s29+$0x0], $0xffff;
	v4 =	vsub.f32 v18, v2  }
0x18d: {  	v5 =	vsub.f32 v5, v3  }
0x18e: {  	v4 =	vadd.f32 $1.000000000e+00, v4  }
0x18f: {  	v5 =	vadd.f32 $1.000000000e+00, v5  }
0x190: {  	v8 =	vsub.f32 v21, v19;
	(erf) = vrcp.f32 v4  }
0x191: {  	v1 =	vsub.f32 v1, v20;
	(erf) = vrcp.f32 v5  }
0x192: {  	v8 =	vadd.f32 $1.000000000e+00, v8  }
0x193: {  	v1 =	vadd.f32 $1.000000000e+00, v1  }
0x194: {  	v4 =	vmul.f32 $5.000000000e-01, v4;
	v22 =	vmul.f32 $5.000000000e-01, v8  }
0x195: {  	v5 =	vmul.f32 $5.000000000e-01, v5;
	v23 =	vmul.f32 $5.000000000e-01, v1  }
0x196: {  	v2 =	vadd.f32 v4, v2;
	v24 =	vadd.f32 v22, v19  }
0x197: {  	v3 =	vadd.f32 v5, v3;
	v25 =	vadd.f32 v23, v20  }
0x198: {  	v26 =	vld [tilespmem:$0x19280];
	v2 =	vsub.f32 v24, v2  }
0x199: {  	v3 =	vsub.f32 v25, v3;
	v27 =	vpop (erf)  }
0x19a: {  	v2 =	vmul.f32 v2, v27;
	v28 =	vpop (erf)  }
0x19b: {  	v3 =	vmul.f32 v3, v28  }
0x19c: {  	v1 =	vmul.f32 v1, v28;
	[tilespmem:$0x19470] =	vst v2  }
0x19d: {  	v2 =	vmul.f32 v8, v27;
	[tilespmem:$0x19570] =	vst v3  }
0x19e: {  	[tilespmem:$0x19770] =	vst v1  }
0x19f: {  	[tilespmem:$0x19670] =	vst v2  }
0x1a0: {  	v1 =	vld.idx.msk [tilespmem:v26+s2+$0x0], $0xffff;
	_ =	sdelay $0x4  }
0x1a1: {  	v2 =	vand.u32 $0x3, v1  }
0x1a2: {  	vm8 =	veq.s32 v2, $0x2  }
0x1a3: {  	v2 =	vsel vm8, $0x1, v0  }
0x1a4: {  	v1 =	vshra.s32 v1, $0x2;
	[tilespmem:$0x19380] =	vst v2  }
0x1a5: {  	v2 =	vld.idx.msk [tilespmem:v26+s21+$0x0], $0xffff  }
0x1a6: {  	v3 =	vld.idx.msk [tilespmem:v26+s22+$0x0], $0xffff  }
0x1a7: {  	v29 =	vld.idx.msk [tilespmem:v26+s23+$0x0], $0xffff  }
0x1a8: {  	v4 =	vld.idx.msk [tilespmem:v26+s24+$0x0], $0xffff  }
0x1a9: {  	v30 =	vld.idx.msk [tilespmem:v1+s25+$0x0], $0xffff  }
0x1aa: {  	v31 =	vld.idx.msk [tilespmem:v1+s26+$0x0], $0xffff  }
0x1ab: {  	v32 =	vld.idx.msk [tilespmem:v1+s28+$0x0], $0xffff  }
0x1ac: {  	v1 =	vld.idx.msk [tilespmem:v1+s29+$0x0], $0xffff;
	v5 =	vsub.f32 v29, v2  }
0x1ad: {  	v4 =	vsub.f32 v4, v3  }
0x1ae: {  	v5 =	vadd.f32 $1.000000000e+00, v5  }
0x1af: {  	v4 =	vadd.f32 $1.000000000e+00, v4  }
0x1b0: {  	v8 =	vsub.f32 v32, v30;
	(erf) = vrcp.f32 v5  }
0x1b1: {  	v1 =	vsub.f32 v1, v31;
	(erf) = vrcp.f32 v4  }
0x1b2: {  	v8 =	vadd.f32 $1.000000000e+00, v8  }
0x1b3: {  	v1 =	vadd.f32 $1.000000000e+00, v1  }
0x1b4: {  	v5 =	vmul.f32 $5.000000000e-01, v5;
	v33 =	vmul.f32 $5.000000000e-01, v8  }
0x1b5: {  	v4 =	vmul.f32 $5.000000000e-01, v4;
	v34 =	vmul.f32 $5.000000000e-01, v1  }
0x1b6: {  	v2 =	vadd.f32 v5, v2;
	v35 =	vadd.f32 v33, v30  }
0x1b7: {  	v3 =	vadd.f32 v4, v3;
	v36 =	vadd.f32 v34, v31  }
0x1b8: {  	v37 =	vld [tilespmem:$0x19290];
	v2 =	vsub.f32 v35, v2  }
0x1b9: {  	v3 =	vsub.f32 v36, v3;
	v38 =	vpop (erf)  }
0x1ba: {  	v2 =	vmul.f32 v2, v38;
	v39 =	vpop (erf)  }
0x1bb: {  	v3 =	vmul.f32 v3, v39  }
0x1bc: {  	v1 =	vmul.f32 v1, v39;
	[tilespmem:$0x19480] =	vst v2  }
0x1bd: {  	v2 =	vmul.f32 v8, v38;
	[tilespmem:$0x19580] =	vst v3  }
0x1be: {  	[tilespmem:$0x19780] =	vst v1  }
0x1bf: {  	[tilespmem:$0x19680] =	vst v2  }
0x1c0: {  	v1 =	vld.idx.msk [tilespmem:v37+s2+$0x0], $0xffff;
	_ =	sdelay $0x4  }
0x1c1: {  	v2 =	vand.u32 $0x3, v1  }
0x1c2: {  	vm9 =	veq.s32 v2, $0x2  }
0x1c3: {  	v2 =	vsel vm9, $0x1, v0  }
0x1c4: {  	v1 =	vshra.s32 v1, $0x2;
	[tilespmem:$0x19390] =	vst v2  }
0x1c5: {  	v2 =	vld.idx.msk [tilespmem:v37+s21+$0x0], $0xffff  }
0x1c6: {  	v3 =	vld.idx.msk [tilespmem:v37+s22+$0x0], $0xffff  }
0x1c7: {  	v40 =	vld.idx.msk [tilespmem:v37+s23+$0x0], $0xffff  }
0x1c8: {  	v5 =	vld.idx.msk [tilespmem:v37+s24+$0x0], $0xffff  }
0x1c9: {  	v41 =	vld.idx.msk [tilespmem:v1+s25+$0x0], $0xffff  }
0x1ca: {  	v42 =	vld.idx.msk [tilespmem:v1+s26+$0x0], $0xffff  }
0x1cb: {  	v43 =	vld.idx.msk [tilespmem:v1+s28+$0x0], $0xffff  }
0x1cc: {  	v1 =	vld.idx.msk [tilespmem:v1+s29+$0x0], $0xffff;
	v4 =	vsub.f32 v40, v2  }
0x1cd: {  	v5 =	vsub.f32 v5, v3  }
0x1ce: {  	v4 =	vadd.f32 $1.000000000e+00, v4  }
0x1cf: {  	v5 =	vadd.f32 $1.000000000e+00, v5  }
0x1d0: {  	v8 =	vsub.f32 v43, v41;
	(erf) = vrcp.f32 v4  }
0x1d1: {  	v1 =	vsub.f32 v1, v42;
	(erf) = vrcp.f32 v5  }
0x1d2: {  	v8 =	vadd.f32 $1.000000000e+00, v8  }
0x1d3: {  	v1 =	vadd.f32 $1.000000000e+00, v1  }
0x1d4: {  	v4 =	vmul.f32 $5.000000000e-01, v4;
	v44 =	vmul.f32 $5.000000000e-01, v8  }
0x1d5: {  	v5 =	vmul.f32 $5.000000000e-01, v5;
	v45 =	vmul.f32 $5.000000000e-01, v1  }
0x1d6: {  	v2 =	vadd.f32 v4, v2;
	v46 =	vadd.f32 v44, v41  }
0x1d7: {  	v3 =	vadd.f32 v5, v3;
	v47 =	vadd.f32 v45, v42  }
0x1d8: {  	v48 =	vld [tilespmem:$0x192A0];
	v2 =	vsub.f32 v46, v2  }
0x1d9: {  	v3 =	vsub.f32 v47, v3;
	v49 =	vpop (erf)  }
0x1da: {  	v2 =	vmul.f32 v2, v49;
	v50 =	vpop (erf)  }
0x1db: {  	v3 =	vmul.f32 v3, v50  }
0x1dc: {  	v1 =	vmul.f32 v1, v50;
	[tilespmem:$0x19490] =	vst v2  }
0x1dd: {  	v2 =	vmul.f32 v8, v49;
	[tilespmem:$0x19590] =	vst v3  }
0x1de: {  	[tilespmem:$0x19790] =	vst v1  }
0x1df: {  	[tilespmem:$0x19690] =	vst v2  }
0x1e0: {  	v1 =	vld.idx.msk [tilespmem:v48+s2+$0x0], $0xffff;
	_ =	sdelay $0x4  }
0x1e1: {  	v2 =	vand.u32 $0x3, v1  }
0x1e2: {  	vm10 =	veq.s32 v2, $0x2  }
0x1e3: {  	v2 =	vsel vm10, $0x1, v0  }
0x1e4: {  	v1 =	vshra.s32 v1, $0x2;
	[tilespmem:$0x193A0] =	vst v2  }
0x1e5: {  	v2 =	vld.idx.msk [tilespmem:v48+s21+$0x0], $0xffff  }
0x1e6: {  	v3 =	vld.idx.msk [tilespmem:v48+s22+$0x0], $0xffff  }
0x1e7: {  	v51 =	vld.idx.msk [tilespmem:v48+s23+$0x0], $0xffff  }
0x1e8: {  	v4 =	vld.idx.msk [tilespmem:v48+s24+$0x0], $0xffff  }
0x1e9: {  	v52 =	vld.idx.msk [tilespmem:v1+s25+$0x0], $0xffff  }
0x1ea: {  	v53 =	vld.idx.msk [tilespmem:v1+s26+$0x0], $0xffff  }
0x1eb: {  	v54 =	vld.idx.msk [tilespmem:v1+s28+$0x0], $0xffff  }
0x1ec: {  	v1 =	vld.idx.msk [tilespmem:v1+s29+$0x0], $0xffff;
	v5 =	vsub.f32 v51, v2  }
0x1ed: {  	v4 =	vsub.f32 v4, v3  }
0x1ee: {  	v5 =	vadd.f32 $1.000000000e+00, v5  }
0x1ef: {  	v4 =	vadd.f32 $1.000000000e+00, v4  }
0x1f0: {  	v8 =	vsub.f32 v54, v52;
	(erf) = vrcp.f32 v5  }
0x1f1: {  	v1 =	vsub.f32 v1, v53;
	(erf) = vrcp.f32 v4  }
0x1f2: {  	v8 =	vadd.f32 $1.000000000e+00, v8  }
0x1f3: {  	v1 =	vadd.f32 $1.000000000e+00, v1  }
0x1f4: {  	v5 =	vmul.f32 $5.000000000e-01, v5;
	v55 =	vmul.f32 $5.000000000e-01, v8  }
0x1f5: {  	v4 =	vmul.f32 $5.000000000e-01, v4;
	v56 =	vmul.f32 $5.000000000e-01, v1  }
0x1f6: {  	v2 =	vadd.f32 v5, v2;
	v57 =	vadd.f32 v55, v52  }
0x1f7: {  	v3 =	vadd.f32 v4, v3;
	v58 =	vadd.f32 v56, v53  }
0x1f8: {  	v59 =	vld [tilespmem:$0x192B0];
	v2 =	vsub.f32 v57, v2  }
0x1f9: {  	v3 =	vsub.f32 v58, v3;
	v60 =	vpop (erf)  }
0x1fa: {  	v2 =	vmul.f32 v2, v60;
	v61 =	vpop (erf)  }
0x1fb: {  	v3 =	vmul.f32 v3, v61  }
0x1fc: {  	v1 =	vmul.f32 v1, v61;
	[tilespmem:$0x194A0] =	vst v2  }
0x1fd: {  	v2 =	vmul.f32 v8, v60;
	[tilespmem:$0x195A0] =	vst v3  }
0x1fe: {  	[tilespmem:$0x197A0] =	vst v1  }
0x1ff: {  	[tilespmem:$0x196A0] =	vst v2  }
0x200: {  	v1 =	vld.idx.msk [tilespmem:v59+s2+$0x0], $0xffff;
	_ =	sdelay $0x4  }
0x201: {  	v2 =	vand.u32 $0x3, v1  }
0x202: {  	vm11 =	veq.s32 v2, $0x2  }
0x203: {  	v2 =	vsel vm11, $0x1, v0  }
0x204: {  	v1 =	vshra.s32 v1, $0x2;
	[tilespmem:$0x193B0] =	vst v2  }
0x205: {  	v2 =	vld.idx.msk [tilespmem:v59+s21+$0x0], $0xffff  }
0x206: {  	v3 =	vld.idx.msk [tilespmem:v59+s22+$0x0], $0xffff  }
0x207: {  	v62 =	vld.idx.msk [tilespmem:v59+s23+$0x0], $0xffff  }
0x208: {  	v5 =	vld.idx.msk [tilespmem:v59+s24+$0x0], $0xffff  }
0x209: {  	v63 =	vld.idx.msk [tilespmem:v1+s25+$0x0], $0xffff  }
0x20a: {  	v12 =	vld.idx.msk [tilespmem:v1+s26+$0x0], $0xffff  }
0x20b: {  	v13 =	vld.idx.msk [tilespmem:v1+s28+$0x0], $0xffff  }
0x20c: {  	v1 =	vld.idx.msk [tilespmem:v1+s29+$0x0], $0xffff;
	v4 =	vsub.f32 v62, v2  }
0x20d: {  	v5 =	vsub.f32 v5, v3  }
0x20e: {  	v4 =	vadd.f32 $1.000000000e+00, v4  }
0x20f: {  	v5 =	vadd.f32 $1.000000000e+00, v5  }
0x210: {  	v8 =	vsub.f32 v13, v63;
	(erf) = vrcp.f32 v4  }
0x211: {  	v1 =	vsub.f32 v1, v12;
	(erf) = vrcp.f32 v5  }
0x212: {  	v8 =	vadd.f32 $1.000000000e+00, v8  }
0x213: {  	v1 =	vadd.f32 $1.000000000e+00, v1  }
0x214: {  	v4 =	vmul.f32 $5.000000000e-01, v4;
	v14 =	vmul.f32 $5.000000000e-01, v8  }
0x215: {  	v5 =	vmul.f32 $5.000000000e-01, v5;
	v15 =	vmul.f32 $5.000000000e-01, v1  }
0x216: {  	v2 =	vadd.f32 v4, v2;
	v16 =	vadd.f32 v14, v63  }
0x217: {  	v3 =	vadd.f32 v5, v3;
	v17 =	vadd.f32 v15, v12  }
0x218: {  	v18 =	vld [tilespmem:$0x192C0];
	v2 =	vsub.f32 v16, v2  }
0x219: {  	v3 =	vsub.f32 v17, v3;
	v19 =	vpop (erf)  }
0x21a: {  	v2 =	vmul.f32 v2, v19;
	v20 =	vpop (erf)  }
0x21b: {  	v3 =	vmul.f32 v3, v20  }
0x21c: {  	v1 =	vmul.f32 v1, v20;
	[tilespmem:$0x194B0] =	vst v2  }
0x21d: {  	v2 =	vmul.f32 v8, v19;
	[tilespmem:$0x195B0] =	vst v3  }
0x21e: {  	[tilespmem:$0x197B0] =	vst v1  }
0x21f: {  	[tilespmem:$0x196B0] =	vst v2  }
0x220: {  	v1 =	vld.idx.msk [tilespmem:v18+s2+$0x0], $0xffff;
	_ =	sdelay $0x4  }
0x221: {  	v2 =	vand.u32 $0x3, v1  }
0x222: {  	vm12 =	veq.s32 v2, $0x2  }
0x223: {  	v2 =	vsel vm12, $0x1, v0  }
0x224: {  	v1 =	vshra.s32 v1, $0x2;
	[tilespmem:$0x193C0] =	vst v2  }
0x225: {  	v2 =	vld.idx.msk [tilespmem:v18+s21+$0x0], $0xffff  }
0x226: {  	v3 =	vld.idx.msk [tilespmem:v18+s22+$0x0], $0xffff  }
0x227: {  	v21 =	vld.idx.msk [tilespmem:v18+s23+$0x0], $0xffff  }
0x228: {  	v4 =	vld.idx.msk [tilespmem:v18+s24+$0x0], $0xffff  }
0x229: {  	v22 =	vld.idx.msk [tilespmem:v1+s25+$0x0], $0xffff  }
0x22a: {  	v23 =	vld.idx.msk [tilespmem:v1+s26+$0x0], $0xffff  }
0x22b: {  	v24 =	vld.idx.msk [tilespmem:v1+s28+$0x0], $0xffff  }
0x22c: {  	v1 =	vld.idx.msk [tilespmem:v1+s29+$0x0], $0xffff;
	v5 =	vsub.f32 v21, v2  }
0x22d: {  	v4 =	vsub.f32 v4, v3  }
0x22e: {  	v5 =	vadd.f32 $1.000000000e+00, v5  }
0x22f: {  	v4 =	vadd.f32 $1.000000000e+00, v4  }
0x230: {  	v8 =	vsub.f32 v24, v22;
	(erf) = vrcp.f32 v5  }
0x231: {  	v1 =	vsub.f32 v1, v23;
	(erf) = vrcp.f32 v4  }
0x232: {  	v8 =	vadd.f32 $1.000000000e+00, v8  }
0x233: {  	v1 =	vadd.f32 $1.000000000e+00, v1  }
0x234: {  	v5 =	vmul.f32 $5.000000000e-01, v5;
	v25 =	vmul.f32 $5.000000000e-01, v8  }
0x235: {  	v4 =	vmul.f32 $5.000000000e-01, v4;
	v26 =	vmul.f32 $5.000000000e-01, v1  }
0x236: {  	v2 =	vadd.f32 v5, v2;
	v27 =	vadd.f32 v25, v22  }
0x237: {  	v3 =	vadd.f32 v4, v3;
	v28 =	vadd.f32 v26, v23  }
0x238: {  	v29 =	vld [tilespmem:$0x192D0];
	v2 =	vsub.f32 v27, v2  }
0x239: {  	v3 =	vsub.f32 v28, v3;
	v30 =	vpop (erf)  }
0x23a: {  	v2 =	vmul.f32 v2, v30;
	v31 =	vpop (erf)  }
0x23b: {  	v3 =	vmul.f32 v3, v31  }
0x23c: {  	v1 =	vmul.f32 v1, v31;
	[tilespmem:$0x194C0] =	vst v2  }
0x23d: {  	v2 =	vmul.f32 v8, v30;
	[tilespmem:$0x195C0] =	vst v3  }
0x23e: {  	[tilespmem:$0x197C0] =	vst v1  }
0x23f: {  	[tilespmem:$0x196C0] =	vst v2  }
0x240: {  	v1 =	vld.idx.msk [tilespmem:v29+s2+$0x0], $0xffff;
	_ =	sdelay $0x4  }
0x241: {  	v2 =	vand.u32 $0x3, v1  }
0x242: {  	vm13 =	veq.s32 v2, $0x2  }
0x243: {  	v2 =	vsel vm13, $0x1, v0  }
0x244: {  	v1 =	vshra.s32 v1, $0x2;
	[tilespmem:$0x193D0] =	vst v2  }
0x245: {  	v2 =	vld.idx.msk [tilespmem:v29+s21+$0x0], $0xffff  }
0x246: {  	v3 =	vld.idx.msk [tilespmem:v29+s22+$0x0], $0xffff  }
0x247: {  	v32 =	vld.idx.msk [tilespmem:v29+s23+$0x0], $0xffff  }
0x248: {  	v5 =	vld.idx.msk [tilespmem:v29+s24+$0x0], $0xffff  }
0x249: {  	v33 =	vld.idx.msk [tilespmem:v1+s25+$0x0], $0xffff  }
0x24a: {  	v34 =	vld.idx.msk [tilespmem:v1+s26+$0x0], $0xffff  }
0x24b: {  	v35 =	vld.idx.msk [tilespmem:v1+s28+$0x0], $0xffff  }
0x24c: {  	v1 =	vld.idx.msk [tilespmem:v1+s29+$0x0], $0xffff;
	v4 =	vsub.f32 v32, v2  }
0x24d: {  	v5 =	vsub.f32 v5, v3  }
0x24e: {  	v4 =	vadd.f32 $1.000000000e+00, v4  }
0x24f: {  	v5 =	vadd.f32 $1.000000000e+00, v5  }
0x250: {  	v8 =	vsub.f32 v35, v33;
	(erf) = vrcp.f32 v4  }
0x251: {  	v1 =	vsub.f32 v1, v34;
	(erf) = vrcp.f32 v5  }
0x252: {  	v8 =	vadd.f32 $1.000000000e+00, v8  }
0x253: {  	v1 =	vadd.f32 $1.000000000e+00, v1  }
0x254: {  	v4 =	vmul.f32 $5.000000000e-01, v4;
	v36 =	vmul.f32 $5.000000000e-01, v8  }
0x255: {  	v5 =	vmul.f32 $5.000000000e-01, v5;
	v37 =	vmul.f32 $5.000000000e-01, v1  }
0x256: {  	v2 =	vadd.f32 v4, v2;
	v38 =	vadd.f32 v36, v33  }
0x257: {  	v3 =	vadd.f32 v5, v3;
	v39 =	vadd.f32 v37, v34  }
0x258: {  	v40 =	vld [tilespmem:$0x192E0];
	v2 =	vsub.f32 v38, v2  }
0x259: {  	v3 =	vsub.f32 v39, v3;
	v41 =	vpop (erf)  }
0x25a: {  	v2 =	vmul.f32 v2, v41;
	v42 =	vpop (erf)  }
0x25b: {  	v3 =	vmul.f32 v3, v42  }
0x25c: {  	v1 =	vmul.f32 v1, v42;
	[tilespmem:$0x194D0] =	vst v2  }
0x25d: {  	v2 =	vmul.f32 v8, v41;
	[tilespmem:$0x195D0] =	vst v3  }
0x25e: {  	[tilespmem:$0x197D0] =	vst v1  }
0x25f: {  	[tilespmem:$0x196D0] =	vst v2  }
0x260: {  	v1 =	vld.idx.msk [tilespmem:v40+s2+$0x0], $0xffff;
	_ =	sdelay $0x4  }
0x261: {  	v2 =	vand.u32 $0x3, v1  }
0x262: {  	vm14 =	veq.s32 v2, $0x2  }
0x263: {  	v2 =	vsel vm14, $0x1, v0  }
0x264: {  	v1 =	vshra.s32 v1, $0x2;
	[tilespmem:$0x193E0] =	vst v2  }
0x265: {  	v2 =	vld.idx.msk [tilespmem:v40+s21+$0x0], $0xffff  }
0x266: {  	v3 =	vld.idx.msk [tilespmem:v40+s22+$0x0], $0xffff  }
0x267: {  	v43 =	vld.idx.msk [tilespmem:v40+s23+$0x0], $0xffff  }
0x268: {  	v4 =	vld.idx.msk [tilespmem:v40+s24+$0x0], $0xffff  }
0x269: {  	v44 =	vld.idx.msk [tilespmem:v1+s25+$0x0], $0xffff  }
0x26a: {  	v45 =	vld.idx.msk [tilespmem:v1+s26+$0x0], $0xffff  }
0x26b: {  	v46 =	vld.idx.msk [tilespmem:v1+s28+$0x0], $0xffff  }
0x26c: {  	v1 =	vld.idx.msk [tilespmem:v1+s29+$0x0], $0xffff;
	v5 =	vsub.f32 v43, v2  }
0x26d: {  	v4 =	vsub.f32 v4, v3  }
0x26e: {  	v5 =	vadd.f32 $1.000000000e+00, v5  }
0x26f: {  	v4 =	vadd.f32 $1.000000000e+00, v4  }
0x270: {  	v8 =	vsub.f32 v46, v44;
	(erf) = vrcp.f32 v5  }
0x271: {  	v1 =	vsub.f32 v1, v45;
	(erf) = vrcp.f32 v4  }
0x272: {  	v8 =	vadd.f32 $1.000000000e+00, v8  }
0x273: {  	v1 =	vadd.f32 $1.000000000e+00, v1  }
0x274: {  	v5 =	vmul.f32 $5.000000000e-01, v5;
	v47 =	vmul.f32 $5.000000000e-01, v8  }
0x275: {  	v4 =	vmul.f32 $5.000000000e-01, v4;
	v48 =	vmul.f32 $5.000000000e-01, v1  }
0x276: {  	v2 =	vadd.f32 v5, v2;
	v49 =	vadd.f32 v47, v44  }
0x277: {  	v3 =	vadd.f32 v4, v3;
	v50 =	vadd.f32 v48, v45  }
0x278: {  	v51 =	vld [tilespmem:$0x192F0];
	v2 =	vsub.f32 v49, v2  }
0x279: {  	v3 =	vsub.f32 v50, v3;
	v52 =	vpop (erf)  }
0x27a: {  	v2 =	vmul.f32 v2, v52;
	v53 =	vpop (erf)  }
0x27b: {  	v3 =	vmul.f32 v3, v53  }
0x27c: {  	v1 =	vmul.f32 v1, v53;
	[tilespmem:$0x194E0] =	vst v2  }
0x27d: {  	v2 =	vmul.f32 v8, v52;
	[tilespmem:$0x195E0] =	vst v3  }
0x27e: {  	[tilespmem:$0x197E0] =	vst v1  }
0x27f: {  	[tilespmem:$0x196E0] =	vst v2  }
0x280: {  	v1 =	vld.idx.msk [tilespmem:v51+s2+$0x0], $0xffff;
	_ =	sdelay $0x4  }
0x281: {  	v2 =	vand.u32 $0x3, v1  }
0x282: {  	vm15 =	veq.s32 v2, $0x2  }
0x283: {  	v2 =	vsel vm15, $0x1, v0  }
0x284: {  	v1 =	vshra.s32 v1, $0x2;
	[tilespmem:$0x193F0] =	vst v2  }
0x285: {  	v2 =	vld.idx.msk [tilespmem:v51+s21+$0x0], $0xffff  }
0x286: {  	v3 =	vld.idx.msk [tilespmem:v51+s22+$0x0], $0xffff  }
0x287: {  	v54 =	vld.idx.msk [tilespmem:v51+s23+$0x0], $0xffff  }
0x288: {  	v5 =	vld.idx.msk [tilespmem:v51+s24+$0x0], $0xffff  }
0x289: {  	v55 =	vld.idx.msk [tilespmem:v1+s25+$0x0], $0xffff  }
0x28a: {  	v56 =	vld.idx.msk [tilespmem:v1+s26+$0x0], $0xffff  }
0x28b: {  	v57 =	vld.idx.msk [tilespmem:v1+s28+$0x0], $0xffff  }
0x28c: {  	v1 =	vld.idx.msk [tilespmem:v1+s29+$0x0], $0xffff;
	v4 =	vsub.f32 v54, v2  }
0x28d: {  	v5 =	vsub.f32 v5, v3  }
0x28e: {  	v4 =	vadd.f32 $1.000000000e+00, v4  }
0x28f: {  	v5 =	vadd.f32 $1.000000000e+00, v5  }
0x290: {  	v8 =	vsub.f32 v57, v55;
	(erf) = vrcp.f32 v4  }
0x291: {  	v1 =	vsub.f32 v1, v56;
	(erf) = vrcp.f32 v5  }
0x292: {  	v8 =	vadd.f32 $1.000000000e+00, v8  }
0x293: {  	v1 =	vadd.f32 $1.000000000e+00, v1  }
0x294: {  	v4 =	vmul.f32 $5.000000000e-01, v4;
	v58 =	vmul.f32 $5.000000000e-01, v8  }
0x295: {  	v5 =	vmul.f32 $5.000000000e-01, v5;
	v59 =	vmul.f32 $5.000000000e-01, v1  }
0x296: {  	v2 =	vadd.f32 v4, v2;
	v60 =	vadd.f32 v58, v55  }
0x297: {  	v3 =	vadd.f32 v5, v3;
	v61 =	vadd.f32 v59, v56  }
0x298: {  	v2 =	vsub.f32 v60, v2  }
0x299: {  	v3 =	vsub.f32 v61, v3;
	v62 =	vpop (erf)  }
0x29a: {  	v2 =	vmul.f32 v2, v62;
	v63 =	vpop (erf)  }
0x29b: {  	v3 =	vmul.f32 v3, v63  }
0x29c: {  	v1 =	vmul.f32 v1, v63;
	[tilespmem:$0x194F0] =	vst v2  }
0x29d: {  	v2 =	vmul.f32 v8, v62;
	[tilespmem:$0x195F0] =	vst v3  }
0x29e: {  	[tilespmem:$0x197F0] =	vst v1  }
0x29f: {  	s5 =	rddreg [dreg:$0x4];
	[tilespmem:$0x196F0] =	vst v2  }
0x2a0: {  	[hbm4b:s5+s19] =	stream.strided.scatter [tilespmem:s0], [sflag:$0x2], $0x100, s30, s19, $0x38;
	[tilespmem:$0x19800] =	vst v63  }
0x2a1: {  	_ =	swait.ge [sflag:s31], $0x100  }
0x2a2: {  	[sflag:s31] =	ssyncset.done $0x0  }
0x2a3: {  	s7 =	simm.s32 $0x19300;
	s5 =	rddreg [dreg:$0x5];
	[sflag:s31] =	ssyncadd.s32 $0xFFFFFF00  }
0x2a4: {  	[hbm4b:s5+s19] =	stream.strided.scatter [tilespmem:s7], [sflag:$0x2], $0x100, s30, s19, $0x38;
	[tilespmem:$0x19800] =	vst v63  }
0x2a5: {  	_ =	swait.ge [sflag:s31], $0x100  }
0x2a6: {  	[sflag:s31] =	ssyncset.done $0x0  }
0x2a7: {  	s7 =	simm.s32 $0x19400;
	[sflag:s31] =	ssyncadd.s32 $0xFFFFFF00  }
0x2a8: {  	[hbm4b:s6+s19] =	stream.strided.scatter [tilespmem:s7], [sflag:$0x2], $0x100, s20, s19, $0x38;
	[tilespmem:$0x19800] =	vst v63  }
0x2a9: {  	_ =	swait.ge [sflag:s31], $0x100  }
0x2aa: {  	[sflag:s31] =	ssyncset.done $0x0  }
0x2ab: {  	s7 =	simm.s32 $0x19500;
	s5 =	rddreg [dreg:$0x6];
	[sflag:s31] =	ssyncadd.s32 $0xFFFFFF00  }
0x2ac: {  	[hbm4b:s5+s19] =	stream.strided.scatter [tilespmem:s7], [sflag:$0x2], $0x100, s20, s19, $0x38;
	[tilespmem:$0x19800] =	vst v63  }
0x2ad: {  	_ =	swait.ge [sflag:s31], $0x100  }
0x2ae: {  	[sflag:s31] =	ssyncset.done $0x0  }
0x2af: {  	s7 =	simm.s32 $0x19600;
	[sflag:s31] =	ssyncadd.s32 $0xFFFFFF00  }
0x2b0: {  	[hbm4b:s8+s19] =	stream.strided.scatter [tilespmem:s7], [sflag:$0x2], $0x100, s20, s19, $0x38;
	[tilespmem:$0x19800] =	vst v63  }
0x2b1: {  	s4 =	sadd.s32 $0x1, s4;
	_ =	swait.ge [sflag:s31], $0x100  }
0x2b2: {  	p0 =	sne.s32 s4, s18;
	[sflag:s31] =	ssyncset.done $0x0  }
.Ltmp3:
0x2b3: {  	s7 =	simm.s32 $0x19700;
	[sflag:s31] =	ssyncadd.s32 $0xFFFFFF00;
	(pc) =	sbr.rel @p0 .LBB2_2-.Ltmp3, $4  }
0x2b4: {  	[hbm4b:s9+s19] =	stream.strided.scatter [tilespmem:s7], [sflag:$0x2], $0x100, s20, s19, $0x38;
	[tilespmem:$0x19800] =	vst v63  }
0x2b5: {  	_ =	swait.ge [sflag:s31], $0x100  }
0x2b6: {  	[sflag:s31] =	ssyncset.done $0x0  }
0x2b7: {  	[sflag:s31] =	ssyncadd.s32 $0xFFFFFF00  }
.LBB2_7:
0x2b8: {  	_ =	sfence.sel $0x180000  }
0x2b9: {  	[bflag:$0x0] =	sbarrier.arrive $0xFFFF  }
0x2ba: {  	_ =	strace $0x90000047  }
0x2bb: {  	s0 =	stileid.u32;
	[bflag:$0x2] =	sbarrier.arrive $0xFFFF  }
0x2bc: {  	p0 =	sne.s32 s0, $0x0;
	s0 =	rddreg [dreg:$0x3]  }
0x2bd: {  	s0 =	sadd.s32 @!p0 $0x100000, s0  }
0x2be: {  	[sflag:s0] =	ssyncadd.tile.s32 @!p0 $0x1;
	_ =	shalt  }
.Lfunc_end2:
_tile_overlayer_lowered:
.L_overlay_start_2:
0x2bf: {  	(tag) =	ssettag $0x2  }
0x2c0: {  	s0 =	rddreg [dreg:$0x0];
	s2 =	stileid.u32  }
0x2c1: {  	s1 =	rddreg [dreg:$0x1];
	p0 =	sne.s32 s2, $0x0  }
0x2c2: {  	s3 =	rddreg [dreg:$0x2];
	[bflag:$0x3] =	sbarrier.arrive $0xFFFF;
	s2 =	simm.s32 @!p0 $0x1C02  }
0x2c3: {  	[timem:s3], [sflag:s2] =	dma.local @!p0 [hbm:s0], s1  }
0x2c4: {  	s0 =	simm.s32 @!p0 $0x2  }
0x2c5: {  	_ =	swait.ge @!p0 [sflag:s0], s1  }
0x2c6: {  	s1 =	ssub.s32 @!p0 $0x0, s1;
	[sflag:s0] =	ssyncset.done @!p0 $0x0  }
0x2c7: {  	[sflag:s0] =	ssyncadd.s32 @!p0 s1  }
0x2c8: {  	[bflag:$0x3] =	sbarrier.arrive $0xFFFF  }
0x2c9: {  	_ =	shalt  }

</sc_bundles>
